<compile_context>
chip_gen: v7x
topology: tpu7x:2x2x1
jax: 0.10.2.dev20260603
libtpu: 0.0.44.dev20260713+nightly
codegen_flags: <defaults>
</compile_context>

<pallas_src>
import functools

import jax
import jax.numpy as jnp
from jax import lax
from jax.experimental import pallas as pl
from jax.experimental.pallas import tpu as pltpu
from jax.experimental.pallas import tpu_sc as plsc

N_ATOMS = 10000
N_EDGES = 320000
D_FEAT = 128
D_EDGE = 16
N_DRUGS = 512
DENSE = 256
B = 4096

NC = 2
NS = 16
EPW = N_EDGES // (NC * NS)
NW = NC * NS
CH = 40
NCHT = N_EDGES // CH
NLOC = NCHT // NW
GRP = 4
ACCW = 160
RPT = N_ATOMS // NS
INV_SQRT_D = 1.0 / (128.0 ** 0.5)

ROW_BLK = 256
ABLK = 2000



def _proj_body(x_ref, wq_ref, wk_ref, wv_ref, we_ref, qcat_ref, kv_ref):
    x = x_ref[...]
    q = jnp.dot(x, wq_ref[...], preferred_element_type=jnp.float32)
    k = jnp.dot(x, wk_ref[...], preferred_element_type=jnp.float32)
    v = jnp.dot(x, wv_ref[...], preferred_element_type=jnp.float32)
    qwe = lax.dot_general(q, we_ref[...], (((1,), (1,)), ((), ())),
                          preferred_element_type=jnp.float32)
    qcat_ref[:, 0:128] = q
    qcat_ref[:, 128:144] = qwe
    kv_ref[:, 0:128] = k
    kv_ref[:, 128:256] = v


def _projections(x, Wq, Wk, Wv, We):
    n = N_ATOMS // ABLK
    return pl.pallas_call(
        _proj_body,
        grid=(n,),
        in_specs=[
            pl.BlockSpec((ABLK, D_FEAT), lambda i: (i, 0)),
            pl.BlockSpec((D_FEAT, D_FEAT), lambda i: (0, 0)),
            pl.BlockSpec((D_FEAT, D_FEAT), lambda i: (0, 0)),
            pl.BlockSpec((D_FEAT, D_FEAT), lambda i: (0, 0)),
            pl.BlockSpec((D_EDGE, D_FEAT), lambda i: (0, 0)),
        ],
        out_specs=[
            pl.BlockSpec((ABLK, 144), lambda i: (i, 0)),
            pl.BlockSpec((ABLK, 256), lambda i: (i, 0)),
        ],
        out_shape=[
            jax.ShapeDtypeStruct((N_ATOMS, 144), jnp.float32),
            jax.ShapeDtypeStruct((N_ATOMS, 256), jnp.float32),
        ],
    )(x, Wq, Wk, Wv, We)



def _edge_sc_body(q_hbm, qwe_hbm, kv_hbm, ea_hbm, src_hbm, dst_hbm, out_hbm,
                  srcv, dstv, dsts, qbuf, qwbuf, kvbuf, eabuf, stage, acc,
                  sem_i, sem_g, sem_s):
    c = lax.axis_index("c")
    s = lax.axis_index("s")
    wid = c * NS + s
    zero16 = jnp.zeros((16,), jnp.float32)
    oh0 = (lax.iota(jnp.int32, 16) == 0).astype(jnp.float32)

    def cbase(g):
        cid = wid + NW * g
        return jnp.where(cid < NCHT, cid, wid) * CH

    def zero_stage(b):
        def zrow(r, _):
            for t in range(ACCW // 16):
                stage[b, r, pl.ds(t * 16, 16)] = zero16
            return _
        lax.fori_loop(0, CH, zrow, 0)

    for b in range(2):
        zero_stage(b)
        for t in range(CH // 16 + 1):
            off = min(t * 16, CH - 16)
            dsts[b, pl.ds(off, 16)] = jnp.zeros((16,), jnp.int32)
    for j in range(RPT // CH):
        pltpu.sync_copy(stage.at[0], acc.at[pl.ds(s * RPT + j * CH, CH)])
    rem = RPT % CH
    if rem:
        pltpu.sync_copy(stage.at[0, pl.ds(0, rem)],
                        acc.at[pl.ds(s * RPT + (RPT // CH) * CH, rem)])
    plsc.subcore_barrier()

    for b in range(2):
        pltpu.async_copy(stage.at[b], acc.at[dsts.at[b]], sem_s, add=True)

    def drain_scatter():
        pltpu.make_async_copy(out_hbm.at[0, pl.ds(0, CH)],
                              stage.at[0], sem_s).wait()

    def issue_idx(g, p):
        base = cbase(g)
        pltpu.async_copy(src_hbm.at[pl.ds(base, CH)], srcv.at[p], sem_i)
        pltpu.async_copy(dst_hbm.at[pl.ds(base, CH)], dstv.at[p], sem_i)
        pltpu.async_copy(ea_hbm.at[pl.ds(base, CH)], eabuf.at[p], sem_i)

    def drain_idx():
        pltpu.make_async_copy(src_hbm.at[pl.ds(0, CH)], srcv.at[0],
                              sem_i).wait()
        pltpu.make_async_copy(dst_hbm.at[pl.ds(0, CH)], dstv.at[0],
                              sem_i).wait()
        pltpu.make_async_copy(ea_hbm.at[pl.ds(0, CH)], eabuf.at[0],
                              sem_i).wait()

    def issue_gathers(p):
        pltpu.async_copy(kv_hbm.at[srcv.at[p]], kvbuf.at[p], sem_g)
        pltpu.async_copy(q_hbm.at[dstv.at[p]], qbuf.at[p], sem_g)
        pltpu.async_copy(qwe_hbm.at[dstv.at[p]], qwbuf.at[p], sem_g)

    def drain_gathers():
        pltpu.make_async_copy(kv_hbm.at[pl.ds(0, CH)], kvbuf.at[0],
                              sem_g).wait()
        pltpu.make_async_copy(q_hbm.at[pl.ds(0, CH)], qbuf.at[0],
                              sem_g).wait()
        pltpu.make_async_copy(qwe_hbm.at[pl.ds(0, CH)], qwbuf.at[0],
                              sem_g).wait()

    b0 = cbase(0)
    pltpu.sync_copy(src_hbm.at[pl.ds(b0, CH)], srcv.at[0])
    pltpu.sync_copy(dst_hbm.at[pl.ds(b0, CH)], dstv.at[0])
    pltpu.sync_copy(ea_hbm.at[pl.ds(b0, CH)], eabuf.at[0])
    issue_idx(1, 1)
    issue_gathers(0)

    def substep(g, b):
        drain_scatter()
        drain_idx()
        issue_gathers(1 - b)
        drain_gathers()

        def group(gg, _2):
            for u in range(GRP):
                e = gg * GRP + u
                ea16 = eabuf[b, e, :]
                dacc = qwbuf[b, e, :] * ea16
                for t in range(4):
                    kw = kvbuf[b, e, pl.ds(32 * t, 32)]
                    ke, ko = plsc.unpack(kw, format=plsc.PackFormat.INTERLEAVED)
                    qw = qbuf[b, e, pl.ds(32 * t, 32)]
                    qe, qo = plsc.unpack(qw, format=plsc.PackFormat.INTERLEAVED)
                    dacc = dacc + qe * ke
                    dacc = dacc + qo * ko
                for kk in (8, 4, 2, 1):
                    perm = jnp.bitwise_xor(lax.iota(jnp.int32, 16), kk)
                    dacc = dacc + dacc.at[perm].get(mode="promise_in_bounds")
                exv = jnp.exp(dacc * INV_SQRT_D)
                for t in range(4):
                    vw = kvbuf[b, e, pl.ds(128 + 32 * t, 32)]
                    ve, vo = plsc.unpack(vw, format=plsc.PackFormat.INTERLEAVED)
                    stage[b, e, pl.ds(32 * t, 16)] = exv * ve
                    stage[b, e, pl.ds(32 * t + 16, 16)] = exv * vo
                stage[b, e, pl.ds(128, 16)] = exv * ea16
                stage[b, e, pl.ds(144, 16)] = exv * oh0
            return _2
        lax.fori_loop(0, CH // GRP, group, 0)

        @pl.when(wid + NW * g >= NCHT)
        def _dummy():
            zero_stage(b)

        dsts[b, pl.ds(0, 16)] = dstv[b, pl.ds(0, 16)]
        dsts[b, pl.ds(16, 16)] = dstv[b, pl.ds(16, 16)]
        pltpu.async_copy(stage.at[b], acc.at[dsts.at[b]], sem_s, add=True)
        issue_idx(g + 2, b)

    def loop2(j, _):
        substep(2 * j, 0)
        substep(2 * j + 1, 1)
        return _
    lax.fori_loop(0, NLOC // 2, loop2, 0)

    drain_idx()
    drain_gathers()
    drain_scatter()
    drain_scatter()

    plsc.subcore_barrier()
    pltpu.sync_copy(acc.at[pl.ds(s * RPT, RPT)],
                    out_hbm.at[c, pl.ds(s * RPT, RPT)])


def _edge_phase(q_bf, qwe, kv_bf, edge_attr, src, dst):
    mesh = plsc.VectorSubcoreMesh(core_axis_name="c", subcore_axis_name="s")
    f = pl.kernel(
        _edge_sc_body,
        mesh=mesh,
        out_type=jax.ShapeDtypeStruct((NC, N_ATOMS, ACCW), jnp.float32),
        scratch_types=[
            pltpu.VMEM((2, CH), jnp.int32),
            pltpu.VMEM((2, CH), jnp.int32),
            pltpu.VMEM((2, CH), jnp.int32),
            pltpu.VMEM((2, CH, 128), jnp.bfloat16),
            pltpu.VMEM((2, CH, D_EDGE), jnp.float32),
            pltpu.VMEM((2, CH, 256), jnp.bfloat16),
            pltpu.VMEM((2, CH, D_EDGE), jnp.float32),
            pltpu.VMEM((2, CH, ACCW), jnp.float32),
            pltpu.VMEM_SHARED((N_ATOMS, ACCW), jnp.float32),
            pltpu.SemaphoreType.DMA,
            pltpu.SemaphoreType.DMA,
            pltpu.SemaphoreType.DMA,
        ],
        compiler_params=pltpu.CompilerParams(use_tc_tiling_on_sc=False,
                                             needs_layout_passes=False),
    )
    return f(q_bf, qwe, kv_bf, edge_attr, src, dst)



def _pool_body(accv_ref, accr_ref, batch_ref, we_ref, wo_ref, psum_ref,
               cnt_ref):
    i = pl.program_id(0)
    msgv = accv_ref[0] + accv_ref[1]
    accr = accr_ref[0] + accr_ref[1]
    msg = msgv + jnp.dot(accr[:, 0:16], we_ref[...],
                         preferred_element_type=jnp.float32)
    den = accr[:, 16:17]
    h = msg / (den + 1e-16)
    h = jnp.maximum(jnp.dot(h, wo_ref[...], preferred_element_type=jnp.float32),
                    0.0)
    b = batch_ref[0, 0, :]
    oh = (lax.broadcasted_iota(jnp.int32, (N_DRUGS, ABLK), 0) ==
          b[None, :]).astype(jnp.float32)
    ps = jnp.dot(oh, h, preferred_element_type=jnp.float32)
    cs = jnp.dot(oh, jnp.ones((ABLK, 128), jnp.float32),
                 preferred_element_type=jnp.float32)

    @pl.when(i == 0)
    def _init():
        psum_ref[...] = jnp.zeros_like(psum_ref)
        cnt_ref[...] = jnp.zeros_like(cnt_ref)

    psum_ref[...] += ps
    cnt_ref[...] += cs


def _pool(accv, accr, batch, We, Wo):
    n = N_ATOMS // ABLK
    batch3 = batch.astype(jnp.int32).reshape(n, 1, ABLK)
    return pl.pallas_call(
        _pool_body,
        grid=(n,),
        in_specs=[
            pl.BlockSpec((NC, ABLK, 128), lambda i: (0, i, 0)),
            pl.BlockSpec((NC, ABLK, 32), lambda i: (0, i, 0)),
            pl.BlockSpec((1, 1, ABLK), lambda i: (i, 0, 0)),
            pl.BlockSpec((D_EDGE, D_FEAT), lambda i: (0, 0)),
            pl.BlockSpec((D_FEAT, D_FEAT), lambda i: (0, 0)),
        ],
        out_specs=[
            pl.BlockSpec((N_DRUGS, D_FEAT), lambda i: (0, 0)),
            pl.BlockSpec((N_DRUGS, D_FEAT), lambda i: (0, 0)),
        ],
        out_shape=[
            jax.ShapeDtypeStruct((N_DRUGS, D_FEAT), jnp.float32),
            jax.ShapeDtypeStruct((N_DRUGS, D_FEAT), jnp.float32),
        ],
    )(accv, accr, batch3, We, Wo)



def _head_body(psum_ref, cnt_ref, w1_ref, b1_ref, w2_ref, b2_ref, out_ref):
    pooled = psum_ref[...] / (cnt_ref[...] + 1e-16)
    hid = jnp.maximum(
        jnp.dot(pooled, w1_ref[...], preferred_element_type=jnp.float32)
        + b1_ref[...], 0.0)
    out_ref[...] = (jnp.dot(hid, w2_ref[...],
                            preferred_element_type=jnp.float32) + b2_ref[...])


def _head(psum, cnt, W1, b1, W2, b2):
    return pl.pallas_call(
        _head_body,
        out_shape=jax.ShapeDtypeStruct((N_DRUGS, D_FEAT), jnp.float32),
    )(psum, cnt, W1.reshape(1, D_FEAT, DENSE)[0], b1.reshape(1, DENSE),
      W2.reshape(1, DENSE, D_FEAT)[0], b2.reshape(1, D_FEAT))



def _assemble_body(d1_ref, d2_ref, feat_ref, fp1_ref, fp2_ref, dti1_ref,
                   dti2_ref, cell_ref, out_ref):
    pid = pl.program_id(0)
    d1 = d1_ref[pl.ds(pid * ROW_BLK, ROW_BLK)]
    d2 = d2_ref[pl.ds(pid * ROW_BLK, ROW_BLK)]
    drugs = lax.broadcasted_iota(jnp.int32, (ROW_BLK, N_DRUGS), 1)
    oh1 = (d1[:, None] == drugs).astype(jnp.float32)
    oh2 = (d2[:, None] == drugs).astype(jnp.float32)
    table = feat_ref[...]
    out_ref[:, 0:128] = jnp.dot(oh1, table, preferred_element_type=jnp.float32)
    out_ref[:, 128:256] = jnp.dot(oh2, table,
                                  preferred_element_type=jnp.float32)
    out_ref[:, 256:2304] = fp1_ref[...]
    out_ref[:, 2304:4352] = fp2_ref[...]
    out_ref[:, 4352:4608] = dti1_ref[...]
    out_ref[:, 4608:4864] = dti2_ref[...]
    out_ref[:, 4864:5632] = cell_ref[...]


def _assemble(d1, d2, all_drug_feat, fp1, fp2, dti1, dti2, cell):
    nblk = B // ROW_BLK
    row_spec = lambda w: pl.BlockSpec((ROW_BLK, w), lambda i: (i, 0))
    return pl.pallas_call(
        _assemble_body,
        grid=(nblk,),
        in_specs=[
            pl.BlockSpec((B,), lambda i: (0,)),
            pl.BlockSpec((B,), lambda i: (0,)),
            pl.BlockSpec((N_DRUGS, D_FEAT), lambda i: (0, 0)),
            row_spec(2048), row_spec(2048), row_spec(256), row_spec(256),
            row_spec(768),
        ],
        out_specs=pl.BlockSpec((ROW_BLK, 5632), lambda i: (i, 0)),
        out_shape=jax.ShapeDtypeStruct((B, 5632), jnp.float32),
    )(d1, d2, all_drug_feat, fp1, fp2, dti1, dti2, cell)



def kernel(drug1_idx, drug2_idx, drug1_fp, drug2_fp, drug1_dti, drug2_dti,
           cell_feat, x, edge_attr, edge_index, batch, Wq, Wk, Wv, We, Wo,
           W1, b1, W2, b2):
    d1 = jnp.ravel(drug1_idx).astype(jnp.int32)
    d2 = jnp.ravel(drug2_idx).astype(jnp.int32)
    src = edge_index[0].astype(jnp.int32)
    dst = edge_index[1].astype(jnp.int32)

    qcat0, kv = _projections(x, Wq, Wk, Wv, We)
    q_bf = qcat0[:, :128].astype(jnp.bfloat16)
    qwe = qcat0[:, 128:144]
    kv_bf = kv.astype(jnp.bfloat16)
    acc = _edge_phase(q_bf, qwe, kv_bf, edge_attr, src, dst)
    accv = (acc[..., :128].reshape(NC, N_ATOMS, 4, 2, 16)
            .transpose(0, 1, 2, 4, 3).reshape(NC, N_ATOMS, 128))
    accr = acc[..., 128:]
    psum, cnt = _pool(accv, accr, batch, We, Wo)
    all_drug_feat = _head(psum, cnt, W1, b1, W2, b2)
    return _assemble(d1, d2, all_drug_feat, drug1_fp, drug2_fp, drug1_dti,
                     drug2_dti, cell_feat)

# --- scband reference (transcript-rebuilt; emitter-appended) ---
"""Pipeline reference for scband-connector-46660524704007 (READ-ONLY COPY).

The authoritative reference and input builder live on the scoring server;
editing this copy changes nothing except your own understanding.
"""

import jax, jax.numpy as jnp
import numpy as np

N_ATOMS = 10000
N_EDGES = 320000
D_FEAT = 128
D_EDGE = 16
N_DRUGS = 512
FEAT_D = 128
DENSE = 256
B = 4096


def setup_inputs(seed: int = 0) -> dict:
    key = jax.random.key(seed)
    ks = jax.random.split(key, 20)
    inp = {}
    inp['drug1_idx'] = jax.random.randint(ks[0], (B,), 0, N_DRUGS)
    inp['drug2_idx'] = jax.random.randint(ks[1], (B,), 0, N_DRUGS)
    inp['drug1_fp'] = jax.random.uniform(ks[2], (B, 2048), dtype=jnp.float32)
    inp['drug2_fp'] = jax.random.uniform(ks[3], (B, 2048), dtype=jnp.float32)
    inp['drug1_dti'] = jax.random.normal(ks[4], (B, 256), dtype=jnp.float32)
    inp['drug2_dti'] = jax.random.normal(ks[5], (B, 256), dtype=jnp.float32)
    inp['cell_feat'] = jax.random.normal(ks[6], (B, 768), dtype=jnp.float32)
    inp['x'] = jax.random.normal(ks[7], (N_ATOMS, D_FEAT), dtype=jnp.float32)
    inp['edge_attr'] = jax.random.normal(ks[8], (N_EDGES, D_EDGE), dtype=jnp.float32)
    inp['edge_index'] = jax.random.randint(ks[9], (2, N_EDGES), 0, N_ATOMS)
    inp['batch'] = jnp.sort(jax.random.randint(ks[10], (N_ATOMS,), 0, N_DRUGS))
    s = 0.05
    inp['Wq'] = jax.random.normal(ks[11], (D_FEAT, D_FEAT), dtype=jnp.float32) * s
    inp['Wk'] = jax.random.normal(ks[12], (D_FEAT, D_FEAT), dtype=jnp.float32) * s
    inp['Wv'] = jax.random.normal(ks[13], (D_FEAT, D_FEAT), dtype=jnp.float32) * s
    inp['We'] = jax.random.normal(ks[14], (D_EDGE, D_FEAT), dtype=jnp.float32) * s
    inp['Wo'] = jax.random.normal(ks[15], (D_FEAT, D_FEAT), dtype=jnp.float32) * s
    inp['W1'] = jax.random.normal(ks[16], (D_FEAT, DENSE), dtype=jnp.float32) * s
    inp['b1'] = jnp.zeros((DENSE,), dtype=jnp.float32)
    inp['W2'] = jax.random.normal(ks[17], (DENSE, FEAT_D), dtype=jnp.float32) * s
    inp['b2'] = jnp.zeros((FEAT_D,), dtype=jnp.float32)
    return inp


def _gnn_drug_features(x, edge_attr, edge_index, batch, Wq, Wk, Wv, We, Wo, W1, b1, W2, b2):
    # TransformerGNN over the molecule dataset graph (single TransformerConv-style
    # attention layer + global mean pool per drug + dense head to feat_d).
    src = edge_index[0]
    dst = edge_index[1]
    q = x @ Wq
    k = x @ Wk
    v = x @ Wv
    e = edge_attr @ We
    k_e = k[src] + e
    v_e = v[src] + e
    d = q.shape[1]
    alpha = jnp.sum(q[dst] * k_e, axis=1) / jnp.sqrt(jnp.float32(d))
    amax = jax.ops.segment_max(alpha, dst, num_segments=x.shape[0])
    amax = jnp.where(jnp.isfinite(amax), amax, 0.0)
    ex = jnp.exp(alpha - amax[dst])
    denom = jax.ops.segment_sum(ex, dst, num_segments=x.shape[0])
    msg = jax.ops.segment_sum(ex[:, None] * v_e, dst, num_segments=x.shape[0])
    h = msg / (denom[:, None] + 1e-16)
    h = jax.nn.relu(h @ Wo)
    # global mean pool per molecule (drug)
    psum = jax.ops.segment_sum(h, batch, num_segments=N_DRUGS)
    cnt = jax.ops.segment_sum(jnp.ones((h.shape[0],), dtype=h.dtype), batch, num_segments=N_DRUGS)
    pooled = psum / (cnt[:, None] + 1e-16)
    hidden = jax.nn.relu(pooled @ W1 + b1)
    return hidden @ W2 + b2


def reference(drug1_idx, drug2_idx, drug1_fp, drug2_fp, drug1_dti, drug2_dti, cell_feat, x, edge_attr, edge_index, batch, Wq, Wk, Wv, We, Wo, W1, b1, W2, b2):
    d1 = jnp.ravel(drug1_idx).astype(jnp.int32)
    d2 = jnp.ravel(drug2_idx).astype(jnp.int32)
    all_drug_feat = _gnn_drug_features(x, edge_attr, edge_index, batch, Wq, Wk, Wv, We, Wo, W1, b1, W2, b2)
    drug1_feat = jnp.take(all_drug_feat, d1, axis=0)
    drug2_feat = jnp.take(all_drug_feat, d2, axis=0)
    feat = jnp.concatenate([drug1_feat, drug2_feat, drug1_fp, drug2_fp, drug1_dti, drug2_dti, cell_feat], axis=1)
    return feat

if __name__ == "__main__":
    import jax
    _d = setup_inputs()
    print(jax.jit(kernel)(*tuple(_d.values())))

</pallas_src>

<mosaic_0001>
#map = affine_map<(d0, d1) -> (0, 0)>
#map1 = affine_map<(d0, d1) -> (0)>
#map2 = affine_map<(d0, d1) -> (0, 0, 0)>
module attributes {stable_mosaic.version = 14 : i64} {
  func.func @_edge_sc_body(%arg0: i32, %arg1: i32, %arg2: memref<10000x128xbf16, #tpu.memory_space<hbm>>, %arg3: memref<10000x16xf32, #tpu.memory_space<hbm>>, %arg4: memref<10000x256xbf16, #tpu.memory_space<hbm>>, %arg5: memref<320000x16xf32, #tpu.memory_space<hbm>>, %arg6: memref<320000xi32, #tpu.memory_space<hbm>>, %arg7: memref<320000xi32, #tpu.memory_space<hbm>>, %arg8: memref<2x10000x160xf32, #tpu.memory_space<hbm>>, %arg9: memref<2x40xi32, #tpu.memory_space<vmem>>, %arg10: memref<2x40xi32, #tpu.memory_space<vmem>>, %arg11: memref<2x40xi32, #tpu.memory_space<vmem>>, %arg12: memref<2x40x128xbf16, #tpu.memory_space<vmem>>, %arg13: memref<2x40x16xf32, #tpu.memory_space<vmem>>, %arg14: memref<2x40x256xbf16, #tpu.memory_space<vmem>>, %arg15: memref<2x40x16xf32, #tpu.memory_space<vmem>>, %arg16: memref<2x40x160xf32, #tpu.memory_space<vmem>>, %arg17: memref<10000x160xf32, #tpu.memory_space<vmem_shared>>, %arg18: memref<!tpu.dma_semaphore, #tpu.memory_space<semaphore_mem>>, %arg19: memref<!tpu.dma_semaphore, #tpu.memory_space<semaphore_mem>>, %arg20: memref<!tpu.dma_semaphore, #tpu.memory_space<semaphore_mem>>) attributes {dimension_semantics = [#tpu.dimension_semantics<core_parallel>, #tpu.dimension_semantics<subcore_parallel>], iteration_bounds = array<i64: 2, 16>, scalar_prefetch = 0 : i64, scratch_operands = 12 : i64, tpu.core_type = #tpu.core_type<sc_vector_subcore>, window_params = [{transform_indices = #map}, {transform_indices = #map}, {transform_indices = #map}, {transform_indices = #map}, {transform_indices = #map1}, {transform_indices = #map1}, {transform_indices = #map2}]} {
    %mul3A = arith.constant 16 : i32
    %mul3A_0 = arith.muli %arg0, %mul3A : i32
    %add3A = arith.addi %mul3A_0, %arg1 : i32
    %broadcast_in_dim3A = arith.constant 0.000000e+00 : f32
    %broadcast_in_dim3A_1 = vector.broadcast %broadcast_in_dim3A : f32 to vector<16xf32>
    %iota3A = tpu.iota {dimensions = array<i32: 0>} : vector<16xi32>
    %eq3A = arith.constant 0 : i32
    %eq3A_2 = vector.broadcast %eq3A : i32 to vector<16xi32>
    %eq3A_3 = arith.cmpi eq, %iota3A, %eq3A_2 : vector<16xi32>
    %convert_element_type3A = arith.extui %eq3A_3 : vector<16xi1> to vector<16xi32>
    %convert_element_type3A_4 = arith.sitofp %convert_element_type3A : vector<16xi32> to vector<16xf32>
    %scan3A = arith.constant 0 : i32
    %scan3A_5 = arith.constant 0 : i32
    %scan3A_6 = arith.constant 40 : i32
    %scan3A_7 = arith.addi %scan3A_5, %scan3A_6 : i32
    %scan3A_8 = arith.constant 1 : i32
    scf.for %scan3A_363 = %scan3A_5 to %scan3A_7 step %scan3A_8  : i32 {
      %swap3A_364 = arith.constant 0 : i32
      %swap3A_365 = arith.index_cast %swap3A_364 : i32 to index
      %swap3A_366 = arith.index_cast %scan3A_363 : i32 to index
      %swap3A_367 = arith.constant 0 : index
      %swap3A_368 = tpu.vector_load %arg16[%swap3A_365, %swap3A_366, %swap3A_367] {strides = array<i32>} : memref<2x40x160xf32, #tpu.memory_space<vmem>>, vector<16xf32>,
      tpu.vector_store %arg16[%swap3A_365, %swap3A_366, %swap3A_367], %broadcast_in_dim3A_1 {strides = array<i32>} : memref<2x40x160xf32, #tpu.memory_space<vmem>>, vector<16xf32>,
      %swap3A_369 = arith.constant 0 : i32
      %swap3A_370 = arith.index_cast %swap3A_369 : i32 to index
      %swap3A_371 = arith.index_cast %scan3A_363 : i32 to index
      %swap3A_372 = arith.constant 16 : index
      %swap3A_373 = tpu.vector_load %arg16[%swap3A_370, %swap3A_371, %swap3A_372] {strides = array<i32>} : memref<2x40x160xf32, #tpu.memory_space<vmem>>, vector<16xf32>,
      tpu.vector_store %arg16[%swap3A_370, %swap3A_371, %swap3A_372], %broadcast_in_dim3A_1 {strides = array<i32>} : memref<2x40x160xf32, #tpu.memory_space<vmem>>, vector<16xf32>,
      %swap3A_374 = arith.constant 0 : i32
      %swap3A_375 = arith.index_cast %swap3A_374 : i32 to index
      %swap3A_376 = arith.index_cast %scan3A_363 : i32 to index
      %swap3A_377 = arith.constant 32 : index
      %swap3A_378 = tpu.vector_load %arg16[%swap3A_375, %swap3A_376, %swap3A_377] {strides = array<i32>} : memref<2x40x160xf32, #tpu.memory_space<vmem>>, vector<16xf32>,
      tpu.vector_store %arg16[%swap3A_375, %swap3A_376, %swap3A_377], %broadcast_in_dim3A_1 {strides = array<i32>} : memref<2x40x160xf32, #tpu.memory_space<vmem>>, vector<16xf32>,
      %swap3A_379 = arith.constant 0 : i32
      %swap3A_380 = arith.index_cast %swap3A_379 : i32 to index
      %swap3A_381 = arith.index_cast %scan3A_363 : i32 to index
      %swap3A_382 = arith.constant 48 : index
      %swap3A_383 = tpu.vector_load %arg16[%swap3A_380, %swap3A_381, %swap3A_382] {strides = array<i32>} : memref<2x40x160xf32, #tpu.memory_space<vmem>>, vector<16xf32>,
      tpu.vector_store %arg16[%swap3A_380, %swap3A_381, %swap3A_382], %broadcast_in_dim3A_1 {strides = array<i32>} : memref<2x40x160xf32, #tpu.memory_space<vmem>>, vector<16xf32>,
      %swap3A_384 = arith.constant 0 : i32
      %swap3A_385 = arith.index_cast %swap3A_384 : i32 to index
      %swap3A_386 = arith.index_cast %scan3A_363 : i32 to index
      %swap3A_387 = arith.constant 64 : index
      %swap3A_388 = tpu.vector_load %arg16[%swap3A_385, %swap3A_386, %swap3A_387] {strides = array<i32>} : memref<2x40x160xf32, #tpu.memory_space<vmem>>, vector<16xf32>,
      tpu.vector_store %arg16[%swap3A_385, %swap3A_386, %swap3A_387], %broadcast_in_dim3A_1 {strides = array<i32>} : memref<2x40x160xf32, #tpu.memory_space<vmem>>, vector<16xf32>,
      %swap3A_389 = arith.constant 0 : i32
      %swap3A_390 = arith.index_cast %swap3A_389 : i32 to index
      %swap3A_391 = arith.index_cast %scan3A_363 : i32 to index
      %swap3A_392 = arith.constant 80 : index
      %swap3A_393 = tpu.vector_load %arg16[%swap3A_390, %swap3A_391, %swap3A_392] {strides = array<i32>} : memref<2x40x160xf32, #tpu.memory_space<vmem>>, vector<16xf32>,
      tpu.vector_store %arg16[%swap3A_390, %swap3A_391, %swap3A_392], %broadcast_in_dim3A_1 {strides = array<i32>} : memref<2x40x160xf32, #tpu.memory_space<vmem>>, vector<16xf32>,
      %swap3A_394 = arith.constant 0 : i32
      %swap3A_395 = arith.index_cast %swap3A_394 : i32 to index
      %swap3A_396 = arith.index_cast %scan3A_363 : i32 to index
      %swap3A_397 = arith.constant 96 : index
      %swap3A_398 = tpu.vector_load %arg16[%swap3A_395, %swap3A_396, %swap3A_397] {strides = array<i32>} : memref<2x40x160xf32, #tpu.memory_space<vmem>>, vector<16xf32>,
      tpu.vector_store %arg16[%swap3A_395, %swap3A_396, %swap3A_397], %broadcast_in_dim3A_1 {strides = array<i32>} : memref<2x40x160xf32, #tpu.memory_space<vmem>>, vector<16xf32>,
      %swap3A_399 = arith.constant 0 : i32
      %swap3A_400 = arith.index_cast %swap3A_399 : i32 to index
      %swap3A_401 = arith.index_cast %scan3A_363 : i32 to index
      %swap3A_402 = arith.constant 112 : index
      %swap3A_403 = tpu.vector_load %arg16[%swap3A_400, %swap3A_401, %swap3A_402] {strides = array<i32>} : memref<2x40x160xf32, #tpu.memory_space<vmem>>, vector<16xf32>,
      tpu.vector_store %arg16[%swap3A_400, %swap3A_401, %swap3A_402], %broadcast_in_dim3A_1 {strides = array<i32>} : memref<2x40x160xf32, #tpu.memory_space<vmem>>, vector<16xf32>,
      %swap3A_404 = arith.constant 0 : i32
      %swap3A_405 = arith.index_cast %swap3A_404 : i32 to index
      %swap3A_406 = arith.index_cast %scan3A_363 : i32 to index
      %swap3A_407 = arith.constant 128 : index
      %swap3A_408 = tpu.vector_load %arg16[%swap3A_405, %swap3A_406, %swap3A_407] {strides = array<i32>} : memref<2x40x160xf32, #tpu.memory_space<vmem>>, vector<16xf32>,
      tpu.vector_store %arg16[%swap3A_405, %swap3A_406, %swap3A_407], %broadcast_in_dim3A_1 {strides = array<i32>} : memref<2x40x160xf32, #tpu.memory_space<vmem>>, vector<16xf32>,
      %swap3A_409 = arith.constant 0 : i32
      %swap3A_410 = arith.index_cast %swap3A_409 : i32 to index
      %swap3A_411 = arith.index_cast %scan3A_363 : i32 to index
      %swap3A_412 = arith.constant 144 : index
      %swap3A_413 = tpu.vector_load %arg16[%swap3A_410, %swap3A_411, %swap3A_412] {strides = array<i32>} : memref<2x40x160xf32, #tpu.memory_space<vmem>>, vector<16xf32>,
      tpu.vector_store %arg16[%swap3A_410, %swap3A_411, %swap3A_412], %broadcast_in_dim3A_1 {strides = array<i32>} : memref<2x40x160xf32, #tpu.memory_space<vmem>>, vector<16xf32>,
    }
    %scan3A_9 = arith.constant 40 : i32
    %broadcast_in_dim3A_10 = arith.constant 0 : i32
    %broadcast_in_dim3A_11 = vector.broadcast %broadcast_in_dim3A_10 : i32 to vector<16xi32>
    %swap3A = arith.constant 0 : i32
    %swap3A_12 = arith.index_cast %swap3A : i32 to index
    %swap3A_13 = arith.constant 0 : index
    %swap3A_14 = tpu.vector_load %arg11[%swap3A_12, %swap3A_13] {strides = array<i32>} : memref<2x40xi32, #tpu.memory_space<vmem>>, vector<16xi32>,
    tpu.vector_store %arg11[%swap3A_12, %swap3A_13], %broadcast_in_dim3A_11 {strides = array<i32>} : memref<2x40xi32, #tpu.memory_space<vmem>>, vector<16xi32>,
    %broadcast_in_dim3A_15 = arith.constant 0 : i32
    %broadcast_in_dim3A_16 = vector.broadcast %broadcast_in_dim3A_15 : i32 to vector<16xi32>
    %swap3A_17 = arith.constant 0 : i32
    %swap3A_18 = arith.index_cast %swap3A_17 : i32 to index
    %swap3A_19 = arith.constant 16 : index
    %swap3A_20 = tpu.vector_load %arg11[%swap3A_18, %swap3A_19] {strides = array<i32>} : memref<2x40xi32, #tpu.memory_space<vmem>>, vector<16xi32>,
    tpu.vector_store %arg11[%swap3A_18, %swap3A_19], %broadcast_in_dim3A_16 {strides = array<i32>} : memref<2x40xi32, #tpu.memory_space<vmem>>, vector<16xi32>,
    %broadcast_in_dim3A_21 = arith.constant 0 : i32
    %broadcast_in_dim3A_22 = vector.broadcast %broadcast_in_dim3A_21 : i32 to vector<16xi32>
    %swap3A_23 = arith.constant 0 : i32
    %swap3A_24 = arith.index_cast %swap3A_23 : i32 to index
    %swap3A_25 = arith.constant 24 : index
    %swap3A_26 = tpu.vector_load %arg11[%swap3A_24, %swap3A_25] {strides = array<i32>} : memref<2x40xi32, #tpu.memory_space<vmem>>, vector<16xi32>,
    tpu.vector_store %arg11[%swap3A_24, %swap3A_25], %broadcast_in_dim3A_22 {strides = array<i32>} : memref<2x40xi32, #tpu.memory_space<vmem>>, vector<16xi32>,
    %scan3A_27 = arith.constant 0 : i32
    %scan3A_28 = arith.constant 0 : i32
    %scan3A_29 = arith.constant 40 : i32
    %scan3A_30 = arith.addi %scan3A_28, %scan3A_29 : i32
    %scan3A_31 = arith.constant 1 : i32
    scf.for %scan3A_363 = %scan3A_28 to %scan3A_30 step %scan3A_31  : i32 {
      %swap3A_364 = arith.constant 1 : i32
      %swap3A_365 = arith.index_cast %swap3A_364 : i32 to index
      %swap3A_366 = arith.index_cast %scan3A_363 : i32 to index
      %swap3A_367 = arith.constant 0 : index
      %swap3A_368 = tpu.vector_load %arg16[%swap3A_365, %swap3A_366, %swap3A_367] {strides = array<i32>} : memref<2x40x160xf32, #tpu.memory_space<vmem>>, vector<16xf32>,
      tpu.vector_store %arg16[%swap3A_365, %swap3A_366, %swap3A_367], %broadcast_in_dim3A_1 {strides = array<i32>} : memref<2x40x160xf32, #tpu.memory_space<vmem>>, vector<16xf32>,
      %swap3A_369 = arith.constant 1 : i32
      %swap3A_370 = arith.index_cast %swap3A_369 : i32 to index
      %swap3A_371 = arith.index_cast %scan3A_363 : i32 to index
      %swap3A_372 = arith.constant 16 : index
      %swap3A_373 = tpu.vector_load %arg16[%swap3A_370, %swap3A_371, %swap3A_372] {strides = array<i32>} : memref<2x40x160xf32, #tpu.memory_space<vmem>>, vector<16xf32>,
      tpu.vector_store %arg16[%swap3A_370, %swap3A_371, %swap3A_372], %broadcast_in_dim3A_1 {strides = array<i32>} : memref<2x40x160xf32, #tpu.memory_space<vmem>>, vector<16xf32>,
      %swap3A_374 = arith.constant 1 : i32
      %swap3A_375 = arith.index_cast %swap3A_374 : i32 to index
      %swap3A_376 = arith.index_cast %scan3A_363 : i32 to index
      %swap3A_377 = arith.constant 32 : index
      %swap3A_378 = tpu.vector_load %arg16[%swap3A_375, %swap3A_376, %swap3A_377] {strides = array<i32>} : memref<2x40x160xf32, #tpu.memory_space<vmem>>, vector<16xf32>,
      tpu.vector_store %arg16[%swap3A_375, %swap3A_376, %swap3A_377], %broadcast_in_dim3A_1 {strides = array<i32>} : memref<2x40x160xf32, #tpu.memory_space<vmem>>, vector<16xf32>,
      %swap3A_379 = arith.constant 1 : i32
      %swap3A_380 = arith.index_cast %swap3A_379 : i32 to index
      %swap3A_381 = arith.index_cast %scan3A_363 : i32 to index
      %swap3A_382 = arith.constant 48 : index
      %swap3A_383 = tpu.vector_load %arg16[%swap3A_380, %swap3A_381, %swap3A_382] {strides = array<i32>} : memref<2x40x160xf32, #tpu.memory_space<vmem>>, vector<16xf32>,
      tpu.vector_store %arg16[%swap3A_380, %swap3A_381, %swap3A_382], %broadcast_in_dim3A_1 {strides = array<i32>} : memref<2x40x160xf32, #tpu.memory_space<vmem>>, vector<16xf32>,
      %swap3A_384 = arith.constant 1 : i32
      %swap3A_385 = arith.index_cast %swap3A_384 : i32 to index
      %swap3A_386 = arith.index_cast %scan3A_363 : i32 to index
      %swap3A_387 = arith.constant 64 : index
      %swap3A_388 = tpu.vector_load %arg16[%swap3A_385, %swap3A_386, %swap3A_387] {strides = array<i32>} : memref<2x40x160xf32, #tpu.memory_space<vmem>>, vector<16xf32>,
      tpu.vector_store %arg16[%swap3A_385, %swap3A_386, %swap3A_387], %broadcast_in_dim3A_1 {strides = array<i32>} : memref<2x40x160xf32, #tpu.memory_space<vmem>>, vector<16xf32>,
      %swap3A_389 = arith.constant 1 : i32
      %swap3A_390 = arith.index_cast %swap3A_389 : i32 to index
      %swap3A_391 = arith.index_cast %scan3A_363 : i32 to index
      %swap3A_392 = arith.constant 80 : index
      %swap3A_393 = tpu.vector_load %arg16[%swap3A_390, %swap3A_391, %swap3A_392] {strides = array<i32>} : memref<2x40x160xf32, #tpu.memory_space<vmem>>, vector<16xf32>,
      tpu.vector_store %arg16[%swap3A_390, %swap3A_391, %swap3A_392], %broadcast_in_dim3A_1 {strides = array<i32>} : memref<2x40x160xf32, #tpu.memory_space<vmem>>, vector<16xf32>,
      %swap3A_394 = arith.constant 1 : i32
      %swap3A_395 = arith.index_cast %swap3A_394 : i32 to index
      %swap3A_396 = arith.index_cast %scan3A_363 : i32 to index
      %swap3A_397 = arith.constant 96 : index
      %swap3A_398 = tpu.vector_load %arg16[%swap3A_395, %swap3A_396, %swap3A_397] {strides = array<i32>} : memref<2x40x160xf32, #tpu.memory_space<vmem>>, vector<16xf32>,
      tpu.vector_store %arg16[%swap3A_395, %swap3A_396, %swap3A_397], %broadcast_in_dim3A_1 {strides = array<i32>} : memref<2x40x160xf32, #tpu.memory_space<vmem>>, vector<16xf32>,
      %swap3A_399 = arith.constant 1 : i32
      %swap3A_400 = arith.index_cast %swap3A_399 : i32 to index
      %swap3A_401 = arith.index_cast %scan3A_363 : i32 to index
      %swap3A_402 = arith.constant 112 : index
      %swap3A_403 = tpu.vector_load %arg16[%swap3A_400, %swap3A_401, %swap3A_402] {strides = array<i32>} : memref<2x40x160xf32, #tpu.memory_space<vmem>>, vector<16xf32>,
      tpu.vector_store %arg16[%swap3A_400, %swap3A_401, %swap3A_402], %broadcast_in_dim3A_1 {strides = array<i32>} : memref<2x40x160xf32, #tpu.memory_space<vmem>>, vector<16xf32>,
      %swap3A_404 = arith.constant 1 : i32
      %swap3A_405 = arith.index_cast %swap3A_404 : i32 to index
      %swap3A_406 = arith.index_cast %scan3A_363 : i32 to index
      %swap3A_407 = arith.constant 128 : index
      %swap3A_408 = tpu.vector_load %arg16[%swap3A_405, %swap3A_406, %swap3A_407] {strides = array<i32>} : memref<2x40x160xf32, #tpu.memory_space<vmem>>, vector<16xf32>,
      tpu.vector_store %arg16[%swap3A_405, %swap3A_406, %swap3A_407], %broadcast_in_dim3A_1 {strides = array<i32>} : memref<2x40x160xf32, #tpu.memory_space<vmem>>, vector<16xf32>,
      %swap3A_409 = arith.constant 1 : i32
      %swap3A_410 = arith.index_cast %swap3A_409 : i32 to index
      %swap3A_411 = arith.index_cast %scan3A_363 : i32 to index
      %swap3A_412 = arith.constant 144 : index
      %swap3A_413 = tpu.vector_load %arg16[%swap3A_410, %swap3A_411, %swap3A_412] {strides = array<i32>} : memref<2x40x160xf32, #tpu.memory_space<vmem>>, vector<16xf32>,
      tpu.vector_store %arg16[%swap3A_410, %swap3A_411, %swap3A_412], %broadcast_in_dim3A_1 {strides = array<i32>} : memref<2x40x160xf32, #tpu.memory_space<vmem>>, vector<16xf32>,
    }
    %scan3A_32 = arith.constant 40 : i32
    %broadcast_in_dim3A_33 = arith.constant 0 : i32
    %broadcast_in_dim3A_34 = vector.broadcast %broadcast_in_dim3A_33 : i32 to vector<16xi32>
    %swap3A_35 = arith.constant 1 : i32
    %swap3A_36 = arith.index_cast %swap3A_35 : i32 to index
    %swap3A_37 = arith.constant 0 : index
    %swap3A_38 = tpu.vector_load %arg11[%swap3A_36, %swap3A_37] {strides = array<i32>} : memref<2x40xi32, #tpu.memory_space<vmem>>, vector<16xi32>,
    tpu.vector_store %arg11[%swap3A_36, %swap3A_37], %broadcast_in_dim3A_34 {strides = array<i32>} : memref<2x40xi32, #tpu.memory_space<vmem>>, vector<16xi32>,
    %broadcast_in_dim3A_39 = arith.constant 0 : i32
    %broadcast_in_dim3A_40 = vector.broadcast %broadcast_in_dim3A_39 : i32 to vector<16xi32>
    %swap3A_41 = arith.constant 1 : i32
    %swap3A_42 = arith.index_cast %swap3A_41 : i32 to index
    %swap3A_43 = arith.constant 16 : index
    %swap3A_44 = tpu.vector_load %arg11[%swap3A_42, %swap3A_43] {strides = array<i32>} : memref<2x40xi32, #tpu.memory_space<vmem>>, vector<16xi32>,
    tpu.vector_store %arg11[%swap3A_42, %swap3A_43], %broadcast_in_dim3A_40 {strides = array<i32>} : memref<2x40xi32, #tpu.memory_space<vmem>>, vector<16xi32>,
    %broadcast_in_dim3A_45 = arith.constant 0 : i32
    %broadcast_in_dim3A_46 = vector.broadcast %broadcast_in_dim3A_45 : i32 to vector<16xi32>
    %swap3A_47 = arith.constant 1 : i32
    %swap3A_48 = arith.index_cast %swap3A_47 : i32 to index
    %swap3A_49 = arith.constant 24 : index
    %swap3A_50 = tpu.vector_load %arg11[%swap3A_48, %swap3A_49] {strides = array<i32>} : memref<2x40xi32, #tpu.memory_space<vmem>>, vector<16xi32>,
    tpu.vector_store %arg11[%swap3A_48, %swap3A_49], %broadcast_in_dim3A_46 {strides = array<i32>} : memref<2x40xi32, #tpu.memory_space<vmem>>, vector<16xi32>,
    %mul3A_51 = arith.constant 625 : i32
    %mul3A_52 = arith.muli %arg1, %mul3A_51 : i32
    %add3A_53 = arith.constant 0 : i32
    %add3A_54 = arith.addi %mul3A_52, %add3A_53 : i32
    %run_scoped3A = arith.constant 0 : i32
    "tpu.region"() ({
      %run_scoped3A_363 = tpu.sem_alloc : memref<!tpu.dma_semaphore, #tpu.memory_space<semaphore_mem>>
      %dma_start3A_364 = arith.constant 0 : i32
      %dma_start3A_365 = arith.constant 0 : i32
      %dma_start3A_366 = tpu.memref_slice %arg16[%run_scoped3A, %dma_start3A_364, %dma_start3A_365] : memref<2x40x160xf32, #tpu.memory_space<vmem>> -> memref<1x40x160xf32, #tpu.memory_space<vmem>>
      %dma_start3A_367 = tpu.memref_squeeze %dma_start3A_366 : memref<1x40x160xf32, #tpu.memory_space<vmem>> -> memref<40x160xf32, #tpu.memory_space<vmem>>
      %dma_start3A_368 = arith.constant 0 : i32
      %dma_start3A_369 = tpu.memref_slice %arg17[%add3A_54, %dma_start3A_368] : memref<10000x160xf32, #tpu.memory_space<vmem_shared>> -> memref<40x160xf32, #tpu.memory_space<vmem_shared>>
      %dma_start3A_370 = arith.constant 0 : i32
      %dma_start3A_371 = tpu.memref_slice %arg17[%add3A_54, %dma_start3A_370] : memref<10000x160xf32, #tpu.memory_space<vmem_shared>> -> memref<40x160xf32, #tpu.memory_space<vmem_shared>>
      %dma_start3A_372 = arith.constant 0 : i32
      %dma_start3A_373 = arith.constant 0 : i32
      %dma_start3A_374 = tpu.memref_slice %arg16[%run_scoped3A, %dma_start3A_372, %dma_start3A_373] : memref<2x40x160xf32, #tpu.memory_space<vmem>> -> memref<1x40x160xf32, #tpu.memory_space<vmem>>
      %dma_start3A_375 = tpu.memref_squeeze %dma_start3A_374 : memref<1x40x160xf32, #tpu.memory_space<vmem>> -> memref<40x160xf32, #tpu.memory_space<vmem>>
      tpu.enqueue_dma source(%dma_start3A_375 : memref<40x160xf32, #tpu.memory_space<vmem>>) target(%dma_start3A_371 : memref<40x160xf32, #tpu.memory_space<vmem_shared>>) target_semaphore(%run_scoped3A_363 : memref<!tpu.dma_semaphore, #tpu.memory_space<semaphore_mem>>)
      %dma_wait3A_376 = arith.constant 0 : i32
      %dma_wait3A_377 = arith.constant 0 : i32
      %dma_wait3A_378 = tpu.memref_slice %arg16[%run_scoped3A, %dma_wait3A_376, %dma_wait3A_377] : memref<2x40x160xf32, #tpu.memory_space<vmem>> -> memref<1x40x160xf32, #tpu.memory_space<vmem>>
      %dma_wait3A_379 = tpu.memref_squeeze %dma_wait3A_378 : memref<1x40x160xf32, #tpu.memory_space<vmem>> -> memref<40x160xf32, #tpu.memory_space<vmem>>
      %dma_wait3A_380 = arith.constant 0 : i32
      %dma_wait3A_381 = tpu.memref_slice %arg17[%add3A_54, %dma_wait3A_380] : memref<10000x160xf32, #tpu.memory_space<vmem_shared>> -> memref<40x160xf32, #tpu.memory_space<vmem_shared>>
      %dma_wait3A_382 = arith.constant 0 : i32
      %dma_wait3A_383 = tpu.memref_slice %arg17[%add3A_54, %dma_wait3A_382] : memref<10000x160xf32, #tpu.memory_space<vmem_shared>> -> memref<40x160xf32, #tpu.memory_space<vmem_shared>>
      %dma_wait3A_384 = arith.constant 0 : i32
      %dma_wait3A_385 = arith.constant 0 : i32
      %dma_wait3A_386 = tpu.memref_slice %arg16[%run_scoped3A, %dma_wait3A_384, %dma_wait3A_385] : memref<2x40x160xf32, #tpu.memory_space<vmem>> -> memref<1x40x160xf32, #tpu.memory_space<vmem>>
      %dma_wait3A_387 = tpu.memref_squeeze %dma_wait3A_386 : memref<1x40x160xf32, #tpu.memory_space<vmem>> -> memref<40x160xf32, #tpu.memory_space<vmem>>
      tpu.wait_dma2 semaphore(%run_scoped3A_363 : memref<!tpu.dma_semaphore, #tpu.memory_space<semaphore_mem>>) src(%dma_wait3A_387 : memref<40x160xf32, #tpu.memory_space<vmem>>) dst(%dma_wait3A_383 : memref<40x160xf32, #tpu.memory_space<vmem_shared>>)
      tpu.yield
    }) : () -> ()
    %mul3A_55 = arith.constant 625 : i32
    %mul3A_56 = arith.muli %arg1, %mul3A_55 : i32
    %add3A_57 = arith.constant 40 : i32
    %add3A_58 = arith.addi %mul3A_56, %add3A_57 : i32
    %run_scoped3A_59 = arith.constant 0 : i32
    "tpu.region"() ({
      %run_scoped3A_363 = tpu.sem_alloc : memref<!tpu.dma_semaphore, #tpu.memory_space<semaphore_mem>>
      %dma_start3A_364 = arith.constant 0 : i32
      %dma_start3A_365 = arith.constant 0 : i32
      %dma_start3A_366 = tpu.memref_slice %arg16[%run_scoped3A_59, %dma_start3A_364, %dma_start3A_365] : memref<2x40x160xf32, #tpu.memory_space<vmem>> -> memref<1x40x160xf32, #tpu.memory_space<vmem>>
      %dma_start3A_367 = tpu.memref_squeeze %dma_start3A_366 : memref<1x40x160xf32, #tpu.memory_space<vmem>> -> memref<40x160xf32, #tpu.memory_space<vmem>>
      %dma_start3A_368 = arith.constant 0 : i32
      %dma_start3A_369 = tpu.memref_slice %arg17[%add3A_58, %dma_start3A_368] : memref<10000x160xf32, #tpu.memory_space<vmem_shared>> -> memref<40x160xf32, #tpu.memory_space<vmem_shared>>
      %dma_start3A_370 = arith.constant 0 : i32
      %dma_start3A_371 = tpu.memref_slice %arg17[%add3A_58, %dma_start3A_370] : memref<10000x160xf32, #tpu.memory_space<vmem_shared>> -> memref<40x160xf32, #tpu.memory_space<vmem_shared>>
      %dma_start3A_372 = arith.constant 0 : i32
      %dma_start3A_373 = arith.constant 0 : i32
      %dma_start3A_374 = tpu.memref_slice %arg16[%run_scoped3A_59, %dma_start3A_372, %dma_start3A_373] : memref<2x40x160xf32, #tpu.memory_space<vmem>> -> memref<1x40x160xf32, #tpu.memory_space<vmem>>
      %dma_start3A_375 = tpu.memref_squeeze %dma_start3A_374 : memref<1x40x160xf32, #tpu.memory_space<vmem>> -> memref<40x160xf32, #tpu.memory_space<vmem>>
      tpu.enqueue_dma source(%dma_start3A_375 : memref<40x160xf32, #tpu.memory_space<vmem>>) target(%dma_start3A_371 : memref<40x160xf32, #tpu.memory_space<vmem_shared>>) target_semaphore(%run_scoped3A_363 : memref<!tpu.dma_semaphore, #tpu.memory_space<semaphore_mem>>)
      %dma_wait3A_376 = arith.constant 0 : i32
      %dma_wait3A_377 = arith.constant 0 : i32
      %dma_wait3A_378 = tpu.memref_slice %arg16[%run_scoped3A_59, %dma_wait3A_376, %dma_wait3A_377] : memref<2x40x160xf32, #tpu.memory_space<vmem>> -> memref<1x40x160xf32, #tpu.memory_space<vmem>>
      %dma_wait3A_379 = tpu.memref_squeeze %dma_wait3A_378 : memref<1x40x160xf32, #tpu.memory_space<vmem>> -> memref<40x160xf32, #tpu.memory_space<vmem>>
      %dma_wait3A_380 = arith.constant 0 : i32
      %dma_wait3A_381 = tpu.memref_slice %arg17[%add3A_58, %dma_wait3A_380] : memref<10000x160xf32, #tpu.memory_space<vmem_shared>> -> memref<40x160xf32, #tpu.memory_space<vmem_shared>>
      %dma_wait3A_382 = arith.constant 0 : i32
      %dma_wait3A_383 = tpu.memref_slice %arg17[%add3A_58, %dma_wait3A_382] : memref<10000x160xf32, #tpu.memory_space<vmem_shared>> -> memref<40x160xf32, #tpu.memory_space<vmem_shared>>
      %dma_wait3A_384 = arith.constant 0 : i32
      %dma_wait3A_385 = arith.constant 0 : i32
      %dma_wait3A_386 = tpu.memref_slice %arg16[%run_scoped3A_59, %dma_wait3A_384, %dma_wait3A_385] : memref<2x40x160xf32, #tpu.memory_space<vmem>> -> memref<1x40x160xf32, #tpu.memory_space<vmem>>
      %dma_wait3A_387 = tpu.memref_squeeze %dma_wait3A_386 : memref<1x40x160xf32, #tpu.memory_space<vmem>> -> memref<40x160xf32, #tpu.memory_space<vmem>>
      tpu.wait_dma2 semaphore(%run_scoped3A_363 : memref<!tpu.dma_semaphore, #tpu.memory_space<semaphore_mem>>) src(%dma_wait3A_387 : memref<40x160xf32, #tpu.memory_space<vmem>>) dst(%dma_wait3A_383 : memref<40x160xf32, #tpu.memory_space<vmem_shared>>)
      tpu.yield
    }) : () -> ()
    %mul3A_60 = arith.constant 625 : i32
    %mul3A_61 = arith.muli %arg1, %mul3A_60 : i32
    %add3A_62 = arith.constant 80 : i32
    %add3A_63 = arith.addi %mul3A_61, %add3A_62 : i32
    %run_scoped3A_64 = arith.constant 0 : i32
    "tpu.region"() ({
      %run_scoped3A_363 = tpu.sem_alloc : memref<!tpu.dma_semaphore, #tpu.memory_space<semaphore_mem>>
      %dma_start3A_364 = arith.constant 0 : i32
      %dma_start3A_365 = arith.constant 0 : i32
      %dma_start3A_366 = tpu.memref_slice %arg16[%run_scoped3A_64, %dma_start3A_364, %dma_start3A_365] : memref<2x40x160xf32, #tpu.memory_space<vmem>> -> memref<1x40x160xf32, #tpu.memory_space<vmem>>
      %dma_start3A_367 = tpu.memref_squeeze %dma_start3A_366 : memref<1x40x160xf32, #tpu.memory_space<vmem>> -> memref<40x160xf32, #tpu.memory_space<vmem>>
      %dma_start3A_368 = arith.constant 0 : i32
      %dma_start3A_369 = tpu.memref_slice %arg17[%add3A_63, %dma_start3A_368] : memref<10000x160xf32, #tpu.memory_space<vmem_shared>> -> memref<40x160xf32, #tpu.memory_space<vmem_shared>>
      %dma_start3A_370 = arith.constant 0 : i32
      %dma_start3A_371 = tpu.memref_slice %arg17[%add3A_63, %dma_start3A_370] : memref<10000x160xf32, #tpu.memory_space<vmem_shared>> -> memref<40x160xf32, #tpu.memory_space<vmem_shared>>
      %dma_start3A_372 = arith.constant 0 : i32
      %dma_start3A_373 = arith.constant 0 : i32
      %dma_start3A_374 = tpu.memref_slice %arg16[%run_scoped3A_64, %dma_start3A_372, %dma_start3A_373] : memref<2x40x160xf32, #tpu.memory_space<vmem>> -> memref<1x40x160xf32, #tpu.memory_space<vmem>>
      %dma_start3A_375 = tpu.memref_squeeze %dma_start3A_374 : memref<1x40x160xf32, #tpu.memory_space<vmem>> -> memref<40x160xf32, #tpu.memory_space<vmem>>
      tpu.enqueue_dma source(%dma_start3A_375 : memref<40x160xf32, #tpu.memory_space<vmem>>) target(%dma_start3A_371 : memref<40x160xf32, #tpu.memory_space<vmem_shared>>) target_semaphore(%run_scoped3A_363 : memref<!tpu.dma_semaphore, #tpu.memory_space<semaphore_mem>>)
      %dma_wait3A_376 = arith.constant 0 : i32
      %dma_wait3A_377 = arith.constant 0 : i32
      %dma_wait3A_378 = tpu.memref_slice %arg16[%run_scoped3A_64, %dma_wait3A_376, %dma_wait3A_377] : memref<2x40x160xf32, #tpu.memory_space<vmem>> -> memref<1x40x160xf32, #tpu.memory_space<vmem>>
      %dma_wait3A_379 = tpu.memref_squeeze %dma_wait3A_378 : memref<1x40x160xf32, #tpu.memory_space<vmem>> -> memref<40x160xf32, #tpu.memory_space<vmem>>
      %dma_wait3A_380 = arith.constant 0 : i32
      %dma_wait3A_381 = tpu.memref_slice %arg17[%add3A_63, %dma_wait3A_380] : memref<10000x160xf32, #tpu.memory_space<vmem_shared>> -> memref<40x160xf32, #tpu.memory_space<vmem_shared>>
      %dma_wait3A_382 = arith.constant 0 : i32
      %dma_wait3A_383 = tpu.memref_slice %arg17[%add3A_63, %dma_wait3A_382] : memref<10000x160xf32, #tpu.memory_space<vmem_shared>> -> memref<40x160xf32, #tpu.memory_space<vmem_shared>>
      %dma_wait3A_384 = arith.constant 0 : i32
      %dma_wait3A_385 = arith.constant 0 : i32
      %dma_wait3A_386 = tpu.memref_slice %arg16[%run_scoped3A_64, %dma_wait3A_384, %dma_wait3A_385] : memref<2x40x160xf32, #tpu.memory_space<vmem>> -> memref<1x40x160xf32, #tpu.memory_space<vmem>>
      %dma_wait3A_387 = tpu.memref_squeeze %dma_wait3A_386 : memref<1x40x160xf32, #tpu.memory_space<vmem>> -> memref<40x160xf32, #tpu.memory_space<vmem>>
      tpu.wait_dma2 semaphore(%run_scoped3A_363 : memref<!tpu.dma_semaphore, #tpu.memory_space<semaphore_mem>>) src(%dma_wait3A_387 : memref<40x160xf32, #tpu.memory_space<vmem>>) dst(%dma_wait3A_383 : memref<40x160xf32, #tpu.memory_space<vmem_shared>>)
      tpu.yield
    }) : () -> ()
    %mul3A_65 = arith.constant 625 : i32
    %mul3A_66 = arith.muli %arg1, %mul3A_65 : i32
    %add3A_67 = arith.constant 120 : i32
    %add3A_68 = arith.addi %mul3A_66, %add3A_67 : i32
    %run_scoped3A_69 = arith.constant 0 : i32
    "tpu.region"() ({
      %run_scoped3A_363 = tpu.sem_alloc : memref<!tpu.dma_semaphore, #tpu.memory_space<semaphore_mem>>
      %dma_start3A_364 = arith.constant 0 : i32
      %dma_start3A_365 = arith.constant 0 : i32
      %dma_start3A_366 = tpu.memref_slice %arg16[%run_scoped3A_69, %dma_start3A_364, %dma_start3A_365] : memref<2x40x160xf32, #tpu.memory_space<vmem>> -> memref<1x40x160xf32, #tpu.memory_space<vmem>>
      %dma_start3A_367 = tpu.memref_squeeze %dma_start3A_366 : memref<1x40x160xf32, #tpu.memory_space<vmem>> -> memref<40x160xf32, #tpu.memory_space<vmem>>
      %dma_start3A_368 = arith.constant 0 : i32
      %dma_start3A_369 = tpu.memref_slice %arg17[%add3A_68, %dma_start3A_368] : memref<10000x160xf32, #tpu.memory_space<vmem_shared>> -> memref<40x160xf32, #tpu.memory_space<vmem_shared>>
      %dma_start3A_370 = arith.constant 0 : i32
      %dma_start3A_371 = tpu.memref_slice %arg17[%add3A_68, %dma_start3A_370] : memref<10000x160xf32, #tpu.memory_space<vmem_shared>> -> memref<40x160xf32, #tpu.memory_space<vmem_shared>>
      %dma_start3A_372 = arith.constant 0 : i32
      %dma_start3A_373 = arith.constant 0 : i32
      %dma_start3A_374 = tpu.memref_slice %arg16[%run_scoped3A_69, %dma_start3A_372, %dma_start3A_373] : memref<2x40x160xf32, #tpu.memory_space<vmem>> -> memref<1x40x160xf32, #tpu.memory_space<vmem>>
      %dma_start3A_375 = tpu.memref_squeeze %dma_start3A_374 : memref<1x40x160xf32, #tpu.memory_space<vmem>> -> memref<40x160xf32, #tpu.memory_space<vmem>>
      tpu.enqueue_dma source(%dma_start3A_375 : memref<40x160xf32, #tpu.memory_space<vmem>>) target(%dma_start3A_371 : memref<40x160xf32, #tpu.memory_space<vmem_shared>>) target_semaphore(%run_scoped3A_363 : memref<!tpu.dma_semaphore, #tpu.memory_space<semaphore_mem>>)
      %dma_wait3A_376 = arith.constant 0 : i32
      %dma_wait3A_377 = arith.constant 0 : i32
      %dma_wait3A_378 = tpu.memref_slice %arg16[%run_scoped3A_69, %dma_wait3A_376, %dma_wait3A_377] : memref<2x40x160xf32, #tpu.memory_space<vmem>> -> memref<1x40x160xf32, #tpu.memory_space<vmem>>
      %dma_wait3A_379 = tpu.memref_squeeze %dma_wait3A_378 : memref<1x40x160xf32, #tpu.memory_space<vmem>> -> memref<40x160xf32, #tpu.memory_space<vmem>>
      %dma_wait3A_380 = arith.constant 0 : i32
      %dma_wait3A_381 = tpu.memref_slice %arg17[%add3A_68, %dma_wait3A_380] : memref<10000x160xf32, #tpu.memory_space<vmem_shared>> -> memref<40x160xf32, #tpu.memory_space<vmem_shared>>
      %dma_wait3A_382 = arith.constant 0 : i32
      %dma_wait3A_383 = tpu.memref_slice %arg17[%add3A_68, %dma_wait3A_382] : memref<10000x160xf32, #tpu.memory_space<vmem_shared>> -> memref<40x160xf32, #tpu.memory_space<vmem_shared>>
      %dma_wait3A_384 = arith.constant 0 : i32
      %dma_wait3A_385 = arith.constant 0 : i32
      %dma_wait3A_386 = tpu.memref_slice %arg16[%run_scoped3A_69, %dma_wait3A_384, %dma_wait3A_385] : memref<2x40x160xf32, #tpu.memory_space<vmem>> -> memref<1x40x160xf32, #tpu.memory_space<vmem>>
      %dma_wait3A_387 = tpu.memref_squeeze %dma_wait3A_386 : memref<1x40x160xf32, #tpu.memory_space<vmem>> -> memref<40x160xf32, #tpu.memory_space<vmem>>
      tpu.wait_dma2 semaphore(%run_scoped3A_363 : memref<!tpu.dma_semaphore, #tpu.memory_space<semaphore_mem>>) src(%dma_wait3A_387 : memref<40x160xf32, #tpu.memory_space<vmem>>) dst(%dma_wait3A_383 : memref<40x160xf32, #tpu.memory_space<vmem_shared>>)
      tpu.yield
    }) : () -> ()
    %mul3A_70 = arith.constant 625 : i32
    %mul3A_71 = arith.muli %arg1, %mul3A_70 : i32
    %add3A_72 = arith.constant 160 : i32
    %add3A_73 = arith.addi %mul3A_71, %add3A_72 : i32
    %run_scoped3A_74 = arith.constant 0 : i32
    "tpu.region"() ({
      %run_scoped3A_363 = tpu.sem_alloc : memref<!tpu.dma_semaphore, #tpu.memory_space<semaphore_mem>>
      %dma_start3A_364 = arith.constant 0 : i32
      %dma_start3A_365 = arith.constant 0 : i32
      %dma_start3A_366 = tpu.memref_slice %arg16[%run_scoped3A_74, %dma_start3A_364, %dma_start3A_365] : memref<2x40x160xf32, #tpu.memory_space<vmem>> -> memref<1x40x160xf32, #tpu.memory_space<vmem>>
      %dma_start3A_367 = tpu.memref_squeeze %dma_start3A_366 : memref<1x40x160xf32, #tpu.memory_space<vmem>> -> memref<40x160xf32, #tpu.memory_space<vmem>>
      %dma_start3A_368 = arith.constant 0 : i32
      %dma_start3A_369 = tpu.memref_slice %arg17[%add3A_73, %dma_start3A_368] : memref<10000x160xf32, #tpu.memory_space<vmem_shared>> -> memref<40x160xf32, #tpu.memory_space<vmem_shared>>
      %dma_start3A_370 = arith.constant 0 : i32
      %dma_start3A_371 = tpu.memref_slice %arg17[%add3A_73, %dma_start3A_370] : memref<10000x160xf32, #tpu.memory_space<vmem_shared>> -> memref<40x160xf32, #tpu.memory_space<vmem_shared>>
      %dma_start3A_372 = arith.constant 0 : i32
      %dma_start3A_373 = arith.constant 0 : i32
      %dma_start3A_374 = tpu.memref_slice %arg16[%run_scoped3A_74, %dma_start3A_372, %dma_start3A_373] : memref<2x40x160xf32, #tpu.memory_space<vmem>> -> memref<1x40x160xf32, #tpu.memory_space<vmem>>
      %dma_start3A_375 = tpu.memref_squeeze %dma_start3A_374 : memref<1x40x160xf32, #tpu.memory_space<vmem>> -> memref<40x160xf32, #tpu.memory_space<vmem>>
      tpu.enqueue_dma source(%dma_start3A_375 : memref<40x160xf32, #tpu.memory_space<vmem>>) target(%dma_start3A_371 : memref<40x160xf32, #tpu.memory_space<vmem_shared>>) target_semaphore(%run_scoped3A_363 : memref<!tpu.dma_semaphore, #tpu.memory_space<semaphore_mem>>)
      %dma_wait3A_376 = arith.constant 0 : i32
      %dma_wait3A_377 = arith.constant 0 : i32
      %dma_wait3A_378 = tpu.memref_slice %arg16[%run_scoped3A_74, %dma_wait3A_376, %dma_wait3A_377] : memref<2x40x160xf32, #tpu.memory_space<vmem>> -> memref<1x40x160xf32, #tpu.memory_space<vmem>>
      %dma_wait3A_379 = tpu.memref_squeeze %dma_wait3A_378 : memref<1x40x160xf32, #tpu.memory_space<vmem>> -> memref<40x160xf32, #tpu.memory_space<vmem>>
      %dma_wait3A_380 = arith.constant 0 : i32
      %dma_wait3A_381 = tpu.memref_slice %arg17[%add3A_73, %dma_wait3A_380] : memref<10000x160xf32, #tpu.memory_space<vmem_shared>> -> memref<40x160xf32, #tpu.memory_space<vmem_shared>>
      %dma_wait3A_382 = arith.constant 0 : i32
      %dma_wait3A_383 = tpu.memref_slice %arg17[%add3A_73, %dma_wait3A_382] : memref<10000x160xf32, #tpu.memory_space<vmem_shared>> -> memref<40x160xf32, #tpu.memory_space<vmem_shared>>
      %dma_wait3A_384 = arith.constant 0 : i32
      %dma_wait3A_385 = arith.constant 0 : i32
      %dma_wait3A_386 = tpu.memref_slice %arg16[%run_scoped3A_74, %dma_wait3A_384, %dma_wait3A_385] : memref<2x40x160xf32, #tpu.memory_space<vmem>> -> memref<1x40x160xf32, #tpu.memory_space<vmem>>
      %dma_wait3A_387 = tpu.memref_squeeze %dma_wait3A_386 : memref<1x40x160xf32, #tpu.memory_space<vmem>> -> memref<40x160xf32, #tpu.memory_space<vmem>>
      tpu.wait_dma2 semaphore(%run_scoped3A_363 : memref<!tpu.dma_semaphore, #tpu.memory_space<semaphore_mem>>) src(%dma_wait3A_387 : memref<40x160xf32, #tpu.memory_space<vmem>>) dst(%dma_wait3A_383 : memref<40x160xf32, #tpu.memory_space<vmem_shared>>)
      tpu.yield
    }) : () -> ()
    %mul3A_75 = arith.constant 625 : i32
    %mul3A_76 = arith.muli %arg1, %mul3A_75 : i32
    %add3A_77 = arith.constant 200 : i32
    %add3A_78 = arith.addi %mul3A_76, %add3A_77 : i32
    %run_scoped3A_79 = arith.constant 0 : i32
    "tpu.region"() ({
      %run_scoped3A_363 = tpu.sem_alloc : memref<!tpu.dma_semaphore, #tpu.memory_space<semaphore_mem>>
      %dma_start3A_364 = arith.constant 0 : i32
      %dma_start3A_365 = arith.constant 0 : i32
      %dma_start3A_366 = tpu.memref_slice %arg16[%run_scoped3A_79, %dma_start3A_364, %dma_start3A_365] : memref<2x40x160xf32, #tpu.memory_space<vmem>> -> memref<1x40x160xf32, #tpu.memory_space<vmem>>
      %dma_start3A_367 = tpu.memref_squeeze %dma_start3A_366 : memref<1x40x160xf32, #tpu.memory_space<vmem>> -> memref<40x160xf32, #tpu.memory_space<vmem>>
      %dma_start3A_368 = arith.constant 0 : i32
      %dma_start3A_369 = tpu.memref_slice %arg17[%add3A_78, %dma_start3A_368] : memref<10000x160xf32, #tpu.memory_space<vmem_shared>> -> memref<40x160xf32, #tpu.memory_space<vmem_shared>>
      %dma_start3A_370 = arith.constant 0 : i32
      %dma_start3A_371 = tpu.memref_slice %arg17[%add3A_78, %dma_start3A_370] : memref<10000x160xf32, #tpu.memory_space<vmem_shared>> -> memref<40x160xf32, #tpu.memory_space<vmem_shared>>
      %dma_start3A_372 = arith.constant 0 : i32
      %dma_start3A_373 = arith.constant 0 : i32
      %dma_start3A_374 = tpu.memref_slice %arg16[%run_scoped3A_79, %dma_start3A_372, %dma_start3A_373] : memref<2x40x160xf32, #tpu.memory_space<vmem>> -> memref<1x40x160xf32, #tpu.memory_space<vmem>>
      %dma_start3A_375 = tpu.memref_squeeze %dma_start3A_374 : memref<1x40x160xf32, #tpu.memory_space<vmem>> -> memref<40x160xf32, #tpu.memory_space<vmem>>
      tpu.enqueue_dma source(%dma_start3A_375 : memref<40x160xf32, #tpu.memory_space<vmem>>) target(%dma_start3A_371 : memref<40x160xf32, #tpu.memory_space<vmem_shared>>) target_semaphore(%run_scoped3A_363 : memref<!tpu.dma_semaphore, #tpu.memory_space<semaphore_mem>>)
      %dma_wait3A_376 = arith.constant 0 : i32
      %dma_wait3A_377 = arith.constant 0 : i32
      %dma_wait3A_378 = tpu.memref_slice %arg16[%run_scoped3A_79, %dma_wait3A_376, %dma_wait3A_377] : memref<2x40x160xf32, #tpu.memory_space<vmem>> -> memref<1x40x160xf32, #tpu.memory_space<vmem>>
      %dma_wait3A_379 = tpu.memref_squeeze %dma_wait3A_378 : memref<1x40x160xf32, #tpu.memory_space<vmem>> -> memref<40x160xf32, #tpu.memory_space<vmem>>
      %dma_wait3A_380 = arith.constant 0 : i32
      %dma_wait3A_381 = tpu.memref_slice %arg17[%add3A_78, %dma_wait3A_380] : memref<10000x160xf32, #tpu.memory_space<vmem_shared>> -> memref<40x160xf32, #tpu.memory_space<vmem_shared>>
      %dma_wait3A_382 = arith.constant 0 : i32
      %dma_wait3A_383 = tpu.memref_slice %arg17[%add3A_78, %dma_wait3A_382] : memref<10000x160xf32, #tpu.memory_space<vmem_shared>> -> memref<40x160xf32, #tpu.memory_space<vmem_shared>>
      %dma_wait3A_384 = arith.constant 0 : i32
      %dma_wait3A_385 = arith.constant 0 : i32
      %dma_wait3A_386 = tpu.memref_slice %arg16[%run_scoped3A_79, %dma_wait3A_384, %dma_wait3A_385] : memref<2x40x160xf32, #tpu.memory_space<vmem>> -> memref<1x40x160xf32, #tpu.memory_space<vmem>>
      %dma_wait3A_387 = tpu.memref_squeeze %dma_wait3A_386 : memref<1x40x160xf32, #tpu.memory_space<vmem>> -> memref<40x160xf32, #tpu.memory_space<vmem>>
      tpu.wait_dma2 semaphore(%run_scoped3A_363 : memref<!tpu.dma_semaphore, #tpu.memory_space<semaphore_mem>>) src(%dma_wait3A_387 : memref<40x160xf32, #tpu.memory_space<vmem>>) dst(%dma_wait3A_383 : memref<40x160xf32, #tpu.memory_space<vmem_shared>>)
      tpu.yield
    }) : () -> ()
    %mul3A_80 = arith.constant 625 : i32
    %mul3A_81 = arith.muli %arg1, %mul3A_80 : i32
    %add3A_82 = arith.constant 240 : i32
    %add3A_83 = arith.addi %mul3A_81, %add3A_82 : i32
    %run_scoped3A_84 = arith.constant 0 : i32
    "tpu.region"() ({
      %run_scoped3A_363 = tpu.sem_alloc : memref<!tpu.dma_semaphore, #tpu.memory_space<semaphore_mem>>
      %dma_start3A_364 = arith.constant 0 : i32
      %dma_start3A_365 = arith.constant 0 : i32
      %dma_start3A_366 = tpu.memref_slice %arg16[%run_scoped3A_84, %dma_start3A_364, %dma_start3A_365] : memref<2x40x160xf32, #tpu.memory_space<vmem>> -> memref<1x40x160xf32, #tpu.memory_space<vmem>>
      %dma_start3A_367 = tpu.memref_squeeze %dma_start3A_366 : memref<1x40x160xf32, #tpu.memory_space<vmem>> -> memref<40x160xf32, #tpu.memory_space<vmem>>
      %dma_start3A_368 = arith.constant 0 : i32
      %dma_start3A_369 = tpu.memref_slice %arg17[%add3A_83, %dma_start3A_368] : memref<10000x160xf32, #tpu.memory_space<vmem_shared>> -> memref<40x160xf32, #tpu.memory_space<vmem_shared>>
      %dma_start3A_370 = arith.constant 0 : i32
      %dma_start3A_371 = tpu.memref_slice %arg17[%add3A_83, %dma_start3A_370] : memref<10000x160xf32, #tpu.memory_space<vmem_shared>> -> memref<40x160xf32, #tpu.memory_space<vmem_shared>>
      %dma_start3A_372 = arith.constant 0 : i32
      %dma_start3A_373 = arith.constant 0 : i32
      %dma_start3A_374 = tpu.memref_slice %arg16[%run_scoped3A_84, %dma_start3A_372, %dma_start3A_373] : memref<2x40x160xf32, #tpu.memory_space<vmem>> -> memref<1x40x160xf32, #tpu.memory_space<vmem>>
      %dma_start3A_375 = tpu.memref_squeeze %dma_start3A_374 : memref<1x40x160xf32, #tpu.memory_space<vmem>> -> memref<40x160xf32, #tpu.memory_space<vmem>>
      tpu.enqueue_dma source(%dma_start3A_375 : memref<40x160xf32, #tpu.memory_space<vmem>>) target(%dma_start3A_371 : memref<40x160xf32, #tpu.memory_space<vmem_shared>>) target_semaphore(%run_scoped3A_363 : memref<!tpu.dma_semaphore, #tpu.memory_space<semaphore_mem>>)
      %dma_wait3A_376 = arith.constant 0 : i32
      %dma_wait3A_377 = arith.constant 0 : i32
      %dma_wait3A_378 = tpu.memref_slice %arg16[%run_scoped3A_84, %dma_wait3A_376, %dma_wait3A_377] : memref<2x40x160xf32, #tpu.memory_space<vmem>> -> memref<1x40x160xf32, #tpu.memory_space<vmem>>
      %dma_wait3A_379 = tpu.memref_squeeze %dma_wait3A_378 : memref<1x40x160xf32, #tpu.memory_space<vmem>> -> memref<40x160xf32, #tpu.memory_space<vmem>>
      %dma_wait3A_380 = arith.constant 0 : i32
      %dma_wait3A_381 = tpu.memref_slice %arg17[%add3A_83, %dma_wait3A_380] : memref<10000x160xf32, #tpu.memory_space<vmem_shared>> -> memref<40x160xf32, #tpu.memory_space<vmem_shared>>
      %dma_wait3A_382 = arith.constant 0 : i32
      %dma_wait3A_383 = tpu.memref_slice %arg17[%add3A_83, %dma_wait3A_382] : memref<10000x160xf32, #tpu.memory_space<vmem_shared>> -> memref<40x160xf32, #tpu.memory_space<vmem_shared>>
      %dma_wait3A_384 = arith.constant 0 : i32
      %dma_wait3A_385 = arith.constant 0 : i32
      %dma_wait3A_386 = tpu.memref_slice %arg16[%run_scoped3A_84, %dma_wait3A_384, %dma_wait3A_385] : memref<2x40x160xf32, #tpu.memory_space<vmem>> -> memref<1x40x160xf32, #tpu.memory_space<vmem>>
      %dma_wait3A_387 = tpu.memref_squeeze %dma_wait3A_386 : memref<1x40x160xf32, #tpu.memory_space<vmem>> -> memref<40x160xf32, #tpu.memory_space<vmem>>
      tpu.wait_dma2 semaphore(%run_scoped3A_363 : memref<!tpu.dma_semaphore, #tpu.memory_space<semaphore_mem>>) src(%dma_wait3A_387 : memref<40x160xf32, #tpu.memory_space<vmem>>) dst(%dma_wait3A_383 : memref<40x160xf32, #tpu.memory_space<vmem_shared>>)
      tpu.yield
    }) : () -> ()
    %mul3A_85 = arith.constant 625 : i32
    %mul3A_86 = arith.muli %arg1, %mul3A_85 : i32
    %add3A_87 = arith.constant 280 : i32
    %add3A_88 = arith.addi %mul3A_86, %add3A_87 : i32
    %run_scoped3A_89 = arith.constant 0 : i32
    "tpu.region"() ({
      %run_scoped3A_363 = tpu.sem_alloc : memref<!tpu.dma_semaphore, #tpu.memory_space<semaphore_mem>>
      %dma_start3A_364 = arith.constant 0 : i32
      %dma_start3A_365 = arith.constant 0 : i32
      %dma_start3A_366 = tpu.memref_slice %arg16[%run_scoped3A_89, %dma_start3A_364, %dma_start3A_365] : memref<2x40x160xf32, #tpu.memory_space<vmem>> -> memref<1x40x160xf32, #tpu.memory_space<vmem>>
      %dma_start3A_367 = tpu.memref_squeeze %dma_start3A_366 : memref<1x40x160xf32, #tpu.memory_space<vmem>> -> memref<40x160xf32, #tpu.memory_space<vmem>>
      %dma_start3A_368 = arith.constant 0 : i32
      %dma_start3A_369 = tpu.memref_slice %arg17[%add3A_88, %dma_start3A_368] : memref<10000x160xf32, #tpu.memory_space<vmem_shared>> -> memref<40x160xf32, #tpu.memory_space<vmem_shared>>
      %dma_start3A_370 = arith.constant 0 : i32
      %dma_start3A_371 = tpu.memref_slice %arg17[%add3A_88, %dma_start3A_370] : memref<10000x160xf32, #tpu.memory_space<vmem_shared>> -> memref<40x160xf32, #tpu.memory_space<vmem_shared>>
      %dma_start3A_372 = arith.constant 0 : i32
      %dma_start3A_373 = arith.constant 0 : i32
      %dma_start3A_374 = tpu.memref_slice %arg16[%run_scoped3A_89, %dma_start3A_372, %dma_start3A_373] : memref<2x40x160xf32, #tpu.memory_space<vmem>> -> memref<1x40x160xf32, #tpu.memory_space<vmem>>
      %dma_start3A_375 = tpu.memref_squeeze %dma_start3A_374 : memref<1x40x160xf32, #tpu.memory_space<vmem>> -> memref<40x160xf32, #tpu.memory_space<vmem>>
      tpu.enqueue_dma source(%dma_start3A_375 : memref<40x160xf32, #tpu.memory_space<vmem>>) target(%dma_start3A_371 : memref<40x160xf32, #tpu.memory_space<vmem_shared>>) target_semaphore(%run_scoped3A_363 : memref<!tpu.dma_semaphore, #tpu.memory_space<semaphore_mem>>)
      %dma_wait3A_376 = arith.constant 0 : i32
      %dma_wait3A_377 = arith.constant 0 : i32
      %dma_wait3A_378 = tpu.memref_slice %arg16[%run_scoped3A_89, %dma_wait3A_376, %dma_wait3A_377] : memref<2x40x160xf32, #tpu.memory_space<vmem>> -> memref<1x40x160xf32, #tpu.memory_space<vmem>>
      %dma_wait3A_379 = tpu.memref_squeeze %dma_wait3A_378 : memref<1x40x160xf32, #tpu.memory_space<vmem>> -> memref<40x160xf32, #tpu.memory_space<vmem>>
      %dma_wait3A_380 = arith.constant 0 : i32
      %dma_wait3A_381 = tpu.memref_slice %arg17[%add3A_88, %dma_wait3A_380] : memref<10000x160xf32, #tpu.memory_space<vmem_shared>> -> memref<40x160xf32, #tpu.memory_space<vmem_shared>>
      %dma_wait3A_382 = arith.constant 0 : i32
      %dma_wait3A_383 = tpu.memref_slice %arg17[%add3A_88, %dma_wait3A_382] : memref<10000x160xf32, #tpu.memory_space<vmem_shared>> -> memref<40x160xf32, #tpu.memory_space<vmem_shared>>
      %dma_wait3A_384 = arith.constant 0 : i32
      %dma_wait3A_385 = arith.constant 0 : i32
      %dma_wait3A_386 = tpu.memref_slice %arg16[%run_scoped3A_89, %dma_wait3A_384, %dma_wait3A_385] : memref<2x40x160xf32, #tpu.memory_space<vmem>> -> memref<1x40x160xf32, #tpu.memory_space<vmem>>
      %dma_wait3A_387 = tpu.memref_squeeze %dma_wait3A_386 : memref<1x40x160xf32, #tpu.memory_space<vmem>> -> memref<40x160xf32, #tpu.memory_space<vmem>>
      tpu.wait_dma2 semaphore(%run_scoped3A_363 : memref<!tpu.dma_semaphore, #tpu.memory_space<semaphore_mem>>) src(%dma_wait3A_387 : memref<40x160xf32, #tpu.memory_space<vmem>>) dst(%dma_wait3A_383 : memref<40x160xf32, #tpu.memory_space<vmem_shared>>)
      tpu.yield
    }) : () -> ()
    %mul3A_90 = arith.constant 625 : i32
    %mul3A_91 = arith.muli %arg1, %mul3A_90 : i32
    %add3A_92 = arith.constant 320 : i32
    %add3A_93 = arith.addi %mul3A_91, %add3A_92 : i32
    %run_scoped3A_94 = arith.constant 0 : i32
    "tpu.region"() ({
      %run_scoped3A_363 = tpu.sem_alloc : memref<!tpu.dma_semaphore, #tpu.memory_space<semaphore_mem>>
      %dma_start3A_364 = arith.constant 0 : i32
      %dma_start3A_365 = arith.constant 0 : i32
      %dma_start3A_366 = tpu.memref_slice %arg16[%run_scoped3A_94, %dma_start3A_364, %dma_start3A_365] : memref<2x40x160xf32, #tpu.memory_space<vmem>> -> memref<1x40x160xf32, #tpu.memory_space<vmem>>
      %dma_start3A_367 = tpu.memref_squeeze %dma_start3A_366 : memref<1x40x160xf32, #tpu.memory_space<vmem>> -> memref<40x160xf32, #tpu.memory_space<vmem>>
      %dma_start3A_368 = arith.constant 0 : i32
      %dma_start3A_369 = tpu.memref_slice %arg17[%add3A_93, %dma_start3A_368] : memref<10000x160xf32, #tpu.memory_space<vmem_shared>> -> memref<40x160xf32, #tpu.memory_space<vmem_shared>>
      %dma_start3A_370 = arith.constant 0 : i32
      %dma_start3A_371 = tpu.memref_slice %arg17[%add3A_93, %dma_start3A_370] : memref<10000x160xf32, #tpu.memory_space<vmem_shared>> -> memref<40x160xf32, #tpu.memory_space<vmem_shared>>
      %dma_start3A_372 = arith.constant 0 : i32
      %dma_start3A_373 = arith.constant 0 : i32
      %dma_start3A_374 = tpu.memref_slice %arg16[%run_scoped3A_94, %dma_start3A_372, %dma_start3A_373] : memref<2x40x160xf32, #tpu.memory_space<vmem>> -> memref<1x40x160xf32, #tpu.memory_space<vmem>>
      %dma_start3A_375 = tpu.memref_squeeze %dma_start3A_374 : memref<1x40x160xf32, #tpu.memory_space<vmem>> -> memref<40x160xf32, #tpu.memory_space<vmem>>
      tpu.enqueue_dma source(%dma_start3A_375 : memref<40x160xf32, #tpu.memory_space<vmem>>) target(%dma_start3A_371 : memref<40x160xf32, #tpu.memory_space<vmem_shared>>) target_semaphore(%run_scoped3A_363 : memref<!tpu.dma_semaphore, #tpu.memory_space<semaphore_mem>>)
      %dma_wait3A_376 = arith.constant 0 : i32
      %dma_wait3A_377 = arith.constant 0 : i32
      %dma_wait3A_378 = tpu.memref_slice %arg16[%run_scoped3A_94, %dma_wait3A_376, %dma_wait3A_377] : memref<2x40x160xf32, #tpu.memory_space<vmem>> -> memref<1x40x160xf32, #tpu.memory_space<vmem>>
      %dma_wait3A_379 = tpu.memref_squeeze %dma_wait3A_378 : memref<1x40x160xf32, #tpu.memory_space<vmem>> -> memref<40x160xf32, #tpu.memory_space<vmem>>
      %dma_wait3A_380 = arith.constant 0 : i32
      %dma_wait3A_381 = tpu.memref_slice %arg17[%add3A_93, %dma_wait3A_380] : memref<10000x160xf32, #tpu.memory_space<vmem_shared>> -> memref<40x160xf32, #tpu.memory_space<vmem_shared>>
      %dma_wait3A_382 = arith.constant 0 : i32
      %dma_wait3A_383 = tpu.memref_slice %arg17[%add3A_93, %dma_wait3A_382] : memref<10000x160xf32, #tpu.memory_space<vmem_shared>> -> memref<40x160xf32, #tpu.memory_space<vmem_shared>>
      %dma_wait3A_384 = arith.constant 0 : i32
      %dma_wait3A_385 = arith.constant 0 : i32
      %dma_wait3A_386 = tpu.memref_slice %arg16[%run_scoped3A_94, %dma_wait3A_384, %dma_wait3A_385] : memref<2x40x160xf32, #tpu.memory_space<vmem>> -> memref<1x40x160xf32, #tpu.memory_space<vmem>>
      %dma_wait3A_387 = tpu.memref_squeeze %dma_wait3A_386 : memref<1x40x160xf32, #tpu.memory_space<vmem>> -> memref<40x160xf32, #tpu.memory_space<vmem>>
      tpu.wait_dma2 semaphore(%run_scoped3A_363 : memref<!tpu.dma_semaphore, #tpu.memory_space<semaphore_mem>>) src(%dma_wait3A_387 : memref<40x160xf32, #tpu.memory_space<vmem>>) dst(%dma_wait3A_383 : memref<40x160xf32, #tpu.memory_space<vmem_shared>>)
      tpu.yield
    }) : () -> ()
    %mul3A_95 = arith.constant 625 : i32
    %mul3A_96 = arith.muli %arg1, %mul3A_95 : i32
    %add3A_97 = arith.constant 360 : i32
    %add3A_98 = arith.addi %mul3A_96, %add3A_97 : i32
    %run_scoped3A_99 = arith.constant 0 : i32
    "tpu.region"() ({
      %run_scoped3A_363 = tpu.sem_alloc : memref<!tpu.dma_semaphore, #tpu.memory_space<semaphore_mem>>
      %dma_start3A_364 = arith.constant 0 : i32
      %dma_start3A_365 = arith.constant 0 : i32
      %dma_start3A_366 = tpu.memref_slice %arg16[%run_scoped3A_99, %dma_start3A_364, %dma_start3A_365] : memref<2x40x160xf32, #tpu.memory_space<vmem>> -> memref<1x40x160xf32, #tpu.memory_space<vmem>>
      %dma_start3A_367 = tpu.memref_squeeze %dma_start3A_366 : memref<1x40x160xf32, #tpu.memory_space<vmem>> -> memref<40x160xf32, #tpu.memory_space<vmem>>
      %dma_start3A_368 = arith.constant 0 : i32
      %dma_start3A_369 = tpu.memref_slice %arg17[%add3A_98, %dma_start3A_368] : memref<10000x160xf32, #tpu.memory_space<vmem_shared>> -> memref<40x160xf32, #tpu.memory_space<vmem_shared>>
      %dma_start3A_370 = arith.constant 0 : i32
      %dma_start3A_371 = tpu.memref_slice %arg17[%add3A_98, %dma_start3A_370] : memref<10000x160xf32, #tpu.memory_space<vmem_shared>> -> memref<40x160xf32, #tpu.memory_space<vmem_shared>>
      %dma_start3A_372 = arith.constant 0 : i32
      %dma_start3A_373 = arith.constant 0 : i32
      %dma_start3A_374 = tpu.memref_slice %arg16[%run_scoped3A_99, %dma_start3A_372, %dma_start3A_373] : memref<2x40x160xf32, #tpu.memory_space<vmem>> -> memref<1x40x160xf32, #tpu.memory_space<vmem>>
      %dma_start3A_375 = tpu.memref_squeeze %dma_start3A_374 : memref<1x40x160xf32, #tpu.memory_space<vmem>> -> memref<40x160xf32, #tpu.memory_space<vmem>>
      tpu.enqueue_dma source(%dma_start3A_375 : memref<40x160xf32, #tpu.memory_space<vmem>>) target(%dma_start3A_371 : memref<40x160xf32, #tpu.memory_space<vmem_shared>>) target_semaphore(%run_scoped3A_363 : memref<!tpu.dma_semaphore, #tpu.memory_space<semaphore_mem>>)
      %dma_wait3A_376 = arith.constant 0 : i32
      %dma_wait3A_377 = arith.constant 0 : i32
      %dma_wait3A_378 = tpu.memref_slice %arg16[%run_scoped3A_99, %dma_wait3A_376, %dma_wait3A_377] : memref<2x40x160xf32, #tpu.memory_space<vmem>> -> memref<1x40x160xf32, #tpu.memory_space<vmem>>
      %dma_wait3A_379 = tpu.memref_squeeze %dma_wait3A_378 : memref<1x40x160xf32, #tpu.memory_space<vmem>> -> memref<40x160xf32, #tpu.memory_space<vmem>>
      %dma_wait3A_380 = arith.constant 0 : i32
      %dma_wait3A_381 = tpu.memref_slice %arg17[%add3A_98, %dma_wait3A_380] : memref<10000x160xf32, #tpu.memory_space<vmem_shared>> -> memref<40x160xf32, #tpu.memory_space<vmem_shared>>
      %dma_wait3A_382 = arith.constant 0 : i32
      %dma_wait3A_383 = tpu.memref_slice %arg17[%add3A_98, %dma_wait3A_382] : memref<10000x160xf32, #tpu.memory_space<vmem_shared>> -> memref<40x160xf32, #tpu.memory_space<vmem_shared>>
      %dma_wait3A_384 = arith.constant 0 : i32
      %dma_wait3A_385 = arith.constant 0 : i32
      %dma_wait3A_386 = tpu.memref_slice %arg16[%run_scoped3A_99, %dma_wait3A_384, %dma_wait3A_385] : memref<2x40x160xf32, #tpu.memory_space<vmem>> -> memref<1x40x160xf32, #tpu.memory_space<vmem>>
      %dma_wait3A_387 = tpu.memref_squeeze %dma_wait3A_386 : memref<1x40x160xf32, #tpu.memory_space<vmem>> -> memref<40x160xf32, #tpu.memory_space<vmem>>
      tpu.wait_dma2 semaphore(%run_scoped3A_363 : memref<!tpu.dma_semaphore, #tpu.memory_space<semaphore_mem>>) src(%dma_wait3A_387 : memref<40x160xf32, #tpu.memory_space<vmem>>) dst(%dma_wait3A_383 : memref<40x160xf32, #tpu.memory_space<vmem_shared>>)
      tpu.yield
    }) : () -> ()
    %mul3A_100 = arith.constant 625 : i32
    %mul3A_101 = arith.muli %arg1, %mul3A_100 : i32
    %add3A_102 = arith.constant 400 : i32
    %add3A_103 = arith.addi %mul3A_101, %add3A_102 : i32
    %run_scoped3A_104 = arith.constant 0 : i32
    "tpu.region"() ({
      %run_scoped3A_363 = tpu.sem_alloc : memref<!tpu.dma_semaphore, #tpu.memory_space<semaphore_mem>>
      %dma_start3A_364 = arith.constant 0 : i32
      %dma_start3A_365 = arith.constant 0 : i32
      %dma_start3A_366 = tpu.memref_slice %arg16[%run_scoped3A_104, %dma_start3A_364, %dma_start3A_365] : memref<2x40x160xf32, #tpu.memory_space<vmem>> -> memref<1x40x160xf32, #tpu.memory_space<vmem>>
      %dma_start3A_367 = tpu.memref_squeeze %dma_start3A_366 : memref<1x40x160xf32, #tpu.memory_space<vmem>> -> memref<40x160xf32, #tpu.memory_space<vmem>>
      %dma_start3A_368 = arith.constant 0 : i32
      %dma_start3A_369 = tpu.memref_slice %arg17[%add3A_103, %dma_start3A_368] : memref<10000x160xf32, #tpu.memory_space<vmem_shared>> -> memref<40x160xf32, #tpu.memory_space<vmem_shared>>
      %dma_start3A_370 = arith.constant 0 : i32
      %dma_start3A_371 = tpu.memref_slice %arg17[%add3A_103, %dma_start3A_370] : memref<10000x160xf32, #tpu.memory_space<vmem_shared>> -> memref<40x160xf32, #tpu.memory_space<vmem_shared>>
      %dma_start3A_372 = arith.constant 0 : i32
      %dma_start3A_373 = arith.constant 0 : i32
      %dma_start3A_374 = tpu.memref_slice %arg16[%run_scoped3A_104, %dma_start3A_372, %dma_start3A_373] : memref<2x40x160xf32, #tpu.memory_space<vmem>> -> memref<1x40x160xf32, #tpu.memory_space<vmem>>
      %dma_start3A_375 = tpu.memref_squeeze %dma_start3A_374 : memref<1x40x160xf32, #tpu.memory_space<vmem>> -> memref<40x160xf32, #tpu.memory_space<vmem>>
      tpu.enqueue_dma source(%dma_start3A_375 : memref<40x160xf32, #tpu.memory_space<vmem>>) target(%dma_start3A_371 : memref<40x160xf32, #tpu.memory_space<vmem_shared>>) target_semaphore(%run_scoped3A_363 : memref<!tpu.dma_semaphore, #tpu.memory_space<semaphore_mem>>)
      %dma_wait3A_376 = arith.constant 0 : i32
      %dma_wait3A_377 = arith.constant 0 : i32
      %dma_wait3A_378 = tpu.memref_slice %arg16[%run_scoped3A_104, %dma_wait3A_376, %dma_wait3A_377] : memref<2x40x160xf32, #tpu.memory_space<vmem>> -> memref<1x40x160xf32, #tpu.memory_space<vmem>>
      %dma_wait3A_379 = tpu.memref_squeeze %dma_wait3A_378 : memref<1x40x160xf32, #tpu.memory_space<vmem>> -> memref<40x160xf32, #tpu.memory_space<vmem>>
      %dma_wait3A_380 = arith.constant 0 : i32
      %dma_wait3A_381 = tpu.memref_slice %arg17[%add3A_103, %dma_wait3A_380] : memref<10000x160xf32, #tpu.memory_space<vmem_shared>> -> memref<40x160xf32, #tpu.memory_space<vmem_shared>>
      %dma_wait3A_382 = arith.constant 0 : i32
      %dma_wait3A_383 = tpu.memref_slice %arg17[%add3A_103, %dma_wait3A_382] : memref<10000x160xf32, #tpu.memory_space<vmem_shared>> -> memref<40x160xf32, #tpu.memory_space<vmem_shared>>
      %dma_wait3A_384 = arith.constant 0 : i32
      %dma_wait3A_385 = arith.constant 0 : i32
      %dma_wait3A_386 = tpu.memref_slice %arg16[%run_scoped3A_104, %dma_wait3A_384, %dma_wait3A_385] : memref<2x40x160xf32, #tpu.memory_space<vmem>> -> memref<1x40x160xf32, #tpu.memory_space<vmem>>
      %dma_wait3A_387 = tpu.memref_squeeze %dma_wait3A_386 : memref<1x40x160xf32, #tpu.memory_space<vmem>> -> memref<40x160xf32, #tpu.memory_space<vmem>>
      tpu.wait_dma2 semaphore(%run_scoped3A_363 : memref<!tpu.dma_semaphore, #tpu.memory_space<semaphore_mem>>) src(%dma_wait3A_387 : memref<40x160xf32, #tpu.memory_space<vmem>>) dst(%dma_wait3A_383 : memref<40x160xf32, #tpu.memory_space<vmem_shared>>)
      tpu.yield
    }) : () -> ()
    %mul3A_105 = arith.constant 625 : i32
    %mul3A_106 = arith.muli %arg1, %mul3A_105 : i32
    %add3A_107 = arith.constant 440 : i32
    %add3A_108 = arith.addi %mul3A_106, %add3A_107 : i32
    %run_scoped3A_109 = arith.constant 0 : i32
    "tpu.region"() ({
      %run_scoped3A_363 = tpu.sem_alloc : memref<!tpu.dma_semaphore, #tpu.memory_space<semaphore_mem>>
      %dma_start3A_364 = arith.constant 0 : i32
      %dma_start3A_365 = arith.constant 0 : i32
      %dma_start3A_366 = tpu.memref_slice %arg16[%run_scoped3A_109, %dma_start3A_364, %dma_start3A_365] : memref<2x40x160xf32, #tpu.memory_space<vmem>> -> memref<1x40x160xf32, #tpu.memory_space<vmem>>
      %dma_start3A_367 = tpu.memref_squeeze %dma_start3A_366 : memref<1x40x160xf32, #tpu.memory_space<vmem>> -> memref<40x160xf32, #tpu.memory_space<vmem>>
      %dma_start3A_368 = arith.constant 0 : i32
      %dma_start3A_369 = tpu.memref_slice %arg17[%add3A_108, %dma_start3A_368] : memref<10000x160xf32, #tpu.memory_space<vmem_shared>> -> memref<40x160xf32, #tpu.memory_space<vmem_shared>>
      %dma_start3A_370 = arith.constant 0 : i32
      %dma_start3A_371 = tpu.memref_slice %arg17[%add3A_108, %dma_start3A_370] : memref<10000x160xf32, #tpu.memory_space<vmem_shared>> -> memref<40x160xf32, #tpu.memory_space<vmem_shared>>
      %dma_start3A_372 = arith.constant 0 : i32
      %dma_start3A_373 = arith.constant 0 : i32
      %dma_start3A_374 = tpu.memref_slice %arg16[%run_scoped3A_109, %dma_start3A_372, %dma_start3A_373] : memref<2x40x160xf32, #tpu.memory_space<vmem>> -> memref<1x40x160xf32, #tpu.memory_space<vmem>>
      %dma_start3A_375 = tpu.memref_squeeze %dma_start3A_374 : memref<1x40x160xf32, #tpu.memory_space<vmem>> -> memref<40x160xf32, #tpu.memory_space<vmem>>
      tpu.enqueue_dma source(%dma_start3A_375 : memref<40x160xf32, #tpu.memory_space<vmem>>) target(%dma_start3A_371 : memref<40x160xf32, #tpu.memory_space<vmem_shared>>) target_semaphore(%run_scoped3A_363 : memref<!tpu.dma_semaphore, #tpu.memory_space<semaphore_mem>>)
      %dma_wait3A_376 = arith.constant 0 : i32
      %dma_wait3A_377 = arith.constant 0 : i32
      %dma_wait3A_378 = tpu.memref_slice %arg16[%run_scoped3A_109, %dma_wait3A_376, %dma_wait3A_377] : memref<2x40x160xf32, #tpu.memory_space<vmem>> -> memref<1x40x160xf32, #tpu.memory_space<vmem>>
      %dma_wait3A_379 = tpu.memref_squeeze %dma_wait3A_378 : memref<1x40x160xf32, #tpu.memory_space<vmem>> -> memref<40x160xf32, #tpu.memory_space<vmem>>
      %dma_wait3A_380 = arith.constant 0 : i32
      %dma_wait3A_381 = tpu.memref_slice %arg17[%add3A_108, %dma_wait3A_380] : memref<10000x160xf32, #tpu.memory_space<vmem_shared>> -> memref<40x160xf32, #tpu.memory_space<vmem_shared>>
      %dma_wait3A_382 = arith.constant 0 : i32
      %dma_wait3A_383 = tpu.memref_slice %arg17[%add3A_108, %dma_wait3A_382] : memref<10000x160xf32, #tpu.memory_space<vmem_shared>> -> memref<40x160xf32, #tpu.memory_space<vmem_shared>>
      %dma_wait3A_384 = arith.constant 0 : i32
      %dma_wait3A_385 = arith.constant 0 : i32
      %dma_wait3A_386 = tpu.memref_slice %arg16[%run_scoped3A_109, %dma_wait3A_384, %dma_wait3A_385] : memref<2x40x160xf32, #tpu.memory_space<vmem>> -> memref<1x40x160xf32, #tpu.memory_space<vmem>>
      %dma_wait3A_387 = tpu.memref_squeeze %dma_wait3A_386 : memref<1x40x160xf32, #tpu.memory_space<vmem>> -> memref<40x160xf32, #tpu.memory_space<vmem>>
      tpu.wait_dma2 semaphore(%run_scoped3A_363 : memref<!tpu.dma_semaphore, #tpu.memory_space<semaphore_mem>>) src(%dma_wait3A_387 : memref<40x160xf32, #tpu.memory_space<vmem>>) dst(%dma_wait3A_383 : memref<40x160xf32, #tpu.memory_space<vmem_shared>>)
      tpu.yield
    }) : () -> ()
    %mul3A_110 = arith.constant 625 : i32
    %mul3A_111 = arith.muli %arg1, %mul3A_110 : i32
    %add3A_112 = arith.constant 480 : i32
    %add3A_113 = arith.addi %mul3A_111, %add3A_112 : i32
    %run_scoped3A_114 = arith.constant 0 : i32
    "tpu.region"() ({
      %run_scoped3A_363 = tpu.sem_alloc : memref<!tpu.dma_semaphore, #tpu.memory_space<semaphore_mem>>
      %dma_start3A_364 = arith.constant 0 : i32
      %dma_start3A_365 = arith.constant 0 : i32
      %dma_start3A_366 = tpu.memref_slice %arg16[%run_scoped3A_114, %dma_start3A_364, %dma_start3A_365] : memref<2x40x160xf32, #tpu.memory_space<vmem>> -> memref<1x40x160xf32, #tpu.memory_space<vmem>>
      %dma_start3A_367 = tpu.memref_squeeze %dma_start3A_366 : memref<1x40x160xf32, #tpu.memory_space<vmem>> -> memref<40x160xf32, #tpu.memory_space<vmem>>
      %dma_start3A_368 = arith.constant 0 : i32
      %dma_start3A_369 = tpu.memref_slice %arg17[%add3A_113, %dma_start3A_368] : memref<10000x160xf32, #tpu.memory_space<vmem_shared>> -> memref<40x160xf32, #tpu.memory_space<vmem_shared>>
      %dma_start3A_370 = arith.constant 0 : i32
      %dma_start3A_371 = tpu.memref_slice %arg17[%add3A_113, %dma_start3A_370] : memref<10000x160xf32, #tpu.memory_space<vmem_shared>> -> memref<40x160xf32, #tpu.memory_space<vmem_shared>>
      %dma_start3A_372 = arith.constant 0 : i32
      %dma_start3A_373 = arith.constant 0 : i32
      %dma_start3A_374 = tpu.memref_slice %arg16[%run_scoped3A_114, %dma_start3A_372, %dma_start3A_373] : memref<2x40x160xf32, #tpu.memory_space<vmem>> -> memref<1x40x160xf32, #tpu.memory_space<vmem>>
      %dma_start3A_375 = tpu.memref_squeeze %dma_start3A_374 : memref<1x40x160xf32, #tpu.memory_space<vmem>> -> memref<40x160xf32, #tpu.memory_space<vmem>>
      tpu.enqueue_dma source(%dma_start3A_375 : memref<40x160xf32, #tpu.memory_space<vmem>>) target(%dma_start3A_371 : memref<40x160xf32, #tpu.memory_space<vmem_shared>>) target_semaphore(%run_scoped3A_363 : memref<!tpu.dma_semaphore, #tpu.memory_space<semaphore_mem>>)
      %dma_wait3A_376 = arith.constant 0 : i32
      %dma_wait3A_377 = arith.constant 0 : i32
      %dma_wait3A_378 = tpu.memref_slice %arg16[%run_scoped3A_114, %dma_wait3A_376, %dma_wait3A_377] : memref<2x40x160xf32, #tpu.memory_space<vmem>> -> memref<1x40x160xf32, #tpu.memory_space<vmem>>
      %dma_wait3A_379 = tpu.memref_squeeze %dma_wait3A_378 : memref<1x40x160xf32, #tpu.memory_space<vmem>> -> memref<40x160xf32, #tpu.memory_space<vmem>>
      %dma_wait3A_380 = arith.constant 0 : i32
      %dma_wait3A_381 = tpu.memref_slice %arg17[%add3A_113, %dma_wait3A_380] : memref<10000x160xf32, #tpu.memory_space<vmem_shared>> -> memref<40x160xf32, #tpu.memory_space<vmem_shared>>
      %dma_wait3A_382 = arith.constant 0 : i32
      %dma_wait3A_383 = tpu.memref_slice %arg17[%add3A_113, %dma_wait3A_382] : memref<10000x160xf32, #tpu.memory_space<vmem_shared>> -> memref<40x160xf32, #tpu.memory_space<vmem_shared>>
      %dma_wait3A_384 = arith.constant 0 : i32
      %dma_wait3A_385 = arith.constant 0 : i32
      %dma_wait3A_386 = tpu.memref_slice %arg16[%run_scoped3A_114, %dma_wait3A_384, %dma_wait3A_385] : memref<2x40x160xf32, #tpu.memory_space<vmem>> -> memref<1x40x160xf32, #tpu.memory_space<vmem>>
      %dma_wait3A_387 = tpu.memref_squeeze %dma_wait3A_386 : memref<1x40x160xf32, #tpu.memory_space<vmem>> -> memref<40x160xf32, #tpu.memory_space<vmem>>
      tpu.wait_dma2 semaphore(%run_scoped3A_363 : memref<!tpu.dma_semaphore, #tpu.memory_space<semaphore_mem>>) src(%dma_wait3A_387 : memref<40x160xf32, #tpu.memory_space<vmem>>) dst(%dma_wait3A_383 : memref<40x160xf32, #tpu.memory_space<vmem_shared>>)
      tpu.yield
    }) : () -> ()
    %mul3A_115 = arith.constant 625 : i32
    %mul3A_116 = arith.muli %arg1, %mul3A_115 : i32
    %add3A_117 = arith.constant 520 : i32
    %add3A_118 = arith.addi %mul3A_116, %add3A_117 : i32
    %run_scoped3A_119 = arith.constant 0 : i32
    "tpu.region"() ({
      %run_scoped3A_363 = tpu.sem_alloc : memref<!tpu.dma_semaphore, #tpu.memory_space<semaphore_mem>>
      %dma_start3A_364 = arith.constant 0 : i32
      %dma_start3A_365 = arith.constant 0 : i32
      %dma_start3A_366 = tpu.memref_slice %arg16[%run_scoped3A_119, %dma_start3A_364, %dma_start3A_365] : memref<2x40x160xf32, #tpu.memory_space<vmem>> -> memref<1x40x160xf32, #tpu.memory_space<vmem>>
      %dma_start3A_367 = tpu.memref_squeeze %dma_start3A_366 : memref<1x40x160xf32, #tpu.memory_space<vmem>> -> memref<40x160xf32, #tpu.memory_space<vmem>>
      %dma_start3A_368 = arith.constant 0 : i32
      %dma_start3A_369 = tpu.memref_slice %arg17[%add3A_118, %dma_start3A_368] : memref<10000x160xf32, #tpu.memory_space<vmem_shared>> -> memref<40x160xf32, #tpu.memory_space<vmem_shared>>
      %dma_start3A_370 = arith.constant 0 : i32
      %dma_start3A_371 = tpu.memref_slice %arg17[%add3A_118, %dma_start3A_370] : memref<10000x160xf32, #tpu.memory_space<vmem_shared>> -> memref<40x160xf32, #tpu.memory_space<vmem_shared>>
      %dma_start3A_372 = arith.constant 0 : i32
      %dma_start3A_373 = arith.constant 0 : i32
      %dma_start3A_374 = tpu.memref_slice %arg16[%run_scoped3A_119, %dma_start3A_372, %dma_start3A_373] : memref<2x40x160xf32, #tpu.memory_space<vmem>> -> memref<1x40x160xf32, #tpu.memory_space<vmem>>
      %dma_start3A_375 = tpu.memref_squeeze %dma_start3A_374 : memref<1x40x160xf32, #tpu.memory_space<vmem>> -> memref<40x160xf32, #tpu.memory_space<vmem>>
      tpu.enqueue_dma source(%dma_start3A_375 : memref<40x160xf32, #tpu.memory_space<vmem>>) target(%dma_start3A_371 : memref<40x160xf32, #tpu.memory_space<vmem_shared>>) target_semaphore(%run_scoped3A_363 : memref<!tpu.dma_semaphore, #tpu.memory_space<semaphore_mem>>)
      %dma_wait3A_376 = arith.constant 0 : i32
      %dma_wait3A_377 = arith.constant 0 : i32
      %dma_wait3A_378 = tpu.memref_slice %arg16[%run_scoped3A_119, %dma_wait3A_376, %dma_wait3A_377] : memref<2x40x160xf32, #tpu.memory_space<vmem>> -> memref<1x40x160xf32, #tpu.memory_space<vmem>>
      %dma_wait3A_379 = tpu.memref_squeeze %dma_wait3A_378 : memref<1x40x160xf32, #tpu.memory_space<vmem>> -> memref<40x160xf32, #tpu.memory_space<vmem>>
      %dma_wait3A_380 = arith.constant 0 : i32
      %dma_wait3A_381 = tpu.memref_slice %arg17[%add3A_118, %dma_wait3A_380] : memref<10000x160xf32, #tpu.memory_space<vmem_shared>> -> memref<40x160xf32, #tpu.memory_space<vmem_shared>>
      %dma_wait3A_382 = arith.constant 0 : i32
      %dma_wait3A_383 = tpu.memref_slice %arg17[%add3A_118, %dma_wait3A_382] : memref<10000x160xf32, #tpu.memory_space<vmem_shared>> -> memref<40x160xf32, #tpu.memory_space<vmem_shared>>
      %dma_wait3A_384 = arith.constant 0 : i32
      %dma_wait3A_385 = arith.constant 0 : i32
      %dma_wait3A_386 = tpu.memref_slice %arg16[%run_scoped3A_119, %dma_wait3A_384, %dma_wait3A_385] : memref<2x40x160xf32, #tpu.memory_space<vmem>> -> memref<1x40x160xf32, #tpu.memory_space<vmem>>
      %dma_wait3A_387 = tpu.memref_squeeze %dma_wait3A_386 : memref<1x40x160xf32, #tpu.memory_space<vmem>> -> memref<40x160xf32, #tpu.memory_space<vmem>>
      tpu.wait_dma2 semaphore(%run_scoped3A_363 : memref<!tpu.dma_semaphore, #tpu.memory_space<semaphore_mem>>) src(%dma_wait3A_387 : memref<40x160xf32, #tpu.memory_space<vmem>>) dst(%dma_wait3A_383 : memref<40x160xf32, #tpu.memory_space<vmem_shared>>)
      tpu.yield
    }) : () -> ()
    %mul3A_120 = arith.constant 625 : i32
    %mul3A_121 = arith.muli %arg1, %mul3A_120 : i32
    %add3A_122 = arith.constant 560 : i32
    %add3A_123 = arith.addi %mul3A_121, %add3A_122 : i32
    %run_scoped3A_124 = arith.constant 0 : i32
    "tpu.region"() ({
      %run_scoped3A_363 = tpu.sem_alloc : memref<!tpu.dma_semaphore, #tpu.memory_space<semaphore_mem>>
      %dma_start3A_364 = arith.constant 0 : i32
      %dma_start3A_365 = arith.constant 0 : i32
      %dma_start3A_366 = tpu.memref_slice %arg16[%run_scoped3A_124, %dma_start3A_364, %dma_start3A_365] : memref<2x40x160xf32, #tpu.memory_space<vmem>> -> memref<1x40x160xf32, #tpu.memory_space<vmem>>
      %dma_start3A_367 = tpu.memref_squeeze %dma_start3A_366 : memref<1x40x160xf32, #tpu.memory_space<vmem>> -> memref<40x160xf32, #tpu.memory_space<vmem>>
      %dma_start3A_368 = arith.constant 0 : i32
      %dma_start3A_369 = tpu.memref_slice %arg17[%add3A_123, %dma_start3A_368] : memref<10000x160xf32, #tpu.memory_space<vmem_shared>> -> memref<40x160xf32, #tpu.memory_space<vmem_shared>>
      %dma_start3A_370 = arith.constant 0 : i32
      %dma_start3A_371 = tpu.memref_slice %arg17[%add3A_123, %dma_start3A_370] : memref<10000x160xf32, #tpu.memory_space<vmem_shared>> -> memref<40x160xf32, #tpu.memory_space<vmem_shared>>
      %dma_start3A_372 = arith.constant 0 : i32
      %dma_start3A_373 = arith.constant 0 : i32
      %dma_start3A_374 = tpu.memref_slice %arg16[%run_scoped3A_124, %dma_start3A_372, %dma_start3A_373] : memref<2x40x160xf32, #tpu.memory_space<vmem>> -> memref<1x40x160xf32, #tpu.memory_space<vmem>>
      %dma_start3A_375 = tpu.memref_squeeze %dma_start3A_374 : memref<1x40x160xf32, #tpu.memory_space<vmem>> -> memref<40x160xf32, #tpu.memory_space<vmem>>
      tpu.enqueue_dma source(%dma_start3A_375 : memref<40x160xf32, #tpu.memory_space<vmem>>) target(%dma_start3A_371 : memref<40x160xf32, #tpu.memory_space<vmem_shared>>) target_semaphore(%run_scoped3A_363 : memref<!tpu.dma_semaphore, #tpu.memory_space<semaphore_mem>>)
      %dma_wait3A_376 = arith.constant 0 : i32
      %dma_wait3A_377 = arith.constant 0 : i32
      %dma_wait3A_378 = tpu.memref_slice %arg16[%run_scoped3A_124, %dma_wait3A_376, %dma_wait3A_377] : memref<2x40x160xf32, #tpu.memory_space<vmem>> -> memref<1x40x160xf32, #tpu.memory_space<vmem>>
      %dma_wait3A_379 = tpu.memref_squeeze %dma_wait3A_378 : memref<1x40x160xf32, #tpu.memory_space<vmem>> -> memref<40x160xf32, #tpu.memory_space<vmem>>
      %dma_wait3A_380 = arith.constant 0 : i32
      %dma_wait3A_381 = tpu.memref_slice %arg17[%add3A_123, %dma_wait3A_380] : memref<10000x160xf32, #tpu.memory_space<vmem_shared>> -> memref<40x160xf32, #tpu.memory_space<vmem_shared>>
      %dma_wait3A_382 = arith.constant 0 : i32
      %dma_wait3A_383 = tpu.memref_slice %arg17[%add3A_123, %dma_wait3A_382] : memref<10000x160xf32, #tpu.memory_space<vmem_shared>> -> memref<40x160xf32, #tpu.memory_space<vmem_shared>>
      %dma_wait3A_384 = arith.constant 0 : i32
      %dma_wait3A_385 = arith.constant 0 : i32
      %dma_wait3A_386 = tpu.memref_slice %arg16[%run_scoped3A_124, %dma_wait3A_384, %dma_wait3A_385] : memref<2x40x160xf32, #tpu.memory_space<vmem>> -> memref<1x40x160xf32, #tpu.memory_space<vmem>>
      %dma_wait3A_387 = tpu.memref_squeeze %dma_wait3A_386 : memref<1x40x160xf32, #tpu.memory_space<vmem>> -> memref<40x160xf32, #tpu.memory_space<vmem>>
      tpu.wait_dma2 semaphore(%run_scoped3A_363 : memref<!tpu.dma_semaphore, #tpu.memory_space<semaphore_mem>>) src(%dma_wait3A_387 : memref<40x160xf32, #tpu.memory_space<vmem>>) dst(%dma_wait3A_383 : memref<40x160xf32, #tpu.memory_space<vmem_shared>>)
      tpu.yield
    }) : () -> ()
    %mul3A_125 = arith.constant 625 : i32
    %mul3A_126 = arith.muli %arg1, %mul3A_125 : i32
    %add3A_127 = arith.constant 600 : i32
    %add3A_128 = arith.addi %mul3A_126, %add3A_127 : i32
    %run_scoped3A_129 = arith.constant 0 : i32
    "tpu.region"() ({
      %run_scoped3A_363 = tpu.sem_alloc : memref<!tpu.dma_semaphore, #tpu.memory_space<semaphore_mem>>
      %dma_start3A_364 = arith.constant 0 : i32
      %dma_start3A_365 = arith.constant 0 : i32
      %dma_start3A_366 = tpu.memref_slice %arg16[%run_scoped3A_129, %dma_start3A_364, %dma_start3A_365] : memref<2x40x160xf32, #tpu.memory_space<vmem>> -> memref<1x25x160xf32, #tpu.memory_space<vmem>>
      %dma_start3A_367 = tpu.memref_squeeze %dma_start3A_366 : memref<1x25x160xf32, #tpu.memory_space<vmem>> -> memref<25x160xf32, #tpu.memory_space<vmem>>
      %dma_start3A_368 = arith.constant 0 : i32
      %dma_start3A_369 = tpu.memref_slice %arg17[%add3A_128, %dma_start3A_368] : memref<10000x160xf32, #tpu.memory_space<vmem_shared>> -> memref<25x160xf32, #tpu.memory_space<vmem_shared>>
      %dma_start3A_370 = arith.constant 0 : i32
      %dma_start3A_371 = tpu.memref_slice %arg17[%add3A_128, %dma_start3A_370] : memref<10000x160xf32, #tpu.memory_space<vmem_shared>> -> memref<25x160xf32, #tpu.memory_space<vmem_shared>>
      %dma_start3A_372 = arith.constant 0 : i32
      %dma_start3A_373 = arith.constant 0 : i32
      %dma_start3A_374 = tpu.memref_slice %arg16[%run_scoped3A_129, %dma_start3A_372, %dma_start3A_373] : memref<2x40x160xf32, #tpu.memory_space<vmem>> -> memref<1x25x160xf32, #tpu.memory_space<vmem>>
      %dma_start3A_375 = tpu.memref_squeeze %dma_start3A_374 : memref<1x25x160xf32, #tpu.memory_space<vmem>> -> memref<25x160xf32, #tpu.memory_space<vmem>>
      tpu.enqueue_dma source(%dma_start3A_375 : memref<25x160xf32, #tpu.memory_space<vmem>>) target(%dma_start3A_371 : memref<25x160xf32, #tpu.memory_space<vmem_shared>>) target_semaphore(%run_scoped3A_363 : memref<!tpu.dma_semaphore, #tpu.memory_space<semaphore_mem>>)
      %dma_wait3A_376 = arith.constant 0 : i32
      %dma_wait3A_377 = arith.constant 0 : i32
      %dma_wait3A_378 = tpu.memref_slice %arg16[%run_scoped3A_129, %dma_wait3A_376, %dma_wait3A_377] : memref<2x40x160xf32, #tpu.memory_space<vmem>> -> memref<1x25x160xf32, #tpu.memory_space<vmem>>
      %dma_wait3A_379 = tpu.memref_squeeze %dma_wait3A_378 : memref<1x25x160xf32, #tpu.memory_space<vmem>> -> memref<25x160xf32, #tpu.memory_space<vmem>>
      %dma_wait3A_380 = arith.constant 0 : i32
      %dma_wait3A_381 = tpu.memref_slice %arg17[%add3A_128, %dma_wait3A_380] : memref<10000x160xf32, #tpu.memory_space<vmem_shared>> -> memref<25x160xf32, #tpu.memory_space<vmem_shared>>
      %dma_wait3A_382 = arith.constant 0 : i32
      %dma_wait3A_383 = tpu.memref_slice %arg17[%add3A_128, %dma_wait3A_382] : memref<10000x160xf32, #tpu.memory_space<vmem_shared>> -> memref<25x160xf32, #tpu.memory_space<vmem_shared>>
      %dma_wait3A_384 = arith.constant 0 : i32
      %dma_wait3A_385 = arith.constant 0 : i32
      %dma_wait3A_386 = tpu.memref_slice %arg16[%run_scoped3A_129, %dma_wait3A_384, %dma_wait3A_385] : memref<2x40x160xf32, #tpu.memory_space<vmem>> -> memref<1x25x160xf32, #tpu.memory_space<vmem>>
      %dma_wait3A_387 = tpu.memref_squeeze %dma_wait3A_386 : memref<1x25x160xf32, #tpu.memory_space<vmem>> -> memref<25x160xf32, #tpu.memory_space<vmem>>
      tpu.wait_dma2 semaphore(%run_scoped3A_363 : memref<!tpu.dma_semaphore, #tpu.memory_space<semaphore_mem>>) src(%dma_wait3A_387 : memref<25x160xf32, #tpu.memory_space<vmem>>) dst(%dma_wait3A_383 : memref<25x160xf32, #tpu.memory_space<vmem_shared>>)
      tpu.yield
    }) : () -> ()
    %barrier3A = arith.constant 0 : index
    tpu.barrier barrier_id(%barrier3A)
    %dma_start3A = arith.constant 0 : i32
    %dma_start3A_130 = arith.constant 0 : i32
    %dma_start3A_131 = arith.constant 0 : i32
    %dma_start3A_132 = arith.constant 0 : i32
    %dma_start3A_133 = tpu.memref_slice %arg16[%dma_start3A, %dma_start3A_131, %dma_start3A_132] : memref<2x40x160xf32, #tpu.memory_space<vmem>> -> memref<1x40x160xf32, #tpu.memory_space<vmem>>
    %dma_start3A_134 = tpu.memref_squeeze %dma_start3A_133 : memref<1x40x160xf32, #tpu.memory_space<vmem>> -> memref<40x160xf32, #tpu.memory_space<vmem>>
    %dma_start3A_135 = arith.constant 0 : i32
    %dma_start3A_136 = tpu.memref_slice %arg11[%dma_start3A_130, %dma_start3A_135] : memref<2x40xi32, #tpu.memory_space<vmem>> -> memref<1x40xi32, #tpu.memory_space<vmem>>
    %dma_start3A_137 = tpu.memref_squeeze %dma_start3A_136 : memref<1x40xi32, #tpu.memory_space<vmem>> -> memref<40xi32, #tpu.memory_space<vmem>>
    %dma_start3A_138 = arith.constant 0 : i32
    %dma_start3A_139 = arith.constant 0 : i32
    %dma_start3A_140 = tpu.memref_slice %arg17[%dma_start3A_138, %dma_start3A_139] : memref<10000x160xf32, #tpu.memory_space<vmem_shared>> -> memref<10000x160xf32, #tpu.memory_space<vmem_shared>>
    tpu.enqueue_indirect_dma source(%dma_start3A_134 : memref<40x160xf32, #tpu.memory_space<vmem>>) target(%dma_start3A_140 : memref<10000x160xf32, #tpu.memory_space<vmem_shared>>) offsets(%dma_start3A_137 : memref<40xi32, #tpu.memory_space<vmem>>) semaphore(%arg20 : memref<!tpu.dma_semaphore, #tpu.memory_space<semaphore_mem>>) {add = true}
    %dma_start3A_141 = arith.constant 1 : i32
    %dma_start3A_142 = arith.constant 1 : i32
    %dma_start3A_143 = arith.constant 0 : i32
    %dma_start3A_144 = arith.constant 0 : i32
    %dma_start3A_145 = tpu.memref_slice %arg16[%dma_start3A_141, %dma_start3A_143, %dma_start3A_144] : memref<2x40x160xf32, #tpu.memory_space<vmem>> -> memref<1x40x160xf32, #tpu.memory_space<vmem>>
    %dma_start3A_146 = tpu.memref_squeeze %dma_start3A_145 : memref<1x40x160xf32, #tpu.memory_space<vmem>> -> memref<40x160xf32, #tpu.memory_space<vmem>>
    %dma_start3A_147 = arith.constant 0 : i32
    %dma_start3A_148 = tpu.memref_slice %arg11[%dma_start3A_142, %dma_start3A_147] : memref<2x40xi32, #tpu.memory_space<vmem>> -> memref<1x40xi32, #tpu.memory_space<vmem>>
    %dma_start3A_149 = tpu.memref_squeeze %dma_start3A_148 : memref<1x40xi32, #tpu.memory_space<vmem>> -> memref<40xi32, #tpu.memory_space<vmem>>
    %dma_start3A_150 = arith.constant 0 : i32
    %dma_start3A_151 = arith.constant 0 : i32
    %dma_start3A_152 = tpu.memref_slice %arg17[%dma_start3A_150, %dma_start3A_151] : memref<10000x160xf32, #tpu.memory_space<vmem_shared>> -> memref<10000x160xf32, #tpu.memory_space<vmem_shared>>
    tpu.enqueue_indirect_dma source(%dma_start3A_146 : memref<40x160xf32, #tpu.memory_space<vmem>>) target(%dma_start3A_152 : memref<10000x160xf32, #tpu.memory_space<vmem_shared>>) offsets(%dma_start3A_149 : memref<40xi32, #tpu.memory_space<vmem>>) semaphore(%arg20 : memref<!tpu.dma_semaphore, #tpu.memory_space<semaphore_mem>>) {add = true}
    %add3A_153 = arith.constant 0 : i32
    %add3A_154 = arith.addi %add3A, %add3A_153 : i32
    %lt3A = arith.constant 8000 : i32
    %lt3A_155 = arith.cmpi slt, %add3A_154, %lt3A : i32
    %select_n3A = arith.select %lt3A_155, %add3A_154, %add3A : i32
    %mul3A_156 = arith.constant 40 : i32
    %mul3A_157 = arith.muli %select_n3A, %mul3A_156 : i32
    %run_scoped3A_158 = arith.constant 0 : i32
    "tpu.region"() ({
      %run_scoped3A_363 = tpu.sem_alloc : memref<!tpu.dma_semaphore, #tpu.memory_space<semaphore_mem>>
      %dma_start3A_364 = arith.constant 0 : i32
      %dma_start3A_365 = tpu.memref_slice %arg9[%run_scoped3A_158, %dma_start3A_364] : memref<2x40xi32, #tpu.memory_space<vmem>> -> memref<1x40xi32, #tpu.memory_space<vmem>>
      %dma_start3A_366 = tpu.memref_squeeze %dma_start3A_365 : memref<1x40xi32, #tpu.memory_space<vmem>> -> memref<40xi32, #tpu.memory_space<vmem>>
      %dma_start3A_367 = tpu.memref_slice %arg6[%mul3A_157] : memref<320000xi32, #tpu.memory_space<hbm>> -> memref<40xi32, #tpu.memory_space<hbm>>
      %dma_start3A_368 = arith.constant 0 : i32
      %dma_start3A_369 = tpu.memref_slice %arg9[%run_scoped3A_158, %dma_start3A_368] : memref<2x40xi32, #tpu.memory_space<vmem>> -> memref<1x40xi32, #tpu.memory_space<vmem>>
      %dma_start3A_370 = tpu.memref_squeeze %dma_start3A_369 : memref<1x40xi32, #tpu.memory_space<vmem>> -> memref<40xi32, #tpu.memory_space<vmem>>
      %dma_start3A_371 = tpu.memref_slice %arg6[%mul3A_157] : memref<320000xi32, #tpu.memory_space<hbm>> -> memref<40xi32, #tpu.memory_space<hbm>>
      tpu.enqueue_dma source(%dma_start3A_371 : memref<40xi32, #tpu.memory_space<hbm>>) target(%dma_start3A_370 : memref<40xi32, #tpu.memory_space<vmem>>) target_semaphore(%run_scoped3A_363 : memref<!tpu.dma_semaphore, #tpu.memory_space<semaphore_mem>>)
      %dma_wait3A_372 = arith.constant 0 : i32
      %dma_wait3A_373 = tpu.memref_slice %arg9[%run_scoped3A_158, %dma_wait3A_372] : memref<2x40xi32, #tpu.memory_space<vmem>> -> memref<1x40xi32, #tpu.memory_space<vmem>>
      %dma_wait3A_374 = tpu.memref_squeeze %dma_wait3A_373 : memref<1x40xi32, #tpu.memory_space<vmem>> -> memref<40xi32, #tpu.memory_space<vmem>>
      %dma_wait3A_375 = tpu.memref_slice %arg6[%mul3A_157] : memref<320000xi32, #tpu.memory_space<hbm>> -> memref<40xi32, #tpu.memory_space<hbm>>
      %dma_wait3A_376 = arith.constant 0 : i32
      %dma_wait3A_377 = tpu.memref_slice %arg9[%run_scoped3A_158, %dma_wait3A_376] : memref<2x40xi32, #tpu.memory_space<vmem>> -> memref<1x40xi32, #tpu.memory_space<vmem>>
      %dma_wait3A_378 = tpu.memref_squeeze %dma_wait3A_377 : memref<1x40xi32, #tpu.memory_space<vmem>> -> memref<40xi32, #tpu.memory_space<vmem>>
      %dma_wait3A_379 = tpu.memref_slice %arg6[%mul3A_157] : memref<320000xi32, #tpu.memory_space<hbm>> -> memref<40xi32, #tpu.memory_space<hbm>>
      tpu.wait_dma2 semaphore(%run_scoped3A_363 : memref<!tpu.dma_semaphore, #tpu.memory_space<semaphore_mem>>) src(%dma_wait3A_379 : memref<40xi32, #tpu.memory_space<hbm>>) dst(%dma_wait3A_378 : memref<40xi32, #tpu.memory_space<vmem>>)
      tpu.yield
    }) : () -> ()
    %run_scoped3A_159 = arith.constant 0 : i32
    "tpu.region"() ({
      %run_scoped3A_363 = tpu.sem_alloc : memref<!tpu.dma_semaphore, #tpu.memory_space<semaphore_mem>>
      %dma_start3A_364 = arith.constant 0 : i32
      %dma_start3A_365 = tpu.memref_slice %arg10[%run_scoped3A_159, %dma_start3A_364] : memref<2x40xi32, #tpu.memory_space<vmem>> -> memref<1x40xi32, #tpu.memory_space<vmem>>
      %dma_start3A_366 = tpu.memref_squeeze %dma_start3A_365 : memref<1x40xi32, #tpu.memory_space<vmem>> -> memref<40xi32, #tpu.memory_space<vmem>>
      %dma_start3A_367 = tpu.memref_slice %arg7[%mul3A_157] : memref<320000xi32, #tpu.memory_space<hbm>> -> memref<40xi32, #tpu.memory_space<hbm>>
      %dma_start3A_368 = arith.constant 0 : i32
      %dma_start3A_369 = tpu.memref_slice %arg10[%run_scoped3A_159, %dma_start3A_368] : memref<2x40xi32, #tpu.memory_space<vmem>> -> memref<1x40xi32, #tpu.memory_space<vmem>>
      %dma_start3A_370 = tpu.memref_squeeze %dma_start3A_369 : memref<1x40xi32, #tpu.memory_space<vmem>> -> memref<40xi32, #tpu.memory_space<vmem>>
      %dma_start3A_371 = tpu.memref_slice %arg7[%mul3A_157] : memref<320000xi32, #tpu.memory_space<hbm>> -> memref<40xi32, #tpu.memory_space<hbm>>
      tpu.enqueue_dma source(%dma_start3A_371 : memref<40xi32, #tpu.memory_space<hbm>>) target(%dma_start3A_370 : memref<40xi32, #tpu.memory_space<vmem>>) target_semaphore(%run_scoped3A_363 : memref<!tpu.dma_semaphore, #tpu.memory_space<semaphore_mem>>)
      %dma_wait3A_372 = arith.constant 0 : i32
      %dma_wait3A_373 = tpu.memref_slice %arg10[%run_scoped3A_159, %dma_wait3A_372] : memref<2x40xi32, #tpu.memory_space<vmem>> -> memref<1x40xi32, #tpu.memory_space<vmem>>
      %dma_wait3A_374 = tpu.memref_squeeze %dma_wait3A_373 : memref<1x40xi32, #tpu.memory_space<vmem>> -> memref<40xi32, #tpu.memory_space<vmem>>
      %dma_wait3A_375 = tpu.memref_slice %arg7[%mul3A_157] : memref<320000xi32, #tpu.memory_space<hbm>> -> memref<40xi32, #tpu.memory_space<hbm>>
      %dma_wait3A_376 = arith.constant 0 : i32
      %dma_wait3A_377 = tpu.memref_slice %arg10[%run_scoped3A_159, %dma_wait3A_376] : memref<2x40xi32, #tpu.memory_space<vmem>> -> memref<1x40xi32, #tpu.memory_space<vmem>>
      %dma_wait3A_378 = tpu.memref_squeeze %dma_wait3A_377 : memref<1x40xi32, #tpu.memory_space<vmem>> -> memref<40xi32, #tpu.memory_space<vmem>>
      %dma_wait3A_379 = tpu.memref_slice %arg7[%mul3A_157] : memref<320000xi32, #tpu.memory_space<hbm>> -> memref<40xi32, #tpu.memory_space<hbm>>
      tpu.wait_dma2 semaphore(%run_scoped3A_363 : memref<!tpu.dma_semaphore, #tpu.memory_space<semaphore_mem>>) src(%dma_wait3A_379 : memref<40xi32, #tpu.memory_space<hbm>>) dst(%dma_wait3A_378 : memref<40xi32, #tpu.memory_space<vmem>>)
      tpu.yield
    }) : () -> ()
    %run_scoped3A_160 = arith.constant 0 : i32
    "tpu.region"() ({
      %run_scoped3A_363 = tpu.sem_alloc : memref<!tpu.dma_semaphore, #tpu.memory_space<semaphore_mem>>
      %dma_start3A_364 = arith.constant 0 : i32
      %dma_start3A_365 = arith.constant 0 : i32
      %dma_start3A_366 = tpu.memref_slice %arg15[%run_scoped3A_160, %dma_start3A_364, %dma_start3A_365] : memref<2x40x16xf32, #tpu.memory_space<vmem>> -> memref<1x40x16xf32, #tpu.memory_space<vmem>>
      %dma_start3A_367 = tpu.memref_squeeze %dma_start3A_366 : memref<1x40x16xf32, #tpu.memory_space<vmem>> -> memref<40x16xf32, #tpu.memory_space<vmem>>
      %dma_start3A_368 = arith.constant 0 : i32
      %dma_start3A_369 = tpu.memref_slice %arg5[%mul3A_157, %dma_start3A_368] : memref<320000x16xf32, #tpu.memory_space<hbm>> -> memref<40x16xf32, #tpu.memory_space<hbm>>
      %dma_start3A_370 = arith.constant 0 : i32
      %dma_start3A_371 = arith.constant 0 : i32
      %dma_start3A_372 = tpu.memref_slice %arg15[%run_scoped3A_160, %dma_start3A_370, %dma_start3A_371] : memref<2x40x16xf32, #tpu.memory_space<vmem>> -> memref<1x40x16xf32, #tpu.memory_space<vmem>>
      %dma_start3A_373 = tpu.memref_squeeze %dma_start3A_372 : memref<1x40x16xf32, #tpu.memory_space<vmem>> -> memref<40x16xf32, #tpu.memory_space<vmem>>
      %dma_start3A_374 = arith.constant 0 : i32
      %dma_start3A_375 = tpu.memref_slice %arg5[%mul3A_157, %dma_start3A_374] : memref<320000x16xf32, #tpu.memory_space<hbm>> -> memref<40x16xf32, #tpu.memory_space<hbm>>
      tpu.enqueue_dma source(%dma_start3A_375 : memref<40x16xf32, #tpu.memory_space<hbm>>) target(%dma_start3A_373 : memref<40x16xf32, #tpu.memory_space<vmem>>) target_semaphore(%run_scoped3A_363 : memref<!tpu.dma_semaphore, #tpu.memory_space<semaphore_mem>>)
      %dma_wait3A_376 = arith.constant 0 : i32
      %dma_wait3A_377 = arith.constant 0 : i32
      %dma_wait3A_378 = tpu.memref_slice %arg15[%run_scoped3A_160, %dma_wait3A_376, %dma_wait3A_377] : memref<2x40x16xf32, #tpu.memory_space<vmem>> -> memref<1x40x16xf32, #tpu.memory_space<vmem>>
      %dma_wait3A_379 = tpu.memref_squeeze %dma_wait3A_378 : memref<1x40x16xf32, #tpu.memory_space<vmem>> -> memref<40x16xf32, #tpu.memory_space<vmem>>
      %dma_wait3A_380 = arith.constant 0 : i32
      %dma_wait3A_381 = tpu.memref_slice %arg5[%mul3A_157, %dma_wait3A_380] : memref<320000x16xf32, #tpu.memory_space<hbm>> -> memref<40x16xf32, #tpu.memory_space<hbm>>
      %dma_wait3A_382 = arith.constant 0 : i32
      %dma_wait3A_383 = arith.constant 0 : i32
      %dma_wait3A_384 = tpu.memref_slice %arg15[%run_scoped3A_160, %dma_wait3A_382, %dma_wait3A_383] : memref<2x40x16xf32, #tpu.memory_space<vmem>> -> memref<1x40x16xf32, #tpu.memory_space<vmem>>
      %dma_wait3A_385 = tpu.memref_squeeze %dma_wait3A_384 : memref<1x40x16xf32, #tpu.memory_space<vmem>> -> memref<40x16xf32, #tpu.memory_space<vmem>>
      %dma_wait3A_386 = arith.constant 0 : i32
      %dma_wait3A_387 = tpu.memref_slice %arg5[%mul3A_157, %dma_wait3A_386] : memref<320000x16xf32, #tpu.memory_space<hbm>> -> memref<40x16xf32, #tpu.memory_space<hbm>>
      tpu.wait_dma2 semaphore(%run_scoped3A_363 : memref<!tpu.dma_semaphore, #tpu.memory_space<semaphore_mem>>) src(%dma_wait3A_387 : memref<40x16xf32, #tpu.memory_space<hbm>>) dst(%dma_wait3A_385 : memref<40x16xf32, #tpu.memory_space<vmem>>)
      tpu.yield
    }) : () -> ()
    %add3A_161 = arith.constant 32 : i32
    %add3A_162 = arith.addi %add3A, %add3A_161 : i32
    %lt3A_163 = arith.constant 8000 : i32
    %lt3A_164 = arith.cmpi slt, %add3A_162, %lt3A_163 : i32
    %select_n3A_165 = arith.select %lt3A_164, %add3A_162, %add3A : i32
    %mul3A_166 = arith.constant 40 : i32
    %mul3A_167 = arith.muli %select_n3A_165, %mul3A_166 : i32
    %dma_start3A_168 = arith.constant 1 : i32
    %dma_start3A_169 = arith.constant 0 : i32
    %dma_start3A_170 = tpu.memref_slice %arg9[%dma_start3A_168, %dma_start3A_169] : memref<2x40xi32, #tpu.memory_space<vmem>> -> memref<1x40xi32, #tpu.memory_space<vmem>>
    %dma_start3A_171 = tpu.memref_squeeze %dma_start3A_170 : memref<1x40xi32, #tpu.memory_space<vmem>> -> memref<40xi32, #tpu.memory_space<vmem>>
    %dma_start3A_172 = tpu.memref_slice %arg6[%mul3A_167] : memref<320000xi32, #tpu.memory_space<hbm>> -> memref<40xi32, #tpu.memory_space<hbm>>
    %dma_start3A_173 = arith.constant 0 : i32
    %dma_start3A_174 = tpu.memref_slice %arg9[%dma_start3A_168, %dma_start3A_173] : memref<2x40xi32, #tpu.memory_space<vmem>> -> memref<1x40xi32, #tpu.memory_space<vmem>>
    %dma_start3A_175 = tpu.memref_squeeze %dma_start3A_174 : memref<1x40xi32, #tpu.memory_space<vmem>> -> memref<40xi32, #tpu.memory_space<vmem>>
    %dma_start3A_176 = tpu.memref_slice %arg6[%mul3A_167] : memref<320000xi32, #tpu.memory_space<hbm>> -> memref<40xi32, #tpu.memory_space<hbm>>
    tpu.enqueue_dma source(%dma_start3A_176 : memref<40xi32, #tpu.memory_space<hbm>>) target(%dma_start3A_175 : memref<40xi32, #tpu.memory_space<vmem>>) target_semaphore(%arg18 : memref<!tpu.dma_semaphore, #tpu.memory_space<semaphore_mem>>)
    %dma_start3A_177 = arith.constant 1 : i32
    %dma_start3A_178 = arith.constant 0 : i32
    %dma_start3A_179 = tpu.memref_slice %arg10[%dma_start3A_177, %dma_start3A_178] : memref<2x40xi32, #tpu.memory_space<vmem>> -> memref<1x40xi32, #tpu.memory_space<vmem>>
    %dma_start3A_180 = tpu.memref_squeeze %dma_start3A_179 : memref<1x40xi32, #tpu.memory_space<vmem>> -> memref<40xi32, #tpu.memory_space<vmem>>
    %dma_start3A_181 = tpu.memref_slice %arg7[%mul3A_167] : memref<320000xi32, #tpu.memory_space<hbm>> -> memref<40xi32, #tpu.memory_space<hbm>>
    %dma_start3A_182 = arith.constant 0 : i32
    %dma_start3A_183 = tpu.memref_slice %arg10[%dma_start3A_177, %dma_start3A_182] : memref<2x40xi32, #tpu.memory_space<vmem>> -> memref<1x40xi32, #tpu.memory_space<vmem>>
    %dma_start3A_184 = tpu.memref_squeeze %dma_start3A_183 : memref<1x40xi32, #tpu.memory_space<vmem>> -> memref<40xi32, #tpu.memory_space<vmem>>
    %dma_start3A_185 = tpu.memref_slice %arg7[%mul3A_167] : memref<320000xi32, #tpu.memory_space<hbm>> -> memref<40xi32, #tpu.memory_space<hbm>>
    tpu.enqueue_dma source(%dma_start3A_185 : memref<40xi32, #tpu.memory_space<hbm>>) target(%dma_start3A_184 : memref<40xi32, #tpu.memory_space<vmem>>) target_semaphore(%arg18 : memref<!tpu.dma_semaphore, #tpu.memory_space<semaphore_mem>>)
    %dma_start3A_186 = arith.constant 1 : i32
    %dma_start3A_187 = arith.constant 0 : i32
    %dma_start3A_188 = arith.constant 0 : i32
    %dma_start3A_189 = tpu.memref_slice %arg15[%dma_start3A_186, %dma_start3A_187, %dma_start3A_188] : memref<2x40x16xf32, #tpu.memory_space<vmem>> -> memref<1x40x16xf32, #tpu.memory_space<vmem>>
    %dma_start3A_190 = tpu.memref_squeeze %dma_start3A_189 : memref<1x40x16xf32, #tpu.memory_space<vmem>> -> memref<40x16xf32, #tpu.memory_space<vmem>>
    %dma_start3A_191 = arith.constant 0 : i32
    %dma_start3A_192 = tpu.memref_slice %arg5[%mul3A_167, %dma_start3A_191] : memref<320000x16xf32, #tpu.memory_space<hbm>> -> memref<40x16xf32, #tpu.memory_space<hbm>>
    %dma_start3A_193 = arith.constant 0 : i32
    %dma_start3A_194 = arith.constant 0 : i32
    %dma_start3A_195 = tpu.memref_slice %arg15[%dma_start3A_186, %dma_start3A_193, %dma_start3A_194] : memref<2x40x16xf32, #tpu.memory_space<vmem>> -> memref<1x40x16xf32, #tpu.memory_space<vmem>>
    %dma_start3A_196 = tpu.memref_squeeze %dma_start3A_195 : memref<1x40x16xf32, #tpu.memory_space<vmem>> -> memref<40x16xf32, #tpu.memory_space<vmem>>
    %dma_start3A_197 = arith.constant 0 : i32
    %dma_start3A_198 = tpu.memref_slice %arg5[%mul3A_167, %dma_start3A_197] : memref<320000x16xf32, #tpu.memory_space<hbm>> -> memref<40x16xf32, #tpu.memory_space<hbm>>
    tpu.enqueue_dma source(%dma_start3A_198 : memref<40x16xf32, #tpu.memory_space<hbm>>) target(%dma_start3A_196 : memref<40x16xf32, #tpu.memory_space<vmem>>) target_semaphore(%arg18 : memref<!tpu.dma_semaphore, #tpu.memory_space<semaphore_mem>>)
    %dma_start3A_199 = arith.constant 0 : i32
    %dma_start3A_200 = arith.constant 0 : i32
    %dma_start3A_201 = arith.constant 0 : i32
    %dma_start3A_202 = arith.constant 0 : i32
    %dma_start3A_203 = tpu.memref_slice %arg14[%dma_start3A_200, %dma_start3A_201, %dma_start3A_202] : memref<2x40x256xbf16, #tpu.memory_space<vmem>> -> memref<1x40x256xbf16, #tpu.memory_space<vmem>>
    %dma_start3A_204 = tpu.memref_squeeze %dma_start3A_203 : memref<1x40x256xbf16, #tpu.memory_space<vmem>> -> memref<40x256xbf16, #tpu.memory_space<vmem>>
    %dma_start3A_205 = arith.constant 0 : i32
    %dma_start3A_206 = tpu.memref_slice %arg9[%dma_start3A_199, %dma_start3A_205] : memref<2x40xi32, #tpu.memory_space<vmem>> -> memref<1x40xi32, #tpu.memory_space<vmem>>
    %dma_start3A_207 = tpu.memref_squeeze %dma_start3A_206 : memref<1x40xi32, #tpu.memory_space<vmem>> -> memref<40xi32, #tpu.memory_space<vmem>>
    %dma_start3A_208 = arith.constant 0 : i32
    %dma_start3A_209 = arith.constant 0 : i32
    %dma_start3A_210 = tpu.memref_slice %arg4[%dma_start3A_208, %dma_start3A_209] : memref<10000x256xbf16, #tpu.memory_space<hbm>> -> memref<10000x256xbf16, #tpu.memory_space<hbm>>
    tpu.enqueue_indirect_dma source(%dma_start3A_210 : memref<10000x256xbf16, #tpu.memory_space<hbm>>) target(%dma_start3A_204 : memref<40x256xbf16, #tpu.memory_space<vmem>>) offsets(%dma_start3A_207 : memref<40xi32, #tpu.memory_space<vmem>>) semaphore(%arg19 : memref<!tpu.dma_semaphore, #tpu.memory_space<semaphore_mem>>)
    %dma_start3A_211 = arith.constant 0 : i32
    %dma_start3A_212 = arith.constant 0 : i32
    %dma_start3A_213 = arith.constant 0 : i32
    %dma_start3A_214 = arith.constant 0 : i32
    %dma_start3A_215 = tpu.memref_slice %arg12[%dma_start3A_212, %dma_start3A_213, %dma_start3A_214] : memref<2x40x128xbf16, #tpu.memory_space<vmem>> -> memref<1x40x128xbf16, #tpu.memory_space<vmem>>
    %dma_start3A_216 = tpu.memref_squeeze %dma_start3A_215 : memref<1x40x128xbf16, #tpu.memory_space<vmem>> -> memref<40x128xbf16, #tpu.memory_space<vmem>>
    %dma_start3A_217 = arith.constant 0 : i32
    %dma_start3A_218 = tpu.memref_slice %arg10[%dma_start3A_211, %dma_start3A_217] : memref<2x40xi32, #tpu.memory_space<vmem>> -> memref<1x40xi32, #tpu.memory_space<vmem>>
    %dma_start3A_219 = tpu.memref_squeeze %dma_start3A_218 : memref<1x40xi32, #tpu.memory_space<vmem>> -> memref<40xi32, #tpu.memory_space<vmem>>
    %dma_start3A_220 = arith.constant 0 : i32
    %dma_start3A_221 = arith.constant 0 : i32
    %dma_start3A_222 = tpu.memref_slice %arg2[%dma_start3A_220, %dma_start3A_221] : memref<10000x128xbf16, #tpu.memory_space<hbm>> -> memref<10000x128xbf16, #tpu.memory_space<hbm>>
    tpu.enqueue_indirect_dma source(%dma_start3A_222 : memref<10000x128xbf16, #tpu.memory_space<hbm>>) target(%dma_start3A_216 : memref<40x128xbf16, #tpu.memory_space<vmem>>) offsets(%dma_start3A_219 : memref<40xi32, #tpu.memory_space<vmem>>) semaphore(%arg19 : memref<!tpu.dma_semaphore, #tpu.memory_space<semaphore_mem>>)
    %dma_start3A_223 = arith.constant 0 : i32
    %dma_start3A_224 = arith.constant 0 : i32
    %dma_start3A_225 = arith.constant 0 : i32
    %dma_start3A_226 = arith.constant 0 : i32
    %dma_start3A_227 = tpu.memref_slice %arg13[%dma_start3A_224, %dma_start3A_225, %dma_start3A_226] : memref<2x40x16xf32, #tpu.memory_space<vmem>> -> memref<1x40x16xf32, #tpu.memory_space<vmem>>
    %dma_start3A_228 = tpu.memref_squeeze %dma_start3A_227 : memref<1x40x16xf32, #tpu.memory_space<vmem>> -> memref<40x16xf32, #tpu.memory_space<vmem>>
    %dma_start3A_229 = arith.constant 0 : i32
    %dma_start3A_230 = tpu.memref_slice %arg10[%dma_start3A_223, %dma_start3A_229] : memref<2x40xi32, #tpu.memory_space<vmem>> -> memref<1x40xi32, #tpu.memory_space<vmem>>
    %dma_start3A_231 = tpu.memref_squeeze %dma_start3A_230 : memref<1x40xi32, #tpu.memory_space<vmem>> -> memref<40xi32, #tpu.memory_space<vmem>>
    %dma_start3A_232 = arith.constant 0 : i32
    %dma_start3A_233 = arith.constant 0 : i32
    %dma_start3A_234 = tpu.memref_slice %arg3[%dma_start3A_232, %dma_start3A_233] : memref<10000x16xf32, #tpu.memory_space<hbm>> -> memref<10000x16xf32, #tpu.memory_space<hbm>>
    tpu.enqueue_indirect_dma source(%dma_start3A_234 : memref<10000x16xf32, #tpu.memory_space<hbm>>) target(%dma_start3A_228 : memref<40x16xf32, #tpu.memory_space<vmem>>) offsets(%dma_start3A_231 : memref<40xi32, #tpu.memory_space<vmem>>) semaphore(%arg19 : memref<!tpu.dma_semaphore, #tpu.memory_space<semaphore_mem>>)
    %scan3A_235 = arith.constant 0 : i32
    %scan3A_236 = arith.constant 0 : i32
    %scan3A_237 = arith.constant 125 : i32
    %scan3A_238 = arith.addi %scan3A_236, %scan3A_237 : i32
    %scan3A_239 = arith.constant 1 : i32
    scf.for %scan3A_363 = %scan3A_236 to %scan3A_238 step %scan3A_239  : i32 {
      %mul3A_364 = arith.constant 2 : i32
      %mul3A_365 = arith.muli %mul3A_364, %scan3A_363 : i32
      %dma_wait3A_366 = arith.constant 0 : i32
      %dma_wait3A_367 = arith.constant 0 : i32
      %dma_wait3A_368 = arith.constant 0 : i32
      %dma_wait3A_369 = arith.constant 0 : i32
      %dma_wait3A_370 = tpu.memref_slice %arg16[%dma_wait3A_367, %dma_wait3A_368, %dma_wait3A_369] : memref<2x40x160xf32, #tpu.memory_space<vmem>> -> memref<1x40x160xf32, #tpu.memory_space<vmem>>
      %dma_wait3A_371 = tpu.memref_squeeze %dma_wait3A_370 : memref<1x40x160xf32, #tpu.memory_space<vmem>> -> memref<40x160xf32, #tpu.memory_space<vmem>>
      %dma_wait3A_372 = arith.constant 0 : i32
      %dma_wait3A_373 = arith.constant 0 : i32
      %dma_wait3A_374 = tpu.memref_slice %arg8[%dma_wait3A_366, %dma_wait3A_372, %dma_wait3A_373] : memref<2x10000x160xf32, #tpu.memory_space<hbm>> -> memref<1x40x160xf32, #tpu.memory_space<hbm>>
      %dma_wait3A_375 = tpu.memref_squeeze %dma_wait3A_374 : memref<1x40x160xf32, #tpu.memory_space<hbm>> -> memref<40x160xf32, #tpu.memory_space<hbm>>
      %dma_wait3A_376 = arith.constant 0 : i32
      %dma_wait3A_377 = arith.constant 0 : i32
      %dma_wait3A_378 = tpu.memref_slice %arg16[%dma_wait3A_367, %dma_wait3A_376, %dma_wait3A_377] : memref<2x40x160xf32, #tpu.memory_space<vmem>> -> memref<1x40x160xf32, #tpu.memory_space<vmem>>
      %dma_wait3A_379 = tpu.memref_squeeze %dma_wait3A_378 : memref<1x40x160xf32, #tpu.memory_space<vmem>> -> memref<40x160xf32, #tpu.memory_space<vmem>>
      %dma_wait3A_380 = arith.constant 0 : i32
      %dma_wait3A_381 = arith.constant 0 : i32
      %dma_wait3A_382 = tpu.memref_slice %arg8[%dma_wait3A_366, %dma_wait3A_380, %dma_wait3A_381] : memref<2x10000x160xf32, #tpu.memory_space<hbm>> -> memref<1x40x160xf32, #tpu.memory_space<hbm>>
      %dma_wait3A_383 = tpu.memref_squeeze %dma_wait3A_382 : memref<1x40x160xf32, #tpu.memory_space<hbm>> -> memref<40x160xf32, #tpu.memory_space<hbm>>
      tpu.wait_dma2 semaphore(%arg20 : memref<!tpu.dma_semaphore, #tpu.memory_space<semaphore_mem>>) src(%dma_wait3A_383 : memref<40x160xf32, #tpu.memory_space<hbm>>) dst(%dma_wait3A_379 : memref<40x160xf32, #tpu.memory_space<vmem>>)
      %dma_wait3A_384 = arith.constant 0 : i32
      %dma_wait3A_385 = arith.constant 0 : i32
      %dma_wait3A_386 = tpu.memref_slice %arg9[%dma_wait3A_384, %dma_wait3A_385] : memref<2x40xi32, #tpu.memory_space<vmem>> -> memref<1x40xi32, #tpu.memory_space<vmem>>
      %dma_wait3A_387 = tpu.memref_squeeze %dma_wait3A_386 : memref<1x40xi32, #tpu.memory_space<vmem>> -> memref<40xi32, #tpu.memory_space<vmem>>
      %dma_wait3A_388 = arith.constant 0 : i32
      %dma_wait3A_389 = tpu.memref_slice %arg6[%dma_wait3A_388] : memref<320000xi32, #tpu.memory_space<hbm>> -> memref<40xi32, #tpu.memory_space<hbm>>
      %dma_wait3A_390 = arith.constant 0 : i32
      %dma_wait3A_391 = tpu.memref_slice %arg9[%dma_wait3A_384, %dma_wait3A_390] : memref<2x40xi32, #tpu.memory_space<vmem>> -> memref<1x40xi32, #tpu.memory_space<vmem>>
      %dma_wait3A_392 = tpu.memref_squeeze %dma_wait3A_391 : memref<1x40xi32, #tpu.memory_space<vmem>> -> memref<40xi32, #tpu.memory_space<vmem>>
      %dma_wait3A_393 = arith.constant 0 : i32
      %dma_wait3A_394 = tpu.memref_slice %arg6[%dma_wait3A_393] : memref<320000xi32, #tpu.memory_space<hbm>> -> memref<40xi32, #tpu.memory_space<hbm>>
      tpu.wait_dma2 semaphore(%arg18 : memref<!tpu.dma_semaphore, #tpu.memory_space<semaphore_mem>>) src(%dma_wait3A_394 : memref<40xi32, #tpu.memory_space<hbm>>) dst(%dma_wait3A_392 : memref<40xi32, #tpu.memory_space<vmem>>)
      %dma_wait3A_395 = arith.constant 0 : i32
      %dma_wait3A_396 = arith.constant 0 : i32
      %dma_wait3A_397 = tpu.memref_slice %arg10[%dma_wait3A_395, %dma_wait3A_396] : memref<2x40xi32, #tpu.memory_space<vmem>> -> memref<1x40xi32, #tpu.memory_space<vmem>>
      %dma_wait3A_398 = tpu.memref_squeeze %dma_wait3A_397 : memref<1x40xi32, #tpu.memory_space<vmem>> -> memref<40xi32, #tpu.memory_space<vmem>>
      %dma_wait3A_399 = arith.constant 0 : i32
      %dma_wait3A_400 = tpu.memref_slice %arg7[%dma_wait3A_399] : memref<320000xi32, #tpu.memory_space<hbm>> -> memref<40xi32, #tpu.memory_space<hbm>>
      %dma_wait3A_401 = arith.constant 0 : i32
      %dma_wait3A_402 = tpu.memref_slice %arg10[%dma_wait3A_395, %dma_wait3A_401] : memref<2x40xi32, #tpu.memory_space<vmem>> -> memref<1x40xi32, #tpu.memory_space<vmem>>
      %dma_wait3A_403 = tpu.memref_squeeze %dma_wait3A_402 : memref<1x40xi32, #tpu.memory_space<vmem>> -> memref<40xi32, #tpu.memory_space<vmem>>
      %dma_wait3A_404 = arith.constant 0 : i32
      %dma_wait3A_405 = tpu.memref_slice %arg7[%dma_wait3A_404] : memref<320000xi32, #tpu.memory_space<hbm>> -> memref<40xi32, #tpu.memory_space<hbm>>
      tpu.wait_dma2 semaphore(%arg18 : memref<!tpu.dma_semaphore, #tpu.memory_space<semaphore_mem>>) src(%dma_wait3A_405 : memref<40xi32, #tpu.memory_space<hbm>>) dst(%dma_wait3A_403 : memref<40xi32, #tpu.memory_space<vmem>>)
      %dma_wait3A_406 = arith.constant 0 : i32
      %dma_wait3A_407 = arith.constant 0 : i32
      %dma_wait3A_408 = arith.constant 0 : i32
      %dma_wait3A_409 = tpu.memref_slice %arg15[%dma_wait3A_406, %dma_wait3A_407, %dma_wait3A_408] : memref<2x40x16xf32, #tpu.memory_space<vmem>> -> memref<1x40x16xf32, #tpu.memory_space<vmem>>
      %dma_wait3A_410 = tpu.memref_squeeze %dma_wait3A_409 : memref<1x40x16xf32, #tpu.memory_space<vmem>> -> memref<40x16xf32, #tpu.memory_space<vmem>>
      %dma_wait3A_411 = arith.constant 0 : i32
      %dma_wait3A_412 = arith.constant 0 : i32
      %dma_wait3A_413 = tpu.memref_slice %arg5[%dma_wait3A_411, %dma_wait3A_412] : memref<320000x16xf32, #tpu.memory_space<hbm>> -> memref<40x16xf32, #tpu.memory_space<hbm>>
      %dma_wait3A_414 = arith.constant 0 : i32
      %dma_wait3A_415 = arith.constant 0 : i32
      %dma_wait3A_416 = tpu.memref_slice %arg15[%dma_wait3A_406, %dma_wait3A_414, %dma_wait3A_415] : memref<2x40x16xf32, #tpu.memory_space<vmem>> -> memref<1x40x16xf32, #tpu.memory_space<vmem>>
      %dma_wait3A_417 = tpu.memref_squeeze %dma_wait3A_416 : memref<1x40x16xf32, #tpu.memory_space<vmem>> -> memref<40x16xf32, #tpu.memory_space<vmem>>
      %dma_wait3A_418 = arith.constant 0 : i32
      %dma_wait3A_419 = arith.constant 0 : i32
      %dma_wait3A_420 = tpu.memref_slice %arg5[%dma_wait3A_418, %dma_wait3A_419] : memref<320000x16xf32, #tpu.memory_space<hbm>> -> memref<40x16xf32, #tpu.memory_space<hbm>>
      tpu.wait_dma2 semaphore(%arg18 : memref<!tpu.dma_semaphore, #tpu.memory_space<semaphore_mem>>) src(%dma_wait3A_420 : memref<40x16xf32, #tpu.memory_space<hbm>>) dst(%dma_wait3A_417 : memref<40x16xf32, #tpu.memory_space<vmem>>)
      %dma_start3A_421 = arith.constant 1 : i32
      %dma_start3A_422 = arith.constant 1 : i32
      %dma_start3A_423 = arith.constant 0 : i32
      %dma_start3A_424 = arith.constant 0 : i32
      %dma_start3A_425 = tpu.memref_slice %arg14[%dma_start3A_422, %dma_start3A_423, %dma_start3A_424] : memref<2x40x256xbf16, #tpu.memory_space<vmem>> -> memref<1x40x256xbf16, #tpu.memory_space<vmem>>
      %dma_start3A_426 = tpu.memref_squeeze %dma_start3A_425 : memref<1x40x256xbf16, #tpu.memory_space<vmem>> -> memref<40x256xbf16, #tpu.memory_space<vmem>>
      %dma_start3A_427 = arith.constant 0 : i32
      %dma_start3A_428 = tpu.memref_slice %arg9[%dma_start3A_421, %dma_start3A_427] : memref<2x40xi32, #tpu.memory_space<vmem>> -> memref<1x40xi32, #tpu.memory_space<vmem>>
      %dma_start3A_429 = tpu.memref_squeeze %dma_start3A_428 : memref<1x40xi32, #tpu.memory_space<vmem>> -> memref<40xi32, #tpu.memory_space<vmem>>
      %dma_start3A_430 = arith.constant 0 : i32
      %dma_start3A_431 = arith.constant 0 : i32
      %dma_start3A_432 = tpu.memref_slice %arg4[%dma_start3A_430, %dma_start3A_431] : memref<10000x256xbf16, #tpu.memory_space<hbm>> -> memref<10000x256xbf16, #tpu.memory_space<hbm>>
      tpu.enqueue_indirect_dma source(%dma_start3A_432 : memref<10000x256xbf16, #tpu.memory_space<hbm>>) target(%dma_start3A_426 : memref<40x256xbf16, #tpu.memory_space<vmem>>) offsets(%dma_start3A_429 : memref<40xi32, #tpu.memory_space<vmem>>) semaphore(%arg19 : memref<!tpu.dma_semaphore, #tpu.memory_space<semaphore_mem>>)
      %dma_start3A_433 = arith.constant 1 : i32
      %dma_start3A_434 = arith.constant 1 : i32
      %dma_start3A_435 = arith.constant 0 : i32
      %dma_start3A_436 = arith.constant 0 : i32
      %dma_start3A_437 = tpu.memref_slice %arg12[%dma_start3A_434, %dma_start3A_435, %dma_start3A_436] : memref<2x40x128xbf16, #tpu.memory_space<vmem>> -> memref<1x40x128xbf16, #tpu.memory_space<vmem>>
      %dma_start3A_438 = tpu.memref_squeeze %dma_start3A_437 : memref<1x40x128xbf16, #tpu.memory_space<vmem>> -> memref<40x128xbf16, #tpu.memory_space<vmem>>
      %dma_start3A_439 = arith.constant 0 : i32
      %dma_start3A_440 = tpu.memref_slice %arg10[%dma_start3A_433, %dma_start3A_439] : memref<2x40xi32, #tpu.memory_space<vmem>> -> memref<1x40xi32, #tpu.memory_space<vmem>>
      %dma_start3A_441 = tpu.memref_squeeze %dma_start3A_440 : memref<1x40xi32, #tpu.memory_space<vmem>> -> memref<40xi32, #tpu.memory_space<vmem>>
      %dma_start3A_442 = arith.constant 0 : i32
      %dma_start3A_443 = arith.constant 0 : i32
      %dma_start3A_444 = tpu.memref_slice %arg2[%dma_start3A_442, %dma_start3A_443] : memref<10000x128xbf16, #tpu.memory_space<hbm>> -> memref<10000x128xbf16, #tpu.memory_space<hbm>>
      tpu.enqueue_indirect_dma source(%dma_start3A_444 : memref<10000x128xbf16, #tpu.memory_space<hbm>>) target(%dma_start3A_438 : memref<40x128xbf16, #tpu.memory_space<vmem>>) offsets(%dma_start3A_441 : memref<40xi32, #tpu.memory_space<vmem>>) semaphore(%arg19 : memref<!tpu.dma_semaphore, #tpu.memory_space<semaphore_mem>>)
      %dma_start3A_445 = arith.constant 1 : i32
      %dma_start3A_446 = arith.constant 1 : i32
      %dma_start3A_447 = arith.constant 0 : i32
      %dma_start3A_448 = arith.constant 0 : i32
      %dma_start3A_449 = tpu.memref_slice %arg13[%dma_start3A_446, %dma_start3A_447, %dma_start3A_448] : memref<2x40x16xf32, #tpu.memory_space<vmem>> -> memref<1x40x16xf32, #tpu.memory_space<vmem>>
      %dma_start3A_450 = tpu.memref_squeeze %dma_start3A_449 : memref<1x40x16xf32, #tpu.memory_space<vmem>> -> memref<40x16xf32, #tpu.memory_space<vmem>>
      %dma_start3A_451 = arith.constant 0 : i32
      %dma_start3A_452 = tpu.memref_slice %arg10[%dma_start3A_445, %dma_start3A_451] : memref<2x40xi32, #tpu.memory_space<vmem>> -> memref<1x40xi32, #tpu.memory_space<vmem>>
      %dma_start3A_453 = tpu.memref_squeeze %dma_start3A_452 : memref<1x40xi32, #tpu.memory_space<vmem>> -> memref<40xi32, #tpu.memory_space<vmem>>
      %dma_start3A_454 = arith.constant 0 : i32
      %dma_start3A_455 = arith.constant 0 : i32
      %dma_start3A_456 = tpu.memref_slice %arg3[%dma_start3A_454, %dma_start3A_455] : memref<10000x16xf32, #tpu.memory_space<hbm>> -> memref<10000x16xf32, #tpu.memory_space<hbm>>
      tpu.enqueue_indirect_dma source(%dma_start3A_456 : memref<10000x16xf32, #tpu.memory_space<hbm>>) target(%dma_start3A_450 : memref<40x16xf32, #tpu.memory_space<vmem>>) offsets(%dma_start3A_453 : memref<40xi32, #tpu.memory_space<vmem>>) semaphore(%arg19 : memref<!tpu.dma_semaphore, #tpu.memory_space<semaphore_mem>>)
      %dma_wait3A_457 = arith.constant 0 : i32
      %dma_wait3A_458 = arith.constant 0 : i32
      %dma_wait3A_459 = arith.constant 0 : i32
      %dma_wait3A_460 = tpu.memref_slice %arg14[%dma_wait3A_457, %dma_wait3A_458, %dma_wait3A_459] : memref<2x40x256xbf16, #tpu.memory_space<vmem>> -> memref<1x40x256xbf16, #tpu.memory_space<vmem>>
      %dma_wait3A_461 = tpu.memref_squeeze %dma_wait3A_460 : memref<1x40x256xbf16, #tpu.memory_space<vmem>> -> memref<40x256xbf16, #tpu.memory_space<vmem>>
      %dma_wait3A_462 = arith.constant 0 : i32
      %dma_wait3A_463 = arith.constant 0 : i32
      %dma_wait3A_464 = tpu.memref_slice %arg4[%dma_wait3A_462, %dma_wait3A_463] : memref<10000x256xbf16, #tpu.memory_space<hbm>> -> memref<40x256xbf16, #tpu.memory_space<hbm>>
      %dma_wait3A_465 = arith.constant 0 : i32
      %dma_wait3A_466 = arith.constant 0 : i32
      %dma_wait3A_467 = tpu.memref_slice %arg14[%dma_wait3A_457, %dma_wait3A_465, %dma_wait3A_466] : memref<2x40x256xbf16, #tpu.memory_space<vmem>> -> memref<1x40x256xbf16, #tpu.memory_space<vmem>>
      %dma_wait3A_468 = tpu.memref_squeeze %dma_wait3A_467 : memref<1x40x256xbf16, #tpu.memory_space<vmem>> -> memref<40x256xbf16, #tpu.memory_space<vmem>>
      %dma_wait3A_469 = arith.constant 0 : i32
      %dma_wait3A_470 = arith.constant 0 : i32
      %dma_wait3A_471 = tpu.memref_slice %arg4[%dma_wait3A_469, %dma_wait3A_470] : memref<10000x256xbf16, #tpu.memory_space<hbm>> -> memref<40x256xbf16, #tpu.memory_space<hbm>>
      tpu.wait_dma2 semaphore(%arg19 : memref<!tpu.dma_semaphore, #tpu.memory_space<semaphore_mem>>) src(%dma_wait3A_471 : memref<40x256xbf16, #tpu.memory_space<hbm>>) dst(%dma_wait3A_468 : memref<40x256xbf16, #tpu.memory_space<vmem>>)
      %dma_wait3A_472 = arith.constant 0 : i32
      %dma_wait3A_473 = arith.constant 0 : i32
      %dma_wait3A_474 = arith.constant 0 : i32
      %dma_wait3A_475 = tpu.memref_slice %arg12[%dma_wait3A_472, %dma_wait3A_473, %dma_wait3A_474] : memref<2x40x128xbf16, #tpu.memory_space<vmem>> -> memref<1x40x128xbf16, #tpu.memory_space<vmem>>
      %dma_wait3A_476 = tpu.memref_squeeze %dma_wait3A_475 : memref<1x40x128xbf16, #tpu.memory_space<vmem>> -> memref<40x128xbf16, #tpu.memory_space<vmem>>
      %dma_wait3A_477 = arith.constant 0 : i32
      %dma_wait3A_478 = arith.constant 0 : i32
      %dma_wait3A_479 = tpu.memref_slice %arg2[%dma_wait3A_477, %dma_wait3A_478] : memref<10000x128xbf16, #tpu.memory_space<hbm>> -> memref<40x128xbf16, #tpu.memory_space<hbm>>
      %dma_wait3A_480 = arith.constant 0 : i32
      %dma_wait3A_481 = arith.constant 0 : i32
      %dma_wait3A_482 = tpu.memref_slice %arg12[%dma_wait3A_472, %dma_wait3A_480, %dma_wait3A_481] : memref<2x40x128xbf16, #tpu.memory_space<vmem>> -> memref<1x40x128xbf16, #tpu.memory_space<vmem>>
      %dma_wait3A_483 = tpu.memref_squeeze %dma_wait3A_482 : memref<1x40x128xbf16, #tpu.memory_space<vmem>> -> memref<40x128xbf16, #tpu.memory_space<vmem>>
      %dma_wait3A_484 = arith.constant 0 : i32
      %dma_wait3A_485 = arith.constant 0 : i32
      %dma_wait3A_486 = tpu.memref_slice %arg2[%dma_wait3A_484, %dma_wait3A_485] : memref<10000x128xbf16, #tpu.memory_space<hbm>> -> memref<40x128xbf16, #tpu.memory_space<hbm>>
      tpu.wait_dma2 semaphore(%arg19 : memref<!tpu.dma_semaphore, #tpu.memory_space<semaphore_mem>>) src(%dma_wait3A_486 : memref<40x128xbf16, #tpu.memory_space<hbm>>) dst(%dma_wait3A_483 : memref<40x128xbf16, #tpu.memory_space<vmem>>)
      %dma_wait3A_487 = arith.constant 0 : i32
      %dma_wait3A_488 = arith.constant 0 : i32
      %dma_wait3A_489 = arith.constant 0 : i32
      %dma_wait3A_490 = tpu.memref_slice %arg13[%dma_wait3A_487, %dma_wait3A_488, %dma_wait3A_489] : memref<2x40x16xf32, #tpu.memory_space<vmem>> -> memref<1x40x16xf32, #tpu.memory_space<vmem>>
      %dma_wait3A_491 = tpu.memref_squeeze %dma_wait3A_490 : memref<1x40x16xf32, #tpu.memory_space<vmem>> -> memref<40x16xf32, #tpu.memory_space<vmem>>
      %dma_wait3A_492 = arith.constant 0 : i32
      %dma_wait3A_493 = arith.constant 0 : i32
      %dma_wait3A_494 = tpu.memref_slice %arg3[%dma_wait3A_492, %dma_wait3A_493] : memref<10000x16xf32, #tpu.memory_space<hbm>> -> memref<40x16xf32, #tpu.memory_space<hbm>>
      %dma_wait3A_495 = arith.constant 0 : i32
      %dma_wait3A_496 = arith.constant 0 : i32
      %dma_wait3A_497 = tpu.memref_slice %arg13[%dma_wait3A_487, %dma_wait3A_495, %dma_wait3A_496] : memref<2x40x16xf32, #tpu.memory_space<vmem>> -> memref<1x40x16xf32, #tpu.memory_space<vmem>>
      %dma_wait3A_498 = tpu.memref_squeeze %dma_wait3A_497 : memref<1x40x16xf32, #tpu.memory_space<vmem>> -> memref<40x16xf32, #tpu.memory_space<vmem>>
      %dma_wait3A_499 = arith.constant 0 : i32
      %dma_wait3A_500 = arith.constant 0 : i32
      %dma_wait3A_501 = tpu.memref_slice %arg3[%dma_wait3A_499, %dma_wait3A_500] : memref<10000x16xf32, #tpu.memory_space<hbm>> -> memref<40x16xf32, #tpu.memory_space<hbm>>
      tpu.wait_dma2 semaphore(%arg19 : memref<!tpu.dma_semaphore, #tpu.memory_space<semaphore_mem>>) src(%dma_wait3A_501 : memref<40x16xf32, #tpu.memory_space<hbm>>) dst(%dma_wait3A_498 : memref<40x16xf32, #tpu.memory_space<vmem>>)
      %scan3A_502 = arith.constant 0 : i32
      %scan3A_503 = arith.constant 0 : i32
      %scan3A_504 = arith.constant 10 : i32
      %scan3A_505 = arith.addi %scan3A_503, %scan3A_504 : i32
      %scan3A_506 = arith.constant 1 : i32
      scf.for %scan3A_805 = %scan3A_503 to %scan3A_505 step %scan3A_506  : i32 {
        %mul3A_806 = arith.constant 4 : i32
        %mul3A_807 = arith.muli %scan3A_805, %mul3A_806 : i32
        %add3A_808 = arith.constant 0 : i32
        %add3A_809 = arith.addi %mul3A_807, %add3A_808 : i32
        %get3A_810 = arith.constant 0 : i32
        %get3A_811 = arith.index_cast %get3A_810 : i32 to index
        %get3A_812 = arith.index_cast %add3A_809 : i32 to index
        %get3A_813 = arith.constant 0 : index
        %get3A_814 = tpu.vector_load %arg15[%get3A_811, %get3A_812, %get3A_813] {strides = array<i32>} : memref<2x40x16xf32, #tpu.memory_space<vmem>>, vector<16xf32>,
        %get3A_815 = arith.constant 0 : i32
        %get3A_816 = arith.index_cast %get3A_815 : i32 to index
        %get3A_817 = arith.index_cast %add3A_809 : i32 to index
        %get3A_818 = arith.constant 0 : index
        %get3A_819 = tpu.vector_load %arg13[%get3A_816, %get3A_817, %get3A_818] {strides = array<i32>} : memref<2x40x16xf32, #tpu.memory_space<vmem>>, vector<16xf32>,
        %mul3A_820 = arith.mulf %get3A_819, %get3A_814 : vector<16xf32>
        %get3A_821 = arith.constant 0 : i32
        %get3A_822 = arith.index_cast %get3A_821 : i32 to index
        %get3A_823 = arith.index_cast %add3A_809 : i32 to index
        %get3A_824 = arith.constant 0 : index
        %get3A_825 = tpu.vector_load %arg14[%get3A_822, %get3A_823, %get3A_824] {strides = array<i32>} : memref<2x40x256xbf16, #tpu.memory_space<vmem>>, vector<32xbf16>,
        %unpack3A = tpu.unpack_subelements %get3A_825, 0 {pack_format = #tpu.pack_format<interleaved>} : vector<32xbf16> -> vector<16xf32>
        %unpack3A_826 = tpu.unpack_subelements %get3A_825, 1 {pack_format = #tpu.pack_format<interleaved>} : vector<32xbf16> -> vector<16xf32>
        %get3A_827 = arith.constant 0 : i32
        %get3A_828 = arith.index_cast %get3A_827 : i32 to index
        %get3A_829 = arith.index_cast %add3A_809 : i32 to index
        %get3A_830 = arith.constant 0 : index
        %get3A_831 = tpu.vector_load %arg12[%get3A_828, %get3A_829, %get3A_830] {strides = array<i32>} : memref<2x40x128xbf16, #tpu.memory_space<vmem>>, vector<32xbf16>,
        %unpack3A_832 = tpu.unpack_subelements %get3A_831, 0 {pack_format = #tpu.pack_format<interleaved>} : vector<32xbf16> -> vector<16xf32>
        %unpack3A_833 = tpu.unpack_subelements %get3A_831, 1 {pack_format = #tpu.pack_format<interleaved>} : vector<32xbf16> -> vector<16xf32>
        %mul3A_834 = arith.mulf %unpack3A_832, %unpack3A : vector<16xf32>
        %add3A_835 = arith.addf %mul3A_820, %mul3A_834 : vector<16xf32>
        %mul3A_836 = arith.mulf %unpack3A_833, %unpack3A_826 : vector<16xf32>
        %add3A_837 = arith.addf %add3A_835, %mul3A_836 : vector<16xf32>
        %get3A_838 = arith.constant 0 : i32
        %get3A_839 = arith.index_cast %get3A_838 : i32 to index
        %get3A_840 = arith.index_cast %add3A_809 : i32 to index
        %get3A_841 = arith.constant 32 : index
        %get3A_842 = tpu.vector_load %arg14[%get3A_839, %get3A_840, %get3A_841] {strides = array<i32>} : memref<2x40x256xbf16, #tpu.memory_space<vmem>>, vector<32xbf16>,
        %unpack3A_843 = tpu.unpack_subelements %get3A_842, 0 {pack_format = #tpu.pack_format<interleaved>} : vector<32xbf16> -> vector<16xf32>
        %unpack3A_844 = tpu.unpack_subelements %get3A_842, 1 {pack_format = #tpu.pack_format<interleaved>} : vector<32xbf16> -> vector<16xf32>
        %get3A_845 = arith.constant 0 : i32
        %get3A_846 = arith.index_cast %get3A_845 : i32 to index
        %get3A_847 = arith.index_cast %add3A_809 : i32 to index
        %get3A_848 = arith.constant 32 : index
        %get3A_849 = tpu.vector_load %arg12[%get3A_846, %get3A_847, %get3A_848] {strides = array<i32>} : memref<2x40x128xbf16, #tpu.memory_space<vmem>>, vector<32xbf16>,
        %unpack3A_850 = tpu.unpack_subelements %get3A_849, 0 {pack_format = #tpu.pack_format<interleaved>} : vector<32xbf16> -> vector<16xf32>
        %unpack3A_851 = tpu.unpack_subelements %get3A_849, 1 {pack_format = #tpu.pack_format<interleaved>} : vector<32xbf16> -> vector<16xf32>
        %mul3A_852 = arith.mulf %unpack3A_850, %unpack3A_843 : vector<16xf32>
        %add3A_853 = arith.addf %add3A_837, %mul3A_852 : vector<16xf32>
        %mul3A_854 = arith.mulf %unpack3A_851, %unpack3A_844 : vector<16xf32>
        %add3A_855 = arith.addf %add3A_853, %mul3A_854 : vector<16xf32>
        %get3A_856 = arith.constant 0 : i32
        %get3A_857 = arith.index_cast %get3A_856 : i32 to index
        %get3A_858 = arith.index_cast %add3A_809 : i32 to index
        %get3A_859 = arith.constant 64 : index
        %get3A_860 = tpu.vector_load %arg14[%get3A_857, %get3A_858, %get3A_859] {strides = array<i32>} : memref<2x40x256xbf16, #tpu.memory_space<vmem>>, vector<32xbf16>,
        %unpack3A_861 = tpu.unpack_subelements %get3A_860, 0 {pack_format = #tpu.pack_format<interleaved>} : vector<32xbf16> -> vector<16xf32>
        %unpack3A_862 = tpu.unpack_subelements %get3A_860, 1 {pack_format = #tpu.pack_format<interleaved>} : vector<32xbf16> -> vector<16xf32>
        %get3A_863 = arith.constant 0 : i32
        %get3A_864 = arith.index_cast %get3A_863 : i32 to index
        %get3A_865 = arith.index_cast %add3A_809 : i32 to index
        %get3A_866 = arith.constant 64 : index
        %get3A_867 = tpu.vector_load %arg12[%get3A_864, %get3A_865, %get3A_866] {strides = array<i32>} : memref<2x40x128xbf16, #tpu.memory_space<vmem>>, vector<32xbf16>,
        %unpack3A_868 = tpu.unpack_subelements %get3A_867, 0 {pack_format = #tpu.pack_format<interleaved>} : vector<32xbf16> -> vector<16xf32>
        %unpack3A_869 = tpu.unpack_subelements %get3A_867, 1 {pack_format = #tpu.pack_format<interleaved>} : vector<32xbf16> -> vector<16xf32>
        %mul3A_870 = arith.mulf %unpack3A_868, %unpack3A_861 : vector<16xf32>
        %add3A_871 = arith.addf %add3A_855, %mul3A_870 : vector<16xf32>
        %mul3A_872 = arith.mulf %unpack3A_869, %unpack3A_862 : vector<16xf32>
        %add3A_873 = arith.addf %add3A_871, %mul3A_872 : vector<16xf32>
        %get3A_874 = arith.constant 0 : i32
        %get3A_875 = arith.index_cast %get3A_874 : i32 to index
        %get3A_876 = arith.index_cast %add3A_809 : i32 to index
        %get3A_877 = arith.constant 96 : index
        %get3A_878 = tpu.vector_load %arg14[%get3A_875, %get3A_876, %get3A_877] {strides = array<i32>} : memref<2x40x256xbf16, #tpu.memory_space<vmem>>, vector<32xbf16>,
        %unpack3A_879 = tpu.unpack_subelements %get3A_878, 0 {pack_format = #tpu.pack_format<interleaved>} : vector<32xbf16> -> vector<16xf32>
        %unpack3A_880 = tpu.unpack_subelements %get3A_878, 1 {pack_format = #tpu.pack_format<interleaved>} : vector<32xbf16> -> vector<16xf32>
        %get3A_881 = arith.constant 0 : i32
        %get3A_882 = arith.index_cast %get3A_881 : i32 to index
        %get3A_883 = arith.index_cast %add3A_809 : i32 to index
        %get3A_884 = arith.constant 96 : index
        %get3A_885 = tpu.vector_load %arg12[%get3A_882, %get3A_883, %get3A_884] {strides = array<i32>} : memref<2x40x128xbf16, #tpu.memory_space<vmem>>, vector<32xbf16>,
        %unpack3A_886 = tpu.unpack_subelements %get3A_885, 0 {pack_format = #tpu.pack_format<interleaved>} : vector<32xbf16> -> vector<16xf32>
        %unpack3A_887 = tpu.unpack_subelements %get3A_885, 1 {pack_format = #tpu.pack_format<interleaved>} : vector<32xbf16> -> vector<16xf32>
        %mul3A_888 = arith.mulf %unpack3A_886, %unpack3A_879 : vector<16xf32>
        %add3A_889 = arith.addf %add3A_873, %mul3A_888 : vector<16xf32>
        %mul3A_890 = arith.mulf %unpack3A_887, %unpack3A_880 : vector<16xf32>
        %add3A_891 = arith.addf %add3A_889, %mul3A_890 : vector<16xf32>
        %iota3A_892 = tpu.iota {dimensions = array<i32: 0>} : vector<16xi32>
        %xor3A = arith.constant 8 : i32
        %xor3A_893 = vector.broadcast %xor3A : i32 to vector<16xi32>
        %xor3A_894 = arith.xori %iota3A_892, %xor3A_893 : vector<16xi32>
        %lt3A_895 = arith.constant 0 : i32
        %lt3A_896 = vector.broadcast %lt3A_895 : i32 to vector<16xi32>
        %lt3A_897 = arith.cmpi slt, %xor3A_894, %lt3A_896 : vector<16xi32>
        %add3A_898 = arith.constant 16 : i32
        %add3A_899 = vector.broadcast %add3A_898 : i32 to vector<16xi32>
        %add3A_900 = arith.addi %xor3A_894, %add3A_899 : vector<16xi32>
        %select_n3A_901 = arith.select %lt3A_897, %add3A_900, %xor3A_894 : vector<16xi1>, vector<16xi32>
        %broadcast_in_dim3A_902 = vector.shape_cast %select_n3A_901 : vector<16xi32> to vector<16x1xi32>
        %gather3A = vector.shape_cast %broadcast_in_dim3A_902 : vector<16x1xi32> to vector<16xi32>
        %gather3A_903 = tpu.dynamic_gather %add3A_891[%gather3A] in [0] : vector<16xf32>, vector<16xi32> -> vector<16xf32>
        %add3A_904 = arith.addf %add3A_891, %gather3A_903 : vector<16xf32>
        %iota3A_905 = tpu.iota {dimensions = array<i32: 0>} : vector<16xi32>
        %xor3A_906 = arith.constant 4 : i32
        %xor3A_907 = vector.broadcast %xor3A_906 : i32 to vector<16xi32>
        %xor3A_908 = arith.xori %iota3A_905, %xor3A_907 : vector<16xi32>
        %lt3A_909 = arith.constant 0 : i32
        %lt3A_910 = vector.broadcast %lt3A_909 : i32 to vector<16xi32>
        %lt3A_911 = arith.cmpi slt, %xor3A_908, %lt3A_910 : vector<16xi32>
        %add3A_912 = arith.constant 16 : i32
        %add3A_913 = vector.broadcast %add3A_912 : i32 to vector<16xi32>
        %add3A_914 = arith.addi %xor3A_908, %add3A_913 : vector<16xi32>
        %select_n3A_915 = arith.select %lt3A_911, %add3A_914, %xor3A_908 : vector<16xi1>, vector<16xi32>
        %broadcast_in_dim3A_916 = vector.shape_cast %select_n3A_915 : vector<16xi32> to vector<16x1xi32>
        %gather3A_917 = vector.shape_cast %broadcast_in_dim3A_916 : vector<16x1xi32> to vector<16xi32>
        %gather3A_918 = tpu.dynamic_gather %add3A_904[%gather3A_917] in [0] : vector<16xf32>, vector<16xi32> -> vector<16xf32>
        %add3A_919 = arith.addf %add3A_904, %gather3A_918 : vector<16xf32>
        %iota3A_920 = tpu.iota {dimensions = array<i32: 0>} : vector<16xi32>
        %xor3A_921 = arith.constant 2 : i32
        %xor3A_922 = vector.broadcast %xor3A_921 : i32 to vector<16xi32>
        %xor3A_923 = arith.xori %iota3A_920, %xor3A_922 : vector<16xi32>
        %lt3A_924 = arith.constant 0 : i32
        %lt3A_925 = vector.broadcast %lt3A_924 : i32 to vector<16xi32>
        %lt3A_926 = arith.cmpi slt, %xor3A_923, %lt3A_925 : vector<16xi32>
        %add3A_927 = arith.constant 16 : i32
        %add3A_928 = vector.broadcast %add3A_927 : i32 to vector<16xi32>
        %add3A_929 = arith.addi %xor3A_923, %add3A_928 : vector<16xi32>
        %select_n3A_930 = arith.select %lt3A_926, %add3A_929, %xor3A_923 : vector<16xi1>, vector<16xi32>
        %broadcast_in_dim3A_931 = vector.shape_cast %select_n3A_930 : vector<16xi32> to vector<16x1xi32>
        %gather3A_932 = vector.shape_cast %broadcast_in_dim3A_931 : vector<16x1xi32> to vector<16xi32>
        %gather3A_933 = tpu.dynamic_gather %add3A_919[%gather3A_932] in [0] : vector<16xf32>, vector<16xi32> -> vector<16xf32>
        %add3A_934 = arith.addf %add3A_919, %gather3A_933 : vector<16xf32>
        %iota3A_935 = tpu.iota {dimensions = array<i32: 0>} : vector<16xi32>
        %xor3A_936 = arith.constant 1 : i32
        %xor3A_937 = vector.broadcast %xor3A_936 : i32 to vector<16xi32>
        %xor3A_938 = arith.xori %iota3A_935, %xor3A_937 : vector<16xi32>
        %lt3A_939 = arith.constant 0 : i32
        %lt3A_940 = vector.broadcast %lt3A_939 : i32 to vector<16xi32>
        %lt3A_941 = arith.cmpi slt, %xor3A_938, %lt3A_940 : vector<16xi32>
        %add3A_942 = arith.constant 16 : i32
        %add3A_943 = vector.broadcast %add3A_942 : i32 to vector<16xi32>
        %add3A_944 = arith.addi %xor3A_938, %add3A_943 : vector<16xi32>
        %select_n3A_945 = arith.select %lt3A_941, %add3A_944, %xor3A_938 : vector<16xi1>, vector<16xi32>
        %broadcast_in_dim3A_946 = vector.shape_cast %select_n3A_945 : vector<16xi32> to vector<16x1xi32>
        %gather3A_947 = vector.shape_cast %broadcast_in_dim3A_946 : vector<16x1xi32> to vector<16xi32>
        %gather3A_948 = tpu.dynamic_gather %add3A_934[%gather3A_947] in [0] : vector<16xf32>, vector<16xi32> -> vector<16xf32>
        %add3A_949 = arith.addf %add3A_934, %gather3A_948 : vector<16xf32>
        %mul3A_950 = arith.constant 0.0883883461 : f32
        %mul3A_951 = vector.broadcast %mul3A_950 : f32 to vector<16xf32>
        %mul3A_952 = arith.mulf %add3A_949, %mul3A_951 : vector<16xf32>
        %exp3A = math.exp %mul3A_952 : vector<16xf32>
        %get3A_953 = arith.constant 0 : i32
        %get3A_954 = arith.index_cast %get3A_953 : i32 to index
        %get3A_955 = arith.index_cast %add3A_809 : i32 to index
        %get3A_956 = arith.constant 128 : index
        %get3A_957 = tpu.vector_load %arg14[%get3A_954, %get3A_955, %get3A_956] {strides = array<i32>} : memref<2x40x256xbf16, #tpu.memory_space<vmem>>, vector<32xbf16>,
        %unpack3A_958 = tpu.unpack_subelements %get3A_957, 0 {pack_format = #tpu.pack_format<interleaved>} : vector<32xbf16> -> vector<16xf32>
        %unpack3A_959 = tpu.unpack_subelements %get3A_957, 1 {pack_format = #tpu.pack_format<interleaved>} : vector<32xbf16> -> vector<16xf32>
        %mul3A_960 = arith.mulf %exp3A, %unpack3A_958 : vector<16xf32>
        %swap3A_961 = arith.constant 0 : i32
        %swap3A_962 = arith.index_cast %swap3A_961 : i32 to index
        %swap3A_963 = arith.index_cast %add3A_809 : i32 to index
        %swap3A_964 = arith.constant 0 : index
        %swap3A_965 = tpu.vector_load %arg16[%swap3A_962, %swap3A_963, %swap3A_964] {strides = array<i32>} : memref<2x40x160xf32, #tpu.memory_space<vmem>>, vector<16xf32>,
        tpu.vector_store %arg16[%swap3A_962, %swap3A_963, %swap3A_964], %mul3A_960 {strides = array<i32>} : memref<2x40x160xf32, #tpu.memory_space<vmem>>, vector<16xf32>,
        %mul3A_966 = arith.mulf %exp3A, %unpack3A_959 : vector<16xf32>
        %swap3A_967 = arith.constant 0 : i32
        %swap3A_968 = arith.index_cast %swap3A_967 : i32 to index
        %swap3A_969 = arith.index_cast %add3A_809 : i32 to index
        %swap3A_970 = arith.constant 16 : index
        %swap3A_971 = tpu.vector_load %arg16[%swap3A_968, %swap3A_969, %swap3A_970] {strides = array<i32>} : memref<2x40x160xf32, #tpu.memory_space<vmem>>, vector<16xf32>,
        tpu.vector_store %arg16[%swap3A_968, %swap3A_969, %swap3A_970], %mul3A_966 {strides = array<i32>} : memref<2x40x160xf32, #tpu.memory_space<vmem>>, vector<16xf32>,
        %get3A_972 = arith.constant 0 : i32
        %get3A_973 = arith.index_cast %get3A_972 : i32 to index
        %get3A_974 = arith.index_cast %add3A_809 : i32 to index
        %get3A_975 = arith.constant 160 : index
        %get3A_976 = tpu.vector_load %arg14[%get3A_973, %get3A_974, %get3A_975] {strides = array<i32>} : memref<2x40x256xbf16, #tpu.memory_space<vmem>>, vector<32xbf16>,
        %unpack3A_977 = tpu.unpack_subelements %get3A_976, 0 {pack_format = #tpu.pack_format<interleaved>} : vector<32xbf16> -> vector<16xf32>
        %unpack3A_978 = tpu.unpack_subelements %get3A_976, 1 {pack_format = #tpu.pack_format<interleaved>} : vector<32xbf16> -> vector<16xf32>
        %mul3A_979 = arith.mulf %exp3A, %unpack3A_977 : vector<16xf32>
        %swap3A_980 = arith.constant 0 : i32
        %swap3A_981 = arith.index_cast %swap3A_980 : i32 to index
        %swap3A_982 = arith.index_cast %add3A_809 : i32 to index
        %swap3A_983 = arith.constant 32 : index
        %swap3A_984 = tpu.vector_load %arg16[%swap3A_981, %swap3A_982, %swap3A_983] {strides = array<i32>} : memref<2x40x160xf32, #tpu.memory_space<vmem>>, vector<16xf32>,
        tpu.vector_store %arg16[%swap3A_981, %swap3A_982, %swap3A_983], %mul3A_979 {strides = array<i32>} : memref<2x40x160xf32, #tpu.memory_space<vmem>>, vector<16xf32>,
        %mul3A_985 = arith.mulf %exp3A, %unpack3A_978 : vector<16xf32>
        %swap3A_986 = arith.constant 0 : i32
        %swap3A_987 = arith.index_cast %swap3A_986 : i32 to index
        %swap3A_988 = arith.index_cast %add3A_809 : i32 to index
        %swap3A_989 = arith.constant 48 : index
        %swap3A_990 = tpu.vector_load %arg16[%swap3A_987, %swap3A_988, %swap3A_989] {strides = array<i32>} : memref<2x40x160xf32, #tpu.memory_space<vmem>>, vector<16xf32>,
        tpu.vector_store %arg16[%swap3A_987, %swap3A_988, %swap3A_989], %mul3A_985 {strides = array<i32>} : memref<2x40x160xf32, #tpu.memory_space<vmem>>, vector<16xf32>,
        %get3A_991 = arith.constant 0 : i32
        %get3A_992 = arith.index_cast %get3A_991 : i32 to index
        %get3A_993 = arith.index_cast %add3A_809 : i32 to index
        %get3A_994 = arith.constant 192 : index
        %get3A_995 = tpu.vector_load %arg14[%get3A_992, %get3A_993, %get3A_994] {strides = array<i32>} : memref<2x40x256xbf16, #tpu.memory_space<vmem>>, vector<32xbf16>,
        %unpack3A_996 = tpu.unpack_subelements %get3A_995, 0 {pack_format = #tpu.pack_format<interleaved>} : vector<32xbf16> -> vector<16xf32>
        %unpack3A_997 = tpu.unpack_subelements %get3A_995, 1 {pack_format = #tpu.pack_format<interleaved>} : vector<32xbf16> -> vector<16xf32>
        %mul3A_998 = arith.mulf %exp3A, %unpack3A_996 : vector<16xf32>
        %swap3A_999 = arith.constant 0 : i32
        %swap3A_1000 = arith.index_cast %swap3A_999 : i32 to index
        %swap3A_1001 = arith.index_cast %add3A_809 : i32 to index
        %swap3A_1002 = arith.constant 64 : index
        %swap3A_1003 = tpu.vector_load %arg16[%swap3A_1000, %swap3A_1001, %swap3A_1002] {strides = array<i32>} : memref<2x40x160xf32, #tpu.memory_space<vmem>>, vector<16xf32>,
        tpu.vector_store %arg16[%swap3A_1000, %swap3A_1001, %swap3A_1002], %mul3A_998 {strides = array<i32>} : memref<2x40x160xf32, #tpu.memory_space<vmem>>, vector<16xf32>,
        %mul3A_1004 = arith.mulf %exp3A, %unpack3A_997 : vector<16xf32>
        %swap3A_1005 = arith.constant 0 : i32
        %swap3A_1006 = arith.index_cast %swap3A_1005 : i32 to index
        %swap3A_1007 = arith.index_cast %add3A_809 : i32 to index
        %swap3A_1008 = arith.constant 80 : index
        %swap3A_1009 = tpu.vector_load %arg16[%swap3A_1006, %swap3A_1007, %swap3A_1008] {strides = array<i32>} : memref<2x40x160xf32, #tpu.memory_space<vmem>>, vector<16xf32>,
        tpu.vector_store %arg16[%swap3A_1006, %swap3A_1007, %swap3A_1008], %mul3A_1004 {strides = array<i32>} : memref<2x40x160xf32, #tpu.memory_space<vmem>>, vector<16xf32>,
        %get3A_1010 = arith.constant 0 : i32
        %get3A_1011 = arith.index_cast %get3A_1010 : i32 to index
        %get3A_1012 = arith.index_cast %add3A_809 : i32 to index
        %get3A_1013 = arith.constant 224 : index
        %get3A_1014 = tpu.vector_load %arg14[%get3A_1011, %get3A_1012, %get3A_1013] {strides = array<i32>} : memref<2x40x256xbf16, #tpu.memory_space<vmem>>, vector<32xbf16>,
        %unpack3A_1015 = tpu.unpack_subelements %get3A_1014, 0 {pack_format = #tpu.pack_format<interleaved>} : vector<32xbf16> -> vector<16xf32>
        %unpack3A_1016 = tpu.unpack_subelements %get3A_1014, 1 {pack_format = #tpu.pack_format<interleaved>} : vector<32xbf16> -> vector<16xf32>
        %mul3A_1017 = arith.mulf %exp3A, %unpack3A_1015 : vector<16xf32>
        %swap3A_1018 = arith.constant 0 : i32
        %swap3A_1019 = arith.index_cast %swap3A_1018 : i32 to index
        %swap3A_1020 = arith.index_cast %add3A_809 : i32 to index
        %swap3A_1021 = arith.constant 96 : index
        %swap3A_1022 = tpu.vector_load %arg16[%swap3A_1019, %swap3A_1020, %swap3A_1021] {strides = array<i32>} : memref<2x40x160xf32, #tpu.memory_space<vmem>>, vector<16xf32>,
        tpu.vector_store %arg16[%swap3A_1019, %swap3A_1020, %swap3A_1021], %mul3A_1017 {strides = array<i32>} : memref<2x40x160xf32, #tpu.memory_space<vmem>>, vector<16xf32>,
        %mul3A_1023 = arith.mulf %exp3A, %unpack3A_1016 : vector<16xf32>
        %swap3A_1024 = arith.constant 0 : i32
        %swap3A_1025 = arith.index_cast %swap3A_1024 : i32 to index
        %swap3A_1026 = arith.index_cast %add3A_809 : i32 to index
        %swap3A_1027 = arith.constant 112 : index
        %swap3A_1028 = tpu.vector_load %arg16[%swap3A_1025, %swap3A_1026, %swap3A_1027] {strides = array<i32>} : memref<2x40x160xf32, #tpu.memory_space<vmem>>, vector<16xf32>,
        tpu.vector_store %arg16[%swap3A_1025, %swap3A_1026, %swap3A_1027], %mul3A_1023 {strides = array<i32>} : memref<2x40x160xf32, #tpu.memory_space<vmem>>, vector<16xf32>,
        %mul3A_1029 = arith.mulf %exp3A, %get3A_814 : vector<16xf32>
        %swap3A_1030 = arith.constant 0 : i32
        %swap3A_1031 = arith.index_cast %swap3A_1030 : i32 to index
        %swap3A_1032 = arith.index_cast %add3A_809 : i32 to index
        %swap3A_1033 = arith.constant 128 : index
        %swap3A_1034 = tpu.vector_load %arg16[%swap3A_1031, %swap3A_1032, %swap3A_1033] {strides = array<i32>} : memref<2x40x160xf32, #tpu.memory_space<vmem>>, vector<16xf32>,
        tpu.vector_store %arg16[%swap3A_1031, %swap3A_1032, %swap3A_1033], %mul3A_1029 {strides = array<i32>} : memref<2x40x160xf32, #tpu.memory_space<vmem>>, vector<16xf32>,
        %mul3A_1035 = arith.mulf %exp3A, %convert_element_type3A_4 : vector<16xf32>
        %swap3A_1036 = arith.constant 0 : i32
        %swap3A_1037 = arith.index_cast %swap3A_1036 : i32 to index
        %swap3A_1038 = arith.index_cast %add3A_809 : i32 to index
        %swap3A_1039 = arith.constant 144 : index
        %swap3A_1040 = tpu.vector_load %arg16[%swap3A_1037, %swap3A_1038, %swap3A_1039] {strides = array<i32>} : memref<2x40x160xf32, #tpu.memory_space<vmem>>, vector<16xf32>,
        tpu.vector_store %arg16[%swap3A_1037, %swap3A_1038, %swap3A_1039], %mul3A_1035 {strides = array<i32>} : memref<2x40x160xf32, #tpu.memory_space<vmem>>, vector<16xf32>,
        %mul3A_1041 = arith.constant 4 : i32
        %mul3A_1042 = arith.muli %scan3A_805, %mul3A_1041 : i32
        %add3A_1043 = arith.constant 1 : i32
        %add3A_1044 = arith.addi %mul3A_1042, %add3A_1043 : i32
        %get3A_1045 = arith.constant 0 : i32
        %get3A_1046 = arith.index_cast %get3A_1045 : i32 to index
        %get3A_1047 = arith.index_cast %add3A_1044 : i32 to index
        %get3A_1048 = arith.constant 0 : index
        %get3A_1049 = tpu.vector_load %arg15[%get3A_1046, %get3A_1047, %get3A_1048] {strides = array<i32>} : memref<2x40x16xf32, #tpu.memory_space<vmem>>, vector<16xf32>,
        %get3A_1050 = arith.constant 0 : i32
        %get3A_1051 = arith.index_cast %get3A_1050 : i32 to index
        %get3A_1052 = arith.index_cast %add3A_1044 : i32 to index
        %get3A_1053 = arith.constant 0 : index
        %get3A_1054 = tpu.vector_load %arg13[%get3A_1051, %get3A_1052, %get3A_1053] {strides = array<i32>} : memref<2x40x16xf32, #tpu.memory_space<vmem>>, vector<16xf32>,
        %mul3A_1055 = arith.mulf %get3A_1054, %get3A_1049 : vector<16xf32>
        %get3A_1056 = arith.constant 0 : i32
        %get3A_1057 = arith.index_cast %get3A_1056 : i32 to index
        %get3A_1058 = arith.index_cast %add3A_1044 : i32 to index
        %get3A_1059 = arith.constant 0 : index
        %get3A_1060 = tpu.vector_load %arg14[%get3A_1057, %get3A_1058, %get3A_1059] {strides = array<i32>} : memref<2x40x256xbf16, #tpu.memory_space<vmem>>, vector<32xbf16>,
        %unpack3A_1061 = tpu.unpack_subelements %get3A_1060, 0 {pack_format = #tpu.pack_format<interleaved>} : vector<32xbf16> -> vector<16xf32>
        %unpack3A_1062 = tpu.unpack_subelements %get3A_1060, 1 {pack_format = #tpu.pack_format<interleaved>} : vector<32xbf16> -> vector<16xf32>
        %get3A_1063 = arith.constant 0 : i32
        %get3A_1064 = arith.index_cast %get3A_1063 : i32 to index
        %get3A_1065 = arith.index_cast %add3A_1044 : i32 to index
        %get3A_1066 = arith.constant 0 : index
        %get3A_1067 = tpu.vector_load %arg12[%get3A_1064, %get3A_1065, %get3A_1066] {strides = array<i32>} : memref<2x40x128xbf16, #tpu.memory_space<vmem>>, vector<32xbf16>,
        %unpack3A_1068 = tpu.unpack_subelements %get3A_1067, 0 {pack_format = #tpu.pack_format<interleaved>} : vector<32xbf16> -> vector<16xf32>
        %unpack3A_1069 = tpu.unpack_subelements %get3A_1067, 1 {pack_format = #tpu.pack_format<interleaved>} : vector<32xbf16> -> vector<16xf32>
        %mul3A_1070 = arith.mulf %unpack3A_1068, %unpack3A_1061 : vector<16xf32>
        %add3A_1071 = arith.addf %mul3A_1055, %mul3A_1070 : vector<16xf32>
        %mul3A_1072 = arith.mulf %unpack3A_1069, %unpack3A_1062 : vector<16xf32>
        %add3A_1073 = arith.addf %add3A_1071, %mul3A_1072 : vector<16xf32>
        %get3A_1074 = arith.constant 0 : i32
        %get3A_1075 = arith.index_cast %get3A_1074 : i32 to index
        %get3A_1076 = arith.index_cast %add3A_1044 : i32 to index
        %get3A_1077 = arith.constant 32 : index
        %get3A_1078 = tpu.vector_load %arg14[%get3A_1075, %get3A_1076, %get3A_1077] {strides = array<i32>} : memref<2x40x256xbf16, #tpu.memory_space<vmem>>, vector<32xbf16>,
        %unpack3A_1079 = tpu.unpack_subelements %get3A_1078, 0 {pack_format = #tpu.pack_format<interleaved>} : vector<32xbf16> -> vector<16xf32>
        %unpack3A_1080 = tpu.unpack_subelements %get3A_1078, 1 {pack_format = #tpu.pack_format<interleaved>} : vector<32xbf16> -> vector<16xf32>
        %get3A_1081 = arith.constant 0 : i32
        %get3A_1082 = arith.index_cast %get3A_1081 : i32 to index
        %get3A_1083 = arith.index_cast %add3A_1044 : i32 to index
        %get3A_1084 = arith.constant 32 : index
        %get3A_1085 = tpu.vector_load %arg12[%get3A_1082, %get3A_1083, %get3A_1084] {strides = array<i32>} : memref<2x40x128xbf16, #tpu.memory_space<vmem>>, vector<32xbf16>,
        %unpack3A_1086 = tpu.unpack_subelements %get3A_1085, 0 {pack_format = #tpu.pack_format<interleaved>} : vector<32xbf16> -> vector<16xf32>
        %unpack3A_1087 = tpu.unpack_subelements %get3A_1085, 1 {pack_format = #tpu.pack_format<interleaved>} : vector<32xbf16> -> vector<16xf32>
        %mul3A_1088 = arith.mulf %unpack3A_1086, %unpack3A_1079 : vector<16xf32>
        %add3A_1089 = arith.addf %add3A_1073, %mul3A_1088 : vector<16xf32>
        %mul3A_1090 = arith.mulf %unpack3A_1087, %unpack3A_1080 : vector<16xf32>
        %add3A_1091 = arith.addf %add3A_1089, %mul3A_1090 : vector<16xf32>
        %get3A_1092 = arith.constant 0 : i32
        %get3A_1093 = arith.index_cast %get3A_1092 : i32 to index
        %get3A_1094 = arith.index_cast %add3A_1044 : i32 to index
        %get3A_1095 = arith.constant 64 : index
        %get3A_1096 = tpu.vector_load %arg14[%get3A_1093, %get3A_1094, %get3A_1095] {strides = array<i32>} : memref<2x40x256xbf16, #tpu.memory_space<vmem>>, vector<32xbf16>,
        %unpack3A_1097 = tpu.unpack_subelements %get3A_1096, 0 {pack_format = #tpu.pack_format<interleaved>} : vector<32xbf16> -> vector<16xf32>
        %unpack3A_1098 = tpu.unpack_subelements %get3A_1096, 1 {pack_format = #tpu.pack_format<interleaved>} : vector<32xbf16> -> vector<16xf32>
        %get3A_1099 = arith.constant 0 : i32
        %get3A_1100 = arith.index_cast %get3A_1099 : i32 to index
        %get3A_1101 = arith.index_cast %add3A_1044 : i32 to index
        %get3A_1102 = arith.constant 64 : index
        %get3A_1103 = tpu.vector_load %arg12[%get3A_1100, %get3A_1101, %get3A_1102] {strides = array<i32>} : memref<2x40x128xbf16, #tpu.memory_space<vmem>>, vector<32xbf16>,
        %unpack3A_1104 = tpu.unpack_subelements %get3A_1103, 0 {pack_format = #tpu.pack_format<interleaved>} : vector<32xbf16> -> vector<16xf32>
        %unpack3A_1105 = tpu.unpack_subelements %get3A_1103, 1 {pack_format = #tpu.pack_format<interleaved>} : vector<32xbf16> -> vector<16xf32>
        %mul3A_1106 = arith.mulf %unpack3A_1104, %unpack3A_1097 : vector<16xf32>
        %add3A_1107 = arith.addf %add3A_1091, %mul3A_1106 : vector<16xf32>
        %mul3A_1108 = arith.mulf %unpack3A_1105, %unpack3A_1098 : vector<16xf32>
        %add3A_1109 = arith.addf %add3A_1107, %mul3A_1108 : vector<16xf32>
        %get3A_1110 = arith.constant 0 : i32
        %get3A_1111 = arith.index_cast %get3A_1110 : i32 to index
        %get3A_1112 = arith.index_cast %add3A_1044 : i32 to index
        %get3A_1113 = arith.constant 96 : index
        %get3A_1114 = tpu.vector_load %arg14[%get3A_1111, %get3A_1112, %get3A_1113] {strides = array<i32>} : memref<2x40x256xbf16, #tpu.memory_space<vmem>>, vector<32xbf16>,
        %unpack3A_1115 = tpu.unpack_subelements %get3A_1114, 0 {pack_format = #tpu.pack_format<interleaved>} : vector<32xbf16> -> vector<16xf32>
        %unpack3A_1116 = tpu.unpack_subelements %get3A_1114, 1 {pack_format = #tpu.pack_format<interleaved>} : vector<32xbf16> -> vector<16xf32>
        %get3A_1117 = arith.constant 0 : i32
        %get3A_1118 = arith.index_cast %get3A_1117 : i32 to index
        %get3A_1119 = arith.index_cast %add3A_1044 : i32 to index
        %get3A_1120 = arith.constant 96 : index
        %get3A_1121 = tpu.vector_load %arg12[%get3A_1118, %get3A_1119, %get3A_1120] {strides = array<i32>} : memref<2x40x128xbf16, #tpu.memory_space<vmem>>, vector<32xbf16>,
        %unpack3A_1122 = tpu.unpack_subelements %get3A_1121, 0 {pack_format = #tpu.pack_format<interleaved>} : vector<32xbf16> -> vector<16xf32>
        %unpack3A_1123 = tpu.unpack_subelements %get3A_1121, 1 {pack_format = #tpu.pack_format<interleaved>} : vector<32xbf16> -> vector<16xf32>
        %mul3A_1124 = arith.mulf %unpack3A_1122, %unpack3A_1115 : vector<16xf32>
        %add3A_1125 = arith.addf %add3A_1109, %mul3A_1124 : vector<16xf32>
        %mul3A_1126 = arith.mulf %unpack3A_1123, %unpack3A_1116 : vector<16xf32>
        %add3A_1127 = arith.addf %add3A_1125, %mul3A_1126 : vector<16xf32>
        %iota3A_1128 = tpu.iota {dimensions = array<i32: 0>} : vector<16xi32>
        %xor3A_1129 = arith.constant 8 : i32
        %xor3A_1130 = vector.broadcast %xor3A_1129 : i32 to vector<16xi32>
        %xor3A_1131 = arith.xori %iota3A_1128, %xor3A_1130 : vector<16xi32>
        %lt3A_1132 = arith.constant 0 : i32
        %lt3A_1133 = vector.broadcast %lt3A_1132 : i32 to vector<16xi32>
        %lt3A_1134 = arith.cmpi slt, %xor3A_1131, %lt3A_1133 : vector<16xi32>
        %add3A_1135 = arith.constant 16 : i32
        %add3A_1136 = vector.broadcast %add3A_1135 : i32 to vector<16xi32>
        %add3A_1137 = arith.addi %xor3A_1131, %add3A_1136 : vector<16xi32>
        %select_n3A_1138 = arith.select %lt3A_1134, %add3A_1137, %xor3A_1131 : vector<16xi1>, vector<16xi32>
        %broadcast_in_dim3A_1139 = vector.shape_cast %select_n3A_1138 : vector<16xi32> to vector<16x1xi32>
        %gather3A_1140 = vector.shape_cast %broadcast_in_dim3A_1139 : vector<16x1xi32> to vector<16xi32>
        %gather3A_1141 = tpu.dynamic_gather %add3A_1127[%gather3A_1140] in [0] : vector<16xf32>, vector<16xi32> -> vector<16xf32>
        %add3A_1142 = arith.addf %add3A_1127, %gather3A_1141 : vector<16xf32>
        %iota3A_1143 = tpu.iota {dimensions = array<i32: 0>} : vector<16xi32>
        %xor3A_1144 = arith.constant 4 : i32
        %xor3A_1145 = vector.broadcast %xor3A_1144 : i32 to vector<16xi32>
        %xor3A_1146 = arith.xori %iota3A_1143, %xor3A_1145 : vector<16xi32>
        %lt3A_1147 = arith.constant 0 : i32
        %lt3A_1148 = vector.broadcast %lt3A_1147 : i32 to vector<16xi32>
        %lt3A_1149 = arith.cmpi slt, %xor3A_1146, %lt3A_1148 : vector<16xi32>
        %add3A_1150 = arith.constant 16 : i32
        %add3A_1151 = vector.broadcast %add3A_1150 : i32 to vector<16xi32>
        %add3A_1152 = arith.addi %xor3A_1146, %add3A_1151 : vector<16xi32>
        %select_n3A_1153 = arith.select %lt3A_1149, %add3A_1152, %xor3A_1146 : vector<16xi1>, vector<16xi32>
        %broadcast_in_dim3A_1154 = vector.shape_cast %select_n3A_1153 : vector<16xi32> to vector<16x1xi32>
        %gather3A_1155 = vector.shape_cast %broadcast_in_dim3A_1154 : vector<16x1xi32> to vector<16xi32>
        %gather3A_1156 = tpu.dynamic_gather %add3A_1142[%gather3A_1155] in [0] : vector<16xf32>, vector<16xi32> -> vector<16xf32>
        %add3A_1157 = arith.addf %add3A_1142, %gather3A_1156 : vector<16xf32>
        %iota3A_1158 = tpu.iota {dimensions = array<i32: 0>} : vector<16xi32>
        %xor3A_1159 = arith.constant 2 : i32
        %xor3A_1160 = vector.broadcast %xor3A_1159 : i32 to vector<16xi32>
        %xor3A_1161 = arith.xori %iota3A_1158, %xor3A_1160 : vector<16xi32>
        %lt3A_1162 = arith.constant 0 : i32
        %lt3A_1163 = vector.broadcast %lt3A_1162 : i32 to vector<16xi32>
        %lt3A_1164 = arith.cmpi slt, %xor3A_1161, %lt3A_1163 : vector<16xi32>
        %add3A_1165 = arith.constant 16 : i32
        %add3A_1166 = vector.broadcast %add3A_1165 : i32 to vector<16xi32>
        %add3A_1167 = arith.addi %xor3A_1161, %add3A_1166 : vector<16xi32>
        %select_n3A_1168 = arith.select %lt3A_1164, %add3A_1167, %xor3A_1161 : vector<16xi1>, vector<16xi32>
        %broadcast_in_dim3A_1169 = vector.shape_cast %select_n3A_1168 : vector<16xi32> to vector<16x1xi32>
        %gather3A_1170 = vector.shape_cast %broadcast_in_dim3A_1169 : vector<16x1xi32> to vector<16xi32>
        %gather3A_1171 = tpu.dynamic_gather %add3A_1157[%gather3A_1170] in [0] : vector<16xf32>, vector<16xi32> -> vector<16xf32>
        %add3A_1172 = arith.addf %add3A_1157, %gather3A_1171 : vector<16xf32>
        %iota3A_1173 = tpu.iota {dimensions = array<i32: 0>} : vector<16xi32>
        %xor3A_1174 = arith.constant 1 : i32
        %xor3A_1175 = vector.broadcast %xor3A_1174 : i32 to vector<16xi32>
        %xor3A_1176 = arith.xori %iota3A_1173, %xor3A_1175 : vector<16xi32>
        %lt3A_1177 = arith.constant 0 : i32
        %lt3A_1178 = vector.broadcast %lt3A_1177 : i32 to vector<16xi32>
        %lt3A_1179 = arith.cmpi slt, %xor3A_1176, %lt3A_1178 : vector<16xi32>
        %add3A_1180 = arith.constant 16 : i32
        %add3A_1181 = vector.broadcast %add3A_1180 : i32 to vector<16xi32>
        %add3A_1182 = arith.addi %xor3A_1176, %add3A_1181 : vector<16xi32>
        %select_n3A_1183 = arith.select %lt3A_1179, %add3A_1182, %xor3A_1176 : vector<16xi1>, vector<16xi32>
        %broadcast_in_dim3A_1184 = vector.shape_cast %select_n3A_1183 : vector<16xi32> to vector<16x1xi32>
        %gather3A_1185 = vector.shape_cast %broadcast_in_dim3A_1184 : vector<16x1xi32> to vector<16xi32>
        %gather3A_1186 = tpu.dynamic_gather %add3A_1172[%gather3A_1185] in [0] : vector<16xf32>, vector<16xi32> -> vector<16xf32>
        %add3A_1187 = arith.addf %add3A_1172, %gather3A_1186 : vector<16xf32>
        %mul3A_1188 = arith.constant 0.0883883461 : f32
        %mul3A_1189 = vector.broadcast %mul3A_1188 : f32 to vector<16xf32>
        %mul3A_1190 = arith.mulf %add3A_1187, %mul3A_1189 : vector<16xf32>
        %exp3A_1191 = math.exp %mul3A_1190 : vector<16xf32>
        %get3A_1192 = arith.constant 0 : i32
        %get3A_1193 = arith.index_cast %get3A_1192 : i32 to index
        %get3A_1194 = arith.index_cast %add3A_1044 : i32 to index
        %get3A_1195 = arith.constant 128 : index
        %get3A_1196 = tpu.vector_load %arg14[%get3A_1193, %get3A_1194, %get3A_1195] {strides = array<i32>} : memref<2x40x256xbf16, #tpu.memory_space<vmem>>, vector<32xbf16>,
        %unpack3A_1197 = tpu.unpack_subelements %get3A_1196, 0 {pack_format = #tpu.pack_format<interleaved>} : vector<32xbf16> -> vector<16xf32>
        %unpack3A_1198 = tpu.unpack_subelements %get3A_1196, 1 {pack_format = #tpu.pack_format<interleaved>} : vector<32xbf16> -> vector<16xf32>
        %mul3A_1199 = arith.mulf %exp3A_1191, %unpack3A_1197 : vector<16xf32>
        %swap3A_1200 = arith.constant 0 : i32
        %swap3A_1201 = arith.index_cast %swap3A_1200 : i32 to index
        %swap3A_1202 = arith.index_cast %add3A_1044 : i32 to index
        %swap3A_1203 = arith.constant 0 : index
        %swap3A_1204 = tpu.vector_load %arg16[%swap3A_1201, %swap3A_1202, %swap3A_1203] {strides = array<i32>} : memref<2x40x160xf32, #tpu.memory_space<vmem>>, vector<16xf32>,
        tpu.vector_store %arg16[%swap3A_1201, %swap3A_1202, %swap3A_1203], %mul3A_1199 {strides = array<i32>} : memref<2x40x160xf32, #tpu.memory_space<vmem>>, vector<16xf32>,
        %mul3A_1205 = arith.mulf %exp3A_1191, %unpack3A_1198 : vector<16xf32>
        %swap3A_1206 = arith.constant 0 : i32
        %swap3A_1207 = arith.index_cast %swap3A_1206 : i32 to index
        %swap3A_1208 = arith.index_cast %add3A_1044 : i32 to index
        %swap3A_1209 = arith.constant 16 : index
        %swap3A_1210 = tpu.vector_load %arg16[%swap3A_1207, %swap3A_1208, %swap3A_1209] {strides = array<i32>} : memref<2x40x160xf32, #tpu.memory_space<vmem>>, vector<16xf32>,
        tpu.vector_store %arg16[%swap3A_1207, %swap3A_1208, %swap3A_1209], %mul3A_1205 {strides = array<i32>} : memref<2x40x160xf32, #tpu.memory_space<vmem>>, vector<16xf32>,
        %get3A_1211 = arith.constant 0 : i32
        %get3A_1212 = arith.index_cast %get3A_1211 : i32 to index
        %get3A_1213 = arith.index_cast %add3A_1044 : i32 to index
        %get3A_1214 = arith.constant 160 : index
        %get3A_1215 = tpu.vector_load %arg14[%get3A_1212, %get3A_1213, %get3A_1214] {strides = array<i32>} : memref<2x40x256xbf16, #tpu.memory_space<vmem>>, vector<32xbf16>,
        %unpack3A_1216 = tpu.unpack_subelements %get3A_1215, 0 {pack_format = #tpu.pack_format<interleaved>} : vector<32xbf16> -> vector<16xf32>
        %unpack3A_1217 = tpu.unpack_subelements %get3A_1215, 1 {pack_format = #tpu.pack_format<interleaved>} : vector<32xbf16> -> vector<16xf32>
        %mul3A_1218 = arith.mulf %exp3A_1191, %unpack3A_1216 : vector<16xf32>
        %swap3A_1219 = arith.constant 0 : i32
        %swap3A_1220 = arith.index_cast %swap3A_1219 : i32 to index
        %swap3A_1221 = arith.index_cast %add3A_1044 : i32 to index
        %swap3A_1222 = arith.constant 32 : index
        %swap3A_1223 = tpu.vector_load %arg16[%swap3A_1220, %swap3A_1221, %swap3A_1222] {strides = array<i32>} : memref<2x40x160xf32, #tpu.memory_space<vmem>>, vector<16xf32>,
        tpu.vector_store %arg16[%swap3A_1220, %swap3A_1221, %swap3A_1222], %mul3A_1218 {strides = array<i32>} : memref<2x40x160xf32, #tpu.memory_space<vmem>>, vector<16xf32>,
        %mul3A_1224 = arith.mulf %exp3A_1191, %unpack3A_1217 : vector<16xf32>
        %swap3A_1225 = arith.constant 0 : i32
        %swap3A_1226 = arith.index_cast %swap3A_1225 : i32 to index
        %swap3A_1227 = arith.index_cast %add3A_1044 : i32 to index
        %swap3A_1228 = arith.constant 48 : index
        %swap3A_1229 = tpu.vector_load %arg16[%swap3A_1226, %swap3A_1227, %swap3A_1228] {strides = array<i32>} : memref<2x40x160xf32, #tpu.memory_space<vmem>>, vector<16xf32>,
        tpu.vector_store %arg16[%swap3A_1226, %swap3A_1227, %swap3A_1228], %mul3A_1224 {strides = array<i32>} : memref<2x40x160xf32, #tpu.memory_space<vmem>>, vector<16xf32>,
        %get3A_1230 = arith.constant 0 : i32
        %get3A_1231 = arith.index_cast %get3A_1230 : i32 to index
        %get3A_1232 = arith.index_cast %add3A_1044 : i32 to index
        %get3A_1233 = arith.constant 192 : index
        %get3A_1234 = tpu.vector_load %arg14[%get3A_1231, %get3A_1232, %get3A_1233] {strides = array<i32>} : memref<2x40x256xbf16, #tpu.memory_space<vmem>>, vector<32xbf16>,
        %unpack3A_1235 = tpu.unpack_subelements %get3A_1234, 0 {pack_format = #tpu.pack_format<interleaved>} : vector<32xbf16> -> vector<16xf32>
        %unpack3A_1236 = tpu.unpack_subelements %get3A_1234, 1 {pack_format = #tpu.pack_format<interleaved>} : vector<32xbf16> -> vector<16xf32>
        %mul3A_1237 = arith.mulf %exp3A_1191, %unpack3A_1235 : vector<16xf32>
        %swap3A_1238 = arith.constant 0 : i32
        %swap3A_1239 = arith.index_cast %swap3A_1238 : i32 to index
        %swap3A_1240 = arith.index_cast %add3A_1044 : i32 to index
        %swap3A_1241 = arith.constant 64 : index
        %swap3A_1242 = tpu.vector_load %arg16[%swap3A_1239, %swap3A_1240, %swap3A_1241] {strides = array<i32>} : memref<2x40x160xf32, #tpu.memory_space<vmem>>, vector<16xf32>,
        tpu.vector_store %arg16[%swap3A_1239, %swap3A_1240, %swap3A_1241], %mul3A_1237 {strides = array<i32>} : memref<2x40x160xf32, #tpu.memory_space<vmem>>, vector<16xf32>,
        %mul3A_1243 = arith.mulf %exp3A_1191, %unpack3A_1236 : vector<16xf32>
        %swap3A_1244 = arith.constant 0 : i32
        %swap3A_1245 = arith.index_cast %swap3A_1244 : i32 to index
        %swap3A_1246 = arith.index_cast %add3A_1044 : i32 to index
        %swap3A_1247 = arith.constant 80 : index
        %swap3A_1248 = tpu.vector_load %arg16[%swap3A_1245, %swap3A_1246, %swap3A_1247] {strides = array<i32>} : memref<2x40x160xf32, #tpu.memory_space<vmem>>, vector<16xf32>,
        tpu.vector_store %arg16[%swap3A_1245, %swap3A_1246, %swap3A_1247], %mul3A_1243 {strides = array<i32>} : memref<2x40x160xf32, #tpu.memory_space<vmem>>, vector<16xf32>,
        %get3A_1249 = arith.constant 0 : i32
        %get3A_1250 = arith.index_cast %get3A_1249 : i32 to index
        %get3A_1251 = arith.index_cast %add3A_1044 : i32 to index
        %get3A_1252 = arith.constant 224 : index
        %get3A_1253 = tpu.vector_load %arg14[%get3A_1250, %get3A_1251, %get3A_1252] {strides = array<i32>} : memref<2x40x256xbf16, #tpu.memory_space<vmem>>, vector<32xbf16>,
        %unpack3A_1254 = tpu.unpack_subelements %get3A_1253, 0 {pack_format = #tpu.pack_format<interleaved>} : vector<32xbf16> -> vector<16xf32>
        %unpack3A_1255 = tpu.unpack_subelements %get3A_1253, 1 {pack_format = #tpu.pack_format<interleaved>} : vector<32xbf16> -> vector<16xf32>
        %mul3A_1256 = arith.mulf %exp3A_1191, %unpack3A_1254 : vector<16xf32>
        %swap3A_1257 = arith.constant 0 : i32
        %swap3A_1258 = arith.index_cast %swap3A_1257 : i32 to index
        %swap3A_1259 = arith.index_cast %add3A_1044 : i32 to index
        %swap3A_1260 = arith.constant 96 : index
        %swap3A_1261 = tpu.vector_load %arg16[%swap3A_1258, %swap3A_1259, %swap3A_1260] {strides = array<i32>} : memref<2x40x160xf32, #tpu.memory_space<vmem>>, vector<16xf32>,
        tpu.vector_store %arg16[%swap3A_1258, %swap3A_1259, %swap3A_1260], %mul3A_1256 {strides = array<i32>} : memref<2x40x160xf32, #tpu.memory_space<vmem>>, vector<16xf32>,
        %mul3A_1262 = arith.mulf %exp3A_1191, %unpack3A_1255 : vector<16xf32>
        %swap3A_1263 = arith.constant 0 : i32
        %swap3A_1264 = arith.index_cast %swap3A_1263 : i32 to index
        %swap3A_1265 = arith.index_cast %add3A_1044 : i32 to index
        %swap3A_1266 = arith.constant 112 : index
        %swap3A_1267 = tpu.vector_load %arg16[%swap3A_1264, %swap3A_1265, %swap3A_1266] {strides = array<i32>} : memref<2x40x160xf32, #tpu.memory_space<vmem>>, vector<16xf32>,
        tpu.vector_store %arg16[%swap3A_1264, %swap3A_1265, %swap3A_1266], %mul3A_1262 {strides = array<i32>} : memref<2x40x160xf32, #tpu.memory_space<vmem>>, vector<16xf32>,
        %mul3A_1268 = arith.mulf %exp3A_1191, %get3A_1049 : vector<16xf32>
        %swap3A_1269 = arith.constant 0 : i32
        %swap3A_1270 = arith.index_cast %swap3A_1269 : i32 to index
        %swap3A_1271 = arith.index_cast %add3A_1044 : i32 to index
        %swap3A_1272 = arith.constant 128 : index
        %swap3A_1273 = tpu.vector_load %arg16[%swap3A_1270, %swap3A_1271, %swap3A_1272] {strides = array<i32>} : memref<2x40x160xf32, #tpu.memory_space<vmem>>, vector<16xf32>,
        tpu.vector_store %arg16[%swap3A_1270, %swap3A_1271, %swap3A_1272], %mul3A_1268 {strides = array<i32>} : memref<2x40x160xf32, #tpu.memory_space<vmem>>, vector<16xf32>,
        %mul3A_1274 = arith.mulf %exp3A_1191, %convert_element_type3A_4 : vector<16xf32>
        %swap3A_1275 = arith.constant 0 : i32
        %swap3A_1276 = arith.index_cast %swap3A_1275 : i32 to index
        %swap3A_1277 = arith.index_cast %add3A_1044 : i32 to index
        %swap3A_1278 = arith.constant 144 : index
        %swap3A_1279 = tpu.vector_load %arg16[%swap3A_1276, %swap3A_1277, %swap3A_1278] {strides = array<i32>} : memref<2x40x160xf32, #tpu.memory_space<vmem>>, vector<16xf32>,
        tpu.vector_store %arg16[%swap3A_1276, %swap3A_1277, %swap3A_1278], %mul3A_1274 {strides = array<i32>} : memref<2x40x160xf32, #tpu.memory_space<vmem>>, vector<16xf32>,
        %mul3A_1280 = arith.constant 4 : i32
        %mul3A_1281 = arith.muli %scan3A_805, %mul3A_1280 : i32
        %add3A_1282 = arith.constant 2 : i32
        %add3A_1283 = arith.addi %mul3A_1281, %add3A_1282 : i32
        %get3A_1284 = arith.constant 0 : i32
        %get3A_1285 = arith.index_cast %get3A_1284 : i32 to index
        %get3A_1286 = arith.index_cast %add3A_1283 : i32 to index
        %get3A_1287 = arith.constant 0 : index
        %get3A_1288 = tpu.vector_load %arg15[%get3A_1285, %get3A_1286, %get3A_1287] {strides = array<i32>} : memref<2x40x16xf32, #tpu.memory_space<vmem>>, vector<16xf32>,
        %get3A_1289 = arith.constant 0 : i32
        %get3A_1290 = arith.index_cast %get3A_1289 : i32 to index
        %get3A_1291 = arith.index_cast %add3A_1283 : i32 to index
        %get3A_1292 = arith.constant 0 : index
        %get3A_1293 = tpu.vector_load %arg13[%get3A_1290, %get3A_1291, %get3A_1292] {strides = array<i32>} : memref<2x40x16xf32, #tpu.memory_space<vmem>>, vector<16xf32>,
        %mul3A_1294 = arith.mulf %get3A_1293, %get3A_1288 : vector<16xf32>
        %get3A_1295 = arith.constant 0 : i32
        %get3A_1296 = arith.index_cast %get3A_1295 : i32 to index
        %get3A_1297 = arith.index_cast %add3A_1283 : i32 to index
        %get3A_1298 = arith.constant 0 : index
        %get3A_1299 = tpu.vector_load %arg14[%get3A_1296, %get3A_1297, %get3A_1298] {strides = array<i32>} : memref<2x40x256xbf16, #tpu.memory_space<vmem>>, vector<32xbf16>,
        %unpack3A_1300 = tpu.unpack_subelements %get3A_1299, 0 {pack_format = #tpu.pack_format<interleaved>} : vector<32xbf16> -> vector<16xf32>
        %unpack3A_1301 = tpu.unpack_subelements %get3A_1299, 1 {pack_format = #tpu.pack_format<interleaved>} : vector<32xbf16> -> vector<16xf32>
        %get3A_1302 = arith.constant 0 : i32
        %get3A_1303 = arith.index_cast %get3A_1302 : i32 to index
        %get3A_1304 = arith.index_cast %add3A_1283 : i32 to index
        %get3A_1305 = arith.constant 0 : index
        %get3A_1306 = tpu.vector_load %arg12[%get3A_1303, %get3A_1304, %get3A_1305] {strides = array<i32>} : memref<2x40x128xbf16, #tpu.memory_space<vmem>>, vector<32xbf16>,
        %unpack3A_1307 = tpu.unpack_subelements %get3A_1306, 0 {pack_format = #tpu.pack_format<interleaved>} : vector<32xbf16> -> vector<16xf32>
        %unpack3A_1308 = tpu.unpack_subelements %get3A_1306, 1 {pack_format = #tpu.pack_format<interleaved>} : vector<32xbf16> -> vector<16xf32>
        %mul3A_1309 = arith.mulf %unpack3A_1307, %unpack3A_1300 : vector<16xf32>
        %add3A_1310 = arith.addf %mul3A_1294, %mul3A_1309 : vector<16xf32>
        %mul3A_1311 = arith.mulf %unpack3A_1308, %unpack3A_1301 : vector<16xf32>
        %add3A_1312 = arith.addf %add3A_1310, %mul3A_1311 : vector<16xf32>
        %get3A_1313 = arith.constant 0 : i32
        %get3A_1314 = arith.index_cast %get3A_1313 : i32 to index
        %get3A_1315 = arith.index_cast %add3A_1283 : i32 to index
        %get3A_1316 = arith.constant 32 : index
        %get3A_1317 = tpu.vector_load %arg14[%get3A_1314, %get3A_1315, %get3A_1316] {strides = array<i32>} : memref<2x40x256xbf16, #tpu.memory_space<vmem>>, vector<32xbf16>,
        %unpack3A_1318 = tpu.unpack_subelements %get3A_1317, 0 {pack_format = #tpu.pack_format<interleaved>} : vector<32xbf16> -> vector<16xf32>
        %unpack3A_1319 = tpu.unpack_subelements %get3A_1317, 1 {pack_format = #tpu.pack_format<interleaved>} : vector<32xbf16> -> vector<16xf32>
        %get3A_1320 = arith.constant 0 : i32
        %get3A_1321 = arith.index_cast %get3A_1320 : i32 to index
        %get3A_1322 = arith.index_cast %add3A_1283 : i32 to index
        %get3A_1323 = arith.constant 32 : index
        %get3A_1324 = tpu.vector_load %arg12[%get3A_1321, %get3A_1322, %get3A_1323] {strides = array<i32>} : memref<2x40x128xbf16, #tpu.memory_space<vmem>>, vector<32xbf16>,
        %unpack3A_1325 = tpu.unpack_subelements %get3A_1324, 0 {pack_format = #tpu.pack_format<interleaved>} : vector<32xbf16> -> vector<16xf32>
        %unpack3A_1326 = tpu.unpack_subelements %get3A_1324, 1 {pack_format = #tpu.pack_format<interleaved>} : vector<32xbf16> -> vector<16xf32>
        %mul3A_1327 = arith.mulf %unpack3A_1325, %unpack3A_1318 : vector<16xf32>
        %add3A_1328 = arith.addf %add3A_1312, %mul3A_1327 : vector<16xf32>
        %mul3A_1329 = arith.mulf %unpack3A_1326, %unpack3A_1319 : vector<16xf32>
        %add3A_1330 = arith.addf %add3A_1328, %mul3A_1329 : vector<16xf32>
        %get3A_1331 = arith.constant 0 : i32
        %get3A_1332 = arith.index_cast %get3A_1331 : i32 to index
        %get3A_1333 = arith.index_cast %add3A_1283 : i32 to index
        %get3A_1334 = arith.constant 64 : index
        %get3A_1335 = tpu.vector_load %arg14[%get3A_1332, %get3A_1333, %get3A_1334] {strides = array<i32>} : memref<2x40x256xbf16, #tpu.memory_space<vmem>>, vector<32xbf16>,
        %unpack3A_1336 = tpu.unpack_subelements %get3A_1335, 0 {pack_format = #tpu.pack_format<interleaved>} : vector<32xbf16> -> vector<16xf32>
        %unpack3A_1337 = tpu.unpack_subelements %get3A_1335, 1 {pack_format = #tpu.pack_format<interleaved>} : vector<32xbf16> -> vector<16xf32>
        %get3A_1338 = arith.constant 0 : i32
        %get3A_1339 = arith.index_cast %get3A_1338 : i32 to index
        %get3A_1340 = arith.index_cast %add3A_1283 : i32 to index
        %get3A_1341 = arith.constant 64 : index
        %get3A_1342 = tpu.vector_load %arg12[%get3A_1339, %get3A_1340, %get3A_1341] {strides = array<i32>} : memref<2x40x128xbf16, #tpu.memory_space<vmem>>, vector<32xbf16>,
        %unpack3A_1343 = tpu.unpack_subelements %get3A_1342, 0 {pack_format = #tpu.pack_format<interleaved>} : vector<32xbf16> -> vector<16xf32>
        %unpack3A_1344 = tpu.unpack_subelements %get3A_1342, 1 {pack_format = #tpu.pack_format<interleaved>} : vector<32xbf16> -> vector<16xf32>
        %mul3A_1345 = arith.mulf %unpack3A_1343, %unpack3A_1336 : vector<16xf32>
        %add3A_1346 = arith.addf %add3A_1330, %mul3A_1345 : vector<16xf32>
        %mul3A_1347 = arith.mulf %unpack3A_1344, %unpack3A_1337 : vector<16xf32>
        %add3A_1348 = arith.addf %add3A_1346, %mul3A_1347 : vector<16xf32>
        %get3A_1349 = arith.constant 0 : i32
        %get3A_1350 = arith.index_cast %get3A_1349 : i32 to index
        %get3A_1351 = arith.index_cast %add3A_1283 : i32 to index
        %get3A_1352 = arith.constant 96 : index
        %get3A_1353 = tpu.vector_load %arg14[%get3A_1350, %get3A_1351, %get3A_1352] {strides = array<i32>} : memref<2x40x256xbf16, #tpu.memory_space<vmem>>, vector<32xbf16>,
        %unpack3A_1354 = tpu.unpack_subelements %get3A_1353, 0 {pack_format = #tpu.pack_format<interleaved>} : vector<32xbf16> -> vector<16xf32>
        %unpack3A_1355 = tpu.unpack_subelements %get3A_1353, 1 {pack_format = #tpu.pack_format<interleaved>} : vector<32xbf16> -> vector<16xf32>
        %get3A_1356 = arith.constant 0 : i32
        %get3A_1357 = arith.index_cast %get3A_1356 : i32 to index
        %get3A_1358 = arith.index_cast %add3A_1283 : i32 to index
        %get3A_1359 = arith.constant 96 : index
        %get3A_1360 = tpu.vector_load %arg12[%get3A_1357, %get3A_1358, %get3A_1359] {strides = array<i32>} : memref<2x40x128xbf16, #tpu.memory_space<vmem>>, vector<32xbf16>,
        %unpack3A_1361 = tpu.unpack_subelements %get3A_1360, 0 {pack_format = #tpu.pack_format<interleaved>} : vector<32xbf16> -> vector<16xf32>
        %unpack3A_1362 = tpu.unpack_subelements %get3A_1360, 1 {pack_format = #tpu.pack_format<interleaved>} : vector<32xbf16> -> vector<16xf32>
        %mul3A_1363 = arith.mulf %unpack3A_1361, %unpack3A_1354 : vector<16xf32>
        %add3A_1364 = arith.addf %add3A_1348, %mul3A_1363 : vector<16xf32>
        %mul3A_1365 = arith.mulf %unpack3A_1362, %unpack3A_1355 : vector<16xf32>
        %add3A_1366 = arith.addf %add3A_1364, %mul3A_1365 : vector<16xf32>
        %iota3A_1367 = tpu.iota {dimensions = array<i32: 0>} : vector<16xi32>
        %xor3A_1368 = arith.constant 8 : i32
        %xor3A_1369 = vector.broadcast %xor3A_1368 : i32 to vector<16xi32>
        %xor3A_1370 = arith.xori %iota3A_1367, %xor3A_1369 : vector<16xi32>
        %lt3A_1371 = arith.constant 0 : i32
        %lt3A_1372 = vector.broadcast %lt3A_1371 : i32 to vector<16xi32>
        %lt3A_1373 = arith.cmpi slt, %xor3A_1370, %lt3A_1372 : vector<16xi32>
        %add3A_1374 = arith.constant 16 : i32
        %add3A_1375 = vector.broadcast %add3A_1374 : i32 to vector<16xi32>
        %add3A_1376 = arith.addi %xor3A_1370, %add3A_1375 : vector<16xi32>
        %select_n3A_1377 = arith.select %lt3A_1373, %add3A_1376, %xor3A_1370 : vector<16xi1>, vector<16xi32>
        %broadcast_in_dim3A_1378 = vector.shape_cast %select_n3A_1377 : vector<16xi32> to vector<16x1xi32>
        %gather3A_1379 = vector.shape_cast %broadcast_in_dim3A_1378 : vector<16x1xi32> to vector<16xi32>
        %gather3A_1380 = tpu.dynamic_gather %add3A_1366[%gather3A_1379] in [0] : vector<16xf32>, vector<16xi32> -> vector<16xf32>
        %add3A_1381 = arith.addf %add3A_1366, %gather3A_1380 : vector<16xf32>
        %iota3A_1382 = tpu.iota {dimensions = array<i32: 0>} : vector<16xi32>
        %xor3A_1383 = arith.constant 4 : i32
        %xor3A_1384 = vector.broadcast %xor3A_1383 : i32 to vector<16xi32>
        %xor3A_1385 = arith.xori %iota3A_1382, %xor3A_1384 : vector<16xi32>
        %lt3A_1386 = arith.constant 0 : i32
        %lt3A_1387 = vector.broadcast %lt3A_1386 : i32 to vector<16xi32>
        %lt3A_1388 = arith.cmpi slt, %xor3A_1385, %lt3A_1387 : vector<16xi32>
        %add3A_1389 = arith.constant 16 : i32
        %add3A_1390 = vector.broadcast %add3A_1389 : i32 to vector<16xi32>
        %add3A_1391 = arith.addi %xor3A_1385, %add3A_1390 : vector<16xi32>
        %select_n3A_1392 = arith.select %lt3A_1388, %add3A_1391, %xor3A_1385 : vector<16xi1>, vector<16xi32>
        %broadcast_in_dim3A_1393 = vector.shape_cast %select_n3A_1392 : vector<16xi32> to vector<16x1xi32>
        %gather3A_1394 = vector.shape_cast %broadcast_in_dim3A_1393 : vector<16x1xi32> to vector<16xi32>
        %gather3A_1395 = tpu.dynamic_gather %add3A_1381[%gather3A_1394] in [0] : vector<16xf32>, vector<16xi32> -> vector<16xf32>
        %add3A_1396 = arith.addf %add3A_1381, %gather3A_1395 : vector<16xf32>
        %iota3A_1397 = tpu.iota {dimensions = array<i32: 0>} : vector<16xi32>
        %xor3A_1398 = arith.constant 2 : i32
        %xor3A_1399 = vector.broadcast %xor3A_1398 : i32 to vector<16xi32>
        %xor3A_1400 = arith.xori %iota3A_1397, %xor3A_1399 : vector<16xi32>
        %lt3A_1401 = arith.constant 0 : i32
        %lt3A_1402 = vector.broadcast %lt3A_1401 : i32 to vector<16xi32>
        %lt3A_1403 = arith.cmpi slt, %xor3A_1400, %lt3A_1402 : vector<16xi32>
        %add3A_1404 = arith.constant 16 : i32
        %add3A_1405 = vector.broadcast %add3A_1404 : i32 to vector<16xi32>
        %add3A_1406 = arith.addi %xor3A_1400, %add3A_1405 : vector<16xi32>
        %select_n3A_1407 = arith.select %lt3A_1403, %add3A_1406, %xor3A_1400 : vector<16xi1>, vector<16xi32>
        %broadcast_in_dim3A_1408 = vector.shape_cast %select_n3A_1407 : vector<16xi32> to vector<16x1xi32>
        %gather3A_1409 = vector.shape_cast %broadcast_in_dim3A_1408 : vector<16x1xi32> to vector<16xi32>
        %gather3A_1410 = tpu.dynamic_gather %add3A_1396[%gather3A_1409] in [0] : vector<16xf32>, vector<16xi32> -> vector<16xf32>
        %add3A_1411 = arith.addf %add3A_1396, %gather3A_1410 : vector<16xf32>
        %iota3A_1412 = tpu.iota {dimensions = array<i32: 0>} : vector<16xi32>
        %xor3A_1413 = arith.constant 1 : i32
        %xor3A_1414 = vector.broadcast %xor3A_1413 : i32 to vector<16xi32>
        %xor3A_1415 = arith.xori %iota3A_1412, %xor3A_1414 : vector<16xi32>
        %lt3A_1416 = arith.constant 0 : i32
        %lt3A_1417 = vector.broadcast %lt3A_1416 : i32 to vector<16xi32>
        %lt3A_1418 = arith.cmpi slt, %xor3A_1415, %lt3A_1417 : vector<16xi32>
        %add3A_1419 = arith.constant 16 : i32
        %add3A_1420 = vector.broadcast %add3A_1419 : i32 to vector<16xi32>
        %add3A_1421 = arith.addi %xor3A_1415, %add3A_1420 : vector<16xi32>
        %select_n3A_1422 = arith.select %lt3A_1418, %add3A_1421, %xor3A_1415 : vector<16xi1>, vector<16xi32>
        %broadcast_in_dim3A_1423 = vector.shape_cast %select_n3A_1422 : vector<16xi32> to vector<16x1xi32>
        %gather3A_1424 = vector.shape_cast %broadcast_in_dim3A_1423 : vector<16x1xi32> to vector<16xi32>
        %gather3A_1425 = tpu.dynamic_gather %add3A_1411[%gather3A_1424] in [0] : vector<16xf32>, vector<16xi32> -> vector<16xf32>
        %add3A_1426 = arith.addf %add3A_1411, %gather3A_1425 : vector<16xf32>
        %mul3A_1427 = arith.constant 0.0883883461 : f32
        %mul3A_1428 = vector.broadcast %mul3A_1427 : f32 to vector<16xf32>
        %mul3A_1429 = arith.mulf %add3A_1426, %mul3A_1428 : vector<16xf32>
        %exp3A_1430 = math.exp %mul3A_1429 : vector<16xf32>
        %get3A_1431 = arith.constant 0 : i32
        %get3A_1432 = arith.index_cast %get3A_1431 : i32 to index
        %get3A_1433 = arith.index_cast %add3A_1283 : i32 to index
        %get3A_1434 = arith.constant 128 : index
        %get3A_1435 = tpu.vector_load %arg14[%get3A_1432, %get3A_1433, %get3A_1434] {strides = array<i32>} : memref<2x40x256xbf16, #tpu.memory_space<vmem>>, vector<32xbf16>,
        %unpack3A_1436 = tpu.unpack_subelements %get3A_1435, 0 {pack_format = #tpu.pack_format<interleaved>} : vector<32xbf16> -> vector<16xf32>
        %unpack3A_1437 = tpu.unpack_subelements %get3A_1435, 1 {pack_format = #tpu.pack_format<interleaved>} : vector<32xbf16> -> vector<16xf32>
        %mul3A_1438 = arith.mulf %exp3A_1430, %unpack3A_1436 : vector<16xf32>
        %swap3A_1439 = arith.constant 0 : i32
        %swap3A_1440 = arith.index_cast %swap3A_1439 : i32 to index
        %swap3A_1441 = arith.index_cast %add3A_1283 : i32 to index
        %swap3A_1442 = arith.constant 0 : index
        %swap3A_1443 = tpu.vector_load %arg16[%swap3A_1440, %swap3A_1441, %swap3A_1442] {strides = array<i32>} : memref<2x40x160xf32, #tpu.memory_space<vmem>>, vector<16xf32>,
        tpu.vector_store %arg16[%swap3A_1440, %swap3A_1441, %swap3A_1442], %mul3A_1438 {strides = array<i32>} : memref<2x40x160xf32, #tpu.memory_space<vmem>>, vector<16xf32>,
        %mul3A_1444 = arith.mulf %exp3A_1430, %unpack3A_1437 : vector<16xf32>
        %swap3A_1445 = arith.constant 0 : i32
        %swap3A_1446 = arith.index_cast %swap3A_1445 : i32 to index
        %swap3A_1447 = arith.index_cast %add3A_1283 : i32 to index
        %swap3A_1448 = arith.constant 16 : index
        %swap3A_1449 = tpu.vector_load %arg16[%swap3A_1446, %swap3A_1447, %swap3A_1448] {strides = array<i32>} : memref<2x40x160xf32, #tpu.memory_space<vmem>>, vector<16xf32>,
        tpu.vector_store %arg16[%swap3A_1446, %swap3A_1447, %swap3A_1448], %mul3A_1444 {strides = array<i32>} : memref<2x40x160xf32, #tpu.memory_space<vmem>>, vector<16xf32>,
        %get3A_1450 = arith.constant 0 : i32
        %get3A_1451 = arith.index_cast %get3A_1450 : i32 to index
        %get3A_1452 = arith.index_cast %add3A_1283 : i32 to index
        %get3A_1453 = arith.constant 160 : index
        %get3A_1454 = tpu.vector_load %arg14[%get3A_1451, %get3A_1452, %get3A_1453] {strides = array<i32>} : memref<2x40x256xbf16, #tpu.memory_space<vmem>>, vector<32xbf16>,
        %unpack3A_1455 = tpu.unpack_subelements %get3A_1454, 0 {pack_format = #tpu.pack_format<interleaved>} : vector<32xbf16> -> vector<16xf32>
        %unpack3A_1456 = tpu.unpack_subelements %get3A_1454, 1 {pack_format = #tpu.pack_format<interleaved>} : vector<32xbf16> -> vector<16xf32>
        %mul3A_1457 = arith.mulf %exp3A_1430, %unpack3A_1455 : vector<16xf32>
        %swap3A_1458 = arith.constant 0 : i32
        %swap3A_1459 = arith.index_cast %swap3A_1458 : i32 to index
        %swap3A_1460 = arith.index_cast %add3A_1283 : i32 to index
        %swap3A_1461 = arith.constant 32 : index
        %swap3A_1462 = tpu.vector_load %arg16[%swap3A_1459, %swap3A_1460, %swap3A_1461] {strides = array<i32>} : memref<2x40x160xf32, #tpu.memory_space<vmem>>, vector<16xf32>,
        tpu.vector_store %arg16[%swap3A_1459, %swap3A_1460, %swap3A_1461], %mul3A_1457 {strides = array<i32>} : memref<2x40x160xf32, #tpu.memory_space<vmem>>, vector<16xf32>,
        %mul3A_1463 = arith.mulf %exp3A_1430, %unpack3A_1456 : vector<16xf32>
        %swap3A_1464 = arith.constant 0 : i32
        %swap3A_1465 = arith.index_cast %swap3A_1464 : i32 to index
        %swap3A_1466 = arith.index_cast %add3A_1283 : i32 to index
        %swap3A_1467 = arith.constant 48 : index
        %swap3A_1468 = tpu.vector_load %arg16[%swap3A_1465, %swap3A_1466, %swap3A_1467] {strides = array<i32>} : memref<2x40x160xf32, #tpu.memory_space<vmem>>, vector<16xf32>,
        tpu.vector_store %arg16[%swap3A_1465, %swap3A_1466, %swap3A_1467], %mul3A_1463 {strides = array<i32>} : memref<2x40x160xf32, #tpu.memory_space<vmem>>, vector<16xf32>,
        %get3A_1469 = arith.constant 0 : i32
        %get3A_1470 = arith.index_cast %get3A_1469 : i32 to index
        %get3A_1471 = arith.index_cast %add3A_1283 : i32 to index
        %get3A_1472 = arith.constant 192 : index
        %get3A_1473 = tpu.vector_load %arg14[%get3A_1470, %get3A_1471, %get3A_1472] {strides = array<i32>} : memref<2x40x256xbf16, #tpu.memory_space<vmem>>, vector<32xbf16>,
        %unpack3A_1474 = tpu.unpack_subelements %get3A_1473, 0 {pack_format = #tpu.pack_format<interleaved>} : vector<32xbf16> -> vector<16xf32>
        %unpack3A_1475 = tpu.unpack_subelements %get3A_1473, 1 {pack_format = #tpu.pack_format<interleaved>} : vector<32xbf16> -> vector<16xf32>
        %mul3A_1476 = arith.mulf %exp3A_1430, %unpack3A_1474 : vector<16xf32>
        %swap3A_1477 = arith.constant 0 : i32
        %swap3A_1478 = arith.index_cast %swap3A_1477 : i32 to index
        %swap3A_1479 = arith.index_cast %add3A_1283 : i32 to index
        %swap3A_1480 = arith.constant 64 : index
        %swap3A_1481 = tpu.vector_load %arg16[%swap3A_1478, %swap3A_1479, %swap3A_1480] {strides = array<i32>} : memref<2x40x160xf32, #tpu.memory_space<vmem>>, vector<16xf32>,
        tpu.vector_store %arg16[%swap3A_1478, %swap3A_1479, %swap3A_1480], %mul3A_1476 {strides = array<i32>} : memref<2x40x160xf32, #tpu.memory_space<vmem>>, vector<16xf32>,
        %mul3A_1482 = arith.mulf %exp3A_1430, %unpack3A_1475 : vector<16xf32>
        %swap3A_1483 = arith.constant 0 : i32
        %swap3A_1484 = arith.index_cast %swap3A_1483 : i32 to index
        %swap3A_1485 = arith.index_cast %add3A_1283 : i32 to index
        %swap3A_1486 = arith.constant 80 : index
        %swap3A_1487 = tpu.vector_load %arg16[%swap3A_1484, %swap3A_1485, %swap3A_1486] {strides = array<i32>} : memref<2x40x160xf32, #tpu.memory_space<vmem>>, vector<16xf32>,
        tpu.vector_store %arg16[%swap3A_1484, %swap3A_1485, %swap3A_1486], %mul3A_1482 {strides = array<i32>} : memref<2x40x160xf32, #tpu.memory_space<vmem>>, vector<16xf32>,
        %get3A_1488 = arith.constant 0 : i32
        %get3A_1489 = arith.index_cast %get3A_1488 : i32 to index
        %get3A_1490 = arith.index_cast %add3A_1283 : i32 to index
        %get3A_1491 = arith.constant 224 : index
        %get3A_1492 = tpu.vector_load %arg14[%get3A_1489, %get3A_1490, %get3A_1491] {strides = array<i32>} : memref<2x40x256xbf16, #tpu.memory_space<vmem>>, vector<32xbf16>,
        %unpack3A_1493 = tpu.unpack_subelements %get3A_1492, 0 {pack_format = #tpu.pack_format<interleaved>} : vector<32xbf16> -> vector<16xf32>
        %unpack3A_1494 = tpu.unpack_subelements %get3A_1492, 1 {pack_format = #tpu.pack_format<interleaved>} : vector<32xbf16> -> vector<16xf32>
        %mul3A_1495 = arith.mulf %exp3A_1430, %unpack3A_1493 : vector<16xf32>
        %swap3A_1496 = arith.constant 0 : i32
        %swap3A_1497 = arith.index_cast %swap3A_1496 : i32 to index
        %swap3A_1498 = arith.index_cast %add3A_1283 : i32 to index
        %swap3A_1499 = arith.constant 96 : index
        %swap3A_1500 = tpu.vector_load %arg16[%swap3A_1497, %swap3A_1498, %swap3A_1499] {strides = array<i32>} : memref<2x40x160xf32, #tpu.memory_space<vmem>>, vector<16xf32>,
        tpu.vector_store %arg16[%swap3A_1497, %swap3A_1498, %swap3A_1499], %mul3A_1495 {strides = array<i32>} : memref<2x40x160xf32, #tpu.memory_space<vmem>>, vector<16xf32>,
        %mul3A_1501 = arith.mulf %exp3A_1430, %unpack3A_1494 : vector<16xf32>
        %swap3A_1502 = arith.constant 0 : i32
        %swap3A_1503 = arith.index_cast %swap3A_1502 : i32 to index
        %swap3A_1504 = arith.index_cast %add3A_1283 : i32 to index
        %swap3A_1505 = arith.constant 112 : index
        %swap3A_1506 = tpu.vector_load %arg16[%swap3A_1503, %swap3A_1504, %swap3A_1505] {strides = array<i32>} : memref<2x40x160xf32, #tpu.memory_space<vmem>>, vector<16xf32>,
        tpu.vector_store %arg16[%swap3A_1503, %swap3A_1504, %swap3A_1505], %mul3A_1501 {strides = array<i32>} : memref<2x40x160xf32, #tpu.memory_space<vmem>>, vector<16xf32>,
        %mul3A_1507 = arith.mulf %exp3A_1430, %get3A_1288 : vector<16xf32>
        %swap3A_1508 = arith.constant 0 : i32
        %swap3A_1509 = arith.index_cast %swap3A_1508 : i32 to index
        %swap3A_1510 = arith.index_cast %add3A_1283 : i32 to index
        %swap3A_1511 = arith.constant 128 : index
        %swap3A_1512 = tpu.vector_load %arg16[%swap3A_1509, %swap3A_1510, %swap3A_1511] {strides = array<i32>} : memref<2x40x160xf32, #tpu.memory_space<vmem>>, vector<16xf32>,
        tpu.vector_store %arg16[%swap3A_1509, %swap3A_1510, %swap3A_1511], %mul3A_1507 {strides = array<i32>} : memref<2x40x160xf32, #tpu.memory_space<vmem>>, vector<16xf32>,
        %mul3A_1513 = arith.mulf %exp3A_1430, %convert_element_type3A_4 : vector<16xf32>
        %swap3A_1514 = arith.constant 0 : i32
        %swap3A_1515 = arith.index_cast %swap3A_1514 : i32 to index
        %swap3A_1516 = arith.index_cast %add3A_1283 : i32 to index
        %swap3A_1517 = arith.constant 144 : index
        %swap3A_1518 = tpu.vector_load %arg16[%swap3A_1515, %swap3A_1516, %swap3A_1517] {strides = array<i32>} : memref<2x40x160xf32, #tpu.memory_space<vmem>>, vector<16xf32>,
        tpu.vector_store %arg16[%swap3A_1515, %swap3A_1516, %swap3A_1517], %mul3A_1513 {strides = array<i32>} : memref<2x40x160xf32, #tpu.memory_space<vmem>>, vector<16xf32>,
        %mul3A_1519 = arith.constant 4 : i32
        %mul3A_1520 = arith.muli %scan3A_805, %mul3A_1519 : i32
        %add3A_1521 = arith.constant 3 : i32
        %add3A_1522 = arith.addi %mul3A_1520, %add3A_1521 : i32
        %get3A_1523 = arith.constant 0 : i32
        %get3A_1524 = arith.index_cast %get3A_1523 : i32 to index
        %get3A_1525 = arith.index_cast %add3A_1522 : i32 to index
        %get3A_1526 = arith.constant 0 : index
        %get3A_1527 = tpu.vector_load %arg15[%get3A_1524, %get3A_1525, %get3A_1526] {strides = array<i32>} : memref<2x40x16xf32, #tpu.memory_space<vmem>>, vector<16xf32>,
        %get3A_1528 = arith.constant 0 : i32
        %get3A_1529 = arith.index_cast %get3A_1528 : i32 to index
        %get3A_1530 = arith.index_cast %add3A_1522 : i32 to index
        %get3A_1531 = arith.constant 0 : index
        %get3A_1532 = tpu.vector_load %arg13[%get3A_1529, %get3A_1530, %get3A_1531] {strides = array<i32>} : memref<2x40x16xf32, #tpu.memory_space<vmem>>, vector<16xf32>,
        %mul3A_1533 = arith.mulf %get3A_1532, %get3A_1527 : vector<16xf32>
        %get3A_1534 = arith.constant 0 : i32
        %get3A_1535 = arith.index_cast %get3A_1534 : i32 to index
        %get3A_1536 = arith.index_cast %add3A_1522 : i32 to index
        %get3A_1537 = arith.constant 0 : index
        %get3A_1538 = tpu.vector_load %arg14[%get3A_1535, %get3A_1536, %get3A_1537] {strides = array<i32>} : memref<2x40x256xbf16, #tpu.memory_space<vmem>>, vector<32xbf16>,
        %unpack3A_1539 = tpu.unpack_subelements %get3A_1538, 0 {pack_format = #tpu.pack_format<interleaved>} : vector<32xbf16> -> vector<16xf32>
        %unpack3A_1540 = tpu.unpack_subelements %get3A_1538, 1 {pack_format = #tpu.pack_format<interleaved>} : vector<32xbf16> -> vector<16xf32>
        %get3A_1541 = arith.constant 0 : i32
        %get3A_1542 = arith.index_cast %get3A_1541 : i32 to index
        %get3A_1543 = arith.index_cast %add3A_1522 : i32 to index
        %get3A_1544 = arith.constant 0 : index
        %get3A_1545 = tpu.vector_load %arg12[%get3A_1542, %get3A_1543, %get3A_1544] {strides = array<i32>} : memref<2x40x128xbf16, #tpu.memory_space<vmem>>, vector<32xbf16>,
        %unpack3A_1546 = tpu.unpack_subelements %get3A_1545, 0 {pack_format = #tpu.pack_format<interleaved>} : vector<32xbf16> -> vector<16xf32>
        %unpack3A_1547 = tpu.unpack_subelements %get3A_1545, 1 {pack_format = #tpu.pack_format<interleaved>} : vector<32xbf16> -> vector<16xf32>
        %mul3A_1548 = arith.mulf %unpack3A_1546, %unpack3A_1539 : vector<16xf32>
        %add3A_1549 = arith.addf %mul3A_1533, %mul3A_1548 : vector<16xf32>
        %mul3A_1550 = arith.mulf %unpack3A_1547, %unpack3A_1540 : vector<16xf32>
        %add3A_1551 = arith.addf %add3A_1549, %mul3A_1550 : vector<16xf32>
        %get3A_1552 = arith.constant 0 : i32
        %get3A_1553 = arith.index_cast %get3A_1552 : i32 to index
        %get3A_1554 = arith.index_cast %add3A_1522 : i32 to index
        %get3A_1555 = arith.constant 32 : index
        %get3A_1556 = tpu.vector_load %arg14[%get3A_1553, %get3A_1554, %get3A_1555] {strides = array<i32>} : memref<2x40x256xbf16, #tpu.memory_space<vmem>>, vector<32xbf16>,
        %unpack3A_1557 = tpu.unpack_subelements %get3A_1556, 0 {pack_format = #tpu.pack_format<interleaved>} : vector<32xbf16> -> vector<16xf32>
        %unpack3A_1558 = tpu.unpack_subelements %get3A_1556, 1 {pack_format = #tpu.pack_format<interleaved>} : vector<32xbf16> -> vector<16xf32>
        %get3A_1559 = arith.constant 0 : i32
        %get3A_1560 = arith.index_cast %get3A_1559 : i32 to index
        %get3A_1561 = arith.index_cast %add3A_1522 : i32 to index
        %get3A_1562 = arith.constant 32 : index
        %get3A_1563 = tpu.vector_load %arg12[%get3A_1560, %get3A_1561, %get3A_1562] {strides = array<i32>} : memref<2x40x128xbf16, #tpu.memory_space<vmem>>, vector<32xbf16>,
        %unpack3A_1564 = tpu.unpack_subelements %get3A_1563, 0 {pack_format = #tpu.pack_format<interleaved>} : vector<32xbf16> -> vector<16xf32>
        %unpack3A_1565 = tpu.unpack_subelements %get3A_1563, 1 {pack_format = #tpu.pack_format<interleaved>} : vector<32xbf16> -> vector<16xf32>
        %mul3A_1566 = arith.mulf %unpack3A_1564, %unpack3A_1557 : vector<16xf32>
        %add3A_1567 = arith.addf %add3A_1551, %mul3A_1566 : vector<16xf32>
        %mul3A_1568 = arith.mulf %unpack3A_1565, %unpack3A_1558 : vector<16xf32>
        %add3A_1569 = arith.addf %add3A_1567, %mul3A_1568 : vector<16xf32>
        %get3A_1570 = arith.constant 0 : i32
        %get3A_1571 = arith.index_cast %get3A_1570 : i32 to index
        %get3A_1572 = arith.index_cast %add3A_1522 : i32 to index
        %get3A_1573 = arith.constant 64 : index
        %get3A_1574 = tpu.vector_load %arg14[%get3A_1571, %get3A_1572, %get3A_1573] {strides = array<i32>} : memref<2x40x256xbf16, #tpu.memory_space<vmem>>, vector<32xbf16>,
        %unpack3A_1575 = tpu.unpack_subelements %get3A_1574, 0 {pack_format = #tpu.pack_format<interleaved>} : vector<32xbf16> -> vector<16xf32>
        %unpack3A_1576 = tpu.unpack_subelements %get3A_1574, 1 {pack_format = #tpu.pack_format<interleaved>} : vector<32xbf16> -> vector<16xf32>
        %get3A_1577 = arith.constant 0 : i32
        %get3A_1578 = arith.index_cast %get3A_1577 : i32 to index
        %get3A_1579 = arith.index_cast %add3A_1522 : i32 to index
        %get3A_1580 = arith.constant 64 : index
        %get3A_1581 = tpu.vector_load %arg12[%get3A_1578, %get3A_1579, %get3A_1580] {strides = array<i32>} : memref<2x40x128xbf16, #tpu.memory_space<vmem>>, vector<32xbf16>,
        %unpack3A_1582 = tpu.unpack_subelements %get3A_1581, 0 {pack_format = #tpu.pack_format<interleaved>} : vector<32xbf16> -> vector<16xf32>
        %unpack3A_1583 = tpu.unpack_subelements %get3A_1581, 1 {pack_format = #tpu.pack_format<interleaved>} : vector<32xbf16> -> vector<16xf32>
        %mul3A_1584 = arith.mulf %unpack3A_1582, %unpack3A_1575 : vector<16xf32>
        %add3A_1585 = arith.addf %add3A_1569, %mul3A_1584 : vector<16xf32>
        %mul3A_1586 = arith.mulf %unpack3A_1583, %unpack3A_1576 : vector<16xf32>
        %add3A_1587 = arith.addf %add3A_1585, %mul3A_1586 : vector<16xf32>
        %get3A_1588 = arith.constant 0 : i32
        %get3A_1589 = arith.index_cast %get3A_1588 : i32 to index
        %get3A_1590 = arith.index_cast %add3A_1522 : i32 to index
        %get3A_1591 = arith.constant 96 : index
        %get3A_1592 = tpu.vector_load %arg14[%get3A_1589, %get3A_1590, %get3A_1591] {strides = array<i32>} : memref<2x40x256xbf16, #tpu.memory_space<vmem>>, vector<32xbf16>,
        %unpack3A_1593 = tpu.unpack_subelements %get3A_1592, 0 {pack_format = #tpu.pack_format<interleaved>} : vector<32xbf16> -> vector<16xf32>
        %unpack3A_1594 = tpu.unpack_subelements %get3A_1592, 1 {pack_format = #tpu.pack_format<interleaved>} : vector<32xbf16> -> vector<16xf32>
        %get3A_1595 = arith.constant 0 : i32
        %get3A_1596 = arith.index_cast %get3A_1595 : i32 to index
        %get3A_1597 = arith.index_cast %add3A_1522 : i32 to index
        %get3A_1598 = arith.constant 96 : index
        %get3A_1599 = tpu.vector_load %arg12[%get3A_1596, %get3A_1597, %get3A_1598] {strides = array<i32>} : memref<2x40x128xbf16, #tpu.memory_space<vmem>>, vector<32xbf16>,
        %unpack3A_1600 = tpu.unpack_subelements %get3A_1599, 0 {pack_format = #tpu.pack_format<interleaved>} : vector<32xbf16> -> vector<16xf32>
        %unpack3A_1601 = tpu.unpack_subelements %get3A_1599, 1 {pack_format = #tpu.pack_format<interleaved>} : vector<32xbf16> -> vector<16xf32>
        %mul3A_1602 = arith.mulf %unpack3A_1600, %unpack3A_1593 : vector<16xf32>
        %add3A_1603 = arith.addf %add3A_1587, %mul3A_1602 : vector<16xf32>
        %mul3A_1604 = arith.mulf %unpack3A_1601, %unpack3A_1594 : vector<16xf32>
        %add3A_1605 = arith.addf %add3A_1603, %mul3A_1604 : vector<16xf32>
        %iota3A_1606 = tpu.iota {dimensions = array<i32: 0>} : vector<16xi32>
        %xor3A_1607 = arith.constant 8 : i32
        %xor3A_1608 = vector.broadcast %xor3A_1607 : i32 to vector<16xi32>
        %xor3A_1609 = arith.xori %iota3A_1606, %xor3A_1608 : vector<16xi32>
        %lt3A_1610 = arith.constant 0 : i32
        %lt3A_1611 = vector.broadcast %lt3A_1610 : i32 to vector<16xi32>
        %lt3A_1612 = arith.cmpi slt, %xor3A_1609, %lt3A_1611 : vector<16xi32>
        %add3A_1613 = arith.constant 16 : i32
        %add3A_1614 = vector.broadcast %add3A_1613 : i32 to vector<16xi32>
        %add3A_1615 = arith.addi %xor3A_1609, %add3A_1614 : vector<16xi32>
        %select_n3A_1616 = arith.select %lt3A_1612, %add3A_1615, %xor3A_1609 : vector<16xi1>, vector<16xi32>
        %broadcast_in_dim3A_1617 = vector.shape_cast %select_n3A_1616 : vector<16xi32> to vector<16x1xi32>
        %gather3A_1618 = vector.shape_cast %broadcast_in_dim3A_1617 : vector<16x1xi32> to vector<16xi32>
        %gather3A_1619 = tpu.dynamic_gather %add3A_1605[%gather3A_1618] in [0] : vector<16xf32>, vector<16xi32> -> vector<16xf32>
        %add3A_1620 = arith.addf %add3A_1605, %gather3A_1619 : vector<16xf32>
        %iota3A_1621 = tpu.iota {dimensions = array<i32: 0>} : vector<16xi32>
        %xor3A_1622 = arith.constant 4 : i32
        %xor3A_1623 = vector.broadcast %xor3A_1622 : i32 to vector<16xi32>
        %xor3A_1624 = arith.xori %iota3A_1621, %xor3A_1623 : vector<16xi32>
        %lt3A_1625 = arith.constant 0 : i32
        %lt3A_1626 = vector.broadcast %lt3A_1625 : i32 to vector<16xi32>
        %lt3A_1627 = arith.cmpi slt, %xor3A_1624, %lt3A_1626 : vector<16xi32>
        %add3A_1628 = arith.constant 16 : i32
        %add3A_1629 = vector.broadcast %add3A_1628 : i32 to vector<16xi32>
        %add3A_1630 = arith.addi %xor3A_1624, %add3A_1629 : vector<16xi32>
        %select_n3A_1631 = arith.select %lt3A_1627, %add3A_1630, %xor3A_1624 : vector<16xi1>, vector<16xi32>
        %broadcast_in_dim3A_1632 = vector.shape_cast %select_n3A_1631 : vector<16xi32> to vector<16x1xi32>
        %gather3A_1633 = vector.shape_cast %broadcast_in_dim3A_1632 : vector<16x1xi32> to vector<16xi32>
        %gather3A_1634 = tpu.dynamic_gather %add3A_1620[%gather3A_1633] in [0] : vector<16xf32>, vector<16xi32> -> vector<16xf32>
        %add3A_1635 = arith.addf %add3A_1620, %gather3A_1634 : vector<16xf32>
        %iota3A_1636 = tpu.iota {dimensions = array<i32: 0>} : vector<16xi32>
        %xor3A_1637 = arith.constant 2 : i32
        %xor3A_1638 = vector.broadcast %xor3A_1637 : i32 to vector<16xi32>
        %xor3A_1639 = arith.xori %iota3A_1636, %xor3A_1638 : vector<16xi32>
        %lt3A_1640 = arith.constant 0 : i32
        %lt3A_1641 = vector.broadcast %lt3A_1640 : i32 to vector<16xi32>
        %lt3A_1642 = arith.cmpi slt, %xor3A_1639, %lt3A_1641 : vector<16xi32>
        %add3A_1643 = arith.constant 16 : i32
        %add3A_1644 = vector.broadcast %add3A_1643 : i32 to vector<16xi32>
        %add3A_1645 = arith.addi %xor3A_1639, %add3A_1644 : vector<16xi32>
        %select_n3A_1646 = arith.select %lt3A_1642, %add3A_1645, %xor3A_1639 : vector<16xi1>, vector<16xi32>
        %broadcast_in_dim3A_1647 = vector.shape_cast %select_n3A_1646 : vector<16xi32> to vector<16x1xi32>
        %gather3A_1648 = vector.shape_cast %broadcast_in_dim3A_1647 : vector<16x1xi32> to vector<16xi32>
        %gather3A_1649 = tpu.dynamic_gather %add3A_1635[%gather3A_1648] in [0] : vector<16xf32>, vector<16xi32> -> vector<16xf32>
        %add3A_1650 = arith.addf %add3A_1635, %gather3A_1649 : vector<16xf32>
        %iota3A_1651 = tpu.iota {dimensions = array<i32: 0>} : vector<16xi32>
        %xor3A_1652 = arith.constant 1 : i32
        %xor3A_1653 = vector.broadcast %xor3A_1652 : i32 to vector<16xi32>
        %xor3A_1654 = arith.xori %iota3A_1651, %xor3A_1653 : vector<16xi32>
        %lt3A_1655 = arith.constant 0 : i32
        %lt3A_1656 = vector.broadcast %lt3A_1655 : i32 to vector<16xi32>
        %lt3A_1657 = arith.cmpi slt, %xor3A_1654, %lt3A_1656 : vector<16xi32>
        %add3A_1658 = arith.constant 16 : i32
        %add3A_1659 = vector.broadcast %add3A_1658 : i32 to vector<16xi32>
        %add3A_1660 = arith.addi %xor3A_1654, %add3A_1659 : vector<16xi32>
        %select_n3A_1661 = arith.select %lt3A_1657, %add3A_1660, %xor3A_1654 : vector<16xi1>, vector<16xi32>
        %broadcast_in_dim3A_1662 = vector.shape_cast %select_n3A_1661 : vector<16xi32> to vector<16x1xi32>
        %gather3A_1663 = vector.shape_cast %broadcast_in_dim3A_1662 : vector<16x1xi32> to vector<16xi32>
        %gather3A_1664 = tpu.dynamic_gather %add3A_1650[%gather3A_1663] in [0] : vector<16xf32>, vector<16xi32> -> vector<16xf32>
        %add3A_1665 = arith.addf %add3A_1650, %gather3A_1664 : vector<16xf32>
        %mul3A_1666 = arith.constant 0.0883883461 : f32
        %mul3A_1667 = vector.broadcast %mul3A_1666 : f32 to vector<16xf32>
        %mul3A_1668 = arith.mulf %add3A_1665, %mul3A_1667 : vector<16xf32>
        %exp3A_1669 = math.exp %mul3A_1668 : vector<16xf32>
        %get3A_1670 = arith.constant 0 : i32
        %get3A_1671 = arith.index_cast %get3A_1670 : i32 to index
        %get3A_1672 = arith.index_cast %add3A_1522 : i32 to index
        %get3A_1673 = arith.constant 128 : index
        %get3A_1674 = tpu.vector_load %arg14[%get3A_1671, %get3A_1672, %get3A_1673] {strides = array<i32>} : memref<2x40x256xbf16, #tpu.memory_space<vmem>>, vector<32xbf16>,
        %unpack3A_1675 = tpu.unpack_subelements %get3A_1674, 0 {pack_format = #tpu.pack_format<interleaved>} : vector<32xbf16> -> vector<16xf32>
        %unpack3A_1676 = tpu.unpack_subelements %get3A_1674, 1 {pack_format = #tpu.pack_format<interleaved>} : vector<32xbf16> -> vector<16xf32>
        %mul3A_1677 = arith.mulf %exp3A_1669, %unpack3A_1675 : vector<16xf32>
        %swap3A_1678 = arith.constant 0 : i32
        %swap3A_1679 = arith.index_cast %swap3A_1678 : i32 to index
        %swap3A_1680 = arith.index_cast %add3A_1522 : i32 to index
        %swap3A_1681 = arith.constant 0 : index
        %swap3A_1682 = tpu.vector_load %arg16[%swap3A_1679, %swap3A_1680, %swap3A_1681] {strides = array<i32>} : memref<2x40x160xf32, #tpu.memory_space<vmem>>, vector<16xf32>,
        tpu.vector_store %arg16[%swap3A_1679, %swap3A_1680, %swap3A_1681], %mul3A_1677 {strides = array<i32>} : memref<2x40x160xf32, #tpu.memory_space<vmem>>, vector<16xf32>,
        %mul3A_1683 = arith.mulf %exp3A_1669, %unpack3A_1676 : vector<16xf32>
        %swap3A_1684 = arith.constant 0 : i32
        %swap3A_1685 = arith.index_cast %swap3A_1684 : i32 to index
        %swap3A_1686 = arith.index_cast %add3A_1522 : i32 to index
        %swap3A_1687 = arith.constant 16 : index
        %swap3A_1688 = tpu.vector_load %arg16[%swap3A_1685, %swap3A_1686, %swap3A_1687] {strides = array<i32>} : memref<2x40x160xf32, #tpu.memory_space<vmem>>, vector<16xf32>,
        tpu.vector_store %arg16[%swap3A_1685, %swap3A_1686, %swap3A_1687], %mul3A_1683 {strides = array<i32>} : memref<2x40x160xf32, #tpu.memory_space<vmem>>, vector<16xf32>,
        %get3A_1689 = arith.constant 0 : i32
        %get3A_1690 = arith.index_cast %get3A_1689 : i32 to index
        %get3A_1691 = arith.index_cast %add3A_1522 : i32 to index
        %get3A_1692 = arith.constant 160 : index
        %get3A_1693 = tpu.vector_load %arg14[%get3A_1690, %get3A_1691, %get3A_1692] {strides = array<i32>} : memref<2x40x256xbf16, #tpu.memory_space<vmem>>, vector<32xbf16>,
        %unpack3A_1694 = tpu.unpack_subelements %get3A_1693, 0 {pack_format = #tpu.pack_format<interleaved>} : vector<32xbf16> -> vector<16xf32>
        %unpack3A_1695 = tpu.unpack_subelements %get3A_1693, 1 {pack_format = #tpu.pack_format<interleaved>} : vector<32xbf16> -> vector<16xf32>
        %mul3A_1696 = arith.mulf %exp3A_1669, %unpack3A_1694 : vector<16xf32>
        %swap3A_1697 = arith.constant 0 : i32
        %swap3A_1698 = arith.index_cast %swap3A_1697 : i32 to index
        %swap3A_1699 = arith.index_cast %add3A_1522 : i32 to index
        %swap3A_1700 = arith.constant 32 : index
        %swap3A_1701 = tpu.vector_load %arg16[%swap3A_1698, %swap3A_1699, %swap3A_1700] {strides = array<i32>} : memref<2x40x160xf32, #tpu.memory_space<vmem>>, vector<16xf32>,
        tpu.vector_store %arg16[%swap3A_1698, %swap3A_1699, %swap3A_1700], %mul3A_1696 {strides = array<i32>} : memref<2x40x160xf32, #tpu.memory_space<vmem>>, vector<16xf32>,
        %mul3A_1702 = arith.mulf %exp3A_1669, %unpack3A_1695 : vector<16xf32>
        %swap3A_1703 = arith.constant 0 : i32
        %swap3A_1704 = arith.index_cast %swap3A_1703 : i32 to index
        %swap3A_1705 = arith.index_cast %add3A_1522 : i32 to index
        %swap3A_1706 = arith.constant 48 : index
        %swap3A_1707 = tpu.vector_load %arg16[%swap3A_1704, %swap3A_1705, %swap3A_1706] {strides = array<i32>} : memref<2x40x160xf32, #tpu.memory_space<vmem>>, vector<16xf32>,
        tpu.vector_store %arg16[%swap3A_1704, %swap3A_1705, %swap3A_1706], %mul3A_1702 {strides = array<i32>} : memref<2x40x160xf32, #tpu.memory_space<vmem>>, vector<16xf32>,
        %get3A_1708 = arith.constant 0 : i32
        %get3A_1709 = arith.index_cast %get3A_1708 : i32 to index
        %get3A_1710 = arith.index_cast %add3A_1522 : i32 to index
        %get3A_1711 = arith.constant 192 : index
        %get3A_1712 = tpu.vector_load %arg14[%get3A_1709, %get3A_1710, %get3A_1711] {strides = array<i32>} : memref<2x40x256xbf16, #tpu.memory_space<vmem>>, vector<32xbf16>,
        %unpack3A_1713 = tpu.unpack_subelements %get3A_1712, 0 {pack_format = #tpu.pack_format<interleaved>} : vector<32xbf16> -> vector<16xf32>
        %unpack3A_1714 = tpu.unpack_subelements %get3A_1712, 1 {pack_format = #tpu.pack_format<interleaved>} : vector<32xbf16> -> vector<16xf32>
        %mul3A_1715 = arith.mulf %exp3A_1669, %unpack3A_1713 : vector<16xf32>
        %swap3A_1716 = arith.constant 0 : i32
        %swap3A_1717 = arith.index_cast %swap3A_1716 : i32 to index
        %swap3A_1718 = arith.index_cast %add3A_1522 : i32 to index
        %swap3A_1719 = arith.constant 64 : index
        %swap3A_1720 = tpu.vector_load %arg16[%swap3A_1717, %swap3A_1718, %swap3A_1719] {strides = array<i32>} : memref<2x40x160xf32, #tpu.memory_space<vmem>>, vector<16xf32>,
        tpu.vector_store %arg16[%swap3A_1717, %swap3A_1718, %swap3A_1719], %mul3A_1715 {strides = array<i32>} : memref<2x40x160xf32, #tpu.memory_space<vmem>>, vector<16xf32>,
        %mul3A_1721 = arith.mulf %exp3A_1669, %unpack3A_1714 : vector<16xf32>
        %swap3A_1722 = arith.constant 0 : i32
        %swap3A_1723 = arith.index_cast %swap3A_1722 : i32 to index
        %swap3A_1724 = arith.index_cast %add3A_1522 : i32 to index
        %swap3A_1725 = arith.constant 80 : index
        %swap3A_1726 = tpu.vector_load %arg16[%swap3A_1723, %swap3A_1724, %swap3A_1725] {strides = array<i32>} : memref<2x40x160xf32, #tpu.memory_space<vmem>>, vector<16xf32>,
        tpu.vector_store %arg16[%swap3A_1723, %swap3A_1724, %swap3A_1725], %mul3A_1721 {strides = array<i32>} : memref<2x40x160xf32, #tpu.memory_space<vmem>>, vector<16xf32>,
        %get3A_1727 = arith.constant 0 : i32
        %get3A_1728 = arith.index_cast %get3A_1727 : i32 to index
        %get3A_1729 = arith.index_cast %add3A_1522 : i32 to index
        %get3A_1730 = arith.constant 224 : index
        %get3A_1731 = tpu.vector_load %arg14[%get3A_1728, %get3A_1729, %get3A_1730] {strides = array<i32>} : memref<2x40x256xbf16, #tpu.memory_space<vmem>>, vector<32xbf16>,
        %unpack3A_1732 = tpu.unpack_subelements %get3A_1731, 0 {pack_format = #tpu.pack_format<interleaved>} : vector<32xbf16> -> vector<16xf32>
        %unpack3A_1733 = tpu.unpack_subelements %get3A_1731, 1 {pack_format = #tpu.pack_format<interleaved>} : vector<32xbf16> -> vector<16xf32>
        %mul3A_1734 = arith.mulf %exp3A_1669, %unpack3A_1732 : vector<16xf32>
        %swap3A_1735 = arith.constant 0 : i32
        %swap3A_1736 = arith.index_cast %swap3A_1735 : i32 to index
        %swap3A_1737 = arith.index_cast %add3A_1522 : i32 to index
        %swap3A_1738 = arith.constant 96 : index
        %swap3A_1739 = tpu.vector_load %arg16[%swap3A_1736, %swap3A_1737, %swap3A_1738] {strides = array<i32>} : memref<2x40x160xf32, #tpu.memory_space<vmem>>, vector<16xf32>,
        tpu.vector_store %arg16[%swap3A_1736, %swap3A_1737, %swap3A_1738], %mul3A_1734 {strides = array<i32>} : memref<2x40x160xf32, #tpu.memory_space<vmem>>, vector<16xf32>,
        %mul3A_1740 = arith.mulf %exp3A_1669, %unpack3A_1733 : vector<16xf32>
        %swap3A_1741 = arith.constant 0 : i32
        %swap3A_1742 = arith.index_cast %swap3A_1741 : i32 to index
        %swap3A_1743 = arith.index_cast %add3A_1522 : i32 to index
        %swap3A_1744 = arith.constant 112 : index
        %swap3A_1745 = tpu.vector_load %arg16[%swap3A_1742, %swap3A_1743, %swap3A_1744] {strides = array<i32>} : memref<2x40x160xf32, #tpu.memory_space<vmem>>, vector<16xf32>,
        tpu.vector_store %arg16[%swap3A_1742, %swap3A_1743, %swap3A_1744], %mul3A_1740 {strides = array<i32>} : memref<2x40x160xf32, #tpu.memory_space<vmem>>, vector<16xf32>,
        %mul3A_1746 = arith.mulf %exp3A_1669, %get3A_1527 : vector<16xf32>
        %swap3A_1747 = arith.constant 0 : i32
        %swap3A_1748 = arith.index_cast %swap3A_1747 : i32 to index
        %swap3A_1749 = arith.index_cast %add3A_1522 : i32 to index
        %swap3A_1750 = arith.constant 128 : index
        %swap3A_1751 = tpu.vector_load %arg16[%swap3A_1748, %swap3A_1749, %swap3A_1750] {strides = array<i32>} : memref<2x40x160xf32, #tpu.memory_space<vmem>>, vector<16xf32>,
        tpu.vector_store %arg16[%swap3A_1748, %swap3A_1749, %swap3A_1750], %mul3A_1746 {strides = array<i32>} : memref<2x40x160xf32, #tpu.memory_space<vmem>>, vector<16xf32>,
        %mul3A_1752 = arith.mulf %exp3A_1669, %convert_element_type3A_4 : vector<16xf32>
        %swap3A_1753 = arith.constant 0 : i32
        %swap3A_1754 = arith.index_cast %swap3A_1753 : i32 to index
        %swap3A_1755 = arith.index_cast %add3A_1522 : i32 to index
        %swap3A_1756 = arith.constant 144 : index
        %swap3A_1757 = tpu.vector_load %arg16[%swap3A_1754, %swap3A_1755, %swap3A_1756] {strides = array<i32>} : memref<2x40x160xf32, #tpu.memory_space<vmem>>, vector<16xf32>,
        tpu.vector_store %arg16[%swap3A_1754, %swap3A_1755, %swap3A_1756], %mul3A_1752 {strides = array<i32>} : memref<2x40x160xf32, #tpu.memory_space<vmem>>, vector<16xf32>,
      }
      %scan3A_507 = arith.constant 10 : i32
      %mul3A_508 = arith.constant 32 : i32
      %mul3A_509 = arith.muli %mul3A_508, %mul3A_365 : i32
      %add3A_510 = arith.addi %add3A, %mul3A_509 : i32
      %ge3A = arith.constant 8000 : i32
      %ge3A_511 = arith.cmpi sge, %add3A_510, %ge3A : i32
      %convert_element_type3A_512 = arith.extui %ge3A_511 : i1 to i32
      %cond3A = arith.constant 0 : i32
      %cond3A_513 = arith.cmpi ne, %convert_element_type3A_512, %cond3A : i32
      scf.if %cond3A_513 {
        %scan3A_805 = arith.constant 0 : i32
        %scan3A_806 = arith.constant 0 : i32
        %scan3A_807 = arith.constant 40 : i32
        %scan3A_808 = arith.addi %scan3A_806, %scan3A_807 : i32
        %scan3A_809 = arith.constant 1 : i32
        scf.for %scan3A_811 = %scan3A_806 to %scan3A_808 step %scan3A_809  : i32 {
          %swap3A_812 = arith.constant 0 : i32
          %swap3A_813 = arith.index_cast %swap3A_812 : i32 to index
          %swap3A_814 = arith.index_cast %scan3A_811 : i32 to index
          %swap3A_815 = arith.constant 0 : index
          %swap3A_816 = tpu.vector_load %arg16[%swap3A_813, %swap3A_814, %swap3A_815] {strides = array<i32>} : memref<2x40x160xf32, #tpu.memory_space<vmem>>, vector<16xf32>,
          tpu.vector_store %arg16[%swap3A_813, %swap3A_814, %swap3A_815], %broadcast_in_dim3A_1 {strides = array<i32>} : memref<2x40x160xf32, #tpu.memory_space<vmem>>, vector<16xf32>,
          %swap3A_817 = arith.constant 0 : i32
          %swap3A_818 = arith.index_cast %swap3A_817 : i32 to index
          %swap3A_819 = arith.index_cast %scan3A_811 : i32 to index
          %swap3A_820 = arith.constant 16 : index
          %swap3A_821 = tpu.vector_load %arg16[%swap3A_818, %swap3A_819, %swap3A_820] {strides = array<i32>} : memref<2x40x160xf32, #tpu.memory_space<vmem>>, vector<16xf32>,
          tpu.vector_store %arg16[%swap3A_818, %swap3A_819, %swap3A_820], %broadcast_in_dim3A_1 {strides = array<i32>} : memref<2x40x160xf32, #tpu.memory_space<vmem>>, vector<16xf32>,
          %swap3A_822 = arith.constant 0 : i32
          %swap3A_823 = arith.index_cast %swap3A_822 : i32 to index
          %swap3A_824 = arith.index_cast %scan3A_811 : i32 to index
          %swap3A_825 = arith.constant 32 : index
          %swap3A_826 = tpu.vector_load %arg16[%swap3A_823, %swap3A_824, %swap3A_825] {strides = array<i32>} : memref<2x40x160xf32, #tpu.memory_space<vmem>>, vector<16xf32>,
          tpu.vector_store %arg16[%swap3A_823, %swap3A_824, %swap3A_825], %broadcast_in_dim3A_1 {strides = array<i32>} : memref<2x40x160xf32, #tpu.memory_space<vmem>>, vector<16xf32>,
          %swap3A_827 = arith.constant 0 : i32
          %swap3A_828 = arith.index_cast %swap3A_827 : i32 to index
          %swap3A_829 = arith.index_cast %scan3A_811 : i32 to index
          %swap3A_830 = arith.constant 48 : index
          %swap3A_831 = tpu.vector_load %arg16[%swap3A_828, %swap3A_829, %swap3A_830] {strides = array<i32>} : memref<2x40x160xf32, #tpu.memory_space<vmem>>, vector<16xf32>,
          tpu.vector_store %arg16[%swap3A_828, %swap3A_829, %swap3A_830], %broadcast_in_dim3A_1 {strides = array<i32>} : memref<2x40x160xf32, #tpu.memory_space<vmem>>, vector<16xf32>,
          %swap3A_832 = arith.constant 0 : i32
          %swap3A_833 = arith.index_cast %swap3A_832 : i32 to index
          %swap3A_834 = arith.index_cast %scan3A_811 : i32 to index
          %swap3A_835 = arith.constant 64 : index
          %swap3A_836 = tpu.vector_load %arg16[%swap3A_833, %swap3A_834, %swap3A_835] {strides = array<i32>} : memref<2x40x160xf32, #tpu.memory_space<vmem>>, vector<16xf32>,
          tpu.vector_store %arg16[%swap3A_833, %swap3A_834, %swap3A_835], %broadcast_in_dim3A_1 {strides = array<i32>} : memref<2x40x160xf32, #tpu.memory_space<vmem>>, vector<16xf32>,
          %swap3A_837 = arith.constant 0 : i32
          %swap3A_838 = arith.index_cast %swap3A_837 : i32 to index
          %swap3A_839 = arith.index_cast %scan3A_811 : i32 to index
          %swap3A_840 = arith.constant 80 : index
          %swap3A_841 = tpu.vector_load %arg16[%swap3A_838, %swap3A_839, %swap3A_840] {strides = array<i32>} : memref<2x40x160xf32, #tpu.memory_space<vmem>>, vector<16xf32>,
          tpu.vector_store %arg16[%swap3A_838, %swap3A_839, %swap3A_840], %broadcast_in_dim3A_1 {strides = array<i32>} : memref<2x40x160xf32, #tpu.memory_space<vmem>>, vector<16xf32>,
          %swap3A_842 = arith.constant 0 : i32
          %swap3A_843 = arith.index_cast %swap3A_842 : i32 to index
          %swap3A_844 = arith.index_cast %scan3A_811 : i32 to index
          %swap3A_845 = arith.constant 96 : index
          %swap3A_846 = tpu.vector_load %arg16[%swap3A_843, %swap3A_844, %swap3A_845] {strides = array<i32>} : memref<2x40x160xf32, #tpu.memory_space<vmem>>, vector<16xf32>,
          tpu.vector_store %arg16[%swap3A_843, %swap3A_844, %swap3A_845], %broadcast_in_dim3A_1 {strides = array<i32>} : memref<2x40x160xf32, #tpu.memory_space<vmem>>, vector<16xf32>,
          %swap3A_847 = arith.constant 0 : i32
          %swap3A_848 = arith.index_cast %swap3A_847 : i32 to index
          %swap3A_849 = arith.index_cast %scan3A_811 : i32 to index
          %swap3A_850 = arith.constant 112 : index
          %swap3A_851 = tpu.vector_load %arg16[%swap3A_848, %swap3A_849, %swap3A_850] {strides = array<i32>} : memref<2x40x160xf32, #tpu.memory_space<vmem>>, vector<16xf32>,
          tpu.vector_store %arg16[%swap3A_848, %swap3A_849, %swap3A_850], %broadcast_in_dim3A_1 {strides = array<i32>} : memref<2x40x160xf32, #tpu.memory_space<vmem>>, vector<16xf32>,
          %swap3A_852 = arith.constant 0 : i32
          %swap3A_853 = arith.index_cast %swap3A_852 : i32 to index
          %swap3A_854 = arith.index_cast %scan3A_811 : i32 to index
          %swap3A_855 = arith.constant 128 : index
          %swap3A_856 = tpu.vector_load %arg16[%swap3A_853, %swap3A_854, %swap3A_855] {strides = array<i32>} : memref<2x40x160xf32, #tpu.memory_space<vmem>>, vector<16xf32>,
          tpu.vector_store %arg16[%swap3A_853, %swap3A_854, %swap3A_855], %broadcast_in_dim3A_1 {strides = array<i32>} : memref<2x40x160xf32, #tpu.memory_space<vmem>>, vector<16xf32>,
          %swap3A_857 = arith.constant 0 : i32
          %swap3A_858 = arith.index_cast %swap3A_857 : i32 to index
          %swap3A_859 = arith.index_cast %scan3A_811 : i32 to index
          %swap3A_860 = arith.constant 144 : index
          %swap3A_861 = tpu.vector_load %arg16[%swap3A_858, %swap3A_859, %swap3A_860] {strides = array<i32>} : memref<2x40x160xf32, #tpu.memory_space<vmem>>, vector<16xf32>,
          tpu.vector_store %arg16[%swap3A_858, %swap3A_859, %swap3A_860], %broadcast_in_dim3A_1 {strides = array<i32>} : memref<2x40x160xf32, #tpu.memory_space<vmem>>, vector<16xf32>,
        }
        %scan3A_810 = arith.constant 40 : i32
      } else {
      }
      %get3A = arith.constant 0 : i32
      %get3A_514 = arith.index_cast %get3A : i32 to index
      %get3A_515 = arith.constant 0 : index
      %get3A_516 = tpu.vector_load %arg10[%get3A_514, %get3A_515] {strides = array<i32>} : memref<2x40xi32, #tpu.memory_space<vmem>>, vector<16xi32>,
      %swap3A_517 = arith.constant 0 : i32
      %swap3A_518 = arith.index_cast %swap3A_517 : i32 to index
      %swap3A_519 = arith.constant 0 : index
      %swap3A_520 = tpu.vector_load %arg11[%swap3A_518, %swap3A_519] {strides = array<i32>} : memref<2x40xi32, #tpu.memory_space<vmem>>, vector<16xi32>,
      tpu.vector_store %arg11[%swap3A_518, %swap3A_519], %get3A_516 {strides = array<i32>} : memref<2x40xi32, #tpu.memory_space<vmem>>, vector<16xi32>,
      %get3A_521 = arith.constant 0 : i32
      %get3A_522 = arith.index_cast %get3A_521 : i32 to index
      %get3A_523 = arith.constant 16 : index
      %get3A_524 = tpu.vector_load %arg10[%get3A_522, %get3A_523] {strides = array<i32>} : memref<2x40xi32, #tpu.memory_space<vmem>>, vector<16xi32>,
      %swap3A_525 = arith.constant 0 : i32
      %swap3A_526 = arith.index_cast %swap3A_525 : i32 to index
      %swap3A_527 = arith.constant 16 : index
      %swap3A_528 = tpu.vector_load %arg11[%swap3A_526, %swap3A_527] {strides = array<i32>} : memref<2x40xi32, #tpu.memory_space<vmem>>, vector<16xi32>,
      tpu.vector_store %arg11[%swap3A_526, %swap3A_527], %get3A_524 {strides = array<i32>} : memref<2x40xi32, #tpu.memory_space<vmem>>, vector<16xi32>,
      %dma_start3A_529 = arith.constant 0 : i32
      %dma_start3A_530 = arith.constant 0 : i32
      %dma_start3A_531 = arith.constant 0 : i32
      %dma_start3A_532 = arith.constant 0 : i32
      %dma_start3A_533 = tpu.memref_slice %arg16[%dma_start3A_529, %dma_start3A_531, %dma_start3A_532] : memref<2x40x160xf32, #tpu.memory_space<vmem>> -> memref<1x40x160xf32, #tpu.memory_space<vmem>>
      %dma_start3A_534 = tpu.memref_squeeze %dma_start3A_533 : memref<1x40x160xf32, #tpu.memory_space<vmem>> -> memref<40x160xf32, #tpu.memory_space<vmem>>
      %dma_start3A_535 = arith.constant 0 : i32
      %dma_start3A_536 = tpu.memref_slice %arg11[%dma_start3A_530, %dma_start3A_535] : memref<2x40xi32, #tpu.memory_space<vmem>> -> memref<1x40xi32, #tpu.memory_space<vmem>>
      %dma_start3A_537 = tpu.memref_squeeze %dma_start3A_536 : memref<1x40xi32, #tpu.memory_space<vmem>> -> memref<40xi32, #tpu.memory_space<vmem>>
      %dma_start3A_538 = arith.constant 0 : i32
      %dma_start3A_539 = arith.constant 0 : i32
      %dma_start3A_540 = tpu.memref_slice %arg17[%dma_start3A_538, %dma_start3A_539] : memref<10000x160xf32, #tpu.memory_space<vmem_shared>> -> memref<10000x160xf32, #tpu.memory_space<vmem_shared>>
      tpu.enqueue_indirect_dma source(%dma_start3A_534 : memref<40x160xf32, #tpu.memory_space<vmem>>) target(%dma_start3A_540 : memref<10000x160xf32, #tpu.memory_space<vmem_shared>>) offsets(%dma_start3A_537 : memref<40xi32, #tpu.memory_space<vmem>>) semaphore(%arg20 : memref<!tpu.dma_semaphore, #tpu.memory_space<semaphore_mem>>) {add = true}
      %add3A_541 = arith.constant 2 : i32
      %add3A_542 = arith.addi %mul3A_365, %add3A_541 : i32
      %mul3A_543 = arith.constant 32 : i32
      %mul3A_544 = arith.muli %mul3A_543, %add3A_542 : i32
      %add3A_545 = arith.addi %add3A, %mul3A_544 : i32
      %lt3A_546 = arith.constant 8000 : i32
      %lt3A_547 = arith.cmpi slt, %add3A_545, %lt3A_546 : i32
      %select_n3A_548 = arith.select %lt3A_547, %add3A_545, %add3A : i32
      %mul3A_549 = arith.constant 40 : i32
      %mul3A_550 = arith.muli %select_n3A_548, %mul3A_549 : i32
      %dma_start3A_551 = arith.constant 0 : i32
      %dma_start3A_552 = arith.constant 0 : i32
      %dma_start3A_553 = tpu.memref_slice %arg9[%dma_start3A_551, %dma_start3A_552] : memref<2x40xi32, #tpu.memory_space<vmem>> -> memref<1x40xi32, #tpu.memory_space<vmem>>
      %dma_start3A_554 = tpu.memref_squeeze %dma_start3A_553 : memref<1x40xi32, #tpu.memory_space<vmem>> -> memref<40xi32, #tpu.memory_space<vmem>>
      %dma_start3A_555 = tpu.memref_slice %arg6[%mul3A_550] : memref<320000xi32, #tpu.memory_space<hbm>> -> memref<40xi32, #tpu.memory_space<hbm>>
      %dma_start3A_556 = arith.constant 0 : i32
      %dma_start3A_557 = tpu.memref_slice %arg9[%dma_start3A_551, %dma_start3A_556] : memref<2x40xi32, #tpu.memory_space<vmem>> -> memref<1x40xi32, #tpu.memory_space<vmem>>
      %dma_start3A_558 = tpu.memref_squeeze %dma_start3A_557 : memref<1x40xi32, #tpu.memory_space<vmem>> -> memref<40xi32, #tpu.memory_space<vmem>>
      %dma_start3A_559 = tpu.memref_slice %arg6[%mul3A_550] : memref<320000xi32, #tpu.memory_space<hbm>> -> memref<40xi32, #tpu.memory_space<hbm>>
      tpu.enqueue_dma source(%dma_start3A_559 : memref<40xi32, #tpu.memory_space<hbm>>) target(%dma_start3A_558 : memref<40xi32, #tpu.memory_space<vmem>>) target_semaphore(%arg18 : memref<!tpu.dma_semaphore, #tpu.memory_space<semaphore_mem>>)
      %dma_start3A_560 = arith.constant 0 : i32
      %dma_start3A_561 = arith.constant 0 : i32
      %dma_start3A_562 = tpu.memref_slice %arg10[%dma_start3A_560, %dma_start3A_561] : memref<2x40xi32, #tpu.memory_space<vmem>> -> memref<1x40xi32, #tpu.memory_space<vmem>>
      %dma_start3A_563 = tpu.memref_squeeze %dma_start3A_562 : memref<1x40xi32, #tpu.memory_space<vmem>> -> memref<40xi32, #tpu.memory_space<vmem>>
      %dma_start3A_564 = tpu.memref_slice %arg7[%mul3A_550] : memref<320000xi32, #tpu.memory_space<hbm>> -> memref<40xi32, #tpu.memory_space<hbm>>
      %dma_start3A_565 = arith.constant 0 : i32
      %dma_start3A_566 = tpu.memref_slice %arg10[%dma_start3A_560, %dma_start3A_565] : memref<2x40xi32, #tpu.memory_space<vmem>> -> memref<1x40xi32, #tpu.memory_space<vmem>>
      %dma_start3A_567 = tpu.memref_squeeze %dma_start3A_566 : memref<1x40xi32, #tpu.memory_space<vmem>> -> memref<40xi32, #tpu.memory_space<vmem>>
      %dma_start3A_568 = tpu.memref_slice %arg7[%mul3A_550] : memref<320000xi32, #tpu.memory_space<hbm>> -> memref<40xi32, #tpu.memory_space<hbm>>
      tpu.enqueue_dma source(%dma_start3A_568 : memref<40xi32, #tpu.memory_space<hbm>>) target(%dma_start3A_567 : memref<40xi32, #tpu.memory_space<vmem>>) target_semaphore(%arg18 : memref<!tpu.dma_semaphore, #tpu.memory_space<semaphore_mem>>)
      %dma_start3A_569 = arith.constant 0 : i32
      %dma_start3A_570 = arith.constant 0 : i32
      %dma_start3A_571 = arith.constant 0 : i32
      %dma_start3A_572 = tpu.memref_slice %arg15[%dma_start3A_569, %dma_start3A_570, %dma_start3A_571] : memref<2x40x16xf32, #tpu.memory_space<vmem>> -> memref<1x40x16xf32, #tpu.memory_space<vmem>>
      %dma_start3A_573 = tpu.memref_squeeze %dma_start3A_572 : memref<1x40x16xf32, #tpu.memory_space<vmem>> -> memref<40x16xf32, #tpu.memory_space<vmem>>
      %dma_start3A_574 = arith.constant 0 : i32
      %dma_start3A_575 = tpu.memref_slice %arg5[%mul3A_550, %dma_start3A_574] : memref<320000x16xf32, #tpu.memory_space<hbm>> -> memref<40x16xf32, #tpu.memory_space<hbm>>
      %dma_start3A_576 = arith.constant 0 : i32
      %dma_start3A_577 = arith.constant 0 : i32
      %dma_start3A_578 = tpu.memref_slice %arg15[%dma_start3A_569, %dma_start3A_576, %dma_start3A_577] : memref<2x40x16xf32, #tpu.memory_space<vmem>> -> memref<1x40x16xf32, #tpu.memory_space<vmem>>
      %dma_start3A_579 = tpu.memref_squeeze %dma_start3A_578 : memref<1x40x16xf32, #tpu.memory_space<vmem>> -> memref<40x16xf32, #tpu.memory_space<vmem>>
      %dma_start3A_580 = arith.constant 0 : i32
      %dma_start3A_581 = tpu.memref_slice %arg5[%mul3A_550, %dma_start3A_580] : memref<320000x16xf32, #tpu.memory_space<hbm>> -> memref<40x16xf32, #tpu.memory_space<hbm>>
      tpu.enqueue_dma source(%dma_start3A_581 : memref<40x16xf32, #tpu.memory_space<hbm>>) target(%dma_start3A_579 : memref<40x16xf32, #tpu.memory_space<vmem>>) target_semaphore(%arg18 : memref<!tpu.dma_semaphore, #tpu.memory_space<semaphore_mem>>)
      %mul3A_582 = arith.constant 2 : i32
      %mul3A_583 = arith.muli %mul3A_582, %scan3A_363 : i32
      %add3A_584 = arith.constant 1 : i32
      %add3A_585 = arith.addi %mul3A_583, %add3A_584 : i32
      %dma_wait3A_586 = arith.constant 0 : i32
      %dma_wait3A_587 = arith.constant 0 : i32
      %dma_wait3A_588 = arith.constant 0 : i32
      %dma_wait3A_589 = arith.constant 0 : i32
      %dma_wait3A_590 = tpu.memref_slice %arg16[%dma_wait3A_587, %dma_wait3A_588, %dma_wait3A_589] : memref<2x40x160xf32, #tpu.memory_space<vmem>> -> memref<1x40x160xf32, #tpu.memory_space<vmem>>
      %dma_wait3A_591 = tpu.memref_squeeze %dma_wait3A_590 : memref<1x40x160xf32, #tpu.memory_space<vmem>> -> memref<40x160xf32, #tpu.memory_space<vmem>>
      %dma_wait3A_592 = arith.constant 0 : i32
      %dma_wait3A_593 = arith.constant 0 : i32
      %dma_wait3A_594 = tpu.memref_slice %arg8[%dma_wait3A_586, %dma_wait3A_592, %dma_wait3A_593] : memref<2x10000x160xf32, #tpu.memory_space<hbm>> -> memref<1x40x160xf32, #tpu.memory_space<hbm>>
      %dma_wait3A_595 = tpu.memref_squeeze %dma_wait3A_594 : memref<1x40x160xf32, #tpu.memory_space<hbm>> -> memref<40x160xf32, #tpu.memory_space<hbm>>
      %dma_wait3A_596 = arith.constant 0 : i32
      %dma_wait3A_597 = arith.constant 0 : i32
      %dma_wait3A_598 = tpu.memref_slice %arg16[%dma_wait3A_587, %dma_wait3A_596, %dma_wait3A_597] : memref<2x40x160xf32, #tpu.memory_space<vmem>> -> memref<1x40x160xf32, #tpu.memory_space<vmem>>
      %dma_wait3A_599 = tpu.memref_squeeze %dma_wait3A_598 : memref<1x40x160xf32, #tpu.memory_space<vmem>> -> memref<40x160xf32, #tpu.memory_space<vmem>>
      %dma_wait3A_600 = arith.constant 0 : i32
      %dma_wait3A_601 = arith.constant 0 : i32
      %dma_wait3A_602 = tpu.memref_slice %arg8[%dma_wait3A_586, %dma_wait3A_600, %dma_wait3A_601] : memref<2x10000x160xf32, #tpu.memory_space<hbm>> -> memref<1x40x160xf32, #tpu.memory_space<hbm>>
      %dma_wait3A_603 = tpu.memref_squeeze %dma_wait3A_602 : memref<1x40x160xf32, #tpu.memory_space<hbm>> -> memref<40x160xf32, #tpu.memory_space<hbm>>
      tpu.wait_dma2 semaphore(%arg20 : memref<!tpu.dma_semaphore, #tpu.memory_space<semaphore_mem>>) src(%dma_wait3A_603 : memref<40x160xf32, #tpu.memory_space<hbm>>) dst(%dma_wait3A_599 : memref<40x160xf32, #tpu.memory_space<vmem>>)
      %dma_wait3A_604 = arith.constant 0 : i32
      %dma_wait3A_605 = arith.constant 0 : i32
      %dma_wait3A_606 = tpu.memref_slice %arg9[%dma_wait3A_604, %dma_wait3A_605] : memref<2x40xi32, #tpu.memory_space<vmem>> -> memref<1x40xi32, #tpu.memory_space<vmem>>
      %dma_wait3A_607 = tpu.memref_squeeze %dma_wait3A_606 : memref<1x40xi32, #tpu.memory_space<vmem>> -> memref<40xi32, #tpu.memory_space<vmem>>
      %dma_wait3A_608 = arith.constant 0 : i32
      %dma_wait3A_609 = tpu.memref_slice %arg6[%dma_wait3A_608] : memref<320000xi32, #tpu.memory_space<hbm>> -> memref<40xi32, #tpu.memory_space<hbm>>
      %dma_wait3A_610 = arith.constant 0 : i32
      %dma_wait3A_611 = tpu.memref_slice %arg9[%dma_wait3A_604, %dma_wait3A_610] : memref<2x40xi32, #tpu.memory_space<vmem>> -> memref<1x40xi32, #tpu.memory_space<vmem>>
      %dma_wait3A_612 = tpu.memref_squeeze %dma_wait3A_611 : memref<1x40xi32, #tpu.memory_space<vmem>> -> memref<40xi32, #tpu.memory_space<vmem>>
      %dma_wait3A_613 = arith.constant 0 : i32
      %dma_wait3A_614 = tpu.memref_slice %arg6[%dma_wait3A_613] : memref<320000xi32, #tpu.memory_space<hbm>> -> memref<40xi32, #tpu.memory_space<hbm>>
      tpu.wait_dma2 semaphore(%arg18 : memref<!tpu.dma_semaphore, #tpu.memory_space<semaphore_mem>>) src(%dma_wait3A_614 : memref<40xi32, #tpu.memory_space<hbm>>) dst(%dma_wait3A_612 : memref<40xi32, #tpu.memory_space<vmem>>)
      %dma_wait3A_615 = arith.constant 0 : i32
      %dma_wait3A_616 = arith.constant 0 : i32
      %dma_wait3A_617 = tpu.memref_slice %arg10[%dma_wait3A_615, %dma_wait3A_616] : memref<2x40xi32, #tpu.memory_space<vmem>> -> memref<1x40xi32, #tpu.memory_space<vmem>>
      %dma_wait3A_618 = tpu.memref_squeeze %dma_wait3A_617 : memref<1x40xi32, #tpu.memory_space<vmem>> -> memref<40xi32, #tpu.memory_space<vmem>>
      %dma_wait3A_619 = arith.constant 0 : i32
      %dma_wait3A_620 = tpu.memref_slice %arg7[%dma_wait3A_619] : memref<320000xi32, #tpu.memory_space<hbm>> -> memref<40xi32, #tpu.memory_space<hbm>>
      %dma_wait3A_621 = arith.constant 0 : i32
      %dma_wait3A_622 = tpu.memref_slice %arg10[%dma_wait3A_615, %dma_wait3A_621] : memref<2x40xi32, #tpu.memory_space<vmem>> -> memref<1x40xi32, #tpu.memory_space<vmem>>
      %dma_wait3A_623 = tpu.memref_squeeze %dma_wait3A_622 : memref<1x40xi32, #tpu.memory_space<vmem>> -> memref<40xi32, #tpu.memory_space<vmem>>
      %dma_wait3A_624 = arith.constant 0 : i32
      %dma_wait3A_625 = tpu.memref_slice %arg7[%dma_wait3A_624] : memref<320000xi32, #tpu.memory_space<hbm>> -> memref<40xi32, #tpu.memory_space<hbm>>
      tpu.wait_dma2 semaphore(%arg18 : memref<!tpu.dma_semaphore, #tpu.memory_space<semaphore_mem>>) src(%dma_wait3A_625 : memref<40xi32, #tpu.memory_space<hbm>>) dst(%dma_wait3A_623 : memref<40xi32, #tpu.memory_space<vmem>>)
      %dma_wait3A_626 = arith.constant 0 : i32
      %dma_wait3A_627 = arith.constant 0 : i32
      %dma_wait3A_628 = arith.constant 0 : i32
      %dma_wait3A_629 = tpu.memref_slice %arg15[%dma_wait3A_626, %dma_wait3A_627, %dma_wait3A_628] : memref<2x40x16xf32, #tpu.memory_space<vmem>> -> memref<1x40x16xf32, #tpu.memory_space<vmem>>
      %dma_wait3A_630 = tpu.memref_squeeze %dma_wait3A_629 : memref<1x40x16xf32, #tpu.memory_space<vmem>> -> memref<40x16xf32, #tpu.memory_space<vmem>>
      %dma_wait3A_631 = arith.constant 0 : i32
      %dma_wait3A_632 = arith.constant 0 : i32
      %dma_wait3A_633 = tpu.memref_slice %arg5[%dma_wait3A_631, %dma_wait3A_632] : memref<320000x16xf32, #tpu.memory_space<hbm>> -> memref<40x16xf32, #tpu.memory_space<hbm>>
      %dma_wait3A_634 = arith.constant 0 : i32
      %dma_wait3A_635 = arith.constant 0 : i32
      %dma_wait3A_636 = tpu.memref_slice %arg15[%dma_wait3A_626, %dma_wait3A_634, %dma_wait3A_635] : memref<2x40x16xf32, #tpu.memory_space<vmem>> -> memref<1x40x16xf32, #tpu.memory_space<vmem>>
      %dma_wait3A_637 = tpu.memref_squeeze %dma_wait3A_636 : memref<1x40x16xf32, #tpu.memory_space<vmem>> -> memref<40x16xf32, #tpu.memory_space<vmem>>
      %dma_wait3A_638 = arith.constant 0 : i32
      %dma_wait3A_639 = arith.constant 0 : i32
      %dma_wait3A_640 = tpu.memref_slice %arg5[%dma_wait3A_638, %dma_wait3A_639] : memref<320000x16xf32, #tpu.memory_space<hbm>> -> memref<40x16xf32, #tpu.memory_space<hbm>>
      tpu.wait_dma2 semaphore(%arg18 : memref<!tpu.dma_semaphore, #tpu.memory_space<semaphore_mem>>) src(%dma_wait3A_640 : memref<40x16xf32, #tpu.memory_space<hbm>>) dst(%dma_wait3A_637 : memref<40x16xf32, #tpu.memory_space<vmem>>)
      %dma_start3A_641 = arith.constant 0 : i32
      %dma_start3A_642 = arith.constant 0 : i32
      %dma_start3A_643 = arith.constant 0 : i32
      %dma_start3A_644 = arith.constant 0 : i32
      %dma_start3A_645 = tpu.memref_slice %arg14[%dma_start3A_642, %dma_start3A_643, %dma_start3A_644] : memref<2x40x256xbf16, #tpu.memory_space<vmem>> -> memref<1x40x256xbf16, #tpu.memory_space<vmem>>
      %dma_start3A_646 = tpu.memref_squeeze %dma_start3A_645 : memref<1x40x256xbf16, #tpu.memory_space<vmem>> -> memref<40x256xbf16, #tpu.memory_space<vmem>>
      %dma_start3A_647 = arith.constant 0 : i32
      %dma_start3A_648 = tpu.memref_slice %arg9[%dma_start3A_641, %dma_start3A_647] : memref<2x40xi32, #tpu.memory_space<vmem>> -> memref<1x40xi32, #tpu.memory_space<vmem>>
      %dma_start3A_649 = tpu.memref_squeeze %dma_start3A_648 : memref<1x40xi32, #tpu.memory_space<vmem>> -> memref<40xi32, #tpu.memory_space<vmem>>
      %dma_start3A_650 = arith.constant 0 : i32
      %dma_start3A_651 = arith.constant 0 : i32
      %dma_start3A_652 = tpu.memref_slice %arg4[%dma_start3A_650, %dma_start3A_651] : memref<10000x256xbf16, #tpu.memory_space<hbm>> -> memref<10000x256xbf16, #tpu.memory_space<hbm>>
      tpu.enqueue_indirect_dma source(%dma_start3A_652 : memref<10000x256xbf16, #tpu.memory_space<hbm>>) target(%dma_start3A_646 : memref<40x256xbf16, #tpu.memory_space<vmem>>) offsets(%dma_start3A_649 : memref<40xi32, #tpu.memory_space<vmem>>) semaphore(%arg19 : memref<!tpu.dma_semaphore, #tpu.memory_space<semaphore_mem>>)
      %dma_start3A_653 = arith.constant 0 : i32
      %dma_start3A_654 = arith.constant 0 : i32
      %dma_start3A_655 = arith.constant 0 : i32
      %dma_start3A_656 = arith.constant 0 : i32
      %dma_start3A_657 = tpu.memref_slice %arg12[%dma_start3A_654, %dma_start3A_655, %dma_start3A_656] : memref<2x40x128xbf16, #tpu.memory_space<vmem>> -> memref<1x40x128xbf16, #tpu.memory_space<vmem>>
      %dma_start3A_658 = tpu.memref_squeeze %dma_start3A_657 : memref<1x40x128xbf16, #tpu.memory_space<vmem>> -> memref<40x128xbf16, #tpu.memory_space<vmem>>
      %dma_start3A_659 = arith.constant 0 : i32
      %dma_start3A_660 = tpu.memref_slice %arg10[%dma_start3A_653, %dma_start3A_659] : memref<2x40xi32, #tpu.memory_space<vmem>> -> memref<1x40xi32, #tpu.memory_space<vmem>>
      %dma_start3A_661 = tpu.memref_squeeze %dma_start3A_660 : memref<1x40xi32, #tpu.memory_space<vmem>> -> memref<40xi32, #tpu.memory_space<vmem>>
      %dma_start3A_662 = arith.constant 0 : i32
      %dma_start3A_663 = arith.constant 0 : i32
      %dma_start3A_664 = tpu.memref_slice %arg2[%dma_start3A_662, %dma_start3A_663] : memref<10000x128xbf16, #tpu.memory_space<hbm>> -> memref<10000x128xbf16, #tpu.memory_space<hbm>>
      tpu.enqueue_indirect_dma source(%dma_start3A_664 : memref<10000x128xbf16, #tpu.memory_space<hbm>>) target(%dma_start3A_658 : memref<40x128xbf16, #tpu.memory_space<vmem>>) offsets(%dma_start3A_661 : memref<40xi32, #tpu.memory_space<vmem>>) semaphore(%arg19 : memref<!tpu.dma_semaphore, #tpu.memory_space<semaphore_mem>>)
      %dma_start3A_665 = arith.constant 0 : i32
      %dma_start3A_666 = arith.constant 0 : i32
      %dma_start3A_667 = arith.constant 0 : i32
      %dma_start3A_668 = arith.constant 0 : i32
      %dma_start3A_669 = tpu.memref_slice %arg13[%dma_start3A_666, %dma_start3A_667, %dma_start3A_668] : memref<2x40x16xf32, #tpu.memory_space<vmem>> -> memref<1x40x16xf32, #tpu.memory_space<vmem>>
      %dma_start3A_670 = tpu.memref_squeeze %dma_start3A_669 : memref<1x40x16xf32, #tpu.memory_space<vmem>> -> memref<40x16xf32, #tpu.memory_space<vmem>>
      %dma_start3A_671 = arith.constant 0 : i32
      %dma_start3A_672 = tpu.memref_slice %arg10[%dma_start3A_665, %dma_start3A_671] : memref<2x40xi32, #tpu.memory_space<vmem>> -> memref<1x40xi32, #tpu.memory_space<vmem>>
      %dma_start3A_673 = tpu.memref_squeeze %dma_start3A_672 : memref<1x40xi32, #tpu.memory_space<vmem>> -> memref<40xi32, #tpu.memory_space<vmem>>
      %dma_start3A_674 = arith.constant 0 : i32
      %dma_start3A_675 = arith.constant 0 : i32
      %dma_start3A_676 = tpu.memref_slice %arg3[%dma_start3A_674, %dma_start3A_675] : memref<10000x16xf32, #tpu.memory_space<hbm>> -> memref<10000x16xf32, #tpu.memory_space<hbm>>
      tpu.enqueue_indirect_dma source(%dma_start3A_676 : memref<10000x16xf32, #tpu.memory_space<hbm>>) target(%dma_start3A_670 : memref<40x16xf32, #tpu.memory_space<vmem>>) offsets(%dma_start3A_673 : memref<40xi32, #tpu.memory_space<vmem>>) semaphore(%arg19 : memref<!tpu.dma_semaphore, #tpu.memory_space<semaphore_mem>>)
      %dma_wait3A_677 = arith.constant 0 : i32
      %dma_wait3A_678 = arith.constant 0 : i32
      %dma_wait3A_679 = arith.constant 0 : i32
      %dma_wait3A_680 = tpu.memref_slice %arg14[%dma_wait3A_677, %dma_wait3A_678, %dma_wait3A_679] : memref<2x40x256xbf16, #tpu.memory_space<vmem>> -> memref<1x40x256xbf16, #tpu.memory_space<vmem>>
      %dma_wait3A_681 = tpu.memref_squeeze %dma_wait3A_680 : memref<1x40x256xbf16, #tpu.memory_space<vmem>> -> memref<40x256xbf16, #tpu.memory_space<vmem>>
      %dma_wait3A_682 = arith.constant 0 : i32
      %dma_wait3A_683 = arith.constant 0 : i32
      %dma_wait3A_684 = tpu.memref_slice %arg4[%dma_wait3A_682, %dma_wait3A_683] : memref<10000x256xbf16, #tpu.memory_space<hbm>> -> memref<40x256xbf16, #tpu.memory_space<hbm>>
      %dma_wait3A_685 = arith.constant 0 : i32
      %dma_wait3A_686 = arith.constant 0 : i32
      %dma_wait3A_687 = tpu.memref_slice %arg14[%dma_wait3A_677, %dma_wait3A_685, %dma_wait3A_686] : memref<2x40x256xbf16, #tpu.memory_space<vmem>> -> memref<1x40x256xbf16, #tpu.memory_space<vmem>>
      %dma_wait3A_688 = tpu.memref_squeeze %dma_wait3A_687 : memref<1x40x256xbf16, #tpu.memory_space<vmem>> -> memref<40x256xbf16, #tpu.memory_space<vmem>>
      %dma_wait3A_689 = arith.constant 0 : i32
      %dma_wait3A_690 = arith.constant 0 : i32
      %dma_wait3A_691 = tpu.memref_slice %arg4[%dma_wait3A_689, %dma_wait3A_690] : memref<10000x256xbf16, #tpu.memory_space<hbm>> -> memref<40x256xbf16, #tpu.memory_space<hbm>>
      tpu.wait_dma2 semaphore(%arg19 : memref<!tpu.dma_semaphore, #tpu.memory_space<semaphore_mem>>) src(%dma_wait3A_691 : memref<40x256xbf16, #tpu.memory_space<hbm>>) dst(%dma_wait3A_688 : memref<40x256xbf16, #tpu.memory_space<vmem>>)
      %dma_wait3A_692 = arith.constant 0 : i32
      %dma_wait3A_693 = arith.constant 0 : i32
      %dma_wait3A_694 = arith.constant 0 : i32
      %dma_wait3A_695 = tpu.memref_slice %arg12[%dma_wait3A_692, %dma_wait3A_693, %dma_wait3A_694] : memref<2x40x128xbf16, #tpu.memory_space<vmem>> -> memref<1x40x128xbf16, #tpu.memory_space<vmem>>
      %dma_wait3A_696 = tpu.memref_squeeze %dma_wait3A_695 : memref<1x40x128xbf16, #tpu.memory_space<vmem>> -> memref<40x128xbf16, #tpu.memory_space<vmem>>
      %dma_wait3A_697 = arith.constant 0 : i32
      %dma_wait3A_698 = arith.constant 0 : i32
      %dma_wait3A_699 = tpu.memref_slice %arg2[%dma_wait3A_697, %dma_wait3A_698] : memref<10000x128xbf16, #tpu.memory_space<hbm>> -> memref<40x128xbf16, #tpu.memory_space<hbm>>
      %dma_wait3A_700 = arith.constant 0 : i32
      %dma_wait3A_701 = arith.constant 0 : i32
      %dma_wait3A_702 = tpu.memref_slice %arg12[%dma_wait3A_692, %dma_wait3A_700, %dma_wait3A_701] : memref<2x40x128xbf16, #tpu.memory_space<vmem>> -> memref<1x40x128xbf16, #tpu.memory_space<vmem>>
      %dma_wait3A_703 = tpu.memref_squeeze %dma_wait3A_702 : memref<1x40x128xbf16, #tpu.memory_space<vmem>> -> memref<40x128xbf16, #tpu.memory_space<vmem>>
      %dma_wait3A_704 = arith.constant 0 : i32
      %dma_wait3A_705 = arith.constant 0 : i32
      %dma_wait3A_706 = tpu.memref_slice %arg2[%dma_wait3A_704, %dma_wait3A_705] : memref<10000x128xbf16, #tpu.memory_space<hbm>> -> memref<40x128xbf16, #tpu.memory_space<hbm>>
      tpu.wait_dma2 semaphore(%arg19 : memref<!tpu.dma_semaphore, #tpu.memory_space<semaphore_mem>>) src(%dma_wait3A_706 : memref<40x128xbf16, #tpu.memory_space<hbm>>) dst(%dma_wait3A_703 : memref<40x128xbf16, #tpu.memory_space<vmem>>)
      %dma_wait3A_707 = arith.constant 0 : i32
      %dma_wait3A_708 = arith.constant 0 : i32
      %dma_wait3A_709 = arith.constant 0 : i32
      %dma_wait3A_710 = tpu.memref_slice %arg13[%dma_wait3A_707, %dma_wait3A_708, %dma_wait3A_709] : memref<2x40x16xf32, #tpu.memory_space<vmem>> -> memref<1x40x16xf32, #tpu.memory_space<vmem>>
      %dma_wait3A_711 = tpu.memref_squeeze %dma_wait3A_710 : memref<1x40x16xf32, #tpu.memory_space<vmem>> -> memref<40x16xf32, #tpu.memory_space<vmem>>
      %dma_wait3A_712 = arith.constant 0 : i32
      %dma_wait3A_713 = arith.constant 0 : i32
      %dma_wait3A_714 = tpu.memref_slice %arg3[%dma_wait3A_712, %dma_wait3A_713] : memref<10000x16xf32, #tpu.memory_space<hbm>> -> memref<40x16xf32, #tpu.memory_space<hbm>>
      %dma_wait3A_715 = arith.constant 0 : i32
      %dma_wait3A_716 = arith.constant 0 : i32
      %dma_wait3A_717 = tpu.memref_slice %arg13[%dma_wait3A_707, %dma_wait3A_715, %dma_wait3A_716] : memref<2x40x16xf32, #tpu.memory_space<vmem>> -> memref<1x40x16xf32, #tpu.memory_space<vmem>>
      %dma_wait3A_718 = tpu.memref_squeeze %dma_wait3A_717 : memref<1x40x16xf32, #tpu.memory_space<vmem>> -> memref<40x16xf32, #tpu.memory_space<vmem>>
      %dma_wait3A_719 = arith.constant 0 : i32
      %dma_wait3A_720 = arith.constant 0 : i32
      %dma_wait3A_721 = tpu.memref_slice %arg3[%dma_wait3A_719, %dma_wait3A_720] : memref<10000x16xf32, #tpu.memory_space<hbm>> -> memref<40x16xf32, #tpu.memory_space<hbm>>
      tpu.wait_dma2 semaphore(%arg19 : memref<!tpu.dma_semaphore, #tpu.memory_space<semaphore_mem>>) src(%dma_wait3A_721 : memref<40x16xf32, #tpu.memory_space<hbm>>) dst(%dma_wait3A_718 : memref<40x16xf32, #tpu.memory_space<vmem>>)
      %scan3A_722 = arith.constant 0 : i32
      %scan3A_723 = arith.constant 0 : i32
      %scan3A_724 = arith.constant 10 : i32
      %scan3A_725 = arith.addi %scan3A_723, %scan3A_724 : i32
      %scan3A_726 = arith.constant 1 : i32
      scf.for %scan3A_805 = %scan3A_723 to %scan3A_725 step %scan3A_726  : i32 {
        %mul3A_806 = arith.constant 4 : i32
        %mul3A_807 = arith.muli %scan3A_805, %mul3A_806 : i32
        %add3A_808 = arith.constant 0 : i32
        %add3A_809 = arith.addi %mul3A_807, %add3A_808 : i32
        %get3A_810 = arith.constant 1 : i32
        %get3A_811 = arith.index_cast %get3A_810 : i32 to index
        %get3A_812 = arith.index_cast %add3A_809 : i32 to index
        %get3A_813 = arith.constant 0 : index
        %get3A_814 = tpu.vector_load %arg15[%get3A_811, %get3A_812, %get3A_813] {strides = array<i32>} : memref<2x40x16xf32, #tpu.memory_space<vmem>>, vector<16xf32>,
        %get3A_815 = arith.constant 1 : i32
        %get3A_816 = arith.index_cast %get3A_815 : i32 to index
        %get3A_817 = arith.index_cast %add3A_809 : i32 to index
        %get3A_818 = arith.constant 0 : index
        %get3A_819 = tpu.vector_load %arg13[%get3A_816, %get3A_817, %get3A_818] {strides = array<i32>} : memref<2x40x16xf32, #tpu.memory_space<vmem>>, vector<16xf32>,
        %mul3A_820 = arith.mulf %get3A_819, %get3A_814 : vector<16xf32>
        %get3A_821 = arith.constant 1 : i32
        %get3A_822 = arith.index_cast %get3A_821 : i32 to index
        %get3A_823 = arith.index_cast %add3A_809 : i32 to index
        %get3A_824 = arith.constant 0 : index
        %get3A_825 = tpu.vector_load %arg14[%get3A_822, %get3A_823, %get3A_824] {strides = array<i32>} : memref<2x40x256xbf16, #tpu.memory_space<vmem>>, vector<32xbf16>,
        %unpack3A = tpu.unpack_subelements %get3A_825, 0 {pack_format = #tpu.pack_format<interleaved>} : vector<32xbf16> -> vector<16xf32>
        %unpack3A_826 = tpu.unpack_subelements %get3A_825, 1 {pack_format = #tpu.pack_format<interleaved>} : vector<32xbf16> -> vector<16xf32>
        %get3A_827 = arith.constant 1 : i32
        %get3A_828 = arith.index_cast %get3A_827 : i32 to index
        %get3A_829 = arith.index_cast %add3A_809 : i32 to index
        %get3A_830 = arith.constant 0 : index
        %get3A_831 = tpu.vector_load %arg12[%get3A_828, %get3A_829, %get3A_830] {strides = array<i32>} : memref<2x40x128xbf16, #tpu.memory_space<vmem>>, vector<32xbf16>,
        %unpack3A_832 = tpu.unpack_subelements %get3A_831, 0 {pack_format = #tpu.pack_format<interleaved>} : vector<32xbf16> -> vector<16xf32>
        %unpack3A_833 = tpu.unpack_subelements %get3A_831, 1 {pack_format = #tpu.pack_format<interleaved>} : vector<32xbf16> -> vector<16xf32>
        %mul3A_834 = arith.mulf %unpack3A_832, %unpack3A : vector<16xf32>
        %add3A_835 = arith.addf %mul3A_820, %mul3A_834 : vector<16xf32>
        %mul3A_836 = arith.mulf %unpack3A_833, %unpack3A_826 : vector<16xf32>
        %add3A_837 = arith.addf %add3A_835, %mul3A_836 : vector<16xf32>
        %get3A_838 = arith.constant 1 : i32
        %get3A_839 = arith.index_cast %get3A_838 : i32 to index
        %get3A_840 = arith.index_cast %add3A_809 : i32 to index
        %get3A_841 = arith.constant 32 : index
        %get3A_842 = tpu.vector_load %arg14[%get3A_839, %get3A_840, %get3A_841] {strides = array<i32>} : memref<2x40x256xbf16, #tpu.memory_space<vmem>>, vector<32xbf16>,
        %unpack3A_843 = tpu.unpack_subelements %get3A_842, 0 {pack_format = #tpu.pack_format<interleaved>} : vector<32xbf16> -> vector<16xf32>
        %unpack3A_844 = tpu.unpack_subelements %get3A_842, 1 {pack_format = #tpu.pack_format<interleaved>} : vector<32xbf16> -> vector<16xf32>
        %get3A_845 = arith.constant 1 : i32
        %get3A_846 = arith.index_cast %get3A_845 : i32 to index
        %get3A_847 = arith.index_cast %add3A_809 : i32 to index
        %get3A_848 = arith.constant 32 : index
        %get3A_849 = tpu.vector_load %arg12[%get3A_846, %get3A_847, %get3A_848] {strides = array<i32>} : memref<2x40x128xbf16, #tpu.memory_space<vmem>>, vector<32xbf16>,
        %unpack3A_850 = tpu.unpack_subelements %get3A_849, 0 {pack_format = #tpu.pack_format<interleaved>} : vector<32xbf16> -> vector<16xf32>
        %unpack3A_851 = tpu.unpack_subelements %get3A_849, 1 {pack_format = #tpu.pack_format<interleaved>} : vector<32xbf16> -> vector<16xf32>
        %mul3A_852 = arith.mulf %unpack3A_850, %unpack3A_843 : vector<16xf32>
        %add3A_853 = arith.addf %add3A_837, %mul3A_852 : vector<16xf32>
        %mul3A_854 = arith.mulf %unpack3A_851, %unpack3A_844 : vector<16xf32>
        %add3A_855 = arith.addf %add3A_853, %mul3A_854 : vector<16xf32>
        %get3A_856 = arith.constant 1 : i32
        %get3A_857 = arith.index_cast %get3A_856 : i32 to index
        %get3A_858 = arith.index_cast %add3A_809 : i32 to index
        %get3A_859 = arith.constant 64 : index
        %get3A_860 = tpu.vector_load %arg14[%get3A_857, %get3A_858, %get3A_859] {strides = array<i32>} : memref<2x40x256xbf16, #tpu.memory_space<vmem>>, vector<32xbf16>,
        %unpack3A_861 = tpu.unpack_subelements %get3A_860, 0 {pack_format = #tpu.pack_format<interleaved>} : vector<32xbf16> -> vector<16xf32>
        %unpack3A_862 = tpu.unpack_subelements %get3A_860, 1 {pack_format = #tpu.pack_format<interleaved>} : vector<32xbf16> -> vector<16xf32>
        %get3A_863 = arith.constant 1 : i32
        %get3A_864 = arith.index_cast %get3A_863 : i32 to index
        %get3A_865 = arith.index_cast %add3A_809 : i32 to index
        %get3A_866 = arith.constant 64 : index
        %get3A_867 = tpu.vector_load %arg12[%get3A_864, %get3A_865, %get3A_866] {strides = array<i32>} : memref<2x40x128xbf16, #tpu.memory_space<vmem>>, vector<32xbf16>,
        %unpack3A_868 = tpu.unpack_subelements %get3A_867, 0 {pack_format = #tpu.pack_format<interleaved>} : vector<32xbf16> -> vector<16xf32>
        %unpack3A_869 = tpu.unpack_subelements %get3A_867, 1 {pack_format = #tpu.pack_format<interleaved>} : vector<32xbf16> -> vector<16xf32>
        %mul3A_870 = arith.mulf %unpack3A_868, %unpack3A_861 : vector<16xf32>
        %add3A_871 = arith.addf %add3A_855, %mul3A_870 : vector<16xf32>
        %mul3A_872 = arith.mulf %unpack3A_869, %unpack3A_862 : vector<16xf32>
        %add3A_873 = arith.addf %add3A_871, %mul3A_872 : vector<16xf32>
        %get3A_874 = arith.constant 1 : i32
        %get3A_875 = arith.index_cast %get3A_874 : i32 to index
        %get3A_876 = arith.index_cast %add3A_809 : i32 to index
        %get3A_877 = arith.constant 96 : index
        %get3A_878 = tpu.vector_load %arg14[%get3A_875, %get3A_876, %get3A_877] {strides = array<i32>} : memref<2x40x256xbf16, #tpu.memory_space<vmem>>, vector<32xbf16>,
        %unpack3A_879 = tpu.unpack_subelements %get3A_878, 0 {pack_format = #tpu.pack_format<interleaved>} : vector<32xbf16> -> vector<16xf32>
        %unpack3A_880 = tpu.unpack_subelements %get3A_878, 1 {pack_format = #tpu.pack_format<interleaved>} : vector<32xbf16> -> vector<16xf32>
        %get3A_881 = arith.constant 1 : i32
        %get3A_882 = arith.index_cast %get3A_881 : i32 to index
        %get3A_883 = arith.index_cast %add3A_809 : i32 to index
        %get3A_884 = arith.constant 96 : index
        %get3A_885 = tpu.vector_load %arg12[%get3A_882, %get3A_883, %get3A_884] {strides = array<i32>} : memref<2x40x128xbf16, #tpu.memory_space<vmem>>, vector<32xbf16>,
        %unpack3A_886 = tpu.unpack_subelements %get3A_885, 0 {pack_format = #tpu.pack_format<interleaved>} : vector<32xbf16> -> vector<16xf32>
        %unpack3A_887 = tpu.unpack_subelements %get3A_885, 1 {pack_format = #tpu.pack_format<interleaved>} : vector<32xbf16> -> vector<16xf32>
        %mul3A_888 = arith.mulf %unpack3A_886, %unpack3A_879 : vector<16xf32>
        %add3A_889 = arith.addf %add3A_873, %mul3A_888 : vector<16xf32>
        %mul3A_890 = arith.mulf %unpack3A_887, %unpack3A_880 : vector<16xf32>
        %add3A_891 = arith.addf %add3A_889, %mul3A_890 : vector<16xf32>
        %iota3A_892 = tpu.iota {dimensions = array<i32: 0>} : vector<16xi32>
        %xor3A = arith.constant 8 : i32
        %xor3A_893 = vector.broadcast %xor3A : i32 to vector<16xi32>
        %xor3A_894 = arith.xori %iota3A_892, %xor3A_893 : vector<16xi32>
        %lt3A_895 = arith.constant 0 : i32
        %lt3A_896 = vector.broadcast %lt3A_895 : i32 to vector<16xi32>
        %lt3A_897 = arith.cmpi slt, %xor3A_894, %lt3A_896 : vector<16xi32>
        %add3A_898 = arith.constant 16 : i32
        %add3A_899 = vector.broadcast %add3A_898 : i32 to vector<16xi32>
        %add3A_900 = arith.addi %xor3A_894, %add3A_899 : vector<16xi32>
        %select_n3A_901 = arith.select %lt3A_897, %add3A_900, %xor3A_894 : vector<16xi1>, vector<16xi32>
        %broadcast_in_dim3A_902 = vector.shape_cast %select_n3A_901 : vector<16xi32> to vector<16x1xi32>
        %gather3A = vector.shape_cast %broadcast_in_dim3A_902 : vector<16x1xi32> to vector<16xi32>
        %gather3A_903 = tpu.dynamic_gather %add3A_891[%gather3A] in [0] : vector<16xf32>, vector<16xi32> -> vector<16xf32>
        %add3A_904 = arith.addf %add3A_891, %gather3A_903 : vector<16xf32>
        %iota3A_905 = tpu.iota {dimensions = array<i32: 0>} : vector<16xi32>
        %xor3A_906 = arith.constant 4 : i32
        %xor3A_907 = vector.broadcast %xor3A_906 : i32 to vector<16xi32>
        %xor3A_908 = arith.xori %iota3A_905, %xor3A_907 : vector<16xi32>
        %lt3A_909 = arith.constant 0 : i32
        %lt3A_910 = vector.broadcast %lt3A_909 : i32 to vector<16xi32>
        %lt3A_911 = arith.cmpi slt, %xor3A_908, %lt3A_910 : vector<16xi32>
        %add3A_912 = arith.constant 16 : i32
        %add3A_913 = vector.broadcast %add3A_912 : i32 to vector<16xi32>
        %add3A_914 = arith.addi %xor3A_908, %add3A_913 : vector<16xi32>
        %select_n3A_915 = arith.select %lt3A_911, %add3A_914, %xor3A_908 : vector<16xi1>, vector<16xi32>
        %broadcast_in_dim3A_916 = vector.shape_cast %select_n3A_915 : vector<16xi32> to vector<16x1xi32>
        %gather3A_917 = vector.shape_cast %broadcast_in_dim3A_916 : vector<16x1xi32> to vector<16xi32>
        %gather3A_918 = tpu.dynamic_gather %add3A_904[%gather3A_917] in [0] : vector<16xf32>, vector<16xi32> -> vector<16xf32>
        %add3A_919 = arith.addf %add3A_904, %gather3A_918 : vector<16xf32>
        %iota3A_920 = tpu.iota {dimensions = array<i32: 0>} : vector<16xi32>
        %xor3A_921 = arith.constant 2 : i32
        %xor3A_922 = vector.broadcast %xor3A_921 : i32 to vector<16xi32>
        %xor3A_923 = arith.xori %iota3A_920, %xor3A_922 : vector<16xi32>
        %lt3A_924 = arith.constant 0 : i32
        %lt3A_925 = vector.broadcast %lt3A_924 : i32 to vector<16xi32>
        %lt3A_926 = arith.cmpi slt, %xor3A_923, %lt3A_925 : vector<16xi32>
        %add3A_927 = arith.constant 16 : i32
        %add3A_928 = vector.broadcast %add3A_927 : i32 to vector<16xi32>
        %add3A_929 = arith.addi %xor3A_923, %add3A_928 : vector<16xi32>
        %select_n3A_930 = arith.select %lt3A_926, %add3A_929, %xor3A_923 : vector<16xi1>, vector<16xi32>
        %broadcast_in_dim3A_931 = vector.shape_cast %select_n3A_930 : vector<16xi32> to vector<16x1xi32>
        %gather3A_932 = vector.shape_cast %broadcast_in_dim3A_931 : vector<16x1xi32> to vector<16xi32>
        %gather3A_933 = tpu.dynamic_gather %add3A_919[%gather3A_932] in [0] : vector<16xf32>, vector<16xi32> -> vector<16xf32>
        %add3A_934 = arith.addf %add3A_919, %gather3A_933 : vector<16xf32>
        %iota3A_935 = tpu.iota {dimensions = array<i32: 0>} : vector<16xi32>
        %xor3A_936 = arith.constant 1 : i32
        %xor3A_937 = vector.broadcast %xor3A_936 : i32 to vector<16xi32>
        %xor3A_938 = arith.xori %iota3A_935, %xor3A_937 : vector<16xi32>
        %lt3A_939 = arith.constant 0 : i32
        %lt3A_940 = vector.broadcast %lt3A_939 : i32 to vector<16xi32>
        %lt3A_941 = arith.cmpi slt, %xor3A_938, %lt3A_940 : vector<16xi32>
        %add3A_942 = arith.constant 16 : i32
        %add3A_943 = vector.broadcast %add3A_942 : i32 to vector<16xi32>
        %add3A_944 = arith.addi %xor3A_938, %add3A_943 : vector<16xi32>
        %select_n3A_945 = arith.select %lt3A_941, %add3A_944, %xor3A_938 : vector<16xi1>, vector<16xi32>
        %broadcast_in_dim3A_946 = vector.shape_cast %select_n3A_945 : vector<16xi32> to vector<16x1xi32>
        %gather3A_947 = vector.shape_cast %broadcast_in_dim3A_946 : vector<16x1xi32> to vector<16xi32>
        %gather3A_948 = tpu.dynamic_gather %add3A_934[%gather3A_947] in [0] : vector<16xf32>, vector<16xi32> -> vector<16xf32>
        %add3A_949 = arith.addf %add3A_934, %gather3A_948 : vector<16xf32>
        %mul3A_950 = arith.constant 0.0883883461 : f32
        %mul3A_951 = vector.broadcast %mul3A_950 : f32 to vector<16xf32>
        %mul3A_952 = arith.mulf %add3A_949, %mul3A_951 : vector<16xf32>
        %exp3A = math.exp %mul3A_952 : vector<16xf32>
        %get3A_953 = arith.constant 1 : i32
        %get3A_954 = arith.index_cast %get3A_953 : i32 to index
        %get3A_955 = arith.index_cast %add3A_809 : i32 to index
        %get3A_956 = arith.constant 128 : index
        %get3A_957 = tpu.vector_load %arg14[%get3A_954, %get3A_955, %get3A_956] {strides = array<i32>} : memref<2x40x256xbf16, #tpu.memory_space<vmem>>, vector<32xbf16>,
        %unpack3A_958 = tpu.unpack_subelements %get3A_957, 0 {pack_format = #tpu.pack_format<interleaved>} : vector<32xbf16> -> vector<16xf32>
        %unpack3A_959 = tpu.unpack_subelements %get3A_957, 1 {pack_format = #tpu.pack_format<interleaved>} : vector<32xbf16> -> vector<16xf32>
        %mul3A_960 = arith.mulf %exp3A, %unpack3A_958 : vector<16xf32>
        %swap3A_961 = arith.constant 1 : i32
        %swap3A_962 = arith.index_cast %swap3A_961 : i32 to index
        %swap3A_963 = arith.index_cast %add3A_809 : i32 to index
        %swap3A_964 = arith.constant 0 : index
        %swap3A_965 = tpu.vector_load %arg16[%swap3A_962, %swap3A_963, %swap3A_964] {strides = array<i32>} : memref<2x40x160xf32, #tpu.memory_space<vmem>>, vector<16xf32>,
        tpu.vector_store %arg16[%swap3A_962, %swap3A_963, %swap3A_964], %mul3A_960 {strides = array<i32>} : memref<2x40x160xf32, #tpu.memory_space<vmem>>, vector<16xf32>,
        %mul3A_966 = arith.mulf %exp3A, %unpack3A_959 : vector<16xf32>
        %swap3A_967 = arith.constant 1 : i32
        %swap3A_968 = arith.index_cast %swap3A_967 : i32 to index
        %swap3A_969 = arith.index_cast %add3A_809 : i32 to index
        %swap3A_970 = arith.constant 16 : index
        %swap3A_971 = tpu.vector_load %arg16[%swap3A_968, %swap3A_969, %swap3A_970] {strides = array<i32>} : memref<2x40x160xf32, #tpu.memory_space<vmem>>, vector<16xf32>,
        tpu.vector_store %arg16[%swap3A_968, %swap3A_969, %swap3A_970], %mul3A_966 {strides = array<i32>} : memref<2x40x160xf32, #tpu.memory_space<vmem>>, vector<16xf32>,
        %get3A_972 = arith.constant 1 : i32
        %get3A_973 = arith.index_cast %get3A_972 : i32 to index
        %get3A_974 = arith.index_cast %add3A_809 : i32 to index
        %get3A_975 = arith.constant 160 : index
        %get3A_976 = tpu.vector_load %arg14[%get3A_973, %get3A_974, %get3A_975] {strides = array<i32>} : memref<2x40x256xbf16, #tpu.memory_space<vmem>>, vector<32xbf16>,
        %unpack3A_977 = tpu.unpack_subelements %get3A_976, 0 {pack_format = #tpu.pack_format<interleaved>} : vector<32xbf16> -> vector<16xf32>
        %unpack3A_978 = tpu.unpack_subelements %get3A_976, 1 {pack_format = #tpu.pack_format<interleaved>} : vector<32xbf16> -> vector<16xf32>
        %mul3A_979 = arith.mulf %exp3A, %unpack3A_977 : vector<16xf32>
        %swap3A_980 = arith.constant 1 : i32
        %swap3A_981 = arith.index_cast %swap3A_980 : i32 to index
        %swap3A_982 = arith.index_cast %add3A_809 : i32 to index
        %swap3A_983 = arith.constant 32 : index
        %swap3A_984 = tpu.vector_load %arg16[%swap3A_981, %swap3A_982, %swap3A_983] {strides = array<i32>} : memref<2x40x160xf32, #tpu.memory_space<vmem>>, vector<16xf32>,
        tpu.vector_store %arg16[%swap3A_981, %swap3A_982, %swap3A_983], %mul3A_979 {strides = array<i32>} : memref<2x40x160xf32, #tpu.memory_space<vmem>>, vector<16xf32>,
        %mul3A_985 = arith.mulf %exp3A, %unpack3A_978 : vector<16xf32>
        %swap3A_986 = arith.constant 1 : i32
        %swap3A_987 = arith.index_cast %swap3A_986 : i32 to index
        %swap3A_988 = arith.index_cast %add3A_809 : i32 to index
        %swap3A_989 = arith.constant 48 : index
        %swap3A_990 = tpu.vector_load %arg16[%swap3A_987, %swap3A_988, %swap3A_989] {strides = array<i32>} : memref<2x40x160xf32, #tpu.memory_space<vmem>>, vector<16xf32>,
        tpu.vector_store %arg16[%swap3A_987, %swap3A_988, %swap3A_989], %mul3A_985 {strides = array<i32>} : memref<2x40x160xf32, #tpu.memory_space<vmem>>, vector<16xf32>,
        %get3A_991 = arith.constant 1 : i32
        %get3A_992 = arith.index_cast %get3A_991 : i32 to index
        %get3A_993 = arith.index_cast %add3A_809 : i32 to index
        %get3A_994 = arith.constant 192 : index
        %get3A_995 = tpu.vector_load %arg14[%get3A_992, %get3A_993, %get3A_994] {strides = array<i32>} : memref<2x40x256xbf16, #tpu.memory_space<vmem>>, vector<32xbf16>,
        %unpack3A_996 = tpu.unpack_subelements %get3A_995, 0 {pack_format = #tpu.pack_format<interleaved>} : vector<32xbf16> -> vector<16xf32>
        %unpack3A_997 = tpu.unpack_subelements %get3A_995, 1 {pack_format = #tpu.pack_format<interleaved>} : vector<32xbf16> -> vector<16xf32>
        %mul3A_998 = arith.mulf %exp3A, %unpack3A_996 : vector<16xf32>
        %swap3A_999 = arith.constant 1 : i32
        %swap3A_1000 = arith.index_cast %swap3A_999 : i32 to index
        %swap3A_1001 = arith.index_cast %add3A_809 : i32 to index
        %swap3A_1002 = arith.constant 64 : index
        %swap3A_1003 = tpu.vector_load %arg16[%swap3A_1000, %swap3A_1001, %swap3A_1002] {strides = array<i32>} : memref<2x40x160xf32, #tpu.memory_space<vmem>>, vector<16xf32>,
        tpu.vector_store %arg16[%swap3A_1000, %swap3A_1001, %swap3A_1002], %mul3A_998 {strides = array<i32>} : memref<2x40x160xf32, #tpu.memory_space<vmem>>, vector<16xf32>,
        %mul3A_1004 = arith.mulf %exp3A, %unpack3A_997 : vector<16xf32>
        %swap3A_1005 = arith.constant 1 : i32
        %swap3A_1006 = arith.index_cast %swap3A_1005 : i32 to index
        %swap3A_1007 = arith.index_cast %add3A_809 : i32 to index
        %swap3A_1008 = arith.constant 80 : index
        %swap3A_1009 = tpu.vector_load %arg16[%swap3A_1006, %swap3A_1007, %swap3A_1008] {strides = array<i32>} : memref<2x40x160xf32, #tpu.memory_space<vmem>>, vector<16xf32>,
        tpu.vector_store %arg16[%swap3A_1006, %swap3A_1007, %swap3A_1008], %mul3A_1004 {strides = array<i32>} : memref<2x40x160xf32, #tpu.memory_space<vmem>>, vector<16xf32>,
        %get3A_1010 = arith.constant 1 : i32
        %get3A_1011 = arith.index_cast %get3A_1010 : i32 to index
        %get3A_1012 = arith.index_cast %add3A_809 : i32 to index
        %get3A_1013 = arith.constant 224 : index
        %get3A_1014 = tpu.vector_load %arg14[%get3A_1011, %get3A_1012, %get3A_1013] {strides = array<i32>} : memref<2x40x256xbf16, #tpu.memory_space<vmem>>, vector<32xbf16>,
        %unpack3A_1015 = tpu.unpack_subelements %get3A_1014, 0 {pack_format = #tpu.pack_format<interleaved>} : vector<32xbf16> -> vector<16xf32>
        %unpack3A_1016 = tpu.unpack_subelements %get3A_1014, 1 {pack_format = #tpu.pack_format<interleaved>} : vector<32xbf16> -> vector<16xf32>
        %mul3A_1017 = arith.mulf %exp3A, %unpack3A_1015 : vector<16xf32>
        %swap3A_1018 = arith.constant 1 : i32
        %swap3A_1019 = arith.index_cast %swap3A_1018 : i32 to index
        %swap3A_1020 = arith.index_cast %add3A_809 : i32 to index
        %swap3A_1021 = arith.constant 96 : index
        %swap3A_1022 = tpu.vector_load %arg16[%swap3A_1019, %swap3A_1020, %swap3A_1021] {strides = array<i32>} : memref<2x40x160xf32, #tpu.memory_space<vmem>>, vector<16xf32>,
        tpu.vector_store %arg16[%swap3A_1019, %swap3A_1020, %swap3A_1021], %mul3A_1017 {strides = array<i32>} : memref<2x40x160xf32, #tpu.memory_space<vmem>>, vector<16xf32>,
        %mul3A_1023 = arith.mulf %exp3A, %unpack3A_1016 : vector<16xf32>
        %swap3A_1024 = arith.constant 1 : i32
        %swap3A_1025 = arith.index_cast %swap3A_1024 : i32 to index
        %swap3A_1026 = arith.index_cast %add3A_809 : i32 to index
        %swap3A_1027 = arith.constant 112 : index
        %swap3A_1028 = tpu.vector_load %arg16[%swap3A_1025, %swap3A_1026, %swap3A_1027] {strides = array<i32>} : memref<2x40x160xf32, #tpu.memory_space<vmem>>, vector<16xf32>,
        tpu.vector_store %arg16[%swap3A_1025, %swap3A_1026, %swap3A_1027], %mul3A_1023 {strides = array<i32>} : memref<2x40x160xf32, #tpu.memory_space<vmem>>, vector<16xf32>,
        %mul3A_1029 = arith.mulf %exp3A, %get3A_814 : vector<16xf32>
        %swap3A_1030 = arith.constant 1 : i32
        %swap3A_1031 = arith.index_cast %swap3A_1030 : i32 to index
        %swap3A_1032 = arith.index_cast %add3A_809 : i32 to index
        %swap3A_1033 = arith.constant 128 : index
        %swap3A_1034 = tpu.vector_load %arg16[%swap3A_1031, %swap3A_1032, %swap3A_1033] {strides = array<i32>} : memref<2x40x160xf32, #tpu.memory_space<vmem>>, vector<16xf32>,
        tpu.vector_store %arg16[%swap3A_1031, %swap3A_1032, %swap3A_1033], %mul3A_1029 {strides = array<i32>} : memref<2x40x160xf32, #tpu.memory_space<vmem>>, vector<16xf32>,
        %mul3A_1035 = arith.mulf %exp3A, %convert_element_type3A_4 : vector<16xf32>
        %swap3A_1036 = arith.constant 1 : i32
        %swap3A_1037 = arith.index_cast %swap3A_1036 : i32 to index
        %swap3A_1038 = arith.index_cast %add3A_809 : i32 to index
        %swap3A_1039 = arith.constant 144 : index
        %swap3A_1040 = tpu.vector_load %arg16[%swap3A_1037, %swap3A_1038, %swap3A_1039] {strides = array<i32>} : memref<2x40x160xf32, #tpu.memory_space<vmem>>, vector<16xf32>,
        tpu.vector_store %arg16[%swap3A_1037, %swap3A_1038, %swap3A_1039], %mul3A_1035 {strides = array<i32>} : memref<2x40x160xf32, #tpu.memory_space<vmem>>, vector<16xf32>,
        %mul3A_1041 = arith.constant 4 : i32
        %mul3A_1042 = arith.muli %scan3A_805, %mul3A_1041 : i32
        %add3A_1043 = arith.constant 1 : i32
        %add3A_1044 = arith.addi %mul3A_1042, %add3A_1043 : i32
        %get3A_1045 = arith.constant 1 : i32
        %get3A_1046 = arith.index_cast %get3A_1045 : i32 to index
        %get3A_1047 = arith.index_cast %add3A_1044 : i32 to index
        %get3A_1048 = arith.constant 0 : index
        %get3A_1049 = tpu.vector_load %arg15[%get3A_1046, %get3A_1047, %get3A_1048] {strides = array<i32>} : memref<2x40x16xf32, #tpu.memory_space<vmem>>, vector<16xf32>,
        %get3A_1050 = arith.constant 1 : i32
        %get3A_1051 = arith.index_cast %get3A_1050 : i32 to index
        %get3A_1052 = arith.index_cast %add3A_1044 : i32 to index
        %get3A_1053 = arith.constant 0 : index
        %get3A_1054 = tpu.vector_load %arg13[%get3A_1051, %get3A_1052, %get3A_1053] {strides = array<i32>} : memref<2x40x16xf32, #tpu.memory_space<vmem>>, vector<16xf32>,
        %mul3A_1055 = arith.mulf %get3A_1054, %get3A_1049 : vector<16xf32>
        %get3A_1056 = arith.constant 1 : i32
        %get3A_1057 = arith.index_cast %get3A_1056 : i32 to index
        %get3A_1058 = arith.index_cast %add3A_1044 : i32 to index
        %get3A_1059 = arith.constant 0 : index
        %get3A_1060 = tpu.vector_load %arg14[%get3A_1057, %get3A_1058, %get3A_1059] {strides = array<i32>} : memref<2x40x256xbf16, #tpu.memory_space<vmem>>, vector<32xbf16>,
        %unpack3A_1061 = tpu.unpack_subelements %get3A_1060, 0 {pack_format = #tpu.pack_format<interleaved>} : vector<32xbf16> -> vector<16xf32>
        %unpack3A_1062 = tpu.unpack_subelements %get3A_1060, 1 {pack_format = #tpu.pack_format<interleaved>} : vector<32xbf16> -> vector<16xf32>
        %get3A_1063 = arith.constant 1 : i32
        %get3A_1064 = arith.index_cast %get3A_1063 : i32 to index
        %get3A_1065 = arith.index_cast %add3A_1044 : i32 to index
        %get3A_1066 = arith.constant 0 : index
        %get3A_1067 = tpu.vector_load %arg12[%get3A_1064, %get3A_1065, %get3A_1066] {strides = array<i32>} : memref<2x40x128xbf16, #tpu.memory_space<vmem>>, vector<32xbf16>,
        %unpack3A_1068 = tpu.unpack_subelements %get3A_1067, 0 {pack_format = #tpu.pack_format<interleaved>} : vector<32xbf16> -> vector<16xf32>
        %unpack3A_1069 = tpu.unpack_subelements %get3A_1067, 1 {pack_format = #tpu.pack_format<interleaved>} : vector<32xbf16> -> vector<16xf32>
        %mul3A_1070 = arith.mulf %unpack3A_1068, %unpack3A_1061 : vector<16xf32>
        %add3A_1071 = arith.addf %mul3A_1055, %mul3A_1070 : vector<16xf32>
        %mul3A_1072 = arith.mulf %unpack3A_1069, %unpack3A_1062 : vector<16xf32>
        %add3A_1073 = arith.addf %add3A_1071, %mul3A_1072 : vector<16xf32>
        %get3A_1074 = arith.constant 1 : i32
        %get3A_1075 = arith.index_cast %get3A_1074 : i32 to index
        %get3A_1076 = arith.index_cast %add3A_1044 : i32 to index
        %get3A_1077 = arith.constant 32 : index
        %get3A_1078 = tpu.vector_load %arg14[%get3A_1075, %get3A_1076, %get3A_1077] {strides = array<i32>} : memref<2x40x256xbf16, #tpu.memory_space<vmem>>, vector<32xbf16>,
        %unpack3A_1079 = tpu.unpack_subelements %get3A_1078, 0 {pack_format = #tpu.pack_format<interleaved>} : vector<32xbf16> -> vector<16xf32>
        %unpack3A_1080 = tpu.unpack_subelements %get3A_1078, 1 {pack_format = #tpu.pack_format<interleaved>} : vector<32xbf16> -> vector<16xf32>
        %get3A_1081 = arith.constant 1 : i32
        %get3A_1082 = arith.index_cast %get3A_1081 : i32 to index
        %get3A_1083 = arith.index_cast %add3A_1044 : i32 to index
        %get3A_1084 = arith.constant 32 : index
        %get3A_1085 = tpu.vector_load %arg12[%get3A_1082, %get3A_1083, %get3A_1084] {strides = array<i32>} : memref<2x40x128xbf16, #tpu.memory_space<vmem>>, vector<32xbf16>,
        %unpack3A_1086 = tpu.unpack_subelements %get3A_1085, 0 {pack_format = #tpu.pack_format<interleaved>} : vector<32xbf16> -> vector<16xf32>
        %unpack3A_1087 = tpu.unpack_subelements %get3A_1085, 1 {pack_format = #tpu.pack_format<interleaved>} : vector<32xbf16> -> vector<16xf32>
        %mul3A_1088 = arith.mulf %unpack3A_1086, %unpack3A_1079 : vector<16xf32>
        %add3A_1089 = arith.addf %add3A_1073, %mul3A_1088 : vector<16xf32>
        %mul3A_1090 = arith.mulf %unpack3A_1087, %unpack3A_1080 : vector<16xf32>
        %add3A_1091 = arith.addf %add3A_1089, %mul3A_1090 : vector<16xf32>
        %get3A_1092 = arith.constant 1 : i32
        %get3A_1093 = arith.index_cast %get3A_1092 : i32 to index
        %get3A_1094 = arith.index_cast %add3A_1044 : i32 to index
        %get3A_1095 = arith.constant 64 : index
        %get3A_1096 = tpu.vector_load %arg14[%get3A_1093, %get3A_1094, %get3A_1095] {strides = array<i32>} : memref<2x40x256xbf16, #tpu.memory_space<vmem>>, vector<32xbf16>,
        %unpack3A_1097 = tpu.unpack_subelements %get3A_1096, 0 {pack_format = #tpu.pack_format<interleaved>} : vector<32xbf16> -> vector<16xf32>
        %unpack3A_1098 = tpu.unpack_subelements %get3A_1096, 1 {pack_format = #tpu.pack_format<interleaved>} : vector<32xbf16> -> vector<16xf32>
        %get3A_1099 = arith.constant 1 : i32
        %get3A_1100 = arith.index_cast %get3A_1099 : i32 to index
        %get3A_1101 = arith.index_cast %add3A_1044 : i32 to index
        %get3A_1102 = arith.constant 64 : index
        %get3A_1103 = tpu.vector_load %arg12[%get3A_1100, %get3A_1101, %get3A_1102] {strides = array<i32>} : memref<2x40x128xbf16, #tpu.memory_space<vmem>>, vector<32xbf16>,
        %unpack3A_1104 = tpu.unpack_subelements %get3A_1103, 0 {pack_format = #tpu.pack_format<interleaved>} : vector<32xbf16> -> vector<16xf32>
        %unpack3A_1105 = tpu.unpack_subelements %get3A_1103, 1 {pack_format = #tpu.pack_format<interleaved>} : vector<32xbf16> -> vector<16xf32>
        %mul3A_1106 = arith.mulf %unpack3A_1104, %unpack3A_1097 : vector<16xf32>
        %add3A_1107 = arith.addf %add3A_1091, %mul3A_1106 : vector<16xf32>
        %mul3A_1108 = arith.mulf %unpack3A_1105, %unpack3A_1098 : vector<16xf32>
        %add3A_1109 = arith.addf %add3A_1107, %mul3A_1108 : vector<16xf32>
        %get3A_1110 = arith.constant 1 : i32
        %get3A_1111 = arith.index_cast %get3A_1110 : i32 to index
        %get3A_1112 = arith.index_cast %add3A_1044 : i32 to index
        %get3A_1113 = arith.constant 96 : index
        %get3A_1114 = tpu.vector_load %arg14[%get3A_1111, %get3A_1112, %get3A_1113] {strides = array<i32>} : memref<2x40x256xbf16, #tpu.memory_space<vmem>>, vector<32xbf16>,
        %unpack3A_1115 = tpu.unpack_subelements %get3A_1114, 0 {pack_format = #tpu.pack_format<interleaved>} : vector<32xbf16> -> vector<16xf32>
        %unpack3A_1116 = tpu.unpack_subelements %get3A_1114, 1 {pack_format = #tpu.pack_format<interleaved>} : vector<32xbf16> -> vector<16xf32>
        %get3A_1117 = arith.constant 1 : i32
        %get3A_1118 = arith.index_cast %get3A_1117 : i32 to index
        %get3A_1119 = arith.index_cast %add3A_1044 : i32 to index
        %get3A_1120 = arith.constant 96 : index
        %get3A_1121 = tpu.vector_load %arg12[%get3A_1118, %get3A_1119, %get3A_1120] {strides = array<i32>} : memref<2x40x128xbf16, #tpu.memory_space<vmem>>, vector<32xbf16>,
        %unpack3A_1122 = tpu.unpack_subelements %get3A_1121, 0 {pack_format = #tpu.pack_format<interleaved>} : vector<32xbf16> -> vector<16xf32>
        %unpack3A_1123 = tpu.unpack_subelements %get3A_1121, 1 {pack_format = #tpu.pack_format<interleaved>} : vector<32xbf16> -> vector<16xf32>
        %mul3A_1124 = arith.mulf %unpack3A_1122, %unpack3A_1115 : vector<16xf32>
        %add3A_1125 = arith.addf %add3A_1109, %mul3A_1124 : vector<16xf32>
        %mul3A_1126 = arith.mulf %unpack3A_1123, %unpack3A_1116 : vector<16xf32>
        %add3A_1127 = arith.addf %add3A_1125, %mul3A_1126 : vector<16xf32>
        %iota3A_1128 = tpu.iota {dimensions = array<i32: 0>} : vector<16xi32>
        %xor3A_1129 = arith.constant 8 : i32
        %xor3A_1130 = vector.broadcast %xor3A_1129 : i32 to vector<16xi32>
        %xor3A_1131 = arith.xori %iota3A_1128, %xor3A_1130 : vector<16xi32>
        %lt3A_1132 = arith.constant 0 : i32
        %lt3A_1133 = vector.broadcast %lt3A_1132 : i32 to vector<16xi32>
        %lt3A_1134 = arith.cmpi slt, %xor3A_1131, %lt3A_1133 : vector<16xi32>
        %add3A_1135 = arith.constant 16 : i32
        %add3A_1136 = vector.broadcast %add3A_1135 : i32 to vector<16xi32>
        %add3A_1137 = arith.addi %xor3A_1131, %add3A_1136 : vector<16xi32>
        %select_n3A_1138 = arith.select %lt3A_1134, %add3A_1137, %xor3A_1131 : vector<16xi1>, vector<16xi32>
        %broadcast_in_dim3A_1139 = vector.shape_cast %select_n3A_1138 : vector<16xi32> to vector<16x1xi32>
        %gather3A_1140 = vector.shape_cast %broadcast_in_dim3A_1139 : vector<16x1xi32> to vector<16xi32>
        %gather3A_1141 = tpu.dynamic_gather %add3A_1127[%gather3A_1140] in [0] : vector<16xf32>, vector<16xi32> -> vector<16xf32>
        %add3A_1142 = arith.addf %add3A_1127, %gather3A_1141 : vector<16xf32>
        %iota3A_1143 = tpu.iota {dimensions = array<i32: 0>} : vector<16xi32>
        %xor3A_1144 = arith.constant 4 : i32
        %xor3A_1145 = vector.broadcast %xor3A_1144 : i32 to vector<16xi32>
        %xor3A_1146 = arith.xori %iota3A_1143, %xor3A_1145 : vector<16xi32>
        %lt3A_1147 = arith.constant 0 : i32
        %lt3A_1148 = vector.broadcast %lt3A_1147 : i32 to vector<16xi32>
        %lt3A_1149 = arith.cmpi slt, %xor3A_1146, %lt3A_1148 : vector<16xi32>
        %add3A_1150 = arith.constant 16 : i32
        %add3A_1151 = vector.broadcast %add3A_1150 : i32 to vector<16xi32>
        %add3A_1152 = arith.addi %xor3A_1146, %add3A_1151 : vector<16xi32>
        %select_n3A_1153 = arith.select %lt3A_1149, %add3A_1152, %xor3A_1146 : vector<16xi1>, vector<16xi32>
        %broadcast_in_dim3A_1154 = vector.shape_cast %select_n3A_1153 : vector<16xi32> to vector<16x1xi32>
        %gather3A_1155 = vector.shape_cast %broadcast_in_dim3A_1154 : vector<16x1xi32> to vector<16xi32>
        %gather3A_1156 = tpu.dynamic_gather %add3A_1142[%gather3A_1155] in [0] : vector<16xf32>, vector<16xi32> -> vector<16xf32>
        %add3A_1157 = arith.addf %add3A_1142, %gather3A_1156 : vector<16xf32>
        %iota3A_1158 = tpu.iota {dimensions = array<i32: 0>} : vector<16xi32>
        %xor3A_1159 = arith.constant 2 : i32
        %xor3A_1160 = vector.broadcast %xor3A_1159 : i32 to vector<16xi32>
        %xor3A_1161 = arith.xori %iota3A_1158, %xor3A_1160 : vector<16xi32>
        %lt3A_1162 = arith.constant 0 : i32
        %lt3A_1163 = vector.broadcast %lt3A_1162 : i32 to vector<16xi32>
        %lt3A_1164 = arith.cmpi slt, %xor3A_1161, %lt3A_1163 : vector<16xi32>
        %add3A_1165 = arith.constant 16 : i32
        %add3A_1166 = vector.broadcast %add3A_1165 : i32 to vector<16xi32>
        %add3A_1167 = arith.addi %xor3A_1161, %add3A_1166 : vector<16xi32>
        %select_n3A_1168 = arith.select %lt3A_1164, %add3A_1167, %xor3A_1161 : vector<16xi1>, vector<16xi32>
        %broadcast_in_dim3A_1169 = vector.shape_cast %select_n3A_1168 : vector<16xi32> to vector<16x1xi32>
        %gather3A_1170 = vector.shape_cast %broadcast_in_dim3A_1169 : vector<16x1xi32> to vector<16xi32>
        %gather3A_1171 = tpu.dynamic_gather %add3A_1157[%gather3A_1170] in [0] : vector<16xf32>, vector<16xi32> -> vector<16xf32>
        %add3A_1172 = arith.addf %add3A_1157, %gather3A_1171 : vector<16xf32>
        %iota3A_1173 = tpu.iota {dimensions = array<i32: 0>} : vector<16xi32>
        %xor3A_1174 = arith.constant 1 : i32
        %xor3A_1175 = vector.broadcast %xor3A_1174 : i32 to vector<16xi32>
        %xor3A_1176 = arith.xori %iota3A_1173, %xor3A_1175 : vector<16xi32>
        %lt3A_1177 = arith.constant 0 : i32
        %lt3A_1178 = vector.broadcast %lt3A_1177 : i32 to vector<16xi32>
        %lt3A_1179 = arith.cmpi slt, %xor3A_1176, %lt3A_1178 : vector<16xi32>
        %add3A_1180 = arith.constant 16 : i32
        %add3A_1181 = vector.broadcast %add3A_1180 : i32 to vector<16xi32>
        %add3A_1182 = arith.addi %xor3A_1176, %add3A_1181 : vector<16xi32>
        %select_n3A_1183 = arith.select %lt3A_1179, %add3A_1182, %xor3A_1176 : vector<16xi1>, vector<16xi32>
        %broadcast_in_dim3A_1184 = vector.shape_cast %select_n3A_1183 : vector<16xi32> to vector<16x1xi32>
        %gather3A_1185 = vector.shape_cast %broadcast_in_dim3A_1184 : vector<16x1xi32> to vector<16xi32>
        %gather3A_1186 = tpu.dynamic_gather %add3A_1172[%gather3A_1185] in [0] : vector<16xf32>, vector<16xi32> -> vector<16xf32>
        %add3A_1187 = arith.addf %add3A_1172, %gather3A_1186 : vector<16xf32>
        %mul3A_1188 = arith.constant 0.0883883461 : f32
        %mul3A_1189 = vector.broadcast %mul3A_1188 : f32 to vector<16xf32>
        %mul3A_1190 = arith.mulf %add3A_1187, %mul3A_1189 : vector<16xf32>
        %exp3A_1191 = math.exp %mul3A_1190 : vector<16xf32>
        %get3A_1192 = arith.constant 1 : i32
        %get3A_1193 = arith.index_cast %get3A_1192 : i32 to index
        %get3A_1194 = arith.index_cast %add3A_1044 : i32 to index
        %get3A_1195 = arith.constant 128 : index
        %get3A_1196 = tpu.vector_load %arg14[%get3A_1193, %get3A_1194, %get3A_1195] {strides = array<i32>} : memref<2x40x256xbf16, #tpu.memory_space<vmem>>, vector<32xbf16>,
        %unpack3A_1197 = tpu.unpack_subelements %get3A_1196, 0 {pack_format = #tpu.pack_format<interleaved>} : vector<32xbf16> -> vector<16xf32>
        %unpack3A_1198 = tpu.unpack_subelements %get3A_1196, 1 {pack_format = #tpu.pack_format<interleaved>} : vector<32xbf16> -> vector<16xf32>
        %mul3A_1199 = arith.mulf %exp3A_1191, %unpack3A_1197 : vector<16xf32>
        %swap3A_1200 = arith.constant 1 : i32
        %swap3A_1201 = arith.index_cast %swap3A_1200 : i32 to index
        %swap3A_1202 = arith.index_cast %add3A_1044 : i32 to index
        %swap3A_1203 = arith.constant 0 : index
        %swap3A_1204 = tpu.vector_load %arg16[%swap3A_1201, %swap3A_1202, %swap3A_1203] {strides = array<i32>} : memref<2x40x160xf32, #tpu.memory_space<vmem>>, vector<16xf32>,
        tpu.vector_store %arg16[%swap3A_1201, %swap3A_1202, %swap3A_1203], %mul3A_1199 {strides = array<i32>} : memref<2x40x160xf32, #tpu.memory_space<vmem>>, vector<16xf32>,
        %mul3A_1205 = arith.mulf %exp3A_1191, %unpack3A_1198 : vector<16xf32>
        %swap3A_1206 = arith.constant 1 : i32
        %swap3A_1207 = arith.index_cast %swap3A_1206 : i32 to index
        %swap3A_1208 = arith.index_cast %add3A_1044 : i32 to index
        %swap3A_1209 = arith.constant 16 : index
        %swap3A_1210 = tpu.vector_load %arg16[%swap3A_1207, %swap3A_1208, %swap3A_1209] {strides = array<i32>} : memref<2x40x160xf32, #tpu.memory_space<vmem>>, vector<16xf32>,
        tpu.vector_store %arg16[%swap3A_1207, %swap3A_1208, %swap3A_1209], %mul3A_1205 {strides = array<i32>} : memref<2x40x160xf32, #tpu.memory_space<vmem>>, vector<16xf32>,
        %get3A_1211 = arith.constant 1 : i32
        %get3A_1212 = arith.index_cast %get3A_1211 : i32 to index
        %get3A_1213 = arith.index_cast %add3A_1044 : i32 to index
        %get3A_1214 = arith.constant 160 : index
        %get3A_1215 = tpu.vector_load %arg14[%get3A_1212, %get3A_1213, %get3A_1214] {strides = array<i32>} : memref<2x40x256xbf16, #tpu.memory_space<vmem>>, vector<32xbf16>,
        %unpack3A_1216 = tpu.unpack_subelements %get3A_1215, 0 {pack_format = #tpu.pack_format<interleaved>} : vector<32xbf16> -> vector<16xf32>
        %unpack3A_1217 = tpu.unpack_subelements %get3A_1215, 1 {pack_format = #tpu.pack_format<interleaved>} : vector<32xbf16> -> vector<16xf32>
        %mul3A_1218 = arith.mulf %exp3A_1191, %unpack3A_1216 : vector<16xf32>
        %swap3A_1219 = arith.constant 1 : i32
        %swap3A_1220 = arith.index_cast %swap3A_1219 : i32 to index
        %swap3A_1221 = arith.index_cast %add3A_1044 : i32 to index
        %swap3A_1222 = arith.constant 32 : index
        %swap3A_1223 = tpu.vector_load %arg16[%swap3A_1220, %swap3A_1221, %swap3A_1222] {strides = array<i32>} : memref<2x40x160xf32, #tpu.memory_space<vmem>>, vector<16xf32>,
        tpu.vector_store %arg16[%swap3A_1220, %swap3A_1221, %swap3A_1222], %mul3A_1218 {strides = array<i32>} : memref<2x40x160xf32, #tpu.memory_space<vmem>>, vector<16xf32>,
        %mul3A_1224 = arith.mulf %exp3A_1191, %unpack3A_1217 : vector<16xf32>
        %swap3A_1225 = arith.constant 1 : i32
        %swap3A_1226 = arith.index_cast %swap3A_1225 : i32 to index
        %swap3A_1227 = arith.index_cast %add3A_1044 : i32 to index
        %swap3A_1228 = arith.constant 48 : index
        %swap3A_1229 = tpu.vector_load %arg16[%swap3A_1226, %swap3A_1227, %swap3A_1228] {strides = array<i32>} : memref<2x40x160xf32, #tpu.memory_space<vmem>>, vector<16xf32>,
        tpu.vector_store %arg16[%swap3A_1226, %swap3A_1227, %swap3A_1228], %mul3A_1224 {strides = array<i32>} : memref<2x40x160xf32, #tpu.memory_space<vmem>>, vector<16xf32>,
        %get3A_1230 = arith.constant 1 : i32
        %get3A_1231 = arith.index_cast %get3A_1230 : i32 to index
        %get3A_1232 = arith.index_cast %add3A_1044 : i32 to index
        %get3A_1233 = arith.constant 192 : index
        %get3A_1234 = tpu.vector_load %arg14[%get3A_1231, %get3A_1232, %get3A_1233] {strides = array<i32>} : memref<2x40x256xbf16, #tpu.memory_space<vmem>>, vector<32xbf16>,
        %unpack3A_1235 = tpu.unpack_subelements %get3A_1234, 0 {pack_format = #tpu.pack_format<interleaved>} : vector<32xbf16> -> vector<16xf32>
        %unpack3A_1236 = tpu.unpack_subelements %get3A_1234, 1 {pack_format = #tpu.pack_format<interleaved>} : vector<32xbf16> -> vector<16xf32>
        %mul3A_1237 = arith.mulf %exp3A_1191, %unpack3A_1235 : vector<16xf32>
        %swap3A_1238 = arith.constant 1 : i32
        %swap3A_1239 = arith.index_cast %swap3A_1238 : i32 to index
        %swap3A_1240 = arith.index_cast %add3A_1044 : i32 to index
        %swap3A_1241 = arith.constant 64 : index
        %swap3A_1242 = tpu.vector_load %arg16[%swap3A_1239, %swap3A_1240, %swap3A_1241] {strides = array<i32>} : memref<2x40x160xf32, #tpu.memory_space<vmem>>, vector<16xf32>,
        tpu.vector_store %arg16[%swap3A_1239, %swap3A_1240, %swap3A_1241], %mul3A_1237 {strides = array<i32>} : memref<2x40x160xf32, #tpu.memory_space<vmem>>, vector<16xf32>,
        %mul3A_1243 = arith.mulf %exp3A_1191, %unpack3A_1236 : vector<16xf32>
        %swap3A_1244 = arith.constant 1 : i32
        %swap3A_1245 = arith.index_cast %swap3A_1244 : i32 to index
        %swap3A_1246 = arith.index_cast %add3A_1044 : i32 to index
        %swap3A_1247 = arith.constant 80 : index
        %swap3A_1248 = tpu.vector_load %arg16[%swap3A_1245, %swap3A_1246, %swap3A_1247] {strides = array<i32>} : memref<2x40x160xf32, #tpu.memory_space<vmem>>, vector<16xf32>,
        tpu.vector_store %arg16[%swap3A_1245, %swap3A_1246, %swap3A_1247], %mul3A_1243 {strides = array<i32>} : memref<2x40x160xf32, #tpu.memory_space<vmem>>, vector<16xf32>,
        %get3A_1249 = arith.constant 1 : i32
        %get3A_1250 = arith.index_cast %get3A_1249 : i32 to index
        %get3A_1251 = arith.index_cast %add3A_1044 : i32 to index
        %get3A_1252 = arith.constant 224 : index
        %get3A_1253 = tpu.vector_load %arg14[%get3A_1250, %get3A_1251, %get3A_1252] {strides = array<i32>} : memref<2x40x256xbf16, #tpu.memory_space<vmem>>, vector<32xbf16>,
        %unpack3A_1254 = tpu.unpack_subelements %get3A_1253, 0 {pack_format = #tpu.pack_format<interleaved>} : vector<32xbf16> -> vector<16xf32>
        %unpack3A_1255 = tpu.unpack_subelements %get3A_1253, 1 {pack_format = #tpu.pack_format<interleaved>} : vector<32xbf16> -> vector<16xf32>
        %mul3A_1256 = arith.mulf %exp3A_1191, %unpack3A_1254 : vector<16xf32>
        %swap3A_1257 = arith.constant 1 : i32
        %swap3A_1258 = arith.index_cast %swap3A_1257 : i32 to index
        %swap3A_1259 = arith.index_cast %add3A_1044 : i32 to index
        %swap3A_1260 = arith.constant 96 : index
        %swap3A_1261 = tpu.vector_load %arg16[%swap3A_1258, %swap3A_1259, %swap3A_1260] {strides = array<i32>} : memref<2x40x160xf32, #tpu.memory_space<vmem>>, vector<16xf32>,
        tpu.vector_store %arg16[%swap3A_1258, %swap3A_1259, %swap3A_1260], %mul3A_1256 {strides = array<i32>} : memref<2x40x160xf32, #tpu.memory_space<vmem>>, vector<16xf32>,
        %mul3A_1262 = arith.mulf %exp3A_1191, %unpack3A_1255 : vector<16xf32>
        %swap3A_1263 = arith.constant 1 : i32
        %swap3A_1264 = arith.index_cast %swap3A_1263 : i32 to index
        %swap3A_1265 = arith.index_cast %add3A_1044 : i32 to index
        %swap3A_1266 = arith.constant 112 : index
        %swap3A_1267 = tpu.vector_load %arg16[%swap3A_1264, %swap3A_1265, %swap3A_1266] {strides = array<i32>} : memref<2x40x160xf32, #tpu.memory_space<vmem>>, vector<16xf32>,
        tpu.vector_store %arg16[%swap3A_1264, %swap3A_1265, %swap3A_1266], %mul3A_1262 {strides = array<i32>} : memref<2x40x160xf32, #tpu.memory_space<vmem>>, vector<16xf32>,
        %mul3A_1268 = arith.mulf %exp3A_1191, %get3A_1049 : vector<16xf32>
        %swap3A_1269 = arith.constant 1 : i32
        %swap3A_1270 = arith.index_cast %swap3A_1269 : i32 to index
        %swap3A_1271 = arith.index_cast %add3A_1044 : i32 to index
        %swap3A_1272 = arith.constant 128 : index
        %swap3A_1273 = tpu.vector_load %arg16[%swap3A_1270, %swap3A_1271, %swap3A_1272] {strides = array<i32>} : memref<2x40x160xf32, #tpu.memory_space<vmem>>, vector<16xf32>,
        tpu.vector_store %arg16[%swap3A_1270, %swap3A_1271, %swap3A_1272], %mul3A_1268 {strides = array<i32>} : memref<2x40x160xf32, #tpu.memory_space<vmem>>, vector<16xf32>,
        %mul3A_1274 = arith.mulf %exp3A_1191, %convert_element_type3A_4 : vector<16xf32>
        %swap3A_1275 = arith.constant 1 : i32
        %swap3A_1276 = arith.index_cast %swap3A_1275 : i32 to index
        %swap3A_1277 = arith.index_cast %add3A_1044 : i32 to index
        %swap3A_1278 = arith.constant 144 : index
        %swap3A_1279 = tpu.vector_load %arg16[%swap3A_1276, %swap3A_1277, %swap3A_1278] {strides = array<i32>} : memref<2x40x160xf32, #tpu.memory_space<vmem>>, vector<16xf32>,
        tpu.vector_store %arg16[%swap3A_1276, %swap3A_1277, %swap3A_1278], %mul3A_1274 {strides = array<i32>} : memref<2x40x160xf32, #tpu.memory_space<vmem>>, vector<16xf32>,
        %mul3A_1280 = arith.constant 4 : i32
        %mul3A_1281 = arith.muli %scan3A_805, %mul3A_1280 : i32
        %add3A_1282 = arith.constant 2 : i32
        %add3A_1283 = arith.addi %mul3A_1281, %add3A_1282 : i32
        %get3A_1284 = arith.constant 1 : i32
        %get3A_1285 = arith.index_cast %get3A_1284 : i32 to index
        %get3A_1286 = arith.index_cast %add3A_1283 : i32 to index
        %get3A_1287 = arith.constant 0 : index
        %get3A_1288 = tpu.vector_load %arg15[%get3A_1285, %get3A_1286, %get3A_1287] {strides = array<i32>} : memref<2x40x16xf32, #tpu.memory_space<vmem>>, vector<16xf32>,
        %get3A_1289 = arith.constant 1 : i32
        %get3A_1290 = arith.index_cast %get3A_1289 : i32 to index
        %get3A_1291 = arith.index_cast %add3A_1283 : i32 to index
        %get3A_1292 = arith.constant 0 : index
        %get3A_1293 = tpu.vector_load %arg13[%get3A_1290, %get3A_1291, %get3A_1292] {strides = array<i32>} : memref<2x40x16xf32, #tpu.memory_space<vmem>>, vector<16xf32>,
        %mul3A_1294 = arith.mulf %get3A_1293, %get3A_1288 : vector<16xf32>
        %get3A_1295 = arith.constant 1 : i32
        %get3A_1296 = arith.index_cast %get3A_1295 : i32 to index
        %get3A_1297 = arith.index_cast %add3A_1283 : i32 to index
        %get3A_1298 = arith.constant 0 : index
        %get3A_1299 = tpu.vector_load %arg14[%get3A_1296, %get3A_1297, %get3A_1298] {strides = array<i32>} : memref<2x40x256xbf16, #tpu.memory_space<vmem>>, vector<32xbf16>,
        %unpack3A_1300 = tpu.unpack_subelements %get3A_1299, 0 {pack_format = #tpu.pack_format<interleaved>} : vector<32xbf16> -> vector<16xf32>
        %unpack3A_1301 = tpu.unpack_subelements %get3A_1299, 1 {pack_format = #tpu.pack_format<interleaved>} : vector<32xbf16> -> vector<16xf32>
        %get3A_1302 = arith.constant 1 : i32
        %get3A_1303 = arith.index_cast %get3A_1302 : i32 to index
        %get3A_1304 = arith.index_cast %add3A_1283 : i32 to index
        %get3A_1305 = arith.constant 0 : index
        %get3A_1306 = tpu.vector_load %arg12[%get3A_1303, %get3A_1304, %get3A_1305] {strides = array<i32>} : memref<2x40x128xbf16, #tpu.memory_space<vmem>>, vector<32xbf16>,
        %unpack3A_1307 = tpu.unpack_subelements %get3A_1306, 0 {pack_format = #tpu.pack_format<interleaved>} : vector<32xbf16> -> vector<16xf32>
        %unpack3A_1308 = tpu.unpack_subelements %get3A_1306, 1 {pack_format = #tpu.pack_format<interleaved>} : vector<32xbf16> -> vector<16xf32>
        %mul3A_1309 = arith.mulf %unpack3A_1307, %unpack3A_1300 : vector<16xf32>
        %add3A_1310 = arith.addf %mul3A_1294, %mul3A_1309 : vector<16xf32>
        %mul3A_1311 = arith.mulf %unpack3A_1308, %unpack3A_1301 : vector<16xf32>
        %add3A_1312 = arith.addf %add3A_1310, %mul3A_1311 : vector<16xf32>
        %get3A_1313 = arith.constant 1 : i32
        %get3A_1314 = arith.index_cast %get3A_1313 : i32 to index
        %get3A_1315 = arith.index_cast %add3A_1283 : i32 to index
        %get3A_1316 = arith.constant 32 : index
        %get3A_1317 = tpu.vector_load %arg14[%get3A_1314, %get3A_1315, %get3A_1316] {strides = array<i32>} : memref<2x40x256xbf16, #tpu.memory_space<vmem>>, vector<32xbf16>,
        %unpack3A_1318 = tpu.unpack_subelements %get3A_1317, 0 {pack_format = #tpu.pack_format<interleaved>} : vector<32xbf16> -> vector<16xf32>
        %unpack3A_1319 = tpu.unpack_subelements %get3A_1317, 1 {pack_format = #tpu.pack_format<interleaved>} : vector<32xbf16> -> vector<16xf32>
        %get3A_1320 = arith.constant 1 : i32
        %get3A_1321 = arith.index_cast %get3A_1320 : i32 to index
        %get3A_1322 = arith.index_cast %add3A_1283 : i32 to index
        %get3A_1323 = arith.constant 32 : index
        %get3A_1324 = tpu.vector_load %arg12[%get3A_1321, %get3A_1322, %get3A_1323] {strides = array<i32>} : memref<2x40x128xbf16, #tpu.memory_space<vmem>>, vector<32xbf16>,
        %unpack3A_1325 = tpu.unpack_subelements %get3A_1324, 0 {pack_format = #tpu.pack_format<interleaved>} : vector<32xbf16> -> vector<16xf32>
        %unpack3A_1326 = tpu.unpack_subelements %get3A_1324, 1 {pack_format = #tpu.pack_format<interleaved>} : vector<32xbf16> -> vector<16xf32>
        %mul3A_1327 = arith.mulf %unpack3A_1325, %unpack3A_1318 : vector<16xf32>
        %add3A_1328 = arith.addf %add3A_1312, %mul3A_1327 : vector<16xf32>
        %mul3A_1329 = arith.mulf %unpack3A_1326, %unpack3A_1319 : vector<16xf32>
        %add3A_1330 = arith.addf %add3A_1328, %mul3A_1329 : vector<16xf32>
        %get3A_1331 = arith.constant 1 : i32
        %get3A_1332 = arith.index_cast %get3A_1331 : i32 to index
        %get3A_1333 = arith.index_cast %add3A_1283 : i32 to index
        %get3A_1334 = arith.constant 64 : index
        %get3A_1335 = tpu.vector_load %arg14[%get3A_1332, %get3A_1333, %get3A_1334] {strides = array<i32>} : memref<2x40x256xbf16, #tpu.memory_space<vmem>>, vector<32xbf16>,
        %unpack3A_1336 = tpu.unpack_subelements %get3A_1335, 0 {pack_format = #tpu.pack_format<interleaved>} : vector<32xbf16> -> vector<16xf32>
        %unpack3A_1337 = tpu.unpack_subelements %get3A_1335, 1 {pack_format = #tpu.pack_format<interleaved>} : vector<32xbf16> -> vector<16xf32>
        %get3A_1338 = arith.constant 1 : i32
        %get3A_1339 = arith.index_cast %get3A_1338 : i32 to index
        %get3A_1340 = arith.index_cast %add3A_1283 : i32 to index
        %get3A_1341 = arith.constant 64 : index
        %get3A_1342 = tpu.vector_load %arg12[%get3A_1339, %get3A_1340, %get3A_1341] {strides = array<i32>} : memref<2x40x128xbf16, #tpu.memory_space<vmem>>, vector<32xbf16>,
        %unpack3A_1343 = tpu.unpack_subelements %get3A_1342, 0 {pack_format = #tpu.pack_format<interleaved>} : vector<32xbf16> -> vector<16xf32>
        %unpack3A_1344 = tpu.unpack_subelements %get3A_1342, 1 {pack_format = #tpu.pack_format<interleaved>} : vector<32xbf16> -> vector<16xf32>
        %mul3A_1345 = arith.mulf %unpack3A_1343, %unpack3A_1336 : vector<16xf32>
        %add3A_1346 = arith.addf %add3A_1330, %mul3A_1345 : vector<16xf32>
        %mul3A_1347 = arith.mulf %unpack3A_1344, %unpack3A_1337 : vector<16xf32>
        %add3A_1348 = arith.addf %add3A_1346, %mul3A_1347 : vector<16xf32>
        %get3A_1349 = arith.constant 1 : i32
        %get3A_1350 = arith.index_cast %get3A_1349 : i32 to index
        %get3A_1351 = arith.index_cast %add3A_1283 : i32 to index
        %get3A_1352 = arith.constant 96 : index
        %get3A_1353 = tpu.vector_load %arg14[%get3A_1350, %get3A_1351, %get3A_1352] {strides = array<i32>} : memref<2x40x256xbf16, #tpu.memory_space<vmem>>, vector<32xbf16>,
        %unpack3A_1354 = tpu.unpack_subelements %get3A_1353, 0 {pack_format = #tpu.pack_format<interleaved>} : vector<32xbf16> -> vector<16xf32>
        %unpack3A_1355 = tpu.unpack_subelements %get3A_1353, 1 {pack_format = #tpu.pack_format<interleaved>} : vector<32xbf16> -> vector<16xf32>
        %get3A_1356 = arith.constant 1 : i32
        %get3A_1357 = arith.index_cast %get3A_1356 : i32 to index
        %get3A_1358 = arith.index_cast %add3A_1283 : i32 to index
        %get3A_1359 = arith.constant 96 : index
        %get3A_1360 = tpu.vector_load %arg12[%get3A_1357, %get3A_1358, %get3A_1359] {strides = array<i32>} : memref<2x40x128xbf16, #tpu.memory_space<vmem>>, vector<32xbf16>,
        %unpack3A_1361 = tpu.unpack_subelements %get3A_1360, 0 {pack_format = #tpu.pack_format<interleaved>} : vector<32xbf16> -> vector<16xf32>
        %unpack3A_1362 = tpu.unpack_subelements %get3A_1360, 1 {pack_format = #tpu.pack_format<interleaved>} : vector<32xbf16> -> vector<16xf32>
        %mul3A_1363 = arith.mulf %unpack3A_1361, %unpack3A_1354 : vector<16xf32>
        %add3A_1364 = arith.addf %add3A_1348, %mul3A_1363 : vector<16xf32>
        %mul3A_1365 = arith.mulf %unpack3A_1362, %unpack3A_1355 : vector<16xf32>
        %add3A_1366 = arith.addf %add3A_1364, %mul3A_1365 : vector<16xf32>
        %iota3A_1367 = tpu.iota {dimensions = array<i32: 0>} : vector<16xi32>
        %xor3A_1368 = arith.constant 8 : i32
        %xor3A_1369 = vector.broadcast %xor3A_1368 : i32 to vector<16xi32>
        %xor3A_1370 = arith.xori %iota3A_1367, %xor3A_1369 : vector<16xi32>
        %lt3A_1371 = arith.constant 0 : i32
        %lt3A_1372 = vector.broadcast %lt3A_1371 : i32 to vector<16xi32>
        %lt3A_1373 = arith.cmpi slt, %xor3A_1370, %lt3A_1372 : vector<16xi32>
        %add3A_1374 = arith.constant 16 : i32
        %add3A_1375 = vector.broadcast %add3A_1374 : i32 to vector<16xi32>
        %add3A_1376 = arith.addi %xor3A_1370, %add3A_1375 : vector<16xi32>
        %select_n3A_1377 = arith.select %lt3A_1373, %add3A_1376, %xor3A_1370 : vector<16xi1>, vector<16xi32>
        %broadcast_in_dim3A_1378 = vector.shape_cast %select_n3A_1377 : vector<16xi32> to vector<16x1xi32>
        %gather3A_1379 = vector.shape_cast %broadcast_in_dim3A_1378 : vector<16x1xi32> to vector<16xi32>
        %gather3A_1380 = tpu.dynamic_gather %add3A_1366[%gather3A_1379] in [0] : vector<16xf32>, vector<16xi32> -> vector<16xf32>
        %add3A_1381 = arith.addf %add3A_1366, %gather3A_1380 : vector<16xf32>
        %iota3A_1382 = tpu.iota {dimensions = array<i32: 0>} : vector<16xi32>
        %xor3A_1383 = arith.constant 4 : i32
        %xor3A_1384 = vector.broadcast %xor3A_1383 : i32 to vector<16xi32>
        %xor3A_1385 = arith.xori %iota3A_1382, %xor3A_1384 : vector<16xi32>
        %lt3A_1386 = arith.constant 0 : i32
        %lt3A_1387 = vector.broadcast %lt3A_1386 : i32 to vector<16xi32>
        %lt3A_1388 = arith.cmpi slt, %xor3A_1385, %lt3A_1387 : vector<16xi32>
        %add3A_1389 = arith.constant 16 : i32
        %add3A_1390 = vector.broadcast %add3A_1389 : i32 to vector<16xi32>
        %add3A_1391 = arith.addi %xor3A_1385, %add3A_1390 : vector<16xi32>
        %select_n3A_1392 = arith.select %lt3A_1388, %add3A_1391, %xor3A_1385 : vector<16xi1>, vector<16xi32>
        %broadcast_in_dim3A_1393 = vector.shape_cast %select_n3A_1392 : vector<16xi32> to vector<16x1xi32>
        %gather3A_1394 = vector.shape_cast %broadcast_in_dim3A_1393 : vector<16x1xi32> to vector<16xi32>
        %gather3A_1395 = tpu.dynamic_gather %add3A_1381[%gather3A_1394] in [0] : vector<16xf32>, vector<16xi32> -> vector<16xf32>
        %add3A_1396 = arith.addf %add3A_1381, %gather3A_1395 : vector<16xf32>
        %iota3A_1397 = tpu.iota {dimensions = array<i32: 0>} : vector<16xi32>
        %xor3A_1398 = arith.constant 2 : i32
        %xor3A_1399 = vector.broadcast %xor3A_1398 : i32 to vector<16xi32>
        %xor3A_1400 = arith.xori %iota3A_1397, %xor3A_1399 : vector<16xi32>
        %lt3A_1401 = arith.constant 0 : i32
        %lt3A_1402 = vector.broadcast %lt3A_1401 : i32 to vector<16xi32>
        %lt3A_1403 = arith.cmpi slt, %xor3A_1400, %lt3A_1402 : vector<16xi32>
        %add3A_1404 = arith.constant 16 : i32
        %add3A_1405 = vector.broadcast %add3A_1404 : i32 to vector<16xi32>
        %add3A_1406 = arith.addi %xor3A_1400, %add3A_1405 : vector<16xi32>
        %select_n3A_1407 = arith.select %lt3A_1403, %add3A_1406, %xor3A_1400 : vector<16xi1>, vector<16xi32>
        %broadcast_in_dim3A_1408 = vector.shape_cast %select_n3A_1407 : vector<16xi32> to vector<16x1xi32>
        %gather3A_1409 = vector.shape_cast %broadcast_in_dim3A_1408 : vector<16x1xi32> to vector<16xi32>
        %gather3A_1410 = tpu.dynamic_gather %add3A_1396[%gather3A_1409] in [0] : vector<16xf32>, vector<16xi32> -> vector<16xf32>
        %add3A_1411 = arith.addf %add3A_1396, %gather3A_1410 : vector<16xf32>
        %iota3A_1412 = tpu.iota {dimensions = array<i32: 0>} : vector<16xi32>
        %xor3A_1413 = arith.constant 1 : i32
        %xor3A_1414 = vector.broadcast %xor3A_1413 : i32 to vector<16xi32>
        %xor3A_1415 = arith.xori %iota3A_1412, %xor3A_1414 : vector<16xi32>
        %lt3A_1416 = arith.constant 0 : i32
        %lt3A_1417 = vector.broadcast %lt3A_1416 : i32 to vector<16xi32>
        %lt3A_1418 = arith.cmpi slt, %xor3A_1415, %lt3A_1417 : vector<16xi32>
        %add3A_1419 = arith.constant 16 : i32
        %add3A_1420 = vector.broadcast %add3A_1419 : i32 to vector<16xi32>
        %add3A_1421 = arith.addi %xor3A_1415, %add3A_1420 : vector<16xi32>
        %select_n3A_1422 = arith.select %lt3A_1418, %add3A_1421, %xor3A_1415 : vector<16xi1>, vector<16xi32>
        %broadcast_in_dim3A_1423 = vector.shape_cast %select_n3A_1422 : vector<16xi32> to vector<16x1xi32>
        %gather3A_1424 = vector.shape_cast %broadcast_in_dim3A_1423 : vector<16x1xi32> to vector<16xi32>
        %gather3A_1425 = tpu.dynamic_gather %add3A_1411[%gather3A_1424] in [0] : vector<16xf32>, vector<16xi32> -> vector<16xf32>
        %add3A_1426 = arith.addf %add3A_1411, %gather3A_1425 : vector<16xf32>
        %mul3A_1427 = arith.constant 0.0883883461 : f32
        %mul3A_1428 = vector.broadcast %mul3A_1427 : f32 to vector<16xf32>
        %mul3A_1429 = arith.mulf %add3A_1426, %mul3A_1428 : vector<16xf32>
        %exp3A_1430 = math.exp %mul3A_1429 : vector<16xf32>
        %get3A_1431 = arith.constant 1 : i32
        %get3A_1432 = arith.index_cast %get3A_1431 : i32 to index
        %get3A_1433 = arith.index_cast %add3A_1283 : i32 to index
        %get3A_1434 = arith.constant 128 : index
        %get3A_1435 = tpu.vector_load %arg14[%get3A_1432, %get3A_1433, %get3A_1434] {strides = array<i32>} : memref<2x40x256xbf16, #tpu.memory_space<vmem>>, vector<32xbf16>,
        %unpack3A_1436 = tpu.unpack_subelements %get3A_1435, 0 {pack_format = #tpu.pack_format<interleaved>} : vector<32xbf16> -> vector<16xf32>
        %unpack3A_1437 = tpu.unpack_subelements %get3A_1435, 1 {pack_format = #tpu.pack_format<interleaved>} : vector<32xbf16> -> vector<16xf32>
        %mul3A_1438 = arith.mulf %exp3A_1430, %unpack3A_1436 : vector<16xf32>
        %swap3A_1439 = arith.constant 1 : i32
        %swap3A_1440 = arith.index_cast %swap3A_1439 : i32 to index
        %swap3A_1441 = arith.index_cast %add3A_1283 : i32 to index
        %swap3A_1442 = arith.constant 0 : index
        %swap3A_1443 = tpu.vector_load %arg16[%swap3A_1440, %swap3A_1441, %swap3A_1442] {strides = array<i32>} : memref<2x40x160xf32, #tpu.memory_space<vmem>>, vector<16xf32>,
        tpu.vector_store %arg16[%swap3A_1440, %swap3A_1441, %swap3A_1442], %mul3A_1438 {strides = array<i32>} : memref<2x40x160xf32, #tpu.memory_space<vmem>>, vector<16xf32>,
        %mul3A_1444 = arith.mulf %exp3A_1430, %unpack3A_1437 : vector<16xf32>
        %swap3A_1445 = arith.constant 1 : i32
        %swap3A_1446 = arith.index_cast %swap3A_1445 : i32 to index
        %swap3A_1447 = arith.index_cast %add3A_1283 : i32 to index
        %swap3A_1448 = arith.constant 16 : index
        %swap3A_1449 = tpu.vector_load %arg16[%swap3A_1446, %swap3A_1447, %swap3A_1448] {strides = array<i32>} : memref<2x40x160xf32, #tpu.memory_space<vmem>>, vector<16xf32>,
        tpu.vector_store %arg16[%swap3A_1446, %swap3A_1447, %swap3A_1448], %mul3A_1444 {strides = array<i32>} : memref<2x40x160xf32, #tpu.memory_space<vmem>>, vector<16xf32>,
        %get3A_1450 = arith.constant 1 : i32
        %get3A_1451 = arith.index_cast %get3A_1450 : i32 to index
        %get3A_1452 = arith.index_cast %add3A_1283 : i32 to index
        %get3A_1453 = arith.constant 160 : index
        %get3A_1454 = tpu.vector_load %arg14[%get3A_1451, %get3A_1452, %get3A_1453] {strides = array<i32>} : memref<2x40x256xbf16, #tpu.memory_space<vmem>>, vector<32xbf16>,
        %unpack3A_1455 = tpu.unpack_subelements %get3A_1454, 0 {pack_format = #tpu.pack_format<interleaved>} : vector<32xbf16> -> vector<16xf32>
        %unpack3A_1456 = tpu.unpack_subelements %get3A_1454, 1 {pack_format = #tpu.pack_format<interleaved>} : vector<32xbf16> -> vector<16xf32>
        %mul3A_1457 = arith.mulf %exp3A_1430, %unpack3A_1455 : vector<16xf32>
        %swap3A_1458 = arith.constant 1 : i32
        %swap3A_1459 = arith.index_cast %swap3A_1458 : i32 to index
        %swap3A_1460 = arith.index_cast %add3A_1283 : i32 to index
        %swap3A_1461 = arith.constant 32 : index
        %swap3A_1462 = tpu.vector_load %arg16[%swap3A_1459, %swap3A_1460, %swap3A_1461] {strides = array<i32>} : memref<2x40x160xf32, #tpu.memory_space<vmem>>, vector<16xf32>,
        tpu.vector_store %arg16[%swap3A_1459, %swap3A_1460, %swap3A_1461], %mul3A_1457 {strides = array<i32>} : memref<2x40x160xf32, #tpu.memory_space<vmem>>, vector<16xf32>,
        %mul3A_1463 = arith.mulf %exp3A_1430, %unpack3A_1456 : vector<16xf32>
        %swap3A_1464 = arith.constant 1 : i32
        %swap3A_1465 = arith.index_cast %swap3A_1464 : i32 to index
        %swap3A_1466 = arith.index_cast %add3A_1283 : i32 to index
        %swap3A_1467 = arith.constant 48 : index
        %swap3A_1468 = tpu.vector_load %arg16[%swap3A_1465, %swap3A_1466, %swap3A_1467] {strides = array<i32>} : memref<2x40x160xf32, #tpu.memory_space<vmem>>, vector<16xf32>,
        tpu.vector_store %arg16[%swap3A_1465, %swap3A_1466, %swap3A_1467], %mul3A_1463 {strides = array<i32>} : memref<2x40x160xf32, #tpu.memory_space<vmem>>, vector<16xf32>,
        %get3A_1469 = arith.constant 1 : i32
        %get3A_1470 = arith.index_cast %get3A_1469 : i32 to index
        %get3A_1471 = arith.index_cast %add3A_1283 : i32 to index
        %get3A_1472 = arith.constant 192 : index
        %get3A_1473 = tpu.vector_load %arg14[%get3A_1470, %get3A_1471, %get3A_1472] {strides = array<i32>} : memref<2x40x256xbf16, #tpu.memory_space<vmem>>, vector<32xbf16>,
        %unpack3A_1474 = tpu.unpack_subelements %get3A_1473, 0 {pack_format = #tpu.pack_format<interleaved>} : vector<32xbf16> -> vector<16xf32>
        %unpack3A_1475 = tpu.unpack_subelements %get3A_1473, 1 {pack_format = #tpu.pack_format<interleaved>} : vector<32xbf16> -> vector<16xf32>
        %mul3A_1476 = arith.mulf %exp3A_1430, %unpack3A_1474 : vector<16xf32>
        %swap3A_1477 = arith.constant 1 : i32
        %swap3A_1478 = arith.index_cast %swap3A_1477 : i32 to index
        %swap3A_1479 = arith.index_cast %add3A_1283 : i32 to index
        %swap3A_1480 = arith.constant 64 : index
        %swap3A_1481 = tpu.vector_load %arg16[%swap3A_1478, %swap3A_1479, %swap3A_1480] {strides = array<i32>} : memref<2x40x160xf32, #tpu.memory_space<vmem>>, vector<16xf32>,
        tpu.vector_store %arg16[%swap3A_1478, %swap3A_1479, %swap3A_1480], %mul3A_1476 {strides = array<i32>} : memref<2x40x160xf32, #tpu.memory_space<vmem>>, vector<16xf32>,
        %mul3A_1482 = arith.mulf %exp3A_1430, %unpack3A_1475 : vector<16xf32>
        %swap3A_1483 = arith.constant 1 : i32
        %swap3A_1484 = arith.index_cast %swap3A_1483 : i32 to index
        %swap3A_1485 = arith.index_cast %add3A_1283 : i32 to index
        %swap3A_1486 = arith.constant 80 : index
        %swap3A_1487 = tpu.vector_load %arg16[%swap3A_1484, %swap3A_1485, %swap3A_1486] {strides = array<i32>} : memref<2x40x160xf32, #tpu.memory_space<vmem>>, vector<16xf32>,
        tpu.vector_store %arg16[%swap3A_1484, %swap3A_1485, %swap3A_1486], %mul3A_1482 {strides = array<i32>} : memref<2x40x160xf32, #tpu.memory_space<vmem>>, vector<16xf32>,
        %get3A_1488 = arith.constant 1 : i32
        %get3A_1489 = arith.index_cast %get3A_1488 : i32 to index
        %get3A_1490 = arith.index_cast %add3A_1283 : i32 to index
        %get3A_1491 = arith.constant 224 : index
        %get3A_1492 = tpu.vector_load %arg14[%get3A_1489, %get3A_1490, %get3A_1491] {strides = array<i32>} : memref<2x40x256xbf16, #tpu.memory_space<vmem>>, vector<32xbf16>,
        %unpack3A_1493 = tpu.unpack_subelements %get3A_1492, 0 {pack_format = #tpu.pack_format<interleaved>} : vector<32xbf16> -> vector<16xf32>
        %unpack3A_1494 = tpu.unpack_subelements %get3A_1492, 1 {pack_format = #tpu.pack_format<interleaved>} : vector<32xbf16> -> vector<16xf32>
        %mul3A_1495 = arith.mulf %exp3A_1430, %unpack3A_1493 : vector<16xf32>
        %swap3A_1496 = arith.constant 1 : i32
        %swap3A_1497 = arith.index_cast %swap3A_1496 : i32 to index
        %swap3A_1498 = arith.index_cast %add3A_1283 : i32 to index
        %swap3A_1499 = arith.constant 96 : index
        %swap3A_1500 = tpu.vector_load %arg16[%swap3A_1497, %swap3A_1498, %swap3A_1499] {strides = array<i32>} : memref<2x40x160xf32, #tpu.memory_space<vmem>>, vector<16xf32>,
        tpu.vector_store %arg16[%swap3A_1497, %swap3A_1498, %swap3A_1499], %mul3A_1495 {strides = array<i32>} : memref<2x40x160xf32, #tpu.memory_space<vmem>>, vector<16xf32>,
        %mul3A_1501 = arith.mulf %exp3A_1430, %unpack3A_1494 : vector<16xf32>
        %swap3A_1502 = arith.constant 1 : i32
        %swap3A_1503 = arith.index_cast %swap3A_1502 : i32 to index
        %swap3A_1504 = arith.index_cast %add3A_1283 : i32 to index
        %swap3A_1505 = arith.constant 112 : index
        %swap3A_1506 = tpu.vector_load %arg16[%swap3A_1503, %swap3A_1504, %swap3A_1505] {strides = array<i32>} : memref<2x40x160xf32, #tpu.memory_space<vmem>>, vector<16xf32>,
        tpu.vector_store %arg16[%swap3A_1503, %swap3A_1504, %swap3A_1505], %mul3A_1501 {strides = array<i32>} : memref<2x40x160xf32, #tpu.memory_space<vmem>>, vector<16xf32>,
        %mul3A_1507 = arith.mulf %exp3A_1430, %get3A_1288 : vector<16xf32>
        %swap3A_1508 = arith.constant 1 : i32
        %swap3A_1509 = arith.index_cast %swap3A_1508 : i32 to index
        %swap3A_1510 = arith.index_cast %add3A_1283 : i32 to index
        %swap3A_1511 = arith.constant 128 : index
        %swap3A_1512 = tpu.vector_load %arg16[%swap3A_1509, %swap3A_1510, %swap3A_1511] {strides = array<i32>} : memref<2x40x160xf32, #tpu.memory_space<vmem>>, vector<16xf32>,
        tpu.vector_store %arg16[%swap3A_1509, %swap3A_1510, %swap3A_1511], %mul3A_1507 {strides = array<i32>} : memref<2x40x160xf32, #tpu.memory_space<vmem>>, vector<16xf32>,
        %mul3A_1513 = arith.mulf %exp3A_1430, %convert_element_type3A_4 : vector<16xf32>
        %swap3A_1514 = arith.constant 1 : i32
        %swap3A_1515 = arith.index_cast %swap3A_1514 : i32 to index
        %swap3A_1516 = arith.index_cast %add3A_1283 : i32 to index
        %swap3A_1517 = arith.constant 144 : index
        %swap3A_1518 = tpu.vector_load %arg16[%swap3A_1515, %swap3A_1516, %swap3A_1517] {strides = array<i32>} : memref<2x40x160xf32, #tpu.memory_space<vmem>>, vector<16xf32>,
        tpu.vector_store %arg16[%swap3A_1515, %swap3A_1516, %swap3A_1517], %mul3A_1513 {strides = array<i32>} : memref<2x40x160xf32, #tpu.memory_space<vmem>>, vector<16xf32>,
        %mul3A_1519 = arith.constant 4 : i32
        %mul3A_1520 = arith.muli %scan3A_805, %mul3A_1519 : i32
        %add3A_1521 = arith.constant 3 : i32
        %add3A_1522 = arith.addi %mul3A_1520, %add3A_1521 : i32
        %get3A_1523 = arith.constant 1 : i32
        %get3A_1524 = arith.index_cast %get3A_1523 : i32 to index
        %get3A_1525 = arith.index_cast %add3A_1522 : i32 to index
        %get3A_1526 = arith.constant 0 : index
        %get3A_1527 = tpu.vector_load %arg15[%get3A_1524, %get3A_1525, %get3A_1526] {strides = array<i32>} : memref<2x40x16xf32, #tpu.memory_space<vmem>>, vector<16xf32>,
        %get3A_1528 = arith.constant 1 : i32
        %get3A_1529 = arith.index_cast %get3A_1528 : i32 to index
        %get3A_1530 = arith.index_cast %add3A_1522 : i32 to index
        %get3A_1531 = arith.constant 0 : index
        %get3A_1532 = tpu.vector_load %arg13[%get3A_1529, %get3A_1530, %get3A_1531] {strides = array<i32>} : memref<2x40x16xf32, #tpu.memory_space<vmem>>, vector<16xf32>,
        %mul3A_1533 = arith.mulf %get3A_1532, %get3A_1527 : vector<16xf32>
        %get3A_1534 = arith.constant 1 : i32
        %get3A_1535 = arith.index_cast %get3A_1534 : i32 to index
        %get3A_1536 = arith.index_cast %add3A_1522 : i32 to index
        %get3A_1537 = arith.constant 0 : index
        %get3A_1538 = tpu.vector_load %arg14[%get3A_1535, %get3A_1536, %get3A_1537] {strides = array<i32>} : memref<2x40x256xbf16, #tpu.memory_space<vmem>>, vector<32xbf16>,
        %unpack3A_1539 = tpu.unpack_subelements %get3A_1538, 0 {pack_format = #tpu.pack_format<interleaved>} : vector<32xbf16> -> vector<16xf32>
        %unpack3A_1540 = tpu.unpack_subelements %get3A_1538, 1 {pack_format = #tpu.pack_format<interleaved>} : vector<32xbf16> -> vector<16xf32>
        %get3A_1541 = arith.constant 1 : i32
        %get3A_1542 = arith.index_cast %get3A_1541 : i32 to index
        %get3A_1543 = arith.index_cast %add3A_1522 : i32 to index
        %get3A_1544 = arith.constant 0 : index
        %get3A_1545 = tpu.vector_load %arg12[%get3A_1542, %get3A_1543, %get3A_1544] {strides = array<i32>} : memref<2x40x128xbf16, #tpu.memory_space<vmem>>, vector<32xbf16>,
        %unpack3A_1546 = tpu.unpack_subelements %get3A_1545, 0 {pack_format = #tpu.pack_format<interleaved>} : vector<32xbf16> -> vector<16xf32>
        %unpack3A_1547 = tpu.unpack_subelements %get3A_1545, 1 {pack_format = #tpu.pack_format<interleaved>} : vector<32xbf16> -> vector<16xf32>
        %mul3A_1548 = arith.mulf %unpack3A_1546, %unpack3A_1539 : vector<16xf32>
        %add3A_1549 = arith.addf %mul3A_1533, %mul3A_1548 : vector<16xf32>
        %mul3A_1550 = arith.mulf %unpack3A_1547, %unpack3A_1540 : vector<16xf32>
        %add3A_1551 = arith.addf %add3A_1549, %mul3A_1550 : vector<16xf32>
        %get3A_1552 = arith.constant 1 : i32
        %get3A_1553 = arith.index_cast %get3A_1552 : i32 to index
        %get3A_1554 = arith.index_cast %add3A_1522 : i32 to index
        %get3A_1555 = arith.constant 32 : index
        %get3A_1556 = tpu.vector_load %arg14[%get3A_1553, %get3A_1554, %get3A_1555] {strides = array<i32>} : memref<2x40x256xbf16, #tpu.memory_space<vmem>>, vector<32xbf16>,
        %unpack3A_1557 = tpu.unpack_subelements %get3A_1556, 0 {pack_format = #tpu.pack_format<interleaved>} : vector<32xbf16> -> vector<16xf32>
        %unpack3A_1558 = tpu.unpack_subelements %get3A_1556, 1 {pack_format = #tpu.pack_format<interleaved>} : vector<32xbf16> -> vector<16xf32>
        %get3A_1559 = arith.constant 1 : i32
        %get3A_1560 = arith.index_cast %get3A_1559 : i32 to index
        %get3A_1561 = arith.index_cast %add3A_1522 : i32 to index
        %get3A_1562 = arith.constant 32 : index
        %get3A_1563 = tpu.vector_load %arg12[%get3A_1560, %get3A_1561, %get3A_1562] {strides = array<i32>} : memref<2x40x128xbf16, #tpu.memory_space<vmem>>, vector<32xbf16>,
        %unpack3A_1564 = tpu.unpack_subelements %get3A_1563, 0 {pack_format = #tpu.pack_format<interleaved>} : vector<32xbf16> -> vector<16xf32>
        %unpack3A_1565 = tpu.unpack_subelements %get3A_1563, 1 {pack_format = #tpu.pack_format<interleaved>} : vector<32xbf16> -> vector<16xf32>
        %mul3A_1566 = arith.mulf %unpack3A_1564, %unpack3A_1557 : vector<16xf32>
        %add3A_1567 = arith.addf %add3A_1551, %mul3A_1566 : vector<16xf32>
        %mul3A_1568 = arith.mulf %unpack3A_1565, %unpack3A_1558 : vector<16xf32>
        %add3A_1569 = arith.addf %add3A_1567, %mul3A_1568 : vector<16xf32>
        %get3A_1570 = arith.constant 1 : i32
        %get3A_1571 = arith.index_cast %get3A_1570 : i32 to index
        %get3A_1572 = arith.index_cast %add3A_1522 : i32 to index
        %get3A_1573 = arith.constant 64 : index
        %get3A_1574 = tpu.vector_load %arg14[%get3A_1571, %get3A_1572, %get3A_1573] {strides = array<i32>} : memref<2x40x256xbf16, #tpu.memory_space<vmem>>, vector<32xbf16>,
        %unpack3A_1575 = tpu.unpack_subelements %get3A_1574, 0 {pack_format = #tpu.pack_format<interleaved>} : vector<32xbf16> -> vector<16xf32>
        %unpack3A_1576 = tpu.unpack_subelements %get3A_1574, 1 {pack_format = #tpu.pack_format<interleaved>} : vector<32xbf16> -> vector<16xf32>
        %get3A_1577 = arith.constant 1 : i32
        %get3A_1578 = arith.index_cast %get3A_1577 : i32 to index
        %get3A_1579 = arith.index_cast %add3A_1522 : i32 to index
        %get3A_1580 = arith.constant 64 : index
        %get3A_1581 = tpu.vector_load %arg12[%get3A_1578, %get3A_1579, %get3A_1580] {strides = array<i32>} : memref<2x40x128xbf16, #tpu.memory_space<vmem>>, vector<32xbf16>,
        %unpack3A_1582 = tpu.unpack_subelements %get3A_1581, 0 {pack_format = #tpu.pack_format<interleaved>} : vector<32xbf16> -> vector<16xf32>
        %unpack3A_1583 = tpu.unpack_subelements %get3A_1581, 1 {pack_format = #tpu.pack_format<interleaved>} : vector<32xbf16> -> vector<16xf32>
        %mul3A_1584 = arith.mulf %unpack3A_1582, %unpack3A_1575 : vector<16xf32>
        %add3A_1585 = arith.addf %add3A_1569, %mul3A_1584 : vector<16xf32>
        %mul3A_1586 = arith.mulf %unpack3A_1583, %unpack3A_1576 : vector<16xf32>
        %add3A_1587 = arith.addf %add3A_1585, %mul3A_1586 : vector<16xf32>
        %get3A_1588 = arith.constant 1 : i32
        %get3A_1589 = arith.index_cast %get3A_1588 : i32 to index
        %get3A_1590 = arith.index_cast %add3A_1522 : i32 to index
        %get3A_1591 = arith.constant 96 : index
        %get3A_1592 = tpu.vector_load %arg14[%get3A_1589, %get3A_1590, %get3A_1591] {strides = array<i32>} : memref<2x40x256xbf16, #tpu.memory_space<vmem>>, vector<32xbf16>,
        %unpack3A_1593 = tpu.unpack_subelements %get3A_1592, 0 {pack_format = #tpu.pack_format<interleaved>} : vector<32xbf16> -> vector<16xf32>
        %unpack3A_1594 = tpu.unpack_subelements %get3A_1592, 1 {pack_format = #tpu.pack_format<interleaved>} : vector<32xbf16> -> vector<16xf32>
        %get3A_1595 = arith.constant 1 : i32
        %get3A_1596 = arith.index_cast %get3A_1595 : i32 to index
        %get3A_1597 = arith.index_cast %add3A_1522 : i32 to index
        %get3A_1598 = arith.constant 96 : index
        %get3A_1599 = tpu.vector_load %arg12[%get3A_1596, %get3A_1597, %get3A_1598] {strides = array<i32>} : memref<2x40x128xbf16, #tpu.memory_space<vmem>>, vector<32xbf16>,
        %unpack3A_1600 = tpu.unpack_subelements %get3A_1599, 0 {pack_format = #tpu.pack_format<interleaved>} : vector<32xbf16> -> vector<16xf32>
        %unpack3A_1601 = tpu.unpack_subelements %get3A_1599, 1 {pack_format = #tpu.pack_format<interleaved>} : vector<32xbf16> -> vector<16xf32>
        %mul3A_1602 = arith.mulf %unpack3A_1600, %unpack3A_1593 : vector<16xf32>
        %add3A_1603 = arith.addf %add3A_1587, %mul3A_1602 : vector<16xf32>
        %mul3A_1604 = arith.mulf %unpack3A_1601, %unpack3A_1594 : vector<16xf32>
        %add3A_1605 = arith.addf %add3A_1603, %mul3A_1604 : vector<16xf32>
        %iota3A_1606 = tpu.iota {dimensions = array<i32: 0>} : vector<16xi32>
        %xor3A_1607 = arith.constant 8 : i32
        %xor3A_1608 = vector.broadcast %xor3A_1607 : i32 to vector<16xi32>
        %xor3A_1609 = arith.xori %iota3A_1606, %xor3A_1608 : vector<16xi32>
        %lt3A_1610 = arith.constant 0 : i32
        %lt3A_1611 = vector.broadcast %lt3A_1610 : i32 to vector<16xi32>
        %lt3A_1612 = arith.cmpi slt, %xor3A_1609, %lt3A_1611 : vector<16xi32>
        %add3A_1613 = arith.constant 16 : i32
        %add3A_1614 = vector.broadcast %add3A_1613 : i32 to vector<16xi32>
        %add3A_1615 = arith.addi %xor3A_1609, %add3A_1614 : vector<16xi32>
        %select_n3A_1616 = arith.select %lt3A_1612, %add3A_1615, %xor3A_1609 : vector<16xi1>, vector<16xi32>
        %broadcast_in_dim3A_1617 = vector.shape_cast %select_n3A_1616 : vector<16xi32> to vector<16x1xi32>
        %gather3A_1618 = vector.shape_cast %broadcast_in_dim3A_1617 : vector<16x1xi32> to vector<16xi32>
        %gather3A_1619 = tpu.dynamic_gather %add3A_1605[%gather3A_1618] in [0] : vector<16xf32>, vector<16xi32> -> vector<16xf32>
        %add3A_1620 = arith.addf %add3A_1605, %gather3A_1619 : vector<16xf32>
        %iota3A_1621 = tpu.iota {dimensions = array<i32: 0>} : vector<16xi32>
        %xor3A_1622 = arith.constant 4 : i32
        %xor3A_1623 = vector.broadcast %xor3A_1622 : i32 to vector<16xi32>
        %xor3A_1624 = arith.xori %iota3A_1621, %xor3A_1623 : vector<16xi32>
        %lt3A_1625 = arith.constant 0 : i32
        %lt3A_1626 = vector.broadcast %lt3A_1625 : i32 to vector<16xi32>
        %lt3A_1627 = arith.cmpi slt, %xor3A_1624, %lt3A_1626 : vector<16xi32>
        %add3A_1628 = arith.constant 16 : i32
        %add3A_1629 = vector.broadcast %add3A_1628 : i32 to vector<16xi32>
        %add3A_1630 = arith.addi %xor3A_1624, %add3A_1629 : vector<16xi32>
        %select_n3A_1631 = arith.select %lt3A_1627, %add3A_1630, %xor3A_1624 : vector<16xi1>, vector<16xi32>
        %broadcast_in_dim3A_1632 = vector.shape_cast %select_n3A_1631 : vector<16xi32> to vector<16x1xi32>
        %gather3A_1633 = vector.shape_cast %broadcast_in_dim3A_1632 : vector<16x1xi32> to vector<16xi32>
        %gather3A_1634 = tpu.dynamic_gather %add3A_1620[%gather3A_1633] in [0] : vector<16xf32>, vector<16xi32> -> vector<16xf32>
        %add3A_1635 = arith.addf %add3A_1620, %gather3A_1634 : vector<16xf32>
        %iota3A_1636 = tpu.iota {dimensions = array<i32: 0>} : vector<16xi32>
        %xor3A_1637 = arith.constant 2 : i32
        %xor3A_1638 = vector.broadcast %xor3A_1637 : i32 to vector<16xi32>
        %xor3A_1639 = arith.xori %iota3A_1636, %xor3A_1638 : vector<16xi32>
        %lt3A_1640 = arith.constant 0 : i32
        %lt3A_1641 = vector.broadcast %lt3A_1640 : i32 to vector<16xi32>
        %lt3A_1642 = arith.cmpi slt, %xor3A_1639, %lt3A_1641 : vector<16xi32>
        %add3A_1643 = arith.constant 16 : i32
        %add3A_1644 = vector.broadcast %add3A_1643 : i32 to vector<16xi32>
        %add3A_1645 = arith.addi %xor3A_1639, %add3A_1644 : vector<16xi32>
        %select_n3A_1646 = arith.select %lt3A_1642, %add3A_1645, %xor3A_1639 : vector<16xi1>, vector<16xi32>
        %broadcast_in_dim3A_1647 = vector.shape_cast %select_n3A_1646 : vector<16xi32> to vector<16x1xi32>
        %gather3A_1648 = vector.shape_cast %broadcast_in_dim3A_1647 : vector<16x1xi32> to vector<16xi32>
        %gather3A_1649 = tpu.dynamic_gather %add3A_1635[%gather3A_1648] in [0] : vector<16xf32>, vector<16xi32> -> vector<16xf32>
        %add3A_1650 = arith.addf %add3A_1635, %gather3A_1649 : vector<16xf32>
        %iota3A_1651 = tpu.iota {dimensions = array<i32: 0>} : vector<16xi32>
        %xor3A_1652 = arith.constant 1 : i32
        %xor3A_1653 = vector.broadcast %xor3A_1652 : i32 to vector<16xi32>
        %xor3A_1654 = arith.xori %iota3A_1651, %xor3A_1653 : vector<16xi32>
        %lt3A_1655 = arith.constant 0 : i32
        %lt3A_1656 = vector.broadcast %lt3A_1655 : i32 to vector<16xi32>
        %lt3A_1657 = arith.cmpi slt, %xor3A_1654, %lt3A_1656 : vector<16xi32>
        %add3A_1658 = arith.constant 16 : i32
        %add3A_1659 = vector.broadcast %add3A_1658 : i32 to vector<16xi32>
        %add3A_1660 = arith.addi %xor3A_1654, %add3A_1659 : vector<16xi32>
        %select_n3A_1661 = arith.select %lt3A_1657, %add3A_1660, %xor3A_1654 : vector<16xi1>, vector<16xi32>
        %broadcast_in_dim3A_1662 = vector.shape_cast %select_n3A_1661 : vector<16xi32> to vector<16x1xi32>
        %gather3A_1663 = vector.shape_cast %broadcast_in_dim3A_1662 : vector<16x1xi32> to vector<16xi32>
        %gather3A_1664 = tpu.dynamic_gather %add3A_1650[%gather3A_1663] in [0] : vector<16xf32>, vector<16xi32> -> vector<16xf32>
        %add3A_1665 = arith.addf %add3A_1650, %gather3A_1664 : vector<16xf32>
        %mul3A_1666 = arith.constant 0.0883883461 : f32
        %mul3A_1667 = vector.broadcast %mul3A_1666 : f32 to vector<16xf32>
        %mul3A_1668 = arith.mulf %add3A_1665, %mul3A_1667 : vector<16xf32>
        %exp3A_1669 = math.exp %mul3A_1668 : vector<16xf32>
        %get3A_1670 = arith.constant 1 : i32
        %get3A_1671 = arith.index_cast %get3A_1670 : i32 to index
        %get3A_1672 = arith.index_cast %add3A_1522 : i32 to index
        %get3A_1673 = arith.constant 128 : index
        %get3A_1674 = tpu.vector_load %arg14[%get3A_1671, %get3A_1672, %get3A_1673] {strides = array<i32>} : memref<2x40x256xbf16, #tpu.memory_space<vmem>>, vector<32xbf16>,
        %unpack3A_1675 = tpu.unpack_subelements %get3A_1674, 0 {pack_format = #tpu.pack_format<interleaved>} : vector<32xbf16> -> vector<16xf32>
        %unpack3A_1676 = tpu.unpack_subelements %get3A_1674, 1 {pack_format = #tpu.pack_format<interleaved>} : vector<32xbf16> -> vector<16xf32>
        %mul3A_1677 = arith.mulf %exp3A_1669, %unpack3A_1675 : vector<16xf32>
        %swap3A_1678 = arith.constant 1 : i32
        %swap3A_1679 = arith.index_cast %swap3A_1678 : i32 to index
        %swap3A_1680 = arith.index_cast %add3A_1522 : i32 to index
        %swap3A_1681 = arith.constant 0 : index
        %swap3A_1682 = tpu.vector_load %arg16[%swap3A_1679, %swap3A_1680, %swap3A_1681] {strides = array<i32>} : memref<2x40x160xf32, #tpu.memory_space<vmem>>, vector<16xf32>,
        tpu.vector_store %arg16[%swap3A_1679, %swap3A_1680, %swap3A_1681], %mul3A_1677 {strides = array<i32>} : memref<2x40x160xf32, #tpu.memory_space<vmem>>, vector<16xf32>,
        %mul3A_1683 = arith.mulf %exp3A_1669, %unpack3A_1676 : vector<16xf32>
        %swap3A_1684 = arith.constant 1 : i32
        %swap3A_1685 = arith.index_cast %swap3A_1684 : i32 to index
        %swap3A_1686 = arith.index_cast %add3A_1522 : i32 to index
        %swap3A_1687 = arith.constant 16 : index
        %swap3A_1688 = tpu.vector_load %arg16[%swap3A_1685, %swap3A_1686, %swap3A_1687] {strides = array<i32>} : memref<2x40x160xf32, #tpu.memory_space<vmem>>, vector<16xf32>,
        tpu.vector_store %arg16[%swap3A_1685, %swap3A_1686, %swap3A_1687], %mul3A_1683 {strides = array<i32>} : memref<2x40x160xf32, #tpu.memory_space<vmem>>, vector<16xf32>,
        %get3A_1689 = arith.constant 1 : i32
        %get3A_1690 = arith.index_cast %get3A_1689 : i32 to index
        %get3A_1691 = arith.index_cast %add3A_1522 : i32 to index
        %get3A_1692 = arith.constant 160 : index
        %get3A_1693 = tpu.vector_load %arg14[%get3A_1690, %get3A_1691, %get3A_1692] {strides = array<i32>} : memref<2x40x256xbf16, #tpu.memory_space<vmem>>, vector<32xbf16>,
        %unpack3A_1694 = tpu.unpack_subelements %get3A_1693, 0 {pack_format = #tpu.pack_format<interleaved>} : vector<32xbf16> -> vector<16xf32>
        %unpack3A_1695 = tpu.unpack_subelements %get3A_1693, 1 {pack_format = #tpu.pack_format<interleaved>} : vector<32xbf16> -> vector<16xf32>
        %mul3A_1696 = arith.mulf %exp3A_1669, %unpack3A_1694 : vector<16xf32>
        %swap3A_1697 = arith.constant 1 : i32
        %swap3A_1698 = arith.index_cast %swap3A_1697 : i32 to index
        %swap3A_1699 = arith.index_cast %add3A_1522 : i32 to index
        %swap3A_1700 = arith.constant 32 : index
        %swap3A_1701 = tpu.vector_load %arg16[%swap3A_1698, %swap3A_1699, %swap3A_1700] {strides = array<i32>} : memref<2x40x160xf32, #tpu.memory_space<vmem>>, vector<16xf32>,
        tpu.vector_store %arg16[%swap3A_1698, %swap3A_1699, %swap3A_1700], %mul3A_1696 {strides = array<i32>} : memref<2x40x160xf32, #tpu.memory_space<vmem>>, vector<16xf32>,
        %mul3A_1702 = arith.mulf %exp3A_1669, %unpack3A_1695 : vector<16xf32>
        %swap3A_1703 = arith.constant 1 : i32
        %swap3A_1704 = arith.index_cast %swap3A_1703 : i32 to index
        %swap3A_1705 = arith.index_cast %add3A_1522 : i32 to index
        %swap3A_1706 = arith.constant 48 : index
        %swap3A_1707 = tpu.vector_load %arg16[%swap3A_1704, %swap3A_1705, %swap3A_1706] {strides = array<i32>} : memref<2x40x160xf32, #tpu.memory_space<vmem>>, vector<16xf32>,
        tpu.vector_store %arg16[%swap3A_1704, %swap3A_1705, %swap3A_1706], %mul3A_1702 {strides = array<i32>} : memref<2x40x160xf32, #tpu.memory_space<vmem>>, vector<16xf32>,
        %get3A_1708 = arith.constant 1 : i32
        %get3A_1709 = arith.index_cast %get3A_1708 : i32 to index
        %get3A_1710 = arith.index_cast %add3A_1522 : i32 to index
        %get3A_1711 = arith.constant 192 : index
        %get3A_1712 = tpu.vector_load %arg14[%get3A_1709, %get3A_1710, %get3A_1711] {strides = array<i32>} : memref<2x40x256xbf16, #tpu.memory_space<vmem>>, vector<32xbf16>,
        %unpack3A_1713 = tpu.unpack_subelements %get3A_1712, 0 {pack_format = #tpu.pack_format<interleaved>} : vector<32xbf16> -> vector<16xf32>
        %unpack3A_1714 = tpu.unpack_subelements %get3A_1712, 1 {pack_format = #tpu.pack_format<interleaved>} : vector<32xbf16> -> vector<16xf32>
        %mul3A_1715 = arith.mulf %exp3A_1669, %unpack3A_1713 : vector<16xf32>
        %swap3A_1716 = arith.constant 1 : i32
        %swap3A_1717 = arith.index_cast %swap3A_1716 : i32 to index
        %swap3A_1718 = arith.index_cast %add3A_1522 : i32 to index
        %swap3A_1719 = arith.constant 64 : index
        %swap3A_1720 = tpu.vector_load %arg16[%swap3A_1717, %swap3A_1718, %swap3A_1719] {strides = array<i32>} : memref<2x40x160xf32, #tpu.memory_space<vmem>>, vector<16xf32>,
        tpu.vector_store %arg16[%swap3A_1717, %swap3A_1718, %swap3A_1719], %mul3A_1715 {strides = array<i32>} : memref<2x40x160xf32, #tpu.memory_space<vmem>>, vector<16xf32>,
        %mul3A_1721 = arith.mulf %exp3A_1669, %unpack3A_1714 : vector<16xf32>
        %swap3A_1722 = arith.constant 1 : i32
        %swap3A_1723 = arith.index_cast %swap3A_1722 : i32 to index
        %swap3A_1724 = arith.index_cast %add3A_1522 : i32 to index
        %swap3A_1725 = arith.constant 80 : index
        %swap3A_1726 = tpu.vector_load %arg16[%swap3A_1723, %swap3A_1724, %swap3A_1725] {strides = array<i32>} : memref<2x40x160xf32, #tpu.memory_space<vmem>>, vector<16xf32>,
        tpu.vector_store %arg16[%swap3A_1723, %swap3A_1724, %swap3A_1725], %mul3A_1721 {strides = array<i32>} : memref<2x40x160xf32, #tpu.memory_space<vmem>>, vector<16xf32>,
        %get3A_1727 = arith.constant 1 : i32
        %get3A_1728 = arith.index_cast %get3A_1727 : i32 to index
        %get3A_1729 = arith.index_cast %add3A_1522 : i32 to index
        %get3A_1730 = arith.constant 224 : index
        %get3A_1731 = tpu.vector_load %arg14[%get3A_1728, %get3A_1729, %get3A_1730] {strides = array<i32>} : memref<2x40x256xbf16, #tpu.memory_space<vmem>>, vector<32xbf16>,
        %unpack3A_1732 = tpu.unpack_subelements %get3A_1731, 0 {pack_format = #tpu.pack_format<interleaved>} : vector<32xbf16> -> vector<16xf32>
        %unpack3A_1733 = tpu.unpack_subelements %get3A_1731, 1 {pack_format = #tpu.pack_format<interleaved>} : vector<32xbf16> -> vector<16xf32>
        %mul3A_1734 = arith.mulf %exp3A_1669, %unpack3A_1732 : vector<16xf32>
        %swap3A_1735 = arith.constant 1 : i32
        %swap3A_1736 = arith.index_cast %swap3A_1735 : i32 to index
        %swap3A_1737 = arith.index_cast %add3A_1522 : i32 to index
        %swap3A_1738 = arith.constant 96 : index
        %swap3A_1739 = tpu.vector_load %arg16[%swap3A_1736, %swap3A_1737, %swap3A_1738] {strides = array<i32>} : memref<2x40x160xf32, #tpu.memory_space<vmem>>, vector<16xf32>,
        tpu.vector_store %arg16[%swap3A_1736, %swap3A_1737, %swap3A_1738], %mul3A_1734 {strides = array<i32>} : memref<2x40x160xf32, #tpu.memory_space<vmem>>, vector<16xf32>,
        %mul3A_1740 = arith.mulf %exp3A_1669, %unpack3A_1733 : vector<16xf32>
        %swap3A_1741 = arith.constant 1 : i32
        %swap3A_1742 = arith.index_cast %swap3A_1741 : i32 to index
        %swap3A_1743 = arith.index_cast %add3A_1522 : i32 to index
        %swap3A_1744 = arith.constant 112 : index
        %swap3A_1745 = tpu.vector_load %arg16[%swap3A_1742, %swap3A_1743, %swap3A_1744] {strides = array<i32>} : memref<2x40x160xf32, #tpu.memory_space<vmem>>, vector<16xf32>,
        tpu.vector_store %arg16[%swap3A_1742, %swap3A_1743, %swap3A_1744], %mul3A_1740 {strides = array<i32>} : memref<2x40x160xf32, #tpu.memory_space<vmem>>, vector<16xf32>,
        %mul3A_1746 = arith.mulf %exp3A_1669, %get3A_1527 : vector<16xf32>
        %swap3A_1747 = arith.constant 1 : i32
        %swap3A_1748 = arith.index_cast %swap3A_1747 : i32 to index
        %swap3A_1749 = arith.index_cast %add3A_1522 : i32 to index
        %swap3A_1750 = arith.constant 128 : index
        %swap3A_1751 = tpu.vector_load %arg16[%swap3A_1748, %swap3A_1749, %swap3A_1750] {strides = array<i32>} : memref<2x40x160xf32, #tpu.memory_space<vmem>>, vector<16xf32>,
        tpu.vector_store %arg16[%swap3A_1748, %swap3A_1749, %swap3A_1750], %mul3A_1746 {strides = array<i32>} : memref<2x40x160xf32, #tpu.memory_space<vmem>>, vector<16xf32>,
        %mul3A_1752 = arith.mulf %exp3A_1669, %convert_element_type3A_4 : vector<16xf32>
        %swap3A_1753 = arith.constant 1 : i32
        %swap3A_1754 = arith.index_cast %swap3A_1753 : i32 to index
        %swap3A_1755 = arith.index_cast %add3A_1522 : i32 to index
        %swap3A_1756 = arith.constant 144 : index
        %swap3A_1757 = tpu.vector_load %arg16[%swap3A_1754, %swap3A_1755, %swap3A_1756] {strides = array<i32>} : memref<2x40x160xf32, #tpu.memory_space<vmem>>, vector<16xf32>,
        tpu.vector_store %arg16[%swap3A_1754, %swap3A_1755, %swap3A_1756], %mul3A_1752 {strides = array<i32>} : memref<2x40x160xf32, #tpu.memory_space<vmem>>, vector<16xf32>,
      }
      %scan3A_727 = arith.constant 10 : i32
      %mul3A_728 = arith.constant 32 : i32
      %mul3A_729 = arith.muli %mul3A_728, %add3A_585 : i32
      %add3A_730 = arith.addi %add3A, %mul3A_729 : i32
      %ge3A_731 = arith.constant 8000 : i32
      %ge3A_732 = arith.cmpi sge, %add3A_730, %ge3A_731 : i32
      %convert_element_type3A_733 = arith.extui %ge3A_732 : i1 to i32
      %cond3A_734 = arith.constant 0 : i32
      %cond3A_735 = arith.cmpi ne, %convert_element_type3A_733, %cond3A_734 : i32
      scf.if %cond3A_735 {
        %scan3A_805 = arith.constant 0 : i32
        %scan3A_806 = arith.constant 0 : i32
        %scan3A_807 = arith.constant 40 : i32
        %scan3A_808 = arith.addi %scan3A_806, %scan3A_807 : i32
        %scan3A_809 = arith.constant 1 : i32
        scf.for %scan3A_811 = %scan3A_806 to %scan3A_808 step %scan3A_809  : i32 {
          %swap3A_812 = arith.constant 1 : i32
          %swap3A_813 = arith.index_cast %swap3A_812 : i32 to index
          %swap3A_814 = arith.index_cast %scan3A_811 : i32 to index
          %swap3A_815 = arith.constant 0 : index
          %swap3A_816 = tpu.vector_load %arg16[%swap3A_813, %swap3A_814, %swap3A_815] {strides = array<i32>} : memref<2x40x160xf32, #tpu.memory_space<vmem>>, vector<16xf32>,
          tpu.vector_store %arg16[%swap3A_813, %swap3A_814, %swap3A_815], %broadcast_in_dim3A_1 {strides = array<i32>} : memref<2x40x160xf32, #tpu.memory_space<vmem>>, vector<16xf32>,
          %swap3A_817 = arith.constant 1 : i32
          %swap3A_818 = arith.index_cast %swap3A_817 : i32 to index
          %swap3A_819 = arith.index_cast %scan3A_811 : i32 to index
          %swap3A_820 = arith.constant 16 : index
          %swap3A_821 = tpu.vector_load %arg16[%swap3A_818, %swap3A_819, %swap3A_820] {strides = array<i32>} : memref<2x40x160xf32, #tpu.memory_space<vmem>>, vector<16xf32>,
          tpu.vector_store %arg16[%swap3A_818, %swap3A_819, %swap3A_820], %broadcast_in_dim3A_1 {strides = array<i32>} : memref<2x40x160xf32, #tpu.memory_space<vmem>>, vector<16xf32>,
          %swap3A_822 = arith.constant 1 : i32
          %swap3A_823 = arith.index_cast %swap3A_822 : i32 to index
          %swap3A_824 = arith.index_cast %scan3A_811 : i32 to index
          %swap3A_825 = arith.constant 32 : index
          %swap3A_826 = tpu.vector_load %arg16[%swap3A_823, %swap3A_824, %swap3A_825] {strides = array<i32>} : memref<2x40x160xf32, #tpu.memory_space<vmem>>, vector<16xf32>,
          tpu.vector_store %arg16[%swap3A_823, %swap3A_824, %swap3A_825], %broadcast_in_dim3A_1 {strides = array<i32>} : memref<2x40x160xf32, #tpu.memory_space<vmem>>, vector<16xf32>,
          %swap3A_827 = arith.constant 1 : i32
          %swap3A_828 = arith.index_cast %swap3A_827 : i32 to index
          %swap3A_829 = arith.index_cast %scan3A_811 : i32 to index
          %swap3A_830 = arith.constant 48 : index
          %swap3A_831 = tpu.vector_load %arg16[%swap3A_828, %swap3A_829, %swap3A_830] {strides = array<i32>} : memref<2x40x160xf32, #tpu.memory_space<vmem>>, vector<16xf32>,
          tpu.vector_store %arg16[%swap3A_828, %swap3A_829, %swap3A_830], %broadcast_in_dim3A_1 {strides = array<i32>} : memref<2x40x160xf32, #tpu.memory_space<vmem>>, vector<16xf32>,
          %swap3A_832 = arith.constant 1 : i32
          %swap3A_833 = arith.index_cast %swap3A_832 : i32 to index
          %swap3A_834 = arith.index_cast %scan3A_811 : i32 to index
          %swap3A_835 = arith.constant 64 : index
          %swap3A_836 = tpu.vector_load %arg16[%swap3A_833, %swap3A_834, %swap3A_835] {strides = array<i32>} : memref<2x40x160xf32, #tpu.memory_space<vmem>>, vector<16xf32>,
          tpu.vector_store %arg16[%swap3A_833, %swap3A_834, %swap3A_835], %broadcast_in_dim3A_1 {strides = array<i32>} : memref<2x40x160xf32, #tpu.memory_space<vmem>>, vector<16xf32>,
          %swap3A_837 = arith.constant 1 : i32
          %swap3A_838 = arith.index_cast %swap3A_837 : i32 to index
          %swap3A_839 = arith.index_cast %scan3A_811 : i32 to index
          %swap3A_840 = arith.constant 80 : index
          %swap3A_841 = tpu.vector_load %arg16[%swap3A_838, %swap3A_839, %swap3A_840] {strides = array<i32>} : memref<2x40x160xf32, #tpu.memory_space<vmem>>, vector<16xf32>,
          tpu.vector_store %arg16[%swap3A_838, %swap3A_839, %swap3A_840], %broadcast_in_dim3A_1 {strides = array<i32>} : memref<2x40x160xf32, #tpu.memory_space<vmem>>, vector<16xf32>,
          %swap3A_842 = arith.constant 1 : i32
          %swap3A_843 = arith.index_cast %swap3A_842 : i32 to index
          %swap3A_844 = arith.index_cast %scan3A_811 : i32 to index
          %swap3A_845 = arith.constant 96 : index
          %swap3A_846 = tpu.vector_load %arg16[%swap3A_843, %swap3A_844, %swap3A_845] {strides = array<i32>} : memref<2x40x160xf32, #tpu.memory_space<vmem>>, vector<16xf32>,
          tpu.vector_store %arg16[%swap3A_843, %swap3A_844, %swap3A_845], %broadcast_in_dim3A_1 {strides = array<i32>} : memref<2x40x160xf32, #tpu.memory_space<vmem>>, vector<16xf32>,
          %swap3A_847 = arith.constant 1 : i32
          %swap3A_848 = arith.index_cast %swap3A_847 : i32 to index
          %swap3A_849 = arith.index_cast %scan3A_811 : i32 to index
          %swap3A_850 = arith.constant 112 : index
          %swap3A_851 = tpu.vector_load %arg16[%swap3A_848, %swap3A_849, %swap3A_850] {strides = array<i32>} : memref<2x40x160xf32, #tpu.memory_space<vmem>>, vector<16xf32>,
          tpu.vector_store %arg16[%swap3A_848, %swap3A_849, %swap3A_850], %broadcast_in_dim3A_1 {strides = array<i32>} : memref<2x40x160xf32, #tpu.memory_space<vmem>>, vector<16xf32>,
          %swap3A_852 = arith.constant 1 : i32
          %swap3A_853 = arith.index_cast %swap3A_852 : i32 to index
          %swap3A_854 = arith.index_cast %scan3A_811 : i32 to index
          %swap3A_855 = arith.constant 128 : index
          %swap3A_856 = tpu.vector_load %arg16[%swap3A_853, %swap3A_854, %swap3A_855] {strides = array<i32>} : memref<2x40x160xf32, #tpu.memory_space<vmem>>, vector<16xf32>,
          tpu.vector_store %arg16[%swap3A_853, %swap3A_854, %swap3A_855], %broadcast_in_dim3A_1 {strides = array<i32>} : memref<2x40x160xf32, #tpu.memory_space<vmem>>, vector<16xf32>,
          %swap3A_857 = arith.constant 1 : i32
          %swap3A_858 = arith.index_cast %swap3A_857 : i32 to index
          %swap3A_859 = arith.index_cast %scan3A_811 : i32 to index
          %swap3A_860 = arith.constant 144 : index
          %swap3A_861 = tpu.vector_load %arg16[%swap3A_858, %swap3A_859, %swap3A_860] {strides = array<i32>} : memref<2x40x160xf32, #tpu.memory_space<vmem>>, vector<16xf32>,
          tpu.vector_store %arg16[%swap3A_858, %swap3A_859, %swap3A_860], %broadcast_in_dim3A_1 {strides = array<i32>} : memref<2x40x160xf32, #tpu.memory_space<vmem>>, vector<16xf32>,
        }
        %scan3A_810 = arith.constant 40 : i32
      } else {
      }
      %get3A_736 = arith.constant 1 : i32
      %get3A_737 = arith.index_cast %get3A_736 : i32 to index
      %get3A_738 = arith.constant 0 : index
      %get3A_739 = tpu.vector_load %arg10[%get3A_737, %get3A_738] {strides = array<i32>} : memref<2x40xi32, #tpu.memory_space<vmem>>, vector<16xi32>,
      %swap3A_740 = arith.constant 1 : i32
      %swap3A_741 = arith.index_cast %swap3A_740 : i32 to index
      %swap3A_742 = arith.constant 0 : index
      %swap3A_743 = tpu.vector_load %arg11[%swap3A_741, %swap3A_742] {strides = array<i32>} : memref<2x40xi32, #tpu.memory_space<vmem>>, vector<16xi32>,
      tpu.vector_store %arg11[%swap3A_741, %swap3A_742], %get3A_739 {strides = array<i32>} : memref<2x40xi32, #tpu.memory_space<vmem>>, vector<16xi32>,
      %get3A_744 = arith.constant 1 : i32
      %get3A_745 = arith.index_cast %get3A_744 : i32 to index
      %get3A_746 = arith.constant 16 : index
      %get3A_747 = tpu.vector_load %arg10[%get3A_745, %get3A_746] {strides = array<i32>} : memref<2x40xi32, #tpu.memory_space<vmem>>, vector<16xi32>,
      %swap3A_748 = arith.constant 1 : i32
      %swap3A_749 = arith.index_cast %swap3A_748 : i32 to index
      %swap3A_750 = arith.constant 16 : index
      %swap3A_751 = tpu.vector_load %arg11[%swap3A_749, %swap3A_750] {strides = array<i32>} : memref<2x40xi32, #tpu.memory_space<vmem>>, vector<16xi32>,
      tpu.vector_store %arg11[%swap3A_749, %swap3A_750], %get3A_747 {strides = array<i32>} : memref<2x40xi32, #tpu.memory_space<vmem>>, vector<16xi32>,
      %dma_start3A_752 = arith.constant 1 : i32
      %dma_start3A_753 = arith.constant 1 : i32
      %dma_start3A_754 = arith.constant 0 : i32
      %dma_start3A_755 = arith.constant 0 : i32
      %dma_start3A_756 = tpu.memref_slice %arg16[%dma_start3A_752, %dma_start3A_754, %dma_start3A_755] : memref<2x40x160xf32, #tpu.memory_space<vmem>> -> memref<1x40x160xf32, #tpu.memory_space<vmem>>
      %dma_start3A_757 = tpu.memref_squeeze %dma_start3A_756 : memref<1x40x160xf32, #tpu.memory_space<vmem>> -> memref<40x160xf32, #tpu.memory_space<vmem>>
      %dma_start3A_758 = arith.constant 0 : i32
      %dma_start3A_759 = tpu.memref_slice %arg11[%dma_start3A_753, %dma_start3A_758] : memref<2x40xi32, #tpu.memory_space<vmem>> -> memref<1x40xi32, #tpu.memory_space<vmem>>
      %dma_start3A_760 = tpu.memref_squeeze %dma_start3A_759 : memref<1x40xi32, #tpu.memory_space<vmem>> -> memref<40xi32, #tpu.memory_space<vmem>>
      %dma_start3A_761 = arith.constant 0 : i32
      %dma_start3A_762 = arith.constant 0 : i32
      %dma_start3A_763 = tpu.memref_slice %arg17[%dma_start3A_761, %dma_start3A_762] : memref<10000x160xf32, #tpu.memory_space<vmem_shared>> -> memref<10000x160xf32, #tpu.memory_space<vmem_shared>>
      tpu.enqueue_indirect_dma source(%dma_start3A_757 : memref<40x160xf32, #tpu.memory_space<vmem>>) target(%dma_start3A_763 : memref<10000x160xf32, #tpu.memory_space<vmem_shared>>) offsets(%dma_start3A_760 : memref<40xi32, #tpu.memory_space<vmem>>) semaphore(%arg20 : memref<!tpu.dma_semaphore, #tpu.memory_space<semaphore_mem>>) {add = true}
      %add3A_764 = arith.constant 2 : i32
      %add3A_765 = arith.addi %add3A_585, %add3A_764 : i32
      %mul3A_766 = arith.constant 32 : i32
      %mul3A_767 = arith.muli %mul3A_766, %add3A_765 : i32
      %add3A_768 = arith.addi %add3A, %mul3A_767 : i32
      %lt3A_769 = arith.constant 8000 : i32
      %lt3A_770 = arith.cmpi slt, %add3A_768, %lt3A_769 : i32
      %select_n3A_771 = arith.select %lt3A_770, %add3A_768, %add3A : i32
      %mul3A_772 = arith.constant 40 : i32
      %mul3A_773 = arith.muli %select_n3A_771, %mul3A_772 : i32
      %dma_start3A_774 = arith.constant 1 : i32
      %dma_start3A_775 = arith.constant 0 : i32
      %dma_start3A_776 = tpu.memref_slice %arg9[%dma_start3A_774, %dma_start3A_775] : memref<2x40xi32, #tpu.memory_space<vmem>> -> memref<1x40xi32, #tpu.memory_space<vmem>>
      %dma_start3A_777 = tpu.memref_squeeze %dma_start3A_776 : memref<1x40xi32, #tpu.memory_space<vmem>> -> memref<40xi32, #tpu.memory_space<vmem>>
      %dma_start3A_778 = tpu.memref_slice %arg6[%mul3A_773] : memref<320000xi32, #tpu.memory_space<hbm>> -> memref<40xi32, #tpu.memory_space<hbm>>
      %dma_start3A_779 = arith.constant 0 : i32
      %dma_start3A_780 = tpu.memref_slice %arg9[%dma_start3A_774, %dma_start3A_779] : memref<2x40xi32, #tpu.memory_space<vmem>> -> memref<1x40xi32, #tpu.memory_space<vmem>>
      %dma_start3A_781 = tpu.memref_squeeze %dma_start3A_780 : memref<1x40xi32, #tpu.memory_space<vmem>> -> memref<40xi32, #tpu.memory_space<vmem>>
      %dma_start3A_782 = tpu.memref_slice %arg6[%mul3A_773] : memref<320000xi32, #tpu.memory_space<hbm>> -> memref<40xi32, #tpu.memory_space<hbm>>
      tpu.enqueue_dma source(%dma_start3A_782 : memref<40xi32, #tpu.memory_space<hbm>>) target(%dma_start3A_781 : memref<40xi32, #tpu.memory_space<vmem>>) target_semaphore(%arg18 : memref<!tpu.dma_semaphore, #tpu.memory_space<semaphore_mem>>)
      %dma_start3A_783 = arith.constant 1 : i32
      %dma_start3A_784 = arith.constant 0 : i32
      %dma_start3A_785 = tpu.memref_slice %arg10[%dma_start3A_783, %dma_start3A_784] : memref<2x40xi32, #tpu.memory_space<vmem>> -> memref<1x40xi32, #tpu.memory_space<vmem>>
      %dma_start3A_786 = tpu.memref_squeeze %dma_start3A_785 : memref<1x40xi32, #tpu.memory_space<vmem>> -> memref<40xi32, #tpu.memory_space<vmem>>
      %dma_start3A_787 = tpu.memref_slice %arg7[%mul3A_773] : memref<320000xi32, #tpu.memory_space<hbm>> -> memref<40xi32, #tpu.memory_space<hbm>>
      %dma_start3A_788 = arith.constant 0 : i32
      %dma_start3A_789 = tpu.memref_slice %arg10[%dma_start3A_783, %dma_start3A_788] : memref<2x40xi32, #tpu.memory_space<vmem>> -> memref<1x40xi32, #tpu.memory_space<vmem>>
      %dma_start3A_790 = tpu.memref_squeeze %dma_start3A_789 : memref<1x40xi32, #tpu.memory_space<vmem>> -> memref<40xi32, #tpu.memory_space<vmem>>
      %dma_start3A_791 = tpu.memref_slice %arg7[%mul3A_773] : memref<320000xi32, #tpu.memory_space<hbm>> -> memref<40xi32, #tpu.memory_space<hbm>>
      tpu.enqueue_dma source(%dma_start3A_791 : memref<40xi32, #tpu.memory_space<hbm>>) target(%dma_start3A_790 : memref<40xi32, #tpu.memory_space<vmem>>) target_semaphore(%arg18 : memref<!tpu.dma_semaphore, #tpu.memory_space<semaphore_mem>>)
      %dma_start3A_792 = arith.constant 1 : i32
      %dma_start3A_793 = arith.constant 0 : i32
      %dma_start3A_794 = arith.constant 0 : i32
      %dma_start3A_795 = tpu.memref_slice %arg15[%dma_start3A_792, %dma_start3A_793, %dma_start3A_794] : memref<2x40x16xf32, #tpu.memory_space<vmem>> -> memref<1x40x16xf32, #tpu.memory_space<vmem>>
      %dma_start3A_796 = tpu.memref_squeeze %dma_start3A_795 : memref<1x40x16xf32, #tpu.memory_space<vmem>> -> memref<40x16xf32, #tpu.memory_space<vmem>>
      %dma_start3A_797 = arith.constant 0 : i32
      %dma_start3A_798 = tpu.memref_slice %arg5[%mul3A_773, %dma_start3A_797] : memref<320000x16xf32, #tpu.memory_space<hbm>> -> memref<40x16xf32, #tpu.memory_space<hbm>>
      %dma_start3A_799 = arith.constant 0 : i32
      %dma_start3A_800 = arith.constant 0 : i32
      %dma_start3A_801 = tpu.memref_slice %arg15[%dma_start3A_792, %dma_start3A_799, %dma_start3A_800] : memref<2x40x16xf32, #tpu.memory_space<vmem>> -> memref<1x40x16xf32, #tpu.memory_space<vmem>>
      %dma_start3A_802 = tpu.memref_squeeze %dma_start3A_801 : memref<1x40x16xf32, #tpu.memory_space<vmem>> -> memref<40x16xf32, #tpu.memory_space<vmem>>
      %dma_start3A_803 = arith.constant 0 : i32
      %dma_start3A_804 = tpu.memref_slice %arg5[%mul3A_773, %dma_start3A_803] : memref<320000x16xf32, #tpu.memory_space<hbm>> -> memref<40x16xf32, #tpu.memory_space<hbm>>
      tpu.enqueue_dma source(%dma_start3A_804 : memref<40x16xf32, #tpu.memory_space<hbm>>) target(%dma_start3A_802 : memref<40x16xf32, #tpu.memory_space<vmem>>) target_semaphore(%arg18 : memref<!tpu.dma_semaphore, #tpu.memory_space<semaphore_mem>>)
    }
    %scan3A_240 = arith.constant 125 : i32
    %dma_wait3A = arith.constant 0 : i32
    %dma_wait3A_241 = arith.constant 0 : i32
    %dma_wait3A_242 = tpu.memref_slice %arg9[%dma_wait3A, %dma_wait3A_241] : memref<2x40xi32, #tpu.memory_space<vmem>> -> memref<1x40xi32, #tpu.memory_space<vmem>>
    %dma_wait3A_243 = tpu.memref_squeeze %dma_wait3A_242 : memref<1x40xi32, #tpu.memory_space<vmem>> -> memref<40xi32, #tpu.memory_space<vmem>>
    %dma_wait3A_244 = arith.constant 0 : i32
    %dma_wait3A_245 = tpu.memref_slice %arg6[%dma_wait3A_244] : memref<320000xi32, #tpu.memory_space<hbm>> -> memref<40xi32, #tpu.memory_space<hbm>>
    %dma_wait3A_246 = arith.constant 0 : i32
    %dma_wait3A_247 = tpu.memref_slice %arg9[%dma_wait3A, %dma_wait3A_246] : memref<2x40xi32, #tpu.memory_space<vmem>> -> memref<1x40xi32, #tpu.memory_space<vmem>>
    %dma_wait3A_248 = tpu.memref_squeeze %dma_wait3A_247 : memref<1x40xi32, #tpu.memory_space<vmem>> -> memref<40xi32, #tpu.memory_space<vmem>>
    %dma_wait3A_249 = arith.constant 0 : i32
    %dma_wait3A_250 = tpu.memref_slice %arg6[%dma_wait3A_249] : memref<320000xi32, #tpu.memory_space<hbm>> -> memref<40xi32, #tpu.memory_space<hbm>>
    tpu.wait_dma2 semaphore(%arg18 : memref<!tpu.dma_semaphore, #tpu.memory_space<semaphore_mem>>) src(%dma_wait3A_250 : memref<40xi32, #tpu.memory_space<hbm>>) dst(%dma_wait3A_248 : memref<40xi32, #tpu.memory_space<vmem>>)
    %dma_wait3A_251 = arith.constant 0 : i32
    %dma_wait3A_252 = arith.constant 0 : i32
    %dma_wait3A_253 = tpu.memref_slice %arg10[%dma_wait3A_251, %dma_wait3A_252] : memref<2x40xi32, #tpu.memory_space<vmem>> -> memref<1x40xi32, #tpu.memory_space<vmem>>
    %dma_wait3A_254 = tpu.memref_squeeze %dma_wait3A_253 : memref<1x40xi32, #tpu.memory_space<vmem>> -> memref<40xi32, #tpu.memory_space<vmem>>
    %dma_wait3A_255 = arith.constant 0 : i32
    %dma_wait3A_256 = tpu.memref_slice %arg7[%dma_wait3A_255] : memref<320000xi32, #tpu.memory_space<hbm>> -> memref<40xi32, #tpu.memory_space<hbm>>
    %dma_wait3A_257 = arith.constant 0 : i32
    %dma_wait3A_258 = tpu.memref_slice %arg10[%dma_wait3A_251, %dma_wait3A_257] : memref<2x40xi32, #tpu.memory_space<vmem>> -> memref<1x40xi32, #tpu.memory_space<vmem>>
    %dma_wait3A_259 = tpu.memref_squeeze %dma_wait3A_258 : memref<1x40xi32, #tpu.memory_space<vmem>> -> memref<40xi32, #tpu.memory_space<vmem>>
    %dma_wait3A_260 = arith.constant 0 : i32
    %dma_wait3A_261 = tpu.memref_slice %arg7[%dma_wait3A_260] : memref<320000xi32, #tpu.memory_space<hbm>> -> memref<40xi32, #tpu.memory_space<hbm>>
    tpu.wait_dma2 semaphore(%arg18 : memref<!tpu.dma_semaphore, #tpu.memory_space<semaphore_mem>>) src(%dma_wait3A_261 : memref<40xi32, #tpu.memory_space<hbm>>) dst(%dma_wait3A_259 : memref<40xi32, #tpu.memory_space<vmem>>)
    %dma_wait3A_262 = arith.constant 0 : i32
    %dma_wait3A_263 = arith.constant 0 : i32
    %dma_wait3A_264 = arith.constant 0 : i32
    %dma_wait3A_265 = tpu.memref_slice %arg15[%dma_wait3A_262, %dma_wait3A_263, %dma_wait3A_264] : memref<2x40x16xf32, #tpu.memory_space<vmem>> -> memref<1x40x16xf32, #tpu.memory_space<vmem>>
    %dma_wait3A_266 = tpu.memref_squeeze %dma_wait3A_265 : memref<1x40x16xf32, #tpu.memory_space<vmem>> -> memref<40x16xf32, #tpu.memory_space<vmem>>
    %dma_wait3A_267 = arith.constant 0 : i32
    %dma_wait3A_268 = arith.constant 0 : i32
    %dma_wait3A_269 = tpu.memref_slice %arg5[%dma_wait3A_267, %dma_wait3A_268] : memref<320000x16xf32, #tpu.memory_space<hbm>> -> memref<40x16xf32, #tpu.memory_space<hbm>>
    %dma_wait3A_270 = arith.constant 0 : i32
    %dma_wait3A_271 = arith.constant 0 : i32
    %dma_wait3A_272 = tpu.memref_slice %arg15[%dma_wait3A_262, %dma_wait3A_270, %dma_wait3A_271] : memref<2x40x16xf32, #tpu.memory_space<vmem>> -> memref<1x40x16xf32, #tpu.memory_space<vmem>>
    %dma_wait3A_273 = tpu.memref_squeeze %dma_wait3A_272 : memref<1x40x16xf32, #tpu.memory_space<vmem>> -> memref<40x16xf32, #tpu.memory_space<vmem>>
    %dma_wait3A_274 = arith.constant 0 : i32
    %dma_wait3A_275 = arith.constant 0 : i32
    %dma_wait3A_276 = tpu.memref_slice %arg5[%dma_wait3A_274, %dma_wait3A_275] : memref<320000x16xf32, #tpu.memory_space<hbm>> -> memref<40x16xf32, #tpu.memory_space<hbm>>
    tpu.wait_dma2 semaphore(%arg18 : memref<!tpu.dma_semaphore, #tpu.memory_space<semaphore_mem>>) src(%dma_wait3A_276 : memref<40x16xf32, #tpu.memory_space<hbm>>) dst(%dma_wait3A_273 : memref<40x16xf32, #tpu.memory_space<vmem>>)
    %dma_wait3A_277 = arith.constant 0 : i32
    %dma_wait3A_278 = arith.constant 0 : i32
    %dma_wait3A_279 = arith.constant 0 : i32
    %dma_wait3A_280 = tpu.memref_slice %arg14[%dma_wait3A_277, %dma_wait3A_278, %dma_wait3A_279] : memref<2x40x256xbf16, #tpu.memory_space<vmem>> -> memref<1x40x256xbf16, #tpu.memory_space<vmem>>
    %dma_wait3A_281 = tpu.memref_squeeze %dma_wait3A_280 : memref<1x40x256xbf16, #tpu.memory_space<vmem>> -> memref<40x256xbf16, #tpu.memory_space<vmem>>
    %dma_wait3A_282 = arith.constant 0 : i32
    %dma_wait3A_283 = arith.constant 0 : i32
    %dma_wait3A_284 = tpu.memref_slice %arg4[%dma_wait3A_282, %dma_wait3A_283] : memref<10000x256xbf16, #tpu.memory_space<hbm>> -> memref<40x256xbf16, #tpu.memory_space<hbm>>
    %dma_wait3A_285 = arith.constant 0 : i32
    %dma_wait3A_286 = arith.constant 0 : i32
    %dma_wait3A_287 = tpu.memref_slice %arg14[%dma_wait3A_277, %dma_wait3A_285, %dma_wait3A_286] : memref<2x40x256xbf16, #tpu.memory_space<vmem>> -> memref<1x40x256xbf16, #tpu.memory_space<vmem>>
    %dma_wait3A_288 = tpu.memref_squeeze %dma_wait3A_287 : memref<1x40x256xbf16, #tpu.memory_space<vmem>> -> memref<40x256xbf16, #tpu.memory_space<vmem>>
    %dma_wait3A_289 = arith.constant 0 : i32
    %dma_wait3A_290 = arith.constant 0 : i32
    %dma_wait3A_291 = tpu.memref_slice %arg4[%dma_wait3A_289, %dma_wait3A_290] : memref<10000x256xbf16, #tpu.memory_space<hbm>> -> memref<40x256xbf16, #tpu.memory_space<hbm>>
    tpu.wait_dma2 semaphore(%arg19 : memref<!tpu.dma_semaphore, #tpu.memory_space<semaphore_mem>>) src(%dma_wait3A_291 : memref<40x256xbf16, #tpu.memory_space<hbm>>) dst(%dma_wait3A_288 : memref<40x256xbf16, #tpu.memory_space<vmem>>)
    %dma_wait3A_292 = arith.constant 0 : i32
    %dma_wait3A_293 = arith.constant 0 : i32
    %dma_wait3A_294 = arith.constant 0 : i32
    %dma_wait3A_295 = tpu.memref_slice %arg12[%dma_wait3A_292, %dma_wait3A_293, %dma_wait3A_294] : memref<2x40x128xbf16, #tpu.memory_space<vmem>> -> memref<1x40x128xbf16, #tpu.memory_space<vmem>>
    %dma_wait3A_296 = tpu.memref_squeeze %dma_wait3A_295 : memref<1x40x128xbf16, #tpu.memory_space<vmem>> -> memref<40x128xbf16, #tpu.memory_space<vmem>>
    %dma_wait3A_297 = arith.constant 0 : i32
    %dma_wait3A_298 = arith.constant 0 : i32
    %dma_wait3A_299 = tpu.memref_slice %arg2[%dma_wait3A_297, %dma_wait3A_298] : memref<10000x128xbf16, #tpu.memory_space<hbm>> -> memref<40x128xbf16, #tpu.memory_space<hbm>>
    %dma_wait3A_300 = arith.constant 0 : i32
    %dma_wait3A_301 = arith.constant 0 : i32
    %dma_wait3A_302 = tpu.memref_slice %arg12[%dma_wait3A_292, %dma_wait3A_300, %dma_wait3A_301] : memref<2x40x128xbf16, #tpu.memory_space<vmem>> -> memref<1x40x128xbf16, #tpu.memory_space<vmem>>
    %dma_wait3A_303 = tpu.memref_squeeze %dma_wait3A_302 : memref<1x40x128xbf16, #tpu.memory_space<vmem>> -> memref<40x128xbf16, #tpu.memory_space<vmem>>
    %dma_wait3A_304 = arith.constant 0 : i32
    %dma_wait3A_305 = arith.constant 0 : i32
    %dma_wait3A_306 = tpu.memref_slice %arg2[%dma_wait3A_304, %dma_wait3A_305] : memref<10000x128xbf16, #tpu.memory_space<hbm>> -> memref<40x128xbf16, #tpu.memory_space<hbm>>
    tpu.wait_dma2 semaphore(%arg19 : memref<!tpu.dma_semaphore, #tpu.memory_space<semaphore_mem>>) src(%dma_wait3A_306 : memref<40x128xbf16, #tpu.memory_space<hbm>>) dst(%dma_wait3A_303 : memref<40x128xbf16, #tpu.memory_space<vmem>>)
    %dma_wait3A_307 = arith.constant 0 : i32
    %dma_wait3A_308 = arith.constant 0 : i32
    %dma_wait3A_309 = arith.constant 0 : i32
    %dma_wait3A_310 = tpu.memref_slice %arg13[%dma_wait3A_307, %dma_wait3A_308, %dma_wait3A_309] : memref<2x40x16xf32, #tpu.memory_space<vmem>> -> memref<1x40x16xf32, #tpu.memory_space<vmem>>
    %dma_wait3A_311 = tpu.memref_squeeze %dma_wait3A_310 : memref<1x40x16xf32, #tpu.memory_space<vmem>> -> memref<40x16xf32, #tpu.memory_space<vmem>>
    %dma_wait3A_312 = arith.constant 0 : i32
    %dma_wait3A_313 = arith.constant 0 : i32
    %dma_wait3A_314 = tpu.memref_slice %arg3[%dma_wait3A_312, %dma_wait3A_313] : memref<10000x16xf32, #tpu.memory_space<hbm>> -> memref<40x16xf32, #tpu.memory_space<hbm>>
    %dma_wait3A_315 = arith.constant 0 : i32
    %dma_wait3A_316 = arith.constant 0 : i32
    %dma_wait3A_317 = tpu.memref_slice %arg13[%dma_wait3A_307, %dma_wait3A_315, %dma_wait3A_316] : memref<2x40x16xf32, #tpu.memory_space<vmem>> -> memref<1x40x16xf32, #tpu.memory_space<vmem>>
    %dma_wait3A_318 = tpu.memref_squeeze %dma_wait3A_317 : memref<1x40x16xf32, #tpu.memory_space<vmem>> -> memref<40x16xf32, #tpu.memory_space<vmem>>
    %dma_wait3A_319 = arith.constant 0 : i32
    %dma_wait3A_320 = arith.constant 0 : i32
    %dma_wait3A_321 = tpu.memref_slice %arg3[%dma_wait3A_319, %dma_wait3A_320] : memref<10000x16xf32, #tpu.memory_space<hbm>> -> memref<40x16xf32, #tpu.memory_space<hbm>>
    tpu.wait_dma2 semaphore(%arg19 : memref<!tpu.dma_semaphore, #tpu.memory_space<semaphore_mem>>) src(%dma_wait3A_321 : memref<40x16xf32, #tpu.memory_space<hbm>>) dst(%dma_wait3A_318 : memref<40x16xf32, #tpu.memory_space<vmem>>)
    %dma_wait3A_322 = arith.constant 0 : i32
    %dma_wait3A_323 = arith.constant 0 : i32
    %dma_wait3A_324 = arith.constant 0 : i32
    %dma_wait3A_325 = arith.constant 0 : i32
    %dma_wait3A_326 = tpu.memref_slice %arg16[%dma_wait3A_323, %dma_wait3A_324, %dma_wait3A_325] : memref<2x40x160xf32, #tpu.memory_space<vmem>> -> memref<1x40x160xf32, #tpu.memory_space<vmem>>
    %dma_wait3A_327 = tpu.memref_squeeze %dma_wait3A_326 : memref<1x40x160xf32, #tpu.memory_space<vmem>> -> memref<40x160xf32, #tpu.memory_space<vmem>>
    %dma_wait3A_328 = arith.constant 0 : i32
    %dma_wait3A_329 = arith.constant 0 : i32
    %dma_wait3A_330 = tpu.memref_slice %arg8[%dma_wait3A_322, %dma_wait3A_328, %dma_wait3A_329] : memref<2x10000x160xf32, #tpu.memory_space<hbm>> -> memref<1x40x160xf32, #tpu.memory_space<hbm>>
    %dma_wait3A_331 = tpu.memref_squeeze %dma_wait3A_330 : memref<1x40x160xf32, #tpu.memory_space<hbm>> -> memref<40x160xf32, #tpu.memory_space<hbm>>
    %dma_wait3A_332 = arith.constant 0 : i32
    %dma_wait3A_333 = arith.constant 0 : i32
    %dma_wait3A_334 = tpu.memref_slice %arg16[%dma_wait3A_323, %dma_wait3A_332, %dma_wait3A_333] : memref<2x40x160xf32, #tpu.memory_space<vmem>> -> memref<1x40x160xf32, #tpu.memory_space<vmem>>
    %dma_wait3A_335 = tpu.memref_squeeze %dma_wait3A_334 : memref<1x40x160xf32, #tpu.memory_space<vmem>> -> memref<40x160xf32, #tpu.memory_space<vmem>>
    %dma_wait3A_336 = arith.constant 0 : i32
    %dma_wait3A_337 = arith.constant 0 : i32
    %dma_wait3A_338 = tpu.memref_slice %arg8[%dma_wait3A_322, %dma_wait3A_336, %dma_wait3A_337] : memref<2x10000x160xf32, #tpu.memory_space<hbm>> -> memref<1x40x160xf32, #tpu.memory_space<hbm>>
    %dma_wait3A_339 = tpu.memref_squeeze %dma_wait3A_338 : memref<1x40x160xf32, #tpu.memory_space<hbm>> -> memref<40x160xf32, #tpu.memory_space<hbm>>
    tpu.wait_dma2 semaphore(%arg20 : memref<!tpu.dma_semaphore, #tpu.memory_space<semaphore_mem>>) src(%dma_wait3A_339 : memref<40x160xf32, #tpu.memory_space<hbm>>) dst(%dma_wait3A_335 : memref<40x160xf32, #tpu.memory_space<vmem>>)
    %dma_wait3A_340 = arith.constant 0 : i32
    %dma_wait3A_341 = arith.constant 0 : i32
    %dma_wait3A_342 = arith.constant 0 : i32
    %dma_wait3A_343 = arith.constant 0 : i32
    %dma_wait3A_344 = tpu.memref_slice %arg16[%dma_wait3A_341, %dma_wait3A_342, %dma_wait3A_343] : memref<2x40x160xf32, #tpu.memory_space<vmem>> -> memref<1x40x160xf32, #tpu.memory_space<vmem>>
    %dma_wait3A_345 = tpu.memref_squeeze %dma_wait3A_344 : memref<1x40x160xf32, #tpu.memory_space<vmem>> -> memref<40x160xf32, #tpu.memory_space<vmem>>
    %dma_wait3A_346 = arith.constant 0 : i32
    %dma_wait3A_347 = arith.constant 0 : i32
    %dma_wait3A_348 = tpu.memref_slice %arg8[%dma_wait3A_340, %dma_wait3A_346, %dma_wait3A_347] : memref<2x10000x160xf32, #tpu.memory_space<hbm>> -> memref<1x40x160xf32, #tpu.memory_space<hbm>>
    %dma_wait3A_349 = tpu.memref_squeeze %dma_wait3A_348 : memref<1x40x160xf32, #tpu.memory_space<hbm>> -> memref<40x160xf32, #tpu.memory_space<hbm>>
    %dma_wait3A_350 = arith.constant 0 : i32
    %dma_wait3A_351 = arith.constant 0 : i32
    %dma_wait3A_352 = tpu.memref_slice %arg16[%dma_wait3A_341, %dma_wait3A_350, %dma_wait3A_351] : memref<2x40x160xf32, #tpu.memory_space<vmem>> -> memref<1x40x160xf32, #tpu.memory_space<vmem>>
    %dma_wait3A_353 = tpu.memref_squeeze %dma_wait3A_352 : memref<1x40x160xf32, #tpu.memory_space<vmem>> -> memref<40x160xf32, #tpu.memory_space<vmem>>
    %dma_wait3A_354 = arith.constant 0 : i32
    %dma_wait3A_355 = arith.constant 0 : i32
    %dma_wait3A_356 = tpu.memref_slice %arg8[%dma_wait3A_340, %dma_wait3A_354, %dma_wait3A_355] : memref<2x10000x160xf32, #tpu.memory_space<hbm>> -> memref<1x40x160xf32, #tpu.memory_space<hbm>>
    %dma_wait3A_357 = tpu.memref_squeeze %dma_wait3A_356 : memref<1x40x160xf32, #tpu.memory_space<hbm>> -> memref<40x160xf32, #tpu.memory_space<hbm>>
    tpu.wait_dma2 semaphore(%arg20 : memref<!tpu.dma_semaphore, #tpu.memory_space<semaphore_mem>>) src(%dma_wait3A_357 : memref<40x160xf32, #tpu.memory_space<hbm>>) dst(%dma_wait3A_353 : memref<40x160xf32, #tpu.memory_space<vmem>>)
    %barrier3A_358 = arith.constant 0 : index
    tpu.barrier barrier_id(%barrier3A_358)
    %mul3A_359 = arith.constant 625 : i32
    %mul3A_360 = arith.muli %arg1, %mul3A_359 : i32
    %mul3A_361 = arith.constant 625 : i32
    %mul3A_362 = arith.muli %arg1, %mul3A_361 : i32
    "tpu.region"() ({
      %run_scoped3A_363 = tpu.sem_alloc : memref<!tpu.dma_semaphore, #tpu.memory_space<semaphore_mem>>
      %dma_start3A_364 = arith.constant 0 : i32
      %dma_start3A_365 = tpu.memref_slice %arg8[%arg0, %mul3A_362, %dma_start3A_364] : memref<2x10000x160xf32, #tpu.memory_space<hbm>> -> memref<1x625x160xf32, #tpu.memory_space<hbm>>
      %dma_start3A_366 = tpu.memref_squeeze %dma_start3A_365 : memref<1x625x160xf32, #tpu.memory_space<hbm>> -> memref<625x160xf32, #tpu.memory_space<hbm>>
      %dma_start3A_367 = arith.constant 0 : i32
      %dma_start3A_368 = tpu.memref_slice %arg17[%mul3A_360, %dma_start3A_367] : memref<10000x160xf32, #tpu.memory_space<vmem_shared>> -> memref<625x160xf32, #tpu.memory_space<vmem_shared>>
      tpu.enqueue_dma source(%dma_start3A_368 : memref<625x160xf32, #tpu.memory_space<vmem_shared>>) target(%dma_start3A_366 : memref<625x160xf32, #tpu.memory_space<hbm>>) target_semaphore(%run_scoped3A_363 : memref<!tpu.dma_semaphore, #tpu.memory_space<semaphore_mem>>)
      %dma_wait3A_369 = arith.constant 0 : i32
      %dma_wait3A_370 = tpu.memref_slice %arg8[%arg0, %mul3A_362, %dma_wait3A_369] : memref<2x10000x160xf32, #tpu.memory_space<hbm>> -> memref<1x625x160xf32, #tpu.memory_space<hbm>>
      %dma_wait3A_371 = tpu.memref_squeeze %dma_wait3A_370 : memref<1x625x160xf32, #tpu.memory_space<hbm>> -> memref<625x160xf32, #tpu.memory_space<hbm>>
      %dma_wait3A_372 = arith.constant 0 : i32
      %dma_wait3A_373 = tpu.memref_slice %arg17[%mul3A_360, %dma_wait3A_372] : memref<10000x160xf32, #tpu.memory_space<vmem_shared>> -> memref<625x160xf32, #tpu.memory_space<vmem_shared>>
      tpu.wait_dma2 semaphore(%run_scoped3A_363 : memref<!tpu.dma_semaphore, #tpu.memory_space<semaphore_mem>>) src(%dma_wait3A_373 : memref<625x160xf32, #tpu.memory_space<vmem_shared>>) dst(%dma_wait3A_371 : memref<625x160xf32, #tpu.memory_space<hbm>>)
      tpu.yield
    }) : () -> ()
    return
  }
}

module attributes {stable_mosaic.version = 14 : i64} {
  func.func @_proj_body(%arg0: i32, %arg1: memref<2000x128xf32, #tpu.memory_space<vmem>>, %arg2: memref<128x128xf32, #tpu.memory_space<vmem>>, %arg3: memref<128x128xf32, #tpu.memory_space<vmem>>, %arg4: memref<128x128xf32, #tpu.memory_space<vmem>>, %arg5: memref<16x128xf32, #tpu.memory_space<vmem>>, %arg6: memref<2000x144xf32, #tpu.memory_space<vmem>>, %arg7: memref<2000x256xf32, #tpu.memory_space<vmem>>) attributes {dimension_semantics = [#tpu.dimension_semantics<arbitrary>], iteration_bounds = array<i64: 5>, scalar_prefetch = 0 : i64, scratch_operands = 0 : i64, tpu.core_type = #tpu.core_type<tc>, window_params = [{transform_indices = @transform_0, window_bounds = array<i64: 2000, 128>}, {pipeline_mode = #tpu.pipeline_mode<synchronous>, transform_indices = @transform_1, window_bounds = array<i64: 128, 128>}, {pipeline_mode = #tpu.pipeline_mode<synchronous>, transform_indices = @transform_2, window_bounds = array<i64: 128, 128>}, {pipeline_mode = #tpu.pipeline_mode<synchronous>, transform_indices = @transform_3, window_bounds = array<i64: 128, 128>}, {pipeline_mode = #tpu.pipeline_mode<synchronous>, transform_indices = @transform_4, window_bounds = array<i64: 16, 128>}, {transform_indices = @transform_5, window_bounds = array<i64: 2000, 144>}, {transform_indices = @transform_6, window_bounds = array<i64: 2000, 256>}]} {
    %get3A = arith.constant 0 : index
    %get3A_0 = arith.constant 0 : index
    %get3A_1 = vector.load %arg1[%get3A, %get3A_0] : memref<2000x128xf32, #tpu.memory_space<vmem>>, vector<2000x128xf32>
    %get3A_2 = arith.constant 0 : index
    %get3A_3 = arith.constant 0 : index
    %get3A_4 = vector.load %arg2[%get3A_2, %get3A_3] : memref<128x128xf32, #tpu.memory_space<vmem>>, vector<128x128xf32>
    %dot_general3A = arith.constant dense<0.000000e+00> : vector<2000x128xf32>
    %dot_general3A_5 = tpu.matmul %get3A_1, %get3A_4, %dot_general3A {dimension_numbers = #tpu.dot_dimension_numbers<[1], [0], [0], [1], [0, 0, 1, 1], [], []>, transpose_lhs_hint = false} : vector<2000x128xf32>, vector<128x128xf32>, vector<2000x128xf32> -> vector<2000x128xf32>
    %get3A_6 = arith.constant 0 : index
    %get3A_7 = arith.constant 0 : index
    %get3A_8 = vector.load %arg3[%get3A_6, %get3A_7] : memref<128x128xf32, #tpu.memory_space<vmem>>, vector<128x128xf32>
    %dot_general3A_9 = arith.constant dense<0.000000e+00> : vector<2000x128xf32>
    %dot_general3A_10 = tpu.matmul %get3A_1, %get3A_8, %dot_general3A_9 {dimension_numbers = #tpu.dot_dimension_numbers<[1], [0], [0], [1], [0, 0, 1, 1], [], []>, transpose_lhs_hint = false} : vector<2000x128xf32>, vector<128x128xf32>, vector<2000x128xf32> -> vector<2000x128xf32>
    %get3A_11 = arith.constant 0 : index
    %get3A_12 = arith.constant 0 : index
    %get3A_13 = vector.load %arg4[%get3A_11, %get3A_12] : memref<128x128xf32, #tpu.memory_space<vmem>>, vector<128x128xf32>
    %dot_general3A_14 = arith.constant dense<0.000000e+00> : vector<2000x128xf32>
    %dot_general3A_15 = tpu.matmul %get3A_1, %get3A_13, %dot_general3A_14 {dimension_numbers = #tpu.dot_dimension_numbers<[1], [0], [0], [1], [0, 0, 1, 1], [], []>, transpose_lhs_hint = false} : vector<2000x128xf32>, vector<128x128xf32>, vector<2000x128xf32> -> vector<2000x128xf32>
    %get3A_16 = arith.constant 0 : index
    %get3A_17 = arith.constant 0 : index
    %get3A_18 = vector.load %arg5[%get3A_16, %get3A_17] : memref<16x128xf32, #tpu.memory_space<vmem>>, vector<16x128xf32>
    %dot_general3A_19 = arith.constant dense<0.000000e+00> : vector<2000x16xf32>
    %dot_general3A_20 = tpu.matmul %dot_general3A_5, %get3A_18, %dot_general3A_19 {dimension_numbers = #tpu.dot_dimension_numbers<[1], [1], [0], [0], [0, 0, 1, 0], [], []>, transpose_lhs_hint = false} : vector<2000x128xf32>, vector<16x128xf32>, vector<2000x16xf32> -> vector<2000x16xf32>
    %swap3A = arith.constant 0 : index
    %swap3A_21 = arith.constant 0 : index
    %swap3A_22 = vector.load %arg6[%swap3A, %swap3A_21] : memref<2000x144xf32, #tpu.memory_space<vmem>>, vector<2000x128xf32>
    tpu.vector_store %arg6[%swap3A, %swap3A_21], %dot_general3A_5 {strides = array<i32>} : memref<2000x144xf32, #tpu.memory_space<vmem>>, vector<2000x128xf32>,
    %swap3A_23 = arith.constant 0 : index
    %swap3A_24 = arith.constant 128 : index
    %swap3A_25 = vector.load %arg6[%swap3A_23, %swap3A_24] : memref<2000x144xf32, #tpu.memory_space<vmem>>, vector<2000x16xf32>
    tpu.vector_store %arg6[%swap3A_23, %swap3A_24], %dot_general3A_20 {strides = array<i32>} : memref<2000x144xf32, #tpu.memory_space<vmem>>, vector<2000x16xf32>,
    %swap3A_26 = arith.constant 0 : index
    %swap3A_27 = arith.constant 0 : index
    %swap3A_28 = vector.load %arg7[%swap3A_26, %swap3A_27] : memref<2000x256xf32, #tpu.memory_space<vmem>>, vector<2000x128xf32>
    tpu.vector_store %arg7[%swap3A_26, %swap3A_27], %dot_general3A_10 {strides = array<i32>} : memref<2000x256xf32, #tpu.memory_space<vmem>>, vector<2000x128xf32>,
    %swap3A_29 = arith.constant 0 : index
    %swap3A_30 = arith.constant 128 : index
    %swap3A_31 = vector.load %arg7[%swap3A_29, %swap3A_30] : memref<2000x256xf32, #tpu.memory_space<vmem>>, vector<2000x128xf32>
    tpu.vector_store %arg7[%swap3A_29, %swap3A_30], %dot_general3A_15 {strides = array<i32>} : memref<2000x256xf32, #tpu.memory_space<vmem>>, vector<2000x128xf32>,
    return
  }
  func.func @transform_0(%arg0: i32) -> (i32, i32) {
    %c0_i32 = arith.constant 0 : i32
    %c0_i32_0 = arith.constant 0 : i32
    return %arg0, %c0_i32 : i32, i32
  }
  func.func @transform_1(%arg0: i32) -> (i32, i32) {
    %c0_i32 = arith.constant 0 : i32
    %c0_i32_0 = arith.constant 0 : i32
    %c0_i32_1 = arith.constant 0 : i32
    return %c0_i32, %c0_i32_0 : i32, i32
  }
  func.func @transform_2(%arg0: i32) -> (i32, i32) {
    %c0_i32 = arith.constant 0 : i32
    %c0_i32_0 = arith.constant 0 : i32
    %c0_i32_1 = arith.constant 0 : i32
    return %c0_i32, %c0_i32_0 : i32, i32
  }
  func.func @transform_3(%arg0: i32) -> (i32, i32) {
    %c0_i32 = arith.constant 0 : i32
    %c0_i32_0 = arith.constant 0 : i32
    %c0_i32_1 = arith.constant 0 : i32
    return %c0_i32, %c0_i32_0 : i32, i32
  }
  func.func @transform_4(%arg0: i32) -> (i32, i32) {
    %c0_i32 = arith.constant 0 : i32
    %c0_i32_0 = arith.constant 0 : i32
    %c0_i32_1 = arith.constant 0 : i32
    return %c0_i32, %c0_i32_0 : i32, i32
  }
  func.func @transform_5(%arg0: i32) -> (i32, i32) {
    %c0_i32 = arith.constant 0 : i32
    %c0_i32_0 = arith.constant 0 : i32
    return %arg0, %c0_i32 : i32, i32
  }
  func.func @transform_6(%arg0: i32) -> (i32, i32) {
    %c0_i32 = arith.constant 0 : i32
    %c0_i32_0 = arith.constant 0 : i32
    return %arg0, %c0_i32 : i32, i32
  }
}

module attributes {stable_mosaic.version = 14 : i64} {
  func.func @_pool_body(%arg0: i32, %arg1: memref<2x2000x128xf32, #tpu.memory_space<vmem>>, %arg2: memref<2x2000x32xf32, #tpu.memory_space<vmem>>, %arg3: memref<1x1x2000xi32, #tpu.memory_space<vmem>>, %arg4: memref<16x128xf32, #tpu.memory_space<vmem>>, %arg5: memref<128x128xf32, #tpu.memory_space<vmem>>, %arg6: memref<512x128xf32, #tpu.memory_space<vmem>>, %arg7: memref<512x128xf32, #tpu.memory_space<vmem>>) attributes {dimension_semantics = [#tpu.dimension_semantics<arbitrary>], iteration_bounds = array<i64: 5>, scalar_prefetch = 0 : i64, scratch_operands = 0 : i64, tpu.core_type = #tpu.core_type<tc>, window_params = [{transform_indices = @transform_0, window_bounds = array<i64: 2, 2000, 128>}, {transform_indices = @transform_1, window_bounds = array<i64: 2, 2000, 32>}, {transform_indices = @transform_2, window_bounds = array<i64: 1, 1, 2000>}, {pipeline_mode = #tpu.pipeline_mode<synchronous>, transform_indices = @transform_3, window_bounds = array<i64: 16, 128>}, {pipeline_mode = #tpu.pipeline_mode<synchronous>, transform_indices = @transform_4, window_bounds = array<i64: 128, 128>}, {pipeline_mode = #tpu.pipeline_mode<synchronous>, transform_indices = @transform_5, window_bounds = array<i64: 512, 128>}, {pipeline_mode = #tpu.pipeline_mode<synchronous>, transform_indices = @transform_6, window_bounds = array<i64: 512, 128>}]} {
    %get3A = arith.constant 0 : index
    %get3A_0 = arith.constant 0 : index
    %get3A_1 = arith.constant 0 : index
    %get3A_2 = vector.load %arg1[%get3A, %get3A_0, %get3A_1] : memref<2x2000x128xf32, #tpu.memory_space<vmem>>, vector<1x2000x128xf32>
    %get3A_3 = vector.shape_cast %get3A_2 : vector<1x2000x128xf32> to vector<2000x128xf32>
    %get3A_4 = arith.constant 1 : index
    %get3A_5 = arith.constant 0 : index
    %get3A_6 = arith.constant 0 : index
    %get3A_7 = vector.load %arg1[%get3A_4, %get3A_5, %get3A_6] : memref<2x2000x128xf32, #tpu.memory_space<vmem>>, vector<1x2000x128xf32>
    %get3A_8 = vector.shape_cast %get3A_7 : vector<1x2000x128xf32> to vector<2000x128xf32>
    %add3A = arith.addf %get3A_3, %get3A_8 : vector<2000x128xf32>
    %get3A_9 = arith.constant 0 : index
    %get3A_10 = arith.constant 0 : index
    %get3A_11 = arith.constant 0 : index
    %get3A_12 = vector.load %arg2[%get3A_9, %get3A_10, %get3A_11] : memref<2x2000x32xf32, #tpu.memory_space<vmem>>, vector<1x2000x32xf32>
    %get3A_13 = vector.shape_cast %get3A_12 : vector<1x2000x32xf32> to vector<2000x32xf32>
    %get3A_14 = arith.constant 1 : index
    %get3A_15 = arith.constant 0 : index
    %get3A_16 = arith.constant 0 : index
    %get3A_17 = vector.load %arg2[%get3A_14, %get3A_15, %get3A_16] : memref<2x2000x32xf32, #tpu.memory_space<vmem>>, vector<1x2000x32xf32>
    %get3A_18 = vector.shape_cast %get3A_17 : vector<1x2000x32xf32> to vector<2000x32xf32>
    %add3A_19 = arith.addf %get3A_13, %get3A_18 : vector<2000x32xf32>
    %slice3A = vector.extract_strided_slice %add3A_19 {offsets = [0, 0], sizes = [2000, 16], strides = [1, 1]} : vector<2000x32xf32> to vector<2000x16xf32>
    %get3A_20 = arith.constant 0 : index
    %get3A_21 = arith.constant 0 : index
    %get3A_22 = vector.load %arg4[%get3A_20, %get3A_21] : memref<16x128xf32, #tpu.memory_space<vmem>>, vector<16x128xf32>
    %dot_general3A = arith.constant dense<0.000000e+00> : vector<2000x128xf32>
    %dot_general3A_23 = tpu.matmul %slice3A, %get3A_22, %dot_general3A {dimension_numbers = #tpu.dot_dimension_numbers<[1], [0], [0], [1], [0, 0, 1, 1], [], []>, transpose_lhs_hint = false} : vector<2000x16xf32>, vector<16x128xf32>, vector<2000x128xf32> -> vector<2000x128xf32>
    %add3A_24 = arith.addf %add3A, %dot_general3A_23 : vector<2000x128xf32>
    %slice3A_25 = vector.extract_strided_slice %add3A_19 {offsets = [0, 16], sizes = [2000, 1], strides = [1, 1]} : vector<2000x32xf32> to vector<2000x1xf32>
    %add3A_26 = arith.constant 1.000000e-16 : f32
    %add3A_27 = vector.broadcast %add3A_26 : f32 to vector<2000x1xf32>
    %add3A_28 = arith.addf %slice3A_25, %add3A_27 : vector<2000x1xf32>
    %div3A = vector.broadcast %add3A_28 : vector<2000x1xf32> to vector<2000x128xf32>
    %div3A_29 = arith.divf %add3A_24, %div3A : vector<2000x128xf32>
    %get3A_30 = arith.constant 0 : index
    %get3A_31 = arith.constant 0 : index
    %get3A_32 = vector.load %arg5[%get3A_30, %get3A_31] : memref<128x128xf32, #tpu.memory_space<vmem>>, vector<128x128xf32>
    %dot_general3A_33 = arith.constant dense<0.000000e+00> : vector<2000x128xf32>
    %dot_general3A_34 = tpu.matmul %div3A_29, %get3A_32, %dot_general3A_33 {dimension_numbers = #tpu.dot_dimension_numbers<[1], [0], [0], [1], [0, 0, 1, 1], [], []>, transpose_lhs_hint = false} : vector<2000x128xf32>, vector<128x128xf32>, vector<2000x128xf32> -> vector<2000x128xf32>
    %max3A = arith.constant 0.000000e+00 : f32
    %max3A_35 = vector.broadcast %max3A : f32 to vector<2000x128xf32>
    %max3A_36 = arith.maximumf %dot_general3A_34, %max3A_35 : vector<2000x128xf32>
    %get3A_37 = arith.constant 0 : index
    %get3A_38 = arith.constant 0 : index
    %get3A_39 = arith.constant 0 : index
    %get3A_40 = vector.load %arg3[%get3A_37, %get3A_38, %get3A_39] : memref<1x1x2000xi32, #tpu.memory_space<vmem>>, vector<1x1x2000xi32>
    %get3A_41 = vector.shape_cast %get3A_40 : vector<1x1x2000xi32> to vector<2000xi32>
    %iota3A = tpu.iota {dimensions = array<i32: 0>} : vector<512x2000xi32>
    %broadcast_in_dim3A = vector.shape_cast %get3A_41 : vector<2000xi32> to vector<1x2000xi32>
    %eq3A = vector.broadcast %broadcast_in_dim3A : vector<1x2000xi32> to vector<512x2000xi32>
    %eq3A_42 = arith.cmpi eq, %iota3A, %eq3A : vector<512x2000xi32>
    %convert_element_type3A = arith.extui %eq3A_42 : vector<512x2000xi1> to vector<512x2000xi32>
    %convert_element_type3A_43 = arith.sitofp %convert_element_type3A : vector<512x2000xi32> to vector<512x2000xf32>
    %dot_general3A_44 = arith.constant dense<0.000000e+00> : vector<512x128xf32>
    %dot_general3A_45 = tpu.matmul %convert_element_type3A_43, %max3A_36, %dot_general3A_44 {dimension_numbers = #tpu.dot_dimension_numbers<[1], [0], [0], [1], [0, 0, 1, 1], [], []>, transpose_lhs_hint = false} : vector<512x2000xf32>, vector<2000x128xf32>, vector<512x128xf32> -> vector<512x128xf32>
    %broadcast_in_dim3A_46 = arith.constant 1.000000e+00 : f32
    %broadcast_in_dim3A_47 = vector.broadcast %broadcast_in_dim3A_46 : f32 to vector<2000x128xf32>
    %dot_general3A_48 = arith.constant dense<0.000000e+00> : vector<512x128xf32>
    %dot_general3A_49 = tpu.matmul %convert_element_type3A_43, %broadcast_in_dim3A_47, %dot_general3A_48 {dimension_numbers = #tpu.dot_dimension_numbers<[1], [0], [0], [1], [0, 0, 1, 1], [], []>, transpose_lhs_hint = false} : vector<512x2000xf32>, vector<2000x128xf32>, vector<512x128xf32> -> vector<512x128xf32>
    %eq3A_50 = arith.constant 0 : i32
    %eq3A_51 = arith.cmpi eq, %arg0, %eq3A_50 : i32
    %convert_element_type3A_52 = arith.extui %eq3A_51 : i1 to i32
    %cond3A = arith.constant 0 : i32
    %cond3A_53 = arith.cmpi ne, %convert_element_type3A_52, %cond3A : i32
    scf.if %cond3A_53 {
      %broadcast_in_dim3A_67 = arith.constant 0.000000e+00 : f32
      %broadcast_in_dim3A_68 = vector.broadcast %broadcast_in_dim3A_67 : f32 to vector<512x128xf32>
      %swap3A_69 = arith.constant 0 : index
      %swap3A_70 = arith.constant 0 : index
      %swap3A_71 = vector.load %arg6[%swap3A_69, %swap3A_70] : memref<512x128xf32, #tpu.memory_space<vmem>>, vector<512x128xf32>
      tpu.vector_store %arg6[%swap3A_69, %swap3A_70], %broadcast_in_dim3A_68 {strides = array<i32>} : memref<512x128xf32, #tpu.memory_space<vmem>>, vector<512x128xf32>,
      %broadcast_in_dim3A_72 = arith.constant 0.000000e+00 : f32
      %broadcast_in_dim3A_73 = vector.broadcast %broadcast_in_dim3A_72 : f32 to vector<512x128xf32>
      %swap3A_74 = arith.constant 0 : index
      %swap3A_75 = arith.constant 0 : index
      %swap3A_76 = vector.load %arg7[%swap3A_74, %swap3A_75] : memref<512x128xf32, #tpu.memory_space<vmem>>, vector<512x128xf32>
      tpu.vector_store %arg7[%swap3A_74, %swap3A_75], %broadcast_in_dim3A_73 {strides = array<i32>} : memref<512x128xf32, #tpu.memory_space<vmem>>, vector<512x128xf32>,
    } else {
    }
    %get3A_54 = arith.constant 0 : index
    %get3A_55 = arith.constant 0 : index
    %get3A_56 = vector.load %arg6[%get3A_54, %get3A_55] : memref<512x128xf32, #tpu.memory_space<vmem>>, vector<512x128xf32>
    %add3A_57 = arith.addf %get3A_56, %dot_general3A_45 : vector<512x128xf32>
    %swap3A = arith.constant 0 : index
    %swap3A_58 = arith.constant 0 : index
    %swap3A_59 = vector.load %arg6[%swap3A, %swap3A_58] : memref<512x128xf32, #tpu.memory_space<vmem>>, vector<512x128xf32>
    tpu.vector_store %arg6[%swap3A, %swap3A_58], %add3A_57 {strides = array<i32>} : memref<512x128xf32, #tpu.memory_space<vmem>>, vector<512x128xf32>,
    %get3A_60 = arith.constant 0 : index
    %get3A_61 = arith.constant 0 : index
    %get3A_62 = vector.load %arg7[%get3A_60, %get3A_61] : memref<512x128xf32, #tpu.memory_space<vmem>>, vector<512x128xf32>
    %add3A_63 = arith.addf %get3A_62, %dot_general3A_49 : vector<512x128xf32>
    %swap3A_64 = arith.constant 0 : index
    %swap3A_65 = arith.constant 0 : index
    %swap3A_66 = vector.load %arg7[%swap3A_64, %swap3A_65] : memref<512x128xf32, #tpu.memory_space<vmem>>, vector<512x128xf32>
    tpu.vector_store %arg7[%swap3A_64, %swap3A_65], %add3A_63 {strides = array<i32>} : memref<512x128xf32, #tpu.memory_space<vmem>>, vector<512x128xf32>,
    return
  }
  func.func @transform_0(%arg0: i32) -> (i32, i32, i32) {
    %c0_i32 = arith.constant 0 : i32
    %c0_i32_0 = arith.constant 0 : i32
    %c0_i32_1 = arith.constant 0 : i32
    return %c0_i32, %arg0, %c0_i32_0 : i32, i32, i32
  }
  func.func @transform_1(%arg0: i32) -> (i32, i32, i32) {
    %c0_i32 = arith.constant 0 : i32
    %c0_i32_0 = arith.constant 0 : i32
    %c0_i32_1 = arith.constant 0 : i32
    return %c0_i32, %arg0, %c0_i32_0 : i32, i32, i32
  }
  func.func @transform_2(%arg0: i32) -> (i32, i32, i32) {
    %c0_i32 = arith.constant 0 : i32
    %c0_i32_0 = arith.constant 0 : i32
    %c0_i32_1 = arith.constant 0 : i32
    return %arg0, %c0_i32, %c0_i32_0 : i32, i32, i32
  }
  func.func @transform_3(%arg0: i32) -> (i32, i32) {
    %c0_i32 = arith.constant 0 : i32
    %c0_i32_0 = arith.constant 0 : i32
    %c0_i32_1 = arith.constant 0 : i32
    return %c0_i32, %c0_i32_0 : i32, i32
  }
  func.func @transform_4(%arg0: i32) -> (i32, i32) {
    %c0_i32 = arith.constant 0 : i32
    %c0_i32_0 = arith.constant 0 : i32
    %c0_i32_1 = arith.constant 0 : i32
    return %c0_i32, %c0_i32_0 : i32, i32
  }
  func.func @transform_5(%arg0: i32) -> (i32, i32) {
    %c0_i32 = arith.constant 0 : i32
    %c0_i32_0 = arith.constant 0 : i32
    %c0_i32_1 = arith.constant 0 : i32
    return %c0_i32, %c0_i32_0 : i32, i32
  }
  func.func @transform_6(%arg0: i32) -> (i32, i32) {
    %c0_i32 = arith.constant 0 : i32
    %c0_i32_0 = arith.constant 0 : i32
    %c0_i32_1 = arith.constant 0 : i32
    return %c0_i32, %c0_i32_0 : i32, i32
  }
}

module attributes {stable_mosaic.version = 14 : i64} {
  func.func @_head_body(%arg0: memref<512x128xf32, #tpu.memory_space<vmem>>, %arg1: memref<512x128xf32, #tpu.memory_space<vmem>>, %arg2: memref<128x256xf32, #tpu.memory_space<vmem>>, %arg3: memref<1x256xf32, #tpu.memory_space<vmem>>, %arg4: memref<256x128xf32, #tpu.memory_space<vmem>>, %arg5: memref<1x128xf32, #tpu.memory_space<vmem>>, %arg6: memref<512x128xf32, #tpu.memory_space<vmem>>) attributes {dimension_semantics = [], scalar_prefetch = 0 : i64, scratch_operands = 0 : i64, tpu.core_type = #tpu.core_type<tc>} {
    %get3A = arith.constant 0 : index
    %get3A_0 = arith.constant 0 : index
    %get3A_1 = vector.load %arg0[%get3A, %get3A_0] : memref<512x128xf32, #tpu.memory_space<vmem>>, vector<512x128xf32>
    %get3A_2 = arith.constant 0 : index
    %get3A_3 = arith.constant 0 : index
    %get3A_4 = vector.load %arg1[%get3A_2, %get3A_3] : memref<512x128xf32, #tpu.memory_space<vmem>>, vector<512x128xf32>
    %add3A = arith.constant 1.000000e-16 : f32
    %add3A_5 = vector.broadcast %add3A : f32 to vector<512x128xf32>
    %add3A_6 = arith.addf %get3A_4, %add3A_5 : vector<512x128xf32>
    %div3A = arith.divf %get3A_1, %add3A_6 : vector<512x128xf32>
    %get3A_7 = arith.constant 0 : index
    %get3A_8 = arith.constant 0 : index
    %get3A_9 = vector.load %arg2[%get3A_7, %get3A_8] : memref<128x256xf32, #tpu.memory_space<vmem>>, vector<128x256xf32>
    %dot_general3A = arith.constant dense<0.000000e+00> : vector<512x256xf32>
    %dot_general3A_10 = tpu.matmul %div3A, %get3A_9, %dot_general3A {dimension_numbers = #tpu.dot_dimension_numbers<[1], [0], [0], [1], [0, 0, 1, 1], [], []>, transpose_lhs_hint = false} : vector<512x128xf32>, vector<128x256xf32>, vector<512x256xf32> -> vector<512x256xf32>
    %get3A_11 = arith.constant 0 : index
    %get3A_12 = arith.constant 0 : index
    %get3A_13 = vector.load %arg3[%get3A_11, %get3A_12] : memref<1x256xf32, #tpu.memory_space<vmem>>, vector<1x256xf32>
    %add3A_14 = vector.broadcast %get3A_13 : vector<1x256xf32> to vector<512x256xf32>
    %add3A_15 = arith.addf %dot_general3A_10, %add3A_14 : vector<512x256xf32>
    %max3A = arith.constant 0.000000e+00 : f32
    %max3A_16 = vector.broadcast %max3A : f32 to vector<512x256xf32>
    %max3A_17 = arith.maximumf %add3A_15, %max3A_16 : vector<512x256xf32>
    %get3A_18 = arith.constant 0 : index
    %get3A_19 = arith.constant 0 : index
    %get3A_20 = vector.load %arg4[%get3A_18, %get3A_19] : memref<256x128xf32, #tpu.memory_space<vmem>>, vector<256x128xf32>
    %dot_general3A_21 = arith.constant dense<0.000000e+00> : vector<512x128xf32>
    %dot_general3A_22 = tpu.matmul %max3A_17, %get3A_20, %dot_general3A_21 {dimension_numbers = #tpu.dot_dimension_numbers<[1], [0], [0], [1], [0, 0, 1, 1], [], []>, transpose_lhs_hint = false} : vector<512x256xf32>, vector<256x128xf32>, vector<512x128xf32> -> vector<512x128xf32>
    %get3A_23 = arith.constant 0 : index
    %get3A_24 = arith.constant 0 : index
    %get3A_25 = vector.load %arg5[%get3A_23, %get3A_24] : memref<1x128xf32, #tpu.memory_space<vmem>>, vector<1x128xf32>
    %add3A_26 = vector.broadcast %get3A_25 : vector<1x128xf32> to vector<512x128xf32>
    %add3A_27 = arith.addf %dot_general3A_22, %add3A_26 : vector<512x128xf32>
    %swap3A = arith.constant 0 : index
    %swap3A_28 = arith.constant 0 : index
    %swap3A_29 = vector.load %arg6[%swap3A, %swap3A_28] : memref<512x128xf32, #tpu.memory_space<vmem>>, vector<512x128xf32>
    tpu.vector_store %arg6[%swap3A, %swap3A_28], %add3A_27 {strides = array<i32>} : memref<512x128xf32, #tpu.memory_space<vmem>>, vector<512x128xf32>,
    return
  }
}

module attributes {stable_mosaic.version = 14 : i64} {
  func.func @_assemble_body(%arg0: i32, %arg1: memref<4096xi32, #tpu.memory_space<vmem>>, %arg2: memref<4096xi32, #tpu.memory_space<vmem>>, %arg3: memref<512x128xf32, #tpu.memory_space<vmem>>, %arg4: memref<256x2048xf32, #tpu.memory_space<vmem>>, %arg5: memref<256x2048xf32, #tpu.memory_space<vmem>>, %arg6: memref<256x256xf32, #tpu.memory_space<vmem>>, %arg7: memref<256x256xf32, #tpu.memory_space<vmem>>, %arg8: memref<256x768xf32, #tpu.memory_space<vmem>>, %arg9: memref<256x5632xf32, #tpu.memory_space<vmem>>) attributes {dimension_semantics = [#tpu.dimension_semantics<arbitrary>], iteration_bounds = array<i64: 16>, scalar_prefetch = 0 : i64, scratch_operands = 0 : i64, tpu.core_type = #tpu.core_type<tc>, window_params = [{pipeline_mode = #tpu.pipeline_mode<synchronous>, transform_indices = @transform_0, window_bounds = array<i64: 4096>}, {pipeline_mode = #tpu.pipeline_mode<synchronous>, transform_indices = @transform_1, window_bounds = array<i64: 4096>}, {pipeline_mode = #tpu.pipeline_mode<synchronous>, transform_indices = @transform_2, window_bounds = array<i64: 512, 128>}, {transform_indices = @transform_3, window_bounds = array<i64: 256, 2048>}, {transform_indices = @transform_4, window_bounds = array<i64: 256, 2048>}, {transform_indices = @transform_5, window_bounds = array<i64: 256, 256>}, {transform_indices = @transform_6, window_bounds = array<i64: 256, 256>}, {transform_indices = @transform_7, window_bounds = array<i64: 256, 768>}, {transform_indices = @transform_8, window_bounds = array<i64: 256, 5632>}]} {
    %mul3A = arith.constant 256 : i32
    %mul3A_0 = arith.muli %arg0, %mul3A : i32
    %get3A = arith.index_cast %mul3A_0 : i32 to index
    %get3A_1 = vector.load %arg1[%get3A] : memref<4096xi32, #tpu.memory_space<vmem>>, vector<256xi32>
    %mul3A_2 = arith.constant 256 : i32
    %mul3A_3 = arith.muli %arg0, %mul3A_2 : i32
    %get3A_4 = arith.index_cast %mul3A_3 : i32 to index
    %get3A_5 = vector.load %arg2[%get3A_4] : memref<4096xi32, #tpu.memory_space<vmem>>, vector<256xi32>
    %iota3A = tpu.iota {dimensions = array<i32: 1>} : vector<256x512xi32>
    %broadcast_in_dim3A = vector.shape_cast %get3A_1 : vector<256xi32> to vector<256x1xi32>
    %eq3A = vector.broadcast %broadcast_in_dim3A : vector<256x1xi32> to vector<256x512xi32>
    %eq3A_6 = arith.cmpi eq, %eq3A, %iota3A : vector<256x512xi32>
    %convert_element_type3A = arith.extui %eq3A_6 : vector<256x512xi1> to vector<256x512xi32>
    %convert_element_type3A_7 = arith.sitofp %convert_element_type3A : vector<256x512xi32> to vector<256x512xf32>
    %broadcast_in_dim3A_8 = vector.shape_cast %get3A_5 : vector<256xi32> to vector<256x1xi32>
    %eq3A_9 = vector.broadcast %broadcast_in_dim3A_8 : vector<256x1xi32> to vector<256x512xi32>
    %eq3A_10 = arith.cmpi eq, %eq3A_9, %iota3A : vector<256x512xi32>
    %convert_element_type3A_11 = arith.extui %eq3A_10 : vector<256x512xi1> to vector<256x512xi32>
    %convert_element_type3A_12 = arith.sitofp %convert_element_type3A_11 : vector<256x512xi32> to vector<256x512xf32>
    %get3A_13 = arith.constant 0 : index
    %get3A_14 = arith.constant 0 : index
    %get3A_15 = vector.load %arg3[%get3A_13, %get3A_14] : memref<512x128xf32, #tpu.memory_space<vmem>>, vector<512x128xf32>
    %dot_general3A = arith.constant dense<0.000000e+00> : vector<256x128xf32>
    %dot_general3A_16 = tpu.matmul %convert_element_type3A_7, %get3A_15, %dot_general3A {dimension_numbers = #tpu.dot_dimension_numbers<[1], [0], [0], [1], [0, 0, 1, 1], [], []>, transpose_lhs_hint = false} : vector<256x512xf32>, vector<512x128xf32>, vector<256x128xf32> -> vector<256x128xf32>
    %swap3A = arith.constant 0 : index
    %swap3A_17 = arith.constant 0 : index
    %swap3A_18 = vector.load %arg9[%swap3A, %swap3A_17] : memref<256x5632xf32, #tpu.memory_space<vmem>>, vector<256x128xf32>
    tpu.vector_store %arg9[%swap3A, %swap3A_17], %dot_general3A_16 {strides = array<i32>} : memref<256x5632xf32, #tpu.memory_space<vmem>>, vector<256x128xf32>,
    %dot_general3A_19 = arith.constant dense<0.000000e+00> : vector<256x128xf32>
    %dot_general3A_20 = tpu.matmul %convert_element_type3A_12, %get3A_15, %dot_general3A_19 {dimension_numbers = #tpu.dot_dimension_numbers<[1], [0], [0], [1], [0, 0, 1, 1], [], []>, transpose_lhs_hint = false} : vector<256x512xf32>, vector<512x128xf32>, vector<256x128xf32> -> vector<256x128xf32>
    %swap3A_21 = arith.constant 0 : index
    %swap3A_22 = arith.constant 128 : index
    %swap3A_23 = vector.load %arg9[%swap3A_21, %swap3A_22] : memref<256x5632xf32, #tpu.memory_space<vmem>>, vector<256x128xf32>
    tpu.vector_store %arg9[%swap3A_21, %swap3A_22], %dot_general3A_20 {strides = array<i32>} : memref<256x5632xf32, #tpu.memory_space<vmem>>, vector<256x128xf32>,
    %get3A_24 = arith.constant 0 : index
    %get3A_25 = arith.constant 0 : index
    %get3A_26 = vector.load %arg4[%get3A_24, %get3A_25] : memref<256x2048xf32, #tpu.memory_space<vmem>>, vector<256x2048xf32>
    %swap3A_27 = arith.constant 0 : index
    %swap3A_28 = arith.constant 256 : index
    %swap3A_29 = vector.load %arg9[%swap3A_27, %swap3A_28] : memref<256x5632xf32, #tpu.memory_space<vmem>>, vector<256x2048xf32>
    tpu.vector_store %arg9[%swap3A_27, %swap3A_28], %get3A_26 {strides = array<i32>} : memref<256x5632xf32, #tpu.memory_space<vmem>>, vector<256x2048xf32>,
    %get3A_30 = arith.constant 0 : index
    %get3A_31 = arith.constant 0 : index
    %get3A_32 = vector.load %arg5[%get3A_30, %get3A_31] : memref<256x2048xf32, #tpu.memory_space<vmem>>, vector<256x2048xf32>
    %swap3A_33 = arith.constant 0 : index
    %swap3A_34 = arith.constant 2304 : index
    %swap3A_35 = vector.load %arg9[%swap3A_33, %swap3A_34] : memref<256x5632xf32, #tpu.memory_space<vmem>>, vector<256x2048xf32>
    tpu.vector_store %arg9[%swap3A_33, %swap3A_34], %get3A_32 {strides = array<i32>} : memref<256x5632xf32, #tpu.memory_space<vmem>>, vector<256x2048xf32>,
    %get3A_36 = arith.constant 0 : index
    %get3A_37 = arith.constant 0 : index
    %get3A_38 = vector.load %arg6[%get3A_36, %get3A_37] : memref<256x256xf32, #tpu.memory_space<vmem>>, vector<256x256xf32>
    %swap3A_39 = arith.constant 0 : index
    %swap3A_40 = arith.constant 4352 : index
    %swap3A_41 = vector.load %arg9[%swap3A_39, %swap3A_40] : memref<256x5632xf32, #tpu.memory_space<vmem>>, vector<256x256xf32>
    tpu.vector_store %arg9[%swap3A_39, %swap3A_40], %get3A_38 {strides = array<i32>} : memref<256x5632xf32, #tpu.memory_space<vmem>>, vector<256x256xf32>,
    %get3A_42 = arith.constant 0 : index
    %get3A_43 = arith.constant 0 : index
    %get3A_44 = vector.load %arg7[%get3A_42, %get3A_43] : memref<256x256xf32, #tpu.memory_space<vmem>>, vector<256x256xf32>
    %swap3A_45 = arith.constant 0 : index
    %swap3A_46 = arith.constant 4608 : index
    %swap3A_47 = vector.load %arg9[%swap3A_45, %swap3A_46] : memref<256x5632xf32, #tpu.memory_space<vmem>>, vector<256x256xf32>
    tpu.vector_store %arg9[%swap3A_45, %swap3A_46], %get3A_44 {strides = array<i32>} : memref<256x5632xf32, #tpu.memory_space<vmem>>, vector<256x256xf32>,
    %get3A_48 = arith.constant 0 : index
    %get3A_49 = arith.constant 0 : index
    %get3A_50 = vector.load %arg8[%get3A_48, %get3A_49] : memref<256x768xf32, #tpu.memory_space<vmem>>, vector<256x768xf32>
    %swap3A_51 = arith.constant 0 : index
    %swap3A_52 = arith.constant 4864 : index
    %swap3A_53 = vector.load %arg9[%swap3A_51, %swap3A_52] : memref<256x5632xf32, #tpu.memory_space<vmem>>, vector<256x768xf32>
    tpu.vector_store %arg9[%swap3A_51, %swap3A_52], %get3A_50 {strides = array<i32>} : memref<256x5632xf32, #tpu.memory_space<vmem>>, vector<256x768xf32>,
    return
  }
  func.func @transform_0(%arg0: i32) -> i32 {
    %c0_i32 = arith.constant 0 : i32
    %c0_i32_0 = arith.constant 0 : i32
    return %c0_i32 : i32
  }
  func.func @transform_1(%arg0: i32) -> i32 {
    %c0_i32 = arith.constant 0 : i32
    %c0_i32_0 = arith.constant 0 : i32
    return %c0_i32 : i32
  }
  func.func @transform_2(%arg0: i32) -> (i32, i32) {
    %c0_i32 = arith.constant 0 : i32
    %c0_i32_0 = arith.constant 0 : i32
    %c0_i32_1 = arith.constant 0 : i32
    return %c0_i32, %c0_i32_0 : i32, i32
  }
  func.func @transform_3(%arg0: i32) -> (i32, i32) {
    %c0_i32 = arith.constant 0 : i32
    %c0_i32_0 = arith.constant 0 : i32
    return %arg0, %c0_i32 : i32, i32
  }
  func.func @transform_4(%arg0: i32) -> (i32, i32) {
    %c0_i32 = arith.constant 0 : i32
    %c0_i32_0 = arith.constant 0 : i32
    return %arg0, %c0_i32 : i32, i32
  }
  func.func @transform_5(%arg0: i32) -> (i32, i32) {
    %c0_i32 = arith.constant 0 : i32
    %c0_i32_0 = arith.constant 0 : i32
    return %arg0, %c0_i32 : i32, i32
  }
  func.func @transform_6(%arg0: i32) -> (i32, i32) {
    %c0_i32 = arith.constant 0 : i32
    %c0_i32_0 = arith.constant 0 : i32
    return %arg0, %c0_i32 : i32, i32
  }
  func.func @transform_7(%arg0: i32) -> (i32, i32) {
    %c0_i32 = arith.constant 0 : i32
    %c0_i32_0 = arith.constant 0 : i32
    return %arg0, %c0_i32 : i32, i32
  }
  func.func @transform_8(%arg0: i32) -> (i32, i32) {
    %c0_i32 = arith.constant 0 : i32
    %c0_i32_0 = arith.constant 0 : i32
    return %arg0, %c0_i32 : i32, i32
  }
}

</mosaic_0001>

<sc_bundles>
// kernel: kernel.7.cloned.1.call-start
scs
__scs_entry_jumppad:
0x0: {  	(pc) =	sbr.rel $0x88, $3  }
0x1: {  	(tag) =	ssettag $0x0;
	lr =	simm.s32 $0x1  }
0x2: {  	[smem:$0x3F8D] =	sst lr;
	_ =	strace $0xD0000000  }
0x3: {  	_ = 	snop  }
0x4: {  	_ = 	snop  }
0x5: {  	_ = 	snop  }
0x6: {  	_ = 	snop  }
0x7: {  	_ = 	snop  }
__scs_overlays_trampoline_lowered:
0x8: {  	[smem:$0x3F9C] =	sst s0  }
0x9: {  	[smem:$0x3F9D] =	sst s1  }
0xa: {  	[smem:$0x3F9E] =	sst s2  }
0xb: {  	[smem:$0x3F9F] =	sst s3  }
0xc: {  	[smem:$0x3FA0] =	sst s4  }
0xd: {  	[smem:$0x3FA1] =	sst s5  }
0xe: {  	[smem:$0x3FA2] =	sst s6  }
0xf: {  	[smem:$0x3FA3] =	sst s7  }
0x10: {  	[smem:$0x3FA4] =	sst s8  }
0x11: {  	[smem:$0x3FA5] =	sst s9;
	s0 =	simm.s32 @!p0 $0x0  }
0x12: {  	s1 =	sld [smem:$0x3F8B];
	s0 =	simm.s32 @p0 $0x1  }
0x13: {  	[smem:$0x3FA6] =	sst s0;
	s0 =	simm.s32 @!p1 $0x0  }
0x14: {  	s2 =	sld [smem:$0x3F8A];
	s0 =	simm.s32 @p1 $0x1  }
0x15: {  	[smem:$0x3FA7] =	sst s0;
	s0 =	simm.s32 @!p2 $0x0  }
0x16: {  	s3 =	sld [smem:$0x3FDB];
	s0 =	simm.s32 @p2 $0x1  }
0x17: {  	s4 =	simm.s32 $0x1BF5;
	[smem:$0x3FA9] =	sst s0  }
0x18: {  	s0 =	sld [smem:$0x3F8C];
	_ =	swait.ge [sflag:s4], $0x0  }
0x19: {  	s7 =	sld [smem:$0x3F8D]  }
0x1a: {  	s8 =	sadd.s32 $0xFFFFE003, lr  }
0x1b: {  	s9 =	sadd.s32 $0xFFFFFEF7, lr;
	s5 =	simm.s32 $0xFFFFFFFF;
	p2 =	slt.u32 s8, $0xFFFFF086  }
0x1c: {  	p1 =	slt.u32 s9, $0xF7A;
	s5 =	simm.s32 @!p2 $0x0  }
0x1d: {  	s5 =	simm.s32 @p1 $0x1;
	p0 =	seq.s32 s7, s2  }
0x1e: {  	s7 =	smul.u32 @!p0 $0xF7A, s2;
	p2 =	seq.s32 @!p0 s5, $0x0  }
0x1f: {  	s9 =	smul.u32 $0xF7A, s1;
	s8 =	simm.s32 @!p0 $0x1BF5;
	p2 =	por !p2, p0  }
0x20: {  	[sflag:s8] =	ssyncset.s32 @!p0 $0xFFFFF086;
	s6 =	sadd.s32 @!p0 s3, s7;
	s7 =	simm.s32 @!p0 $0x108  }
0x21: {  	s3 =	sadd.s32 s3, s9;
	s6 =	sadd.s32 @!p0 $0x88, s6;
	s7 =	simm.s32 @p2 $0x1082  }
0x22: {  	[simem:s7], [sflag:s8] =	dma.local @!p0 [hbm:s6], $0xF7A  }
0x23: {  	s9 =	sor.u32 $0xD0000000, s2;
	s6 =	simm.s32 $0x108;
	_ =	swait.ge @!p0 [sflag:s8], $0x0  }
0x24: {  	s3 =	sadd.s32 $0x88, s3;
	s6 =	simm.s32 @!p1 $0x1082;
	[sflag:s4] =	ssyncset.s32 $0xFFFFF086  }
0x25: {  	[simem:s6], [sflag:s4] =	dma.local [hbm:s3], $0xF7A  }
0x26: {  	[smem:$0x3F8D] =	sst s1;
	(tag) =	ssettag s2;
	_ =	strace s9  }
0x27: {  	s1 =	sld [smem:$0x3F9D]  }
0x28: {  	s2 =	sld [smem:$0x3F9E]  }
0x29: {  	s4 =	sld [smem:$0x3FA0]  }
0x2a: {  	p0 =	seq.s32 s5, $0x0;
	s5 =	sld [smem:$0x3FA1]  }
0x2b: {  	s6 =	sld [smem:$0x3FA2]  }
0x2c: {  	s7 =	sld [smem:$0x3FA3]  }
0x2d: {  	s3 =	simm.s32 $0x108;
	s8 =	sld [smem:$0x3FA4]  }
0x2e: {  	s3 =	simm.s32 @!p0 $0x1082;
	s9 =	sld [smem:$0x3FA5]  }
0x2f: {  	lr =	sadd.s32 s0, s3;
	s0 =	sld [smem:$0x3F9C]  }
0x30: {  	s3 =	sld [smem:$0x3F9F]  }
0x31: {  	[smem:$0x3FA8] =	sst s10  }
0x32: {  	s10 =	sld [smem:$0x3FA6];
	_ =	sdelay $0x3  }
0x33: {  	p0 =	seq.s32 s10, $0x1;
	s10 =	sld [smem:$0x3FA8];
	_ =	sdelay $0x3  }
0x34: {  	[smem:$0x3FA8] =	sst s10  }
0x35: {  	s10 =	sld [smem:$0x3FA7];
	_ =	sdelay $0x3  }
0x36: {  	p1 =	seq.s32 s10, $0x1;
	s10 =	sld [smem:$0x3FA8];
	_ =	sdelay $0x3  }
0x37: {  	[smem:$0x3FA8] =	sst s10  }
0x38: {  	s10 =	sld [smem:$0x3FA9]  }
0x39: {  	_ = 	snop;
	(pc) =	sbr.ind lr, $3  }
0x3a: {  	_ = 	snop  }
0x3b: {  	_ = 	snop  }
0x3c: {  	p2 =	seq.s32 s10, $0x1;
	s10 =	sld [smem:$0x3FA8]  }
0x3d: {  	_ =	shalt  }
0x3e: {  	_ =	shalt  }
0x3f: {  	_ =	shalt  }
0x40: {  	_ =	shalt  }
0x41: {  	_ =	shalt  }
0x42: {  	_ =	shalt  }
0x43: {  	_ =	shalt  }
0x44: {  	_ =	shalt  }
0x45: {  	_ =	shalt  }
0x46: {  	_ =	shalt  }
0x47: {  	_ =	shalt  }
0x48: {  	_ =	shalt  }
0x49: {  	_ =	shalt  }
0x4a: {  	_ =	shalt  }
0x4b: {  	_ =	shalt  }
0x4c: {  	_ =	shalt  }
0x4d: {  	_ =	shalt  }
0x4e: {  	_ =	shalt  }
0x4f: {  	_ =	shalt  }
0x50: {  	_ =	shalt  }
0x51: {  	_ =	shalt  }
0x52: {  	_ =	shalt  }
0x53: {  	_ =	shalt  }
0x54: {  	_ =	shalt  }
0x55: {  	_ =	shalt  }
0x56: {  	_ =	shalt  }
0x57: {  	_ =	shalt  }
0x58: {  	_ =	shalt  }
0x59: {  	_ =	shalt  }
0x5a: {  	_ =	shalt  }
0x5b: {  	_ =	shalt  }
0x5c: {  	_ =	shalt  }
0x5d: {  	_ =	shalt  }
0x5e: {  	_ =	shalt  }
0x5f: {  	_ =	shalt  }
0x60: {  	_ =	shalt  }
0x61: {  	_ =	shalt  }
0x62: {  	_ =	shalt  }
0x63: {  	_ =	shalt  }
0x64: {  	_ =	shalt  }
0x65: {  	_ =	shalt  }
0x66: {  	_ =	shalt  }
0x67: {  	_ =	shalt  }
0x68: {  	_ =	shalt  }
0x69: {  	_ =	shalt  }
0x6a: {  	_ =	shalt  }
0x6b: {  	_ =	shalt  }
0x6c: {  	_ =	shalt  }
0x6d: {  	_ =	shalt  }
0x6e: {  	_ =	shalt  }
0x6f: {  	_ =	shalt  }
0x70: {  	_ =	shalt  }
0x71: {  	_ =	shalt  }
0x72: {  	_ =	shalt  }
0x73: {  	_ =	shalt  }
0x74: {  	_ =	shalt  }
0x75: {  	_ =	shalt  }
0x76: {  	_ =	shalt  }
0x77: {  	_ =	shalt  }
0x78: {  	_ =	shalt  }
0x79: {  	_ =	shalt  }
0x7a: {  	_ =	shalt  }
0x7b: {  	_ =	shalt  }
0x7c: {  	_ =	shalt  }
0x7d: {  	_ =	shalt  }
0x7e: {  	_ =	shalt  }
0x7f: {  	_ =	shalt  }
0x80: {  	_ =	shalt  }
0x81: {  	_ =	shalt  }
0x82: {  	_ =	shalt  }
0x83: {  	_ =	shalt  }
0x84: {  	_ =	shalt  }
0x85: {  	_ =	shalt  }
0x86: {  	_ =	shalt  }
0x87: {  	_ =	shalt  }
.Lfunc_end0:
.L_simem_size_0:
called_computation_lowered:
.L_overlay_start_0:
0x88: {  	s2 =	sld [smem:$0x3FD9]  }
0x89: {  	s3 =	sld [smem:$0x3FFE];
	_ =	sdelay $0x1  }
0x8a: {  	s1 =	srdreg.scid  }
0x8b: {  	s0 =	sand.u32 $0x1, s1  }
0x8c: {  	s17 =	sshll.u32 s0, $0xA;
	s2 =	sadd.s32 s3, s2  }
0x8d: {  	s2 =	sadd.s32 s2, s17  }
0x8e: {  	[smem:$0x3FB4] =	sst s2  }
0x8f: {  	_ = 	snop  }
0x90: {  	s2 =	sld [smem:$0x3FD0];
	(tm) =	ssettm $0x1  }
0x91: {  	s18 =	sld [smem:$0x3FFB];
	_ =	sdelay $0x3  }
0x92: {  	_ =	strace s18  }
0x93: {  	s3 =	sld [smem:$0x3FFC];
	_ =	sdelay $0x3  }
0x94: {  	_ =	strace s3  }
0x95: {  	s3 =	sld [smem:$0x3FFD];
	_ =	sdelay $0x3  }
0x96: {  	_ =	strace s3  }
0x97: {  	_ =	strace $0x8FFFFFFF  }
0x98: {  	s19 =	sld [smem:$0x3FDB];
	_ =	sdelay $0x1  }
0x99: {  	s4 =	simm.s32 $_scs_section_size  }
0x9a: {  	s5 =	simm.s32 $_size__tile_overlayer_lowered;
	s6 =	simm.s32 $_tile_overlayer_lowered  }
0x9b: {  	s22 =	simm.s32 $0x1BFF;
	s21 =	sshll.u32 s6, $0x1;
	s3 =	sadd.s32 s4, s19  }
0x9c: {  	s7 =	simm.s32 $0x0;
	s20 =	sshll.u32 s5, $0x1;
	s5 =	sadd.s32 s21, s3  }
0x9d: {  	[timem:s7], [sflag:s22] =	dma.local [hbm:s5], s20  }
0x9e: {  	_ =	swait.ge [sflag:s22], s20  }
0x9f: {  	s4 =	ssub.s32 $0x0, s20;
	[sflag:s22] =	ssyncset.done $0x0  }
0xa0: {  	[sflag:s22] =	ssyncadd.s32 s4;
	_ =	sdelay $0x1  }
0xa1: {  	s23 =	simm.s32 $0x1B8B  }
0xa2: {  	_ =	swait.ge [sflag:s23], $0x1  }
0xa3: {  	[sflag:s23] =	ssyncset.done $0x0  }
0xa4: {  	s25 =	simm.s32 $0x1B8E;
	s24 =	sld [smem:$0x3FFE];
	[sflag:s23] =	ssyncadd.s32 $0xFFFFFFFF  }
0xa5: {  	s26 =	simm.s32 $execute0_lowered;
	[smem:$0x3FD2] =	sst s25  }
0xa6: {  	s5 =	sshll.u32 s26, $0x1;
	_ =	strace $0x80000046;
	[dreg:$0x1] =	wrdreg $0xFFFFFFFF  }
0xa7: {  	s28 =	simm.s32 $_size_execute0_lowered;
	s3 =	sadd.s32 s3, s5;
	[dreg:$0x0] =	wrdreg $0x0  }
0xa8: {  	s5 =	sshll.u32 s28, $0x1;
	[dreg:$0x2] =	wrdreg s3  }
0xa9: {  	[dreg:$0x3] =	wrdreg s5  }
0xaa: {  	[dreg:$0x4] =	wrdreg $0xC0  }
0xab: {  	_ =	task [dreg:s7], $0x5FFFF  }
0xac: {  	[dreg:$0x1] =	wrdreg $0xFFFFFFFF  }
0xad: {  	[dreg:$0x0] =	wrdreg $0x60  }
0xae: {  	[dreg:$0x2] =	wrdreg s24  }
0xaf: {  	[dreg:$0x3] =	wrdreg s2  }
0xb0: {  	[dreg:$0x4] =	wrdreg $0x78F00  }
0xb1: {  	[dreg:$0x5] =	wrdreg $0x9  }
0xb2: {  	_ =	task.clear_ibuf [dreg:s7], $0x6FFFF;
	_ =	strace $0x90000046  }
0xb3: {  	s29 =	simm.s32 $0x9;
	_ =	strace $0x80000048  }
0xb4: {  	_ =	swait.ge [sflag:s29], $0x1  }
0xb5: {  	[sflag:s29] =	ssyncadd.s32 $0xFFFFFFFF  }
0xb6: {  	_ =	strace $0x90000048  }
0xb7: {  	_ =	sfence  }
0xb8: {  	s30 =	sld [smem:$0x0];
	_ =	sdelay $0x2  }
0xb9: {  	s31 =	sshll.u32 s1, $0xD;
	s1 =	sshrl.u32 s1, $0x2  }
0xba: {  	s3 =	sand.u32 $0x4000, s31;
	s1 =	sadd.s32 s1, s30  }
0xbb: {  	s0 =	sor.u32 s3, s0;
	s1 =	sshll.u32 s1, $0x11  }
0xbc: {  	s0 =	sor.u32 s1, s0  }
0xbd: {  	s0 =	sadd.s32 $0x8F2B, s0  }
0xbe: {  	[sflag:s0] =	ssyncadd.remote.s32 $0x1  }
0xbf: {  	_ =	sfence.sel $0xFFFF  }
0xc0: {  	[dreg:$0x0] =	wrdreg $0xFFFFFFFF;
	(pc) =	sbr.abs _section_cstart, $3  }
0xc1: {  	[dreg:$0x1] =	wrdreg $0xFFFFFFFF  }
0xc2: {  	_ =	task.clear_ibuf [dreg:s7], $0x2FFFF;
	_ =	strace $0x9FFFFFFF  }
0xc3: {  	(tm) =	ssettm $0x7FFFFFFF  }
tec
execute0_lowered:
.L_overlay_start_1:
0x0: {  	(tag) =	ssettag $0x1  }
0x1: {  	s0 =	rddreg [dreg:$0x0];
	s14 =	stileid.u32  }
0x2: {  	s2 =	rddreg [dreg:$0x1];
	s12 =	smul.u32 $0x61A80, s14  }
0x3: {  	s3 =	rddreg [dreg:$0x2];
	s1 =	srdreg.scid  }
0x4: {  	s4 =	simm.s32 $0x0;
	s28 =	simm.s32 $0x3;
	s12 =	sshrl.u32 s12, $0x2  }
0x5: {  	s29 =	simm.s32 $0x1;
	s1 =	sand.u32 $0x1, s1;
	s12 =	sadd.s32 s12, s3  }
0x6: {  	s11 =	smul.u32 $0x186A0, s14;
	[smem:$0x7FF] =	sst s4;
	s18 =	sadd.s32 $0x1900, s12  }
0x7: {  	_ =	strace $0x80000047;
	s19 =	sadd.s32 $0x3200, s12;
	[dreg:$0x4] =	wrdreg s18  }
0x8: {  	s5 =	sadd.s32 $0x3800, s0;
	s20 =	sadd.s32 $0x4B00, s12;
	[dreg:$0x5] =	wrdreg s19  }
0x9: {  	s6 =	sadd.s32 $0x17200, s0;
	s21 =	sadd.s32 $0x6400, s12;
	[dreg:$0x6] =	wrdreg s20  }
0xa: {  	s7 =	sadd.s32 $0x1C200, s0;
	s22 =	sadd.s32 $0x7D00, s12;
	[dreg:$0x7] =	wrdreg s21  }
0xb: {  	s8 =	sadd.s32 $0x4D200, s0;
	s23 =	sadd.s32 $0x9600, s12;
	[dreg:$0x8] =	wrdreg s22  }
0xc: {  	s9 =	sadd.s32 $0x43400, s0;
	s25 =	sadd.s32 $0xAF00, s12;
	[dreg:$0x9] =	wrdreg s23  }
0xd: {  	s10 =	smul.u32 $0x186A00, s1;
	s26 =	sadd.s32 $0xC800, s12;
	[dreg:$0xa] =	wrdreg s25  }
0xe: {  	s13 =	sshll.u32 s1, $0x4;
	s15 =	sadd.s32 $0xE100, s12;
	[dreg:$0xb] =	wrdreg s26  }
0xf: {  	s1 =	ssub.s32 $0x2, s1;
	s31 =	sadd.s32 $0xFA00, s12;
	[dreg:$0xc] =	wrdreg s15  }
0x10: {  	s10 =	sadd.s32 s11, s10;
	s16 =	sadd.s32 $0x11300, s12;
	[dreg:$0xd] =	wrdreg s31  }
0x11: {  	s10 =	sshrl.u32 s10, $0x3;
	s17 =	sadd.s32 $0x12C00, s12;
	[dreg:$0xe] =	wrdreg s16  }
0x12: {  	s0 =	sadd.s32 s10, s0;
	s10 =	sor.u32 s14, s13;
	[dreg:$0xf] =	wrdreg s17  }
0x13: {  	s18 =	sadd.s32 $0x14500, s12;
	s19 =	sadd.s32 $0x15E00, s12;
	s12 =	sadd.s32 $0x17700, s12  }
0x14: {  	v0 =	vimm.s32 $0xBA98FEDC;
	v1 =	vimm.s32 $0x32107654;
	s21 =	sshrl.u32 s1, $0x1;
	s14 =	simm.s32 $0x4;
	[dreg:$0x10] =	wrdreg s18  }
0x15: {  	v0 =	vunpack.c.l.s4.s8 v0;
	v1 =	vunpack.c.l.s4.s8 v1;
	s15 =	simm.s32 $0x28;
	s17 =	simm.s32 $0xC8;
	[dreg:$0x11] =	wrdreg s19  }
0x16: {  	v2 =	vimm.s32 $0x76543210;
	v3 =	vimm.s32 $0xFEDCBA98;
	v6 =	vimm.s32 $0x67452301;
	s24 =	sor.u32 $0x20, s10;
	s20 =	smul.u32 $0x5, s10;
	[dreg:$0x12] =	wrdreg s12  }
0x17: {  	v3 =	vunpack.c.l.s4.s8 v3;
	v0 =	vunpack.c.0.s8.s32 v0;
	v1 =	vunpack.c.0.s8.s32 v1;
	s16 =	smul.u32 $0x50, s10;
	s1 =	ssub.s32 s1, s21;
	s12 =	sadd.s32 s11, s3  }
0x18: {  	v4 =	vimm.s32 $0xDCFE98BA;
	v6 =	vunpack.c.l.s4.s8 v6;
	s0 =	sadd.s32 $0x57000, s0;
	s18 =	simm.s32 $0x5FF0;
	s19 =	simm.s32 $0x50  }
0x19: {  	v2 =	vunpack.c.l.s4.s8 v2;
	v3 =	vunpack.c.0.s8.s32 v3;
	v5 =	vcombine.low v1, v0;
	s21 =	simm.s32 $0x78;
	s11 =	simm.s32 $0x0;
	[dreg:$0x1a] =	wrdreg s0  }
0x1a: {  	v0 =	vunpack.c.l.s4.s8 v4;
	v1 =	vimm.s32 $0x54761032;
	v4 =	vimm.s32 $0xEFCDAB89;
	s30 =	smul.u32 $0x5, s24;
	s31 =	smax.u32 s1, $0x1;
	[dreg:$0x13] =	wrdreg s12  }
0x1b: {  	v1 =	vunpack.c.l.s4.s8 v1;
	v4 =	vunpack.c.l.s4.s8 v4;
	s13 =	smul.u32 $0x50, s24;
	s22 =	sadd.s32 s8, s20;
	[dreg:$0x1b] =	wrdreg s31  }
0x1c: {  	v6 =	vunpack.c.0.s8.s32 v6;
	v2 =	vunpack.c.0.s8.s32 v2;
	v3 =	vand.u32 $0xF, v3;
	s1 =	simm.s32 $0x2;
	s23 =	sadd.s32 s9, s20;
	[dreg:$0x14] =	wrdreg s22  }
0x1d: {  	v0 =	vunpack.c.0.s8.s32 v0;
	v1 =	vunpack.c.0.s8.s32 v1;
	v4 =	vunpack.c.0.s8.s32 v4;
	s24 =	sadd.s32 s2, s16;
	s20 =	simm.s32 $0x41F0;
	[dreg:$0x15] =	wrdreg s23  }
0x1e: {  	v2 =	vcombine.low v3, v2;
	[dreg:$0x16] =	wrdreg s24;
	s25 =	sadd.s32 s8, s30;
	s26 =	sadd.s32 s9, s30  }
0x1f: {  	vm0 =	vcmask $0x300;
	s30 =	sadd.s32 s2, s13;
	s13 =	simm.s32 $0x46F0;
	v7 =	vcombine.low v1, v0;
	v6 =	vcombine.low v6, v4;
	[dreg:$0x17] =	wrdreg s25  }
0x20: {  	v3 =	vand.u32 $0xF, v5;
	v0 =	vimm.f32 $0.0e+00;
	s22 =	simm.s32 $0x4470;
	s23 =	simm.s32 $0x19F0;
	v1 =	vimm.s32 $0x0;
	[dreg:$0x18] =	wrdreg s26  }
0x21: {  	s24 =	simm.s32 $0xF0;
	[dreg:$0x19] =	wrdreg s30;
	s25 =	simm.s32 $0x14F0;
	v4 =	vand.u32 $0xF, v7;
	v5 =	vand.u32 $0xF, v6;
	v6 =	vsel vm0, $0x3F800000, v0  }
.LBB2_1:
0x22: {  	[dreg:$0x1c] =	wrdreg s11;
	s0 =	simm.s32 $0x0;
	s11 =	simm.s32 $0x280  }
.LBB2_2:
0x23: {  	p0 =	sne.s32 s11, $0x6180;
	[tilespmem:s0+$0x4780] =	vst v0  }
0x24: {  	[tilespmem:s0+$0x46F0] =	vst v0  }
0x25: {  	[tilespmem:s0+$0x4700] =	vst v0  }
0x26: {  	[tilespmem:s0+$0x4710] =	vst v0  }
0x27: {  	[tilespmem:s0+$0x4720] =	vst v0  }
.Ltmp0:
0x28: {  	[tilespmem:s0+$0x4730] =	vst v0;
	(pc) =	sbr.rel @p0 .LBB2_2-.Ltmp0, $4  }
0x29: {  	[tilespmem:s0+$0x4740] =	vst v0  }
0x2a: {  	[tilespmem:s0+$0x4750] =	vst v0  }
0x2b: {  	[tilespmem:s0+$0x4760] =	vst v0  }
0x2c: {  	[tilespmem:s0+$0x4770] =	vst v0;
	s0 =	sshra.s32 s11, $0x2;
	s11 =	sadd.s32 $0x280, s11  }
0x2d: {  	[tilespmem:s0+$0x4780] =	vst v0  }
0x2e: {  	[tilespmem:s0+$0x46F0] =	vst v0  }
0x2f: {  	[tilespmem:s0+$0x4700] =	vst v0  }
0x30: {  	[tilespmem:s0+$0x4710] =	vst v0  }
0x31: {  	[tilespmem:s0+$0x4720] =	vst v0  }
0x32: {  	[tilespmem:s0+$0x4730] =	vst v0  }
0x33: {  	[tilespmem:s0+$0x4740] =	vst v0  }
0x34: {  	[tilespmem:s0+$0x4750] =	vst v0  }
0x35: {  	[tilespmem:s0+$0x4760] =	vst v0  }
0x36: {  	[tilespmem:s0+$0x4770] =	vst v0  }
0x37: {  	[tilespmem:$0xA0] =	vst v1  }
0x38: {  	[tilespmem:$0xB0] =	vst v1  }
0x39: {  	s0 =	simm.s32 $0x0;
	s11 =	simm.s32 $0x280;
	[tilespmem:$0xB8] =	vst v1  }
.LBB2_4:
0x3a: {  	p0 =	sne.s32 s11, $0x6180;
	[tilespmem:s0+$0x6080] =	vst v0  }
0x3b: {  	[tilespmem:s0+$0x5FF0] =	vst v0  }
0x3c: {  	[tilespmem:s0+$0x6000] =	vst v0  }
0x3d: {  	[tilespmem:s0+$0x6010] =	vst v0  }
0x3e: {  	[tilespmem:s0+$0x6020] =	vst v0  }
.Ltmp1:
0x3f: {  	[tilespmem:s0+$0x6030] =	vst v0;
	(pc) =	sbr.rel @p0 .LBB2_4-.Ltmp1, $4  }
0x40: {  	[tilespmem:s0+$0x6040] =	vst v0  }
0x41: {  	[tilespmem:s0+$0x6050] =	vst v0  }
0x42: {  	[tilespmem:s0+$0x6060] =	vst v0  }
0x43: {  	[tilespmem:s0+$0x6070] =	vst v0;
	s0 =	sshra.s32 s11, $0x2;
	s11 =	sadd.s32 $0x280, s11  }
0x44: {  	[tilespmem:s0+$0x6080] =	vst v0  }
0x45: {  	[tilespmem:s0+$0x5FF0] =	vst v0  }
0x46: {  	[tilespmem:s0+$0x6000] =	vst v0  }
0x47: {  	[tilespmem:s0+$0x6010] =	vst v0  }
0x48: {  	[tilespmem:s0+$0x6020] =	vst v0  }
0x49: {  	[tilespmem:s0+$0x6030] =	vst v0  }
0x4a: {  	[tilespmem:s0+$0x6040] =	vst v0  }
0x4b: {  	[tilespmem:s0+$0x6050] =	vst v0  }
0x4c: {  	[tilespmem:s0+$0x6060] =	vst v0  }
0x4d: {  	[tilespmem:s0+$0x6070] =	vst v0  }
0x4e: {  	[tilespmem:$0xC8] =	vst v1  }
0x4f: {  	[tilespmem:$0xD8] =	vst v1  }
0x50: {  	[tilespmem:$0xE0] =	vst v1  }
0x51: {  	[spmem:s12] =	stream.linear.scatter [tilespmem:s13], [sflag:$0x4], $0x1900, $0x38;
	[tilespmem:$0x1FF90] =	vst v63  }
0x52: {  	_ =	swait.ge [sflag:s14], $0x1900  }
0x53: {  	[sflag:s14] =	ssyncset.done $0x0  }
0x54: {  	s12 =	rddreg [dreg:$0x4];
	[sflag:s14] =	ssyncadd.s32 $0xFFFFE700  }
0x55: {  	[spmem:s12] =	stream.linear.scatter [tilespmem:s13], [sflag:$0x4], $0x1900, $0x38;
	[tilespmem:$0x1FF90] =	vst v63  }
0x56: {  	_ =	swait.ge [sflag:s14], $0x1900  }
0x57: {  	[sflag:s14] =	ssyncset.done $0x0  }
0x58: {  	s16 =	rddreg [dreg:$0x5];
	[sflag:s14] =	ssyncadd.s32 $0xFFFFE700  }
0x59: {  	[spmem:s16] =	stream.linear.scatter [tilespmem:s13], [sflag:$0x4], $0x1900, $0x38;
	[tilespmem:$0x1FF90] =	vst v63  }
0x5a: {  	_ =	swait.ge [sflag:s14], $0x1900  }
0x5b: {  	[sflag:s14] =	ssyncset.done $0x0  }
0x5c: {  	s26 =	rddreg [dreg:$0x6];
	[sflag:s14] =	ssyncadd.s32 $0xFFFFE700  }
0x5d: {  	[spmem:s26] =	stream.linear.scatter [tilespmem:s13], [sflag:$0x4], $0x1900, $0x38;
	[tilespmem:$0x1FF90] =	vst v63  }
0x5e: {  	_ =	swait.ge [sflag:s14], $0x1900  }
0x5f: {  	[sflag:s14] =	ssyncset.done $0x0  }
0x60: {  	s30 =	rddreg [dreg:$0x7];
	[sflag:s14] =	ssyncadd.s32 $0xFFFFE700  }
0x61: {  	[spmem:s30] =	stream.linear.scatter [tilespmem:s13], [sflag:$0x4], $0x1900, $0x38;
	[tilespmem:$0x1FF90] =	vst v63  }
0x62: {  	_ =	swait.ge [sflag:s14], $0x1900  }
0x63: {  	[sflag:s14] =	ssyncset.done $0x0  }
0x64: {  	s31 =	rddreg [dreg:$0x8];
	[sflag:s14] =	ssyncadd.s32 $0xFFFFE700  }
0x65: {  	[spmem:s31] =	stream.linear.scatter [tilespmem:s13], [sflag:$0x4], $0x1900, $0x38;
	[tilespmem:$0x1FF90] =	vst v63  }
0x66: {  	_ =	swait.ge [sflag:s14], $0x1900  }
0x67: {  	[sflag:s14] =	ssyncset.done $0x0  }
0x68: {  	s11 =	rddreg [dreg:$0x9];
	[sflag:s14] =	ssyncadd.s32 $0xFFFFE700  }
0x69: {  	[spmem:s11] =	stream.linear.scatter [tilespmem:s13], [sflag:$0x4], $0x1900, $0x38;
	[tilespmem:$0x1FF90] =	vst v63  }
0x6a: {  	_ =	swait.ge [sflag:s14], $0x1900  }
0x6b: {  	[sflag:s14] =	ssyncset.done $0x0  }
0x6c: {  	s12 =	rddreg [dreg:$0xa];
	[sflag:s14] =	ssyncadd.s32 $0xFFFFE700  }
0x6d: {  	[spmem:s12] =	stream.linear.scatter [tilespmem:s13], [sflag:$0x4], $0x1900, $0x38;
	[tilespmem:$0x1FF90] =	vst v63  }
0x6e: {  	_ =	swait.ge [sflag:s14], $0x1900  }
0x6f: {  	[sflag:s14] =	ssyncset.done $0x0  }
0x70: {  	s16 =	rddreg [dreg:$0xb];
	[sflag:s14] =	ssyncadd.s32 $0xFFFFE700  }
0x71: {  	[spmem:s16] =	stream.linear.scatter [tilespmem:s13], [sflag:$0x4], $0x1900, $0x38;
	[tilespmem:$0x1FF90] =	vst v63  }
0x72: {  	_ =	swait.ge [sflag:s14], $0x1900  }
0x73: {  	[sflag:s14] =	ssyncset.done $0x0  }
0x74: {  	s26 =	rddreg [dreg:$0xc];
	[sflag:s14] =	ssyncadd.s32 $0xFFFFE700  }
0x75: {  	[spmem:s26] =	stream.linear.scatter [tilespmem:s13], [sflag:$0x4], $0x1900, $0x38;
	[tilespmem:$0x1FF90] =	vst v63  }
0x76: {  	_ =	swait.ge [sflag:s14], $0x1900  }
0x77: {  	[sflag:s14] =	ssyncset.done $0x0  }
0x78: {  	s30 =	rddreg [dreg:$0xd];
	[sflag:s14] =	ssyncadd.s32 $0xFFFFE700  }
0x79: {  	[spmem:s30] =	stream.linear.scatter [tilespmem:s13], [sflag:$0x4], $0x1900, $0x38;
	[tilespmem:$0x1FF90] =	vst v63  }
0x7a: {  	_ =	swait.ge [sflag:s14], $0x1900  }
0x7b: {  	[sflag:s14] =	ssyncset.done $0x0  }
0x7c: {  	s31 =	rddreg [dreg:$0xe];
	[sflag:s14] =	ssyncadd.s32 $0xFFFFE700  }
0x7d: {  	[spmem:s31] =	stream.linear.scatter [tilespmem:s13], [sflag:$0x4], $0x1900, $0x38;
	[tilespmem:$0x1FF90] =	vst v63  }
0x7e: {  	_ =	swait.ge [sflag:s14], $0x1900  }
0x7f: {  	[sflag:s14] =	ssyncset.done $0x0  }
0x80: {  	s11 =	rddreg [dreg:$0xf];
	[sflag:s14] =	ssyncadd.s32 $0xFFFFE700  }
0x81: {  	[spmem:s11] =	stream.linear.scatter [tilespmem:s13], [sflag:$0x4], $0x1900, $0x38;
	[tilespmem:$0x1FF90] =	vst v63  }
0x82: {  	_ =	swait.ge [sflag:s14], $0x1900  }
0x83: {  	[sflag:s14] =	ssyncset.done $0x0  }
0x84: {  	s12 =	rddreg [dreg:$0x10];
	[sflag:s14] =	ssyncadd.s32 $0xFFFFE700  }
0x85: {  	[spmem:s12] =	stream.linear.scatter [tilespmem:s13], [sflag:$0x4], $0x1900, $0x38;
	[tilespmem:$0x1FF90] =	vst v63  }
0x86: {  	_ =	swait.ge [sflag:s14], $0x1900  }
0x87: {  	[sflag:s14] =	ssyncset.done $0x0  }
0x88: {  	s16 =	rddreg [dreg:$0x11];
	[sflag:s14] =	ssyncadd.s32 $0xFFFFE700  }
0x89: {  	[spmem:s16] =	stream.linear.scatter [tilespmem:s13], [sflag:$0x4], $0x1900, $0x38;
	[tilespmem:$0x1FF90] =	vst v63  }
0x8a: {  	_ =	swait.ge [sflag:s14], $0x1900  }
0x8b: {  	[sflag:s14] =	ssyncset.done $0x0  }
0x8c: {  	s26 =	rddreg [dreg:$0x12];
	[sflag:s14] =	ssyncadd.s32 $0xFFFFE700  }
0x8d: {  	[spmem:s26] =	stream.linear.scatter [tilespmem:s13], [sflag:$0x4], $0xFA0, $0x38;
	[tilespmem:$0x1FF90] =	vst v63  }
0x8e: {  	_ =	swait.ge [sflag:s14], $0xFA0  }
0x8f: {  	[sflag:s14] =	ssyncset.done $0x0  }
0x90: {  	[sflag:s14] =	ssyncadd.s32 $0xFFFFF060  }
0x91: {  	s30 =	simm.s32 $0xA0;
	[bflag:$0x0] =	sbarrier.arrive $0xFFFF  }
0x92: {  	[spmem:s3] =	stream.indirect.scatter.add.f32 [tilespmem:s13], [sflag:$0x3], $0xA0, s30, s15, $0xb8;
	[tilespmem:$0x1FF90] =	vst v63  }
0x93: {  	_ = 	snop  }
0x94: {  	[spmem:s3] =	stream.indirect.scatter.add.f32 [tilespmem:s18], [sflag:$0x3], $0xA0, s17, s15, $0xb8;
	[tilespmem:$0x1FF90] =	vst v63  }
0x95: {  	s12 =	simm.s32 $0x0;
	s31 =	rddreg [dreg:$0x14]  }
0x96: {  	[tilespmem:s12], [sflag:$0x4] =	stream.linear.gather [hbm4b:s31+s12], $0x28, $0x38;
	[tilespmem:$0x1FF90] =	vst v63  }
0x97: {  	_ =	swait.ge [sflag:s14], $0x28  }
0x98: {  	[sflag:s14] =	ssyncset.done $0x0  }
0x99: {  	s11 =	rddreg [dreg:$0x15];
	[sflag:s14] =	ssyncadd.s32 $0xFFFFFFD8  }
0x9a: {  	[tilespmem:s19], [sflag:$0x4] =	stream.linear.gather [hbm4b:s11+s12], $0x28, $0x38;
	[tilespmem:$0x1FF90] =	vst v63  }
0x9b: {  	_ =	swait.ge [sflag:s14], $0x28  }
0x9c: {  	[sflag:s14] =	ssyncset.done $0x0  }
0x9d: {  	s16 =	rddreg [dreg:$0x16];
	[sflag:s14] =	ssyncadd.s32 $0xFFFFFFD8  }
0x9e: {  	[tilespmem:s20], [sflag:$0x4] =	stream.linear.gather [hbm4b:s16+s12], $0x280, $0x38;
	[tilespmem:$0x1FF90] =	vst v63  }
0x9f: {  	_ =	swait.ge [sflag:s14], $0x280  }
0xa0: {  	[sflag:s14] =	ssyncset.done $0x0  }
0xa1: {  	s26 =	rddreg [dreg:$0x17];
	[sflag:s14] =	ssyncadd.s32 $0xFFFFFD80  }
0xa2: {  	[tilespmem:s15], [sflag:$0x1] =	stream.linear.gather [hbm4b:s26+s12], $0x28, $0x38;
	[tilespmem:$0x1FF90] =	vst v63  }
0xa3: {  	s30 =	rddreg [dreg:$0x18]  }
0xa4: {  	[tilespmem:s21], [sflag:$0x1] =	stream.linear.gather [hbm4b:s30+s12], $0x28, $0x38;
	[tilespmem:$0x1FF90] =	vst v63  }
0xa5: {  	s31 =	rddreg [dreg:$0x19]  }
0xa6: {  	[tilespmem:s22], [sflag:$0x1] =	stream.linear.gather [hbm4b:s31+s12], $0x280, $0x38;
	[tilespmem:$0x1FF90] =	vst v63  }
0xa7: {  	_ = 	snop  }
0xa8: {  	[tilespmem:s23], [sflag:$0x2] =	stream.indirect.gather [hbm4b:s7+s15], $0x80, s12, s15, $0xb8;
	[tilespmem:$0x1FF90] =	vst v63  }
0xa9: {  	_ = 	snop  }
0xaa: {  	[tilespmem:s24], [sflag:$0x2] =	stream.indirect.gather [hbm4b:s5+s15], $0x40, s19, s15, $0xb8;
	[tilespmem:$0x1FF90] =	vst v63  }
0xab: {  	_ = 	snop  }
0xac: {  	[tilespmem:s25], [sflag:$0x2] =	stream.indirect.gather [hbm4b:s6+s15], $0x10, s19, s15, $0xb8;
	[tilespmem:$0x1FF90] =	vst v63  }
.LBB2_6:
0xad: {  	_ =	swait.ge [sflag:s28], $0x1900  }
0xae: {  	[sflag:s28] =	ssyncset.done $0x0  }
0xaf: {  	[sflag:s28] =	ssyncadd.s32 $0xFFFFE700  }
0xb0: {  	_ =	swait.ge [sflag:s29], $0x28  }
0xb1: {  	[sflag:s29] =	ssyncset.done $0x0  }
0xb2: {  	[sflag:s29] =	ssyncadd.s32 $0xFFFFFFD8  }
0xb3: {  	_ =	swait.ge [sflag:s29], $0x28  }
0xb4: {  	[sflag:s29] =	ssyncset.done $0x0  }
0xb5: {  	[sflag:s29] =	ssyncadd.s32 $0xFFFFFFD8  }
0xb6: {  	_ =	swait.ge [sflag:s29], $0x280  }
0xb7: {  	[sflag:s29] =	ssyncset.done $0x0  }
0xb8: {  	s0 =	simm.s32 $0x2DF0;
	[sflag:s29] =	ssyncadd.s32 $0xFFFFFD80  }
0xb9: {  	[tilespmem:s0], [sflag:$0x2] =	stream.indirect.gather [hbm4b:s7+s15], $0x80, s15, s15, $0xb8;
	[tilespmem:$0x1FF90] =	vst v63  }
0xba: {  	s16 =	simm.s32 $0xAF0  }
0xbb: {  	[tilespmem:s16], [sflag:$0x2] =	stream.indirect.gather [hbm4b:s5+s15], $0x40, s21, s15, $0xb8;
	[tilespmem:$0x1FF90] =	vst v63  }
0xbc: {  	s26 =	simm.s32 $0x1770  }
0xbd: {  	[tilespmem:s26], [sflag:$0x2] =	stream.indirect.gather [hbm4b:s6+s15], $0x10, s21, s15, $0xb8;
	[tilespmem:$0x1FF90] =	vst v63  }
0xbe: {  	_ =	swait.ge [sflag:s1], $0x1400  }
0xbf: {  	[sflag:s1] =	ssyncset.done $0x0  }
0xc0: {  	[sflag:s1] =	ssyncadd.s32 $0xFFFFEC00  }
0xc1: {  	_ =	swait.ge [sflag:s1], $0xA00  }
0xc2: {  	[sflag:s1] =	ssyncset.done $0x0  }
0xc3: {  	[sflag:s1] =	ssyncadd.s32 $0xFFFFF600  }
0xc4: {  	_ =	swait.ge [sflag:s1], $0x280  }
0xc5: {  	s11 =	simm.s32 $0xC0;
	s30 =	simm.s32 $0x170;
	[sflag:s1] =	ssyncset.done $0x0  }
0xc6: {  	s31 =	simm.s32 $0x4830;
	s26 =	simm.s32 $0x1AF0;
	[sflag:s1] =	ssyncadd.s32 $0xFFFFFD80  }
.LBB2_7:
0xc7: {  	v8 =	vld [tilespmem:s26+$0xFFFFFF00]  }
0xc8: {  	s0 =	sshra.s32 s11, $0x2;
	v9 =	vld [tilespmem:s30+$0xFFFFFF80]  }
0xc9: {  	v7 =	vld [tilespmem:s0+$0x41C0]  }
0xca: {  	v10 =	vld [tilespmem:s0+$0x14C0];
	_ =	sdelay $0x1  }
0xcb: {  	v11 =	vld [tilespmem:s26+$0xFFFFFF10]  }
0xcc: {  	v12 =	vld [tilespmem:s30+$0xFFFFFF90]  }
0xcd: {  	v13 =	vunpack.i.l.bf16.f32 v8;
	v14 =	vunpack.i.l.bf16.f32 v9  }
0xce: {  	v10 =	vmul.f32 v10, v7;
	v13 =	vmul.f32 v14, v13  }
0xcf: {  	v55 =	vld [tilespmem:s26+$0xFFFFFF20];
	v8 =	vunpack.i.u.bf16.f32 v8;
	v9 =	vunpack.i.u.bf16.f32 v9  }
0xd0: {  	v56 =	vld [tilespmem:s30+$0xFFFFFFA0];
	v8 =	vmul.f32 v9, v8;
	v10 =	vadd.f32 v13, v10  }
0xd1: {  	v57 =	vunpack.i.l.bf16.f32 v11;
	v15 =	vunpack.i.l.bf16.f32 v12  }
0xd2: {  	v58 =	vmul.f32 v15, v57;
	v8 =	vadd.f32 v10, v8  }
0xd3: {  	v59 =	vld [tilespmem:s26+$0xFFFFFF30];
	v11 =	vunpack.i.u.bf16.f32 v11;
	v12 =	vunpack.i.u.bf16.f32 v12  }
0xd4: {  	v61 =	vld [tilespmem:s30+$0xFFFFFFB0];
	v60 =	vmul.f32 v12, v11;
	v8 =	vadd.f32 v58, v8  }
0xd5: {  	v62 =	vunpack.i.l.bf16.f32 v55;
	v63 =	vunpack.i.l.bf16.f32 v56  }
0xd6: {  	v17 =	vmul.f32 v63, v62;
	v8 =	vadd.f32 v8, v60  }
0xd7: {  	v18 =	vunpack.i.u.bf16.f32 v55;
	v9 =	vunpack.i.u.bf16.f32 v56  }
0xd8: {  	v9 =	vmul.f32 v9, v18;
	v8 =	vadd.f32 v17, v8  }
0xd9: {  	v19 =	vunpack.i.l.bf16.f32 v59;
	v20 =	vunpack.i.l.bf16.f32 v61  }
0xda: {  	v21 =	vmul.f32 v20, v19;
	v8 =	vadd.f32 v8, v9  }
0xdb: {  	v22 =	vunpack.i.u.bf16.f32 v59;
	v11 =	vunpack.i.u.bf16.f32 v61  }
0xdc: {  	v23 =	vmul.f32 v11, v22;
	v8 =	vadd.f32 v21, v8;
	_ =	sdelay $0x1  }
0xdd: {  	v8 =	vadd.f32 v8, v23;
	_ =	sdelay $0x1  }
0xde: {  	v9 =	vperm.xlane v8, v2;
	_ =	sdelay $0x1  }
0xdf: {  	v8 =	vadd.f32 v8, v9;
	_ =	sdelay $0x1  }
0xe0: {  	v9 =	vperm.xlane v8, v3;
	_ =	sdelay $0x1  }
0xe1: {  	v8 =	vadd.f32 v8, v9;
	_ =	sdelay $0x1  }
0xe2: {  	v9 =	vperm.xlane v8, v4;
	_ =	sdelay $0x1  }
0xe3: {  	v8 =	vadd.f32 v8, v9;
	_ =	sdelay $0x1  }
0xe4: {  	v9 =	vperm.xlane v8, v5;
	_ =	sdelay $0x1  }
0xe5: {  	v8 =	vadd.f32 v8, v9;
	_ =	sdelay $0x1  }
0xe6: {  	v8 =	vmul.f32 $8.838834610e-02, v8;
	_ =	sdelay $0x1  }
0xe7: {  	v8 =	vmul.f32 $1.442695020e+00, v8;
	_ =	sdelay $0x1  }
0xe8: {  	(erf) = vpow2.f32 v8;
	_ =	sdelay $0x3  }
0xe9: {  	v8 =	vld [tilespmem:s26+$0xFFFFFF40];
	_ =	sdelay $0x4  }
0xea: {  	v25 =	vunpack.i.l.bf16.f32 v8;
	v24 =	vpop (erf)  }
0xeb: {  	v8 =	vunpack.i.u.bf16.f32 v8;
	v10 =	vmul.f32 v24, v25  }
0xec: {  	v8 =	vmul.f32 v24, v8  }
0xed: {  	[tilespmem:s31+$0xFFFFFEC0] =	vst v10  }
0xee: {  	[tilespmem:s31+$0xFFFFFED0] =	vst v8  }
0xef: {  	v8 =	vld [tilespmem:s26+$0xFFFFFF50];
	_ =	sdelay $0x4  }
0xf0: {  	v26 =	vunpack.i.l.bf16.f32 v8  }
0xf1: {  	v8 =	vunpack.i.u.bf16.f32 v8;
	v10 =	vmul.f32 v26, v24  }
0xf2: {  	v8 =	vmul.f32 v8, v24  }
0xf3: {  	[tilespmem:s31+$0xFFFFFEE0] =	vst v10  }
0xf4: {  	[tilespmem:s31+$0xFFFFFEF0] =	vst v8  }
0xf5: {  	v8 =	vld [tilespmem:s26+$0xFFFFFF60];
	_ =	sdelay $0x4  }
0xf6: {  	v27 =	vunpack.i.l.bf16.f32 v8  }
0xf7: {  	v8 =	vunpack.i.u.bf16.f32 v8;
	v10 =	vmul.f32 v27, v24  }
0xf8: {  	v8 =	vmul.f32 v8, v24  }
0xf9: {  	[tilespmem:s31+$0xFFFFFF00] =	vst v10  }
0xfa: {  	[tilespmem:s31+$0xFFFFFF10] =	vst v8  }
0xfb: {  	v8 =	vld [tilespmem:s26+$0xFFFFFF70];
	_ =	sdelay $0x4  }
0xfc: {  	v7 =	vmul.f32 v24, v7;
	v28 =	vunpack.i.l.bf16.f32 v8;
	v8 =	vunpack.i.u.bf16.f32 v8  }
0xfd: {  	v8 =	vmul.f32 v8, v24  }
0xfe: {  	[tilespmem:s31+$0xFFFFFF40] =	vst v7;
	v10 =	vmul.f32 v28, v24  }
0xff: {  	[tilespmem:s31+$0xFFFFFF30] =	vst v8;
	v8 =	vmul.f32 v6, v24  }
0x100: {  	[tilespmem:s31+$0xFFFFFF20] =	vst v10  }
0x101: {  	[tilespmem:s31+$0xFFFFFF50] =	vst v8  }
0x102: {  	v7 =	vld [tilespmem:s0+$0x41D0]  }
0x103: {  	v8 =	vld [tilespmem:s26+$0xFFFFFF80]  }
0x104: {  	v29 =	vld [tilespmem:s30+$0xFFFFFFC0]  }
0x105: {  	v10 =	vld [tilespmem:s0+$0x14D0];
	_ =	sdelay $0x1  }
0x106: {  	v30 =	vld [tilespmem:s26+$0xFFFFFF90]  }
0x107: {  	v31 =	vld [tilespmem:s30+$0xFFFFFFD0]  }
0x108: {  	v32 =	vunpack.i.l.bf16.f32 v8;
	v33 =	vunpack.i.l.bf16.f32 v29  }
0x109: {  	v10 =	vmul.f32 v10, v7;
	v13 =	vmul.f32 v33, v32  }
0x10a: {  	v34 =	vld [tilespmem:s26+$0xFFFFFFA0];
	v8 =	vunpack.i.u.bf16.f32 v8;
	v9 =	vunpack.i.u.bf16.f32 v29  }
0x10b: {  	v35 =	vld [tilespmem:s30+$0xFFFFFFE0];
	v8 =	vmul.f32 v9, v8;
	v10 =	vadd.f32 v13, v10  }
0x10c: {  	v36 =	vunpack.i.l.bf16.f32 v30;
	v37 =	vunpack.i.l.bf16.f32 v31  }
0x10d: {  	v38 =	vmul.f32 v37, v36;
	v8 =	vadd.f32 v10, v8  }
0x10e: {  	v39 =	vld [tilespmem:s26+$0xFFFFFFB0];
	v11 =	vunpack.i.u.bf16.f32 v30;
	v12 =	vunpack.i.u.bf16.f32 v31  }
0x10f: {  	v41 =	vld [tilespmem:s30+$0xFFFFFFF0];
	v40 =	vmul.f32 v12, v11;
	v8 =	vadd.f32 v38, v8  }
0x110: {  	v42 =	vunpack.i.l.bf16.f32 v34;
	v43 =	vunpack.i.l.bf16.f32 v35  }
0x111: {  	v44 =	vmul.f32 v43, v42;
	v8 =	vadd.f32 v8, v40  }
0x112: {  	v45 =	vunpack.i.u.bf16.f32 v34;
	v9 =	vunpack.i.u.bf16.f32 v35  }
0x113: {  	v9 =	vmul.f32 v9, v45;
	v8 =	vadd.f32 v44, v8  }
0x114: {  	v46 =	vunpack.i.l.bf16.f32 v39;
	v47 =	vunpack.i.l.bf16.f32 v41  }
0x115: {  	v48 =	vmul.f32 v47, v46;
	v8 =	vadd.f32 v8, v9  }
0x116: {  	v49 =	vunpack.i.u.bf16.f32 v39;
	v11 =	vunpack.i.u.bf16.f32 v41  }
0x117: {  	v50 =	vmul.f32 v11, v49;
	v8 =	vadd.f32 v48, v8;
	_ =	sdelay $0x1  }
0x118: {  	v8 =	vadd.f32 v8, v50;
	_ =	sdelay $0x1  }
0x119: {  	v9 =	vperm.xlane v8, v2;
	_ =	sdelay $0x1  }
0x11a: {  	v8 =	vadd.f32 v8, v9;
	_ =	sdelay $0x1  }
0x11b: {  	v9 =	vperm.xlane v8, v3;
	_ =	sdelay $0x1  }
0x11c: {  	v8 =	vadd.f32 v8, v9;
	_ =	sdelay $0x1  }
0x11d: {  	v9 =	vperm.xlane v8, v4;
	_ =	sdelay $0x1  }
0x11e: {  	v8 =	vadd.f32 v8, v9;
	_ =	sdelay $0x1  }
0x11f: {  	v9 =	vperm.xlane v8, v5;
	_ =	sdelay $0x1  }
0x120: {  	v8 =	vadd.f32 v8, v9;
	_ =	sdelay $0x1  }
0x121: {  	v8 =	vmul.f32 $8.838834610e-02, v8;
	_ =	sdelay $0x1  }
0x122: {  	v8 =	vmul.f32 $1.442695020e+00, v8;
	_ =	sdelay $0x1  }
0x123: {  	(erf) = vpow2.f32 v8;
	_ =	sdelay $0x3  }
0x124: {  	v8 =	vld [tilespmem:s26+$0xFFFFFFC0];
	_ =	sdelay $0x4  }
0x125: {  	v52 =	vunpack.i.l.bf16.f32 v8;
	v51 =	vpop (erf)  }
0x126: {  	v8 =	vunpack.i.u.bf16.f32 v8;
	v10 =	vmul.f32 v51, v52  }
0x127: {  	v8 =	vmul.f32 v51, v8  }
0x128: {  	[tilespmem:s31+$0xFFFFFF60] =	vst v10  }
0x129: {  	[tilespmem:s31+$0xFFFFFF70] =	vst v8  }
0x12a: {  	v8 =	vld [tilespmem:s26+$0xFFFFFFD0];
	_ =	sdelay $0x4  }
0x12b: {  	v53 =	vunpack.i.l.bf16.f32 v8  }
0x12c: {  	v8 =	vunpack.i.u.bf16.f32 v8;
	v10 =	vmul.f32 v53, v51  }
0x12d: {  	v8 =	vmul.f32 v8, v51  }
0x12e: {  	[tilespmem:s31+$0xFFFFFF80] =	vst v10  }
0x12f: {  	[tilespmem:s31+$0xFFFFFF90] =	vst v8  }
0x130: {  	v8 =	vld [tilespmem:s26+$0xFFFFFFE0];
	_ =	sdelay $0x4  }
0x131: {  	v54 =	vunpack.i.l.bf16.f32 v8  }
0x132: {  	v8 =	vunpack.i.u.bf16.f32 v8;
	v10 =	vmul.f32 v54, v51  }
0x133: {  	v8 =	vmul.f32 v8, v51  }
0x134: {  	[tilespmem:s31+$0xFFFFFFA0] =	vst v10  }
0x135: {  	[tilespmem:s31+$0xFFFFFFB0] =	vst v8  }
0x136: {  	v8 =	vld [tilespmem:s26+$0xFFFFFFF0];
	_ =	sdelay $0x4  }
0x137: {  	v7 =	vmul.f32 v51, v7;
	v55 =	vunpack.i.l.bf16.f32 v8;
	v8 =	vunpack.i.u.bf16.f32 v8  }
0x138: {  	v8 =	vmul.f32 v8, v51  }
0x139: {  	[tilespmem:s31+$0xFFFFFFE0] =	vst v7;
	v10 =	vmul.f32 v55, v51  }
0x13a: {  	[tilespmem:s31+$0xFFFFFFD0] =	vst v8;
	v8 =	vmul.f32 v6, v51  }
0x13b: {  	[tilespmem:s31+$0xFFFFFFC0] =	vst v10  }
0x13c: {  	[tilespmem:s31+$0xFFFFFFF0] =	vst v8  }
0x13d: {  	v7 =	vld [tilespmem:s0+$0x41E0]  }
0x13e: {  	v8 =	vld [tilespmem:s26+$0x0]  }
0x13f: {  	v56 =	vld [tilespmem:s30+$0x0]  }
0x140: {  	v10 =	vld [tilespmem:s0+$0x14E0];
	_ =	sdelay $0x1  }
0x141: {  	v57 =	vld [tilespmem:s26+$0x10]  }
0x142: {  	v58 =	vld [tilespmem:s30+$0x10]  }
0x143: {  	v59 =	vunpack.i.l.bf16.f32 v8;
	v60 =	vunpack.i.l.bf16.f32 v56  }
0x144: {  	v10 =	vmul.f32 v10, v7;
	v13 =	vmul.f32 v60, v59  }
0x145: {  	v61 =	vld [tilespmem:s26+$0x20];
	v8 =	vunpack.i.u.bf16.f32 v8;
	v9 =	vunpack.i.u.bf16.f32 v56  }
0x146: {  	v62 =	vld [tilespmem:s30+$0x20];
	v8 =	vmul.f32 v9, v8;
	v10 =	vadd.f32 v13, v10  }
0x147: {  	v63 =	vunpack.i.l.bf16.f32 v57;
	v18 =	vunpack.i.l.bf16.f32 v58  }
0x148: {  	v19 =	vmul.f32 v18, v63;
	v8 =	vadd.f32 v10, v8  }
0x149: {  	v20 =	vld [tilespmem:s26+$0x30];
	v11 =	vunpack.i.u.bf16.f32 v57;
	v12 =	vunpack.i.u.bf16.f32 v58  }
0x14a: {  	v22 =	vld [tilespmem:s30+$0x30];
	v21 =	vmul.f32 v12, v11;
	v8 =	vadd.f32 v19, v8  }
0x14b: {  	v23 =	vunpack.i.l.bf16.f32 v61;
	v24 =	vunpack.i.l.bf16.f32 v62  }
0x14c: {  	v25 =	vmul.f32 v24, v23;
	v8 =	vadd.f32 v8, v21  }
0x14d: {  	v26 =	vunpack.i.u.bf16.f32 v61;
	v9 =	vunpack.i.u.bf16.f32 v62  }
0x14e: {  	v9 =	vmul.f32 v9, v26;
	v8 =	vadd.f32 v25, v8  }
0x14f: {  	v27 =	vunpack.i.l.bf16.f32 v20;
	v28 =	vunpack.i.l.bf16.f32 v22  }
0x150: {  	v29 =	vmul.f32 v28, v27;
	v8 =	vadd.f32 v8, v9  }
0x151: {  	v30 =	vunpack.i.u.bf16.f32 v20;
	v11 =	vunpack.i.u.bf16.f32 v22  }
0x152: {  	v31 =	vmul.f32 v11, v30;
	v8 =	vadd.f32 v29, v8;
	_ =	sdelay $0x1  }
0x153: {  	v8 =	vadd.f32 v8, v31;
	_ =	sdelay $0x1  }
0x154: {  	v9 =	vperm.xlane v8, v2;
	_ =	sdelay $0x1  }
0x155: {  	v8 =	vadd.f32 v8, v9;
	_ =	sdelay $0x1  }
0x156: {  	v9 =	vperm.xlane v8, v3;
	_ =	sdelay $0x1  }
0x157: {  	v8 =	vadd.f32 v8, v9;
	_ =	sdelay $0x1  }
0x158: {  	v9 =	vperm.xlane v8, v4;
	_ =	sdelay $0x1  }
0x159: {  	v8 =	vadd.f32 v8, v9;
	_ =	sdelay $0x1  }
0x15a: {  	v9 =	vperm.xlane v8, v5;
	_ =	sdelay $0x1  }
0x15b: {  	v8 =	vadd.f32 v8, v9;
	_ =	sdelay $0x1  }
0x15c: {  	v8 =	vmul.f32 $8.838834610e-02, v8;
	_ =	sdelay $0x1  }
0x15d: {  	v8 =	vmul.f32 $1.442695020e+00, v8;
	_ =	sdelay $0x1  }
0x15e: {  	(erf) = vpow2.f32 v8;
	_ =	sdelay $0x3  }
0x15f: {  	v8 =	vld [tilespmem:s26+$0x40];
	_ =	sdelay $0x4  }
0x160: {  	v33 =	vunpack.i.l.bf16.f32 v8;
	v32 =	vpop (erf)  }
0x161: {  	v8 =	vunpack.i.u.bf16.f32 v8;
	v10 =	vmul.f32 v32, v33  }
0x162: {  	v8 =	vmul.f32 v32, v8  }
0x163: {  	[tilespmem:s31+$0x0] =	vst v10  }
0x164: {  	[tilespmem:s31+$0x10] =	vst v8  }
0x165: {  	v8 =	vld [tilespmem:s26+$0x50];
	_ =	sdelay $0x4  }
0x166: {  	v34 =	vunpack.i.l.bf16.f32 v8  }
0x167: {  	v8 =	vunpack.i.u.bf16.f32 v8;
	v10 =	vmul.f32 v34, v32  }
0x168: {  	v8 =	vmul.f32 v8, v32  }
0x169: {  	[tilespmem:s31+$0x20] =	vst v10  }
0x16a: {  	[tilespmem:s31+$0x30] =	vst v8  }
0x16b: {  	v8 =	vld [tilespmem:s26+$0x60];
	_ =	sdelay $0x4  }
0x16c: {  	v35 =	vunpack.i.l.bf16.f32 v8  }
0x16d: {  	v8 =	vunpack.i.u.bf16.f32 v8;
	v10 =	vmul.f32 v35, v32  }
0x16e: {  	v8 =	vmul.f32 v8, v32  }
0x16f: {  	[tilespmem:s31+$0x40] =	vst v10  }
0x170: {  	[tilespmem:s31+$0x50] =	vst v8  }
0x171: {  	v8 =	vld [tilespmem:s26+$0x70];
	_ =	sdelay $0x4  }
0x172: {  	v7 =	vmul.f32 v32, v7;
	v36 =	vunpack.i.l.bf16.f32 v8;
	v8 =	vunpack.i.u.bf16.f32 v8  }
0x173: {  	v8 =	vmul.f32 v8, v32  }
0x174: {  	[tilespmem:s31+$0x80] =	vst v7;
	v10 =	vmul.f32 v36, v32  }
0x175: {  	[tilespmem:s31+$0x70] =	vst v8;
	v8 =	vmul.f32 v6, v32  }
0x176: {  	[tilespmem:s31+$0x60] =	vst v10  }
0x177: {  	[tilespmem:s31+$0x90] =	vst v8  }
0x178: {  	v7 =	vld [tilespmem:s0+$0x41F0]  }
0x179: {  	v8 =	vld [tilespmem:s26+$0x80]  }
0x17a: {  	v37 =	vld [tilespmem:s30+$0x40]  }
0x17b: {  	v10 =	vld [tilespmem:s0+$0x14F0];
	_ =	sdelay $0x1  }
0x17c: {  	v38 =	vld [tilespmem:s26+$0x90]  }
0x17d: {  	v39 =	vld [tilespmem:s30+$0x50]  }
0x17e: {  	v40 =	vunpack.i.l.bf16.f32 v8;
	v41 =	vunpack.i.l.bf16.f32 v37  }
0x17f: {  	v10 =	vmul.f32 v10, v7;
	v13 =	vmul.f32 v41, v40  }
0x180: {  	v42 =	vld [tilespmem:s26+$0xA0];
	v8 =	vunpack.i.u.bf16.f32 v8;
	v9 =	vunpack.i.u.bf16.f32 v37  }
0x181: {  	v43 =	vld [tilespmem:s30+$0x60];
	v8 =	vmul.f32 v9, v8;
	v10 =	vadd.f32 v13, v10  }
0x182: {  	v44 =	vunpack.i.l.bf16.f32 v38;
	v45 =	vunpack.i.l.bf16.f32 v39  }
0x183: {  	v46 =	vmul.f32 v45, v44;
	v8 =	vadd.f32 v10, v8  }
0x184: {  	v47 =	vld [tilespmem:s26+$0xB0];
	v11 =	vunpack.i.u.bf16.f32 v38;
	v12 =	vunpack.i.u.bf16.f32 v39  }
0x185: {  	v49 =	vld [tilespmem:s30+$0x70];
	v48 =	vmul.f32 v12, v11;
	v8 =	vadd.f32 v46, v8  }
0x186: {  	v50 =	vunpack.i.l.bf16.f32 v42;
	v51 =	vunpack.i.l.bf16.f32 v43  }
0x187: {  	v52 =	vmul.f32 v51, v50;
	v8 =	vadd.f32 v8, v48  }
0x188: {  	v53 =	vunpack.i.u.bf16.f32 v42;
	v9 =	vunpack.i.u.bf16.f32 v43  }
0x189: {  	v9 =	vmul.f32 v9, v53;
	v8 =	vadd.f32 v52, v8  }
0x18a: {  	v54 =	vunpack.i.l.bf16.f32 v47;
	v55 =	vunpack.i.l.bf16.f32 v49  }
0x18b: {  	v56 =	vmul.f32 v55, v54;
	v8 =	vadd.f32 v8, v9  }
0x18c: {  	v57 =	vunpack.i.u.bf16.f32 v47;
	v11 =	vunpack.i.u.bf16.f32 v49  }
0x18d: {  	v58 =	vmul.f32 v11, v57;
	v8 =	vadd.f32 v56, v8;
	_ =	sdelay $0x1  }
0x18e: {  	v8 =	vadd.f32 v8, v58;
	_ =	sdelay $0x1  }
0x18f: {  	v9 =	vperm.xlane v8, v2;
	_ =	sdelay $0x1  }
0x190: {  	v8 =	vadd.f32 v8, v9;
	_ =	sdelay $0x1  }
0x191: {  	v9 =	vperm.xlane v8, v3;
	_ =	sdelay $0x1  }
0x192: {  	v8 =	vadd.f32 v8, v9;
	_ =	sdelay $0x1  }
0x193: {  	v9 =	vperm.xlane v8, v4;
	_ =	sdelay $0x1  }
0x194: {  	v8 =	vadd.f32 v8, v9;
	_ =	sdelay $0x1  }
0x195: {  	v9 =	vperm.xlane v8, v5;
	_ =	sdelay $0x1  }
0x196: {  	v8 =	vadd.f32 v8, v9;
	_ =	sdelay $0x1  }
0x197: {  	v8 =	vmul.f32 $8.838834610e-02, v8;
	_ =	sdelay $0x1  }
0x198: {  	v8 =	vmul.f32 $1.442695020e+00, v8;
	_ =	sdelay $0x1  }
0x199: {  	(erf) = vpow2.f32 v8;
	_ =	sdelay $0x3  }
0x19a: {  	v8 =	vld [tilespmem:s26+$0xC0];
	_ =	sdelay $0x4  }
0x19b: {  	v60 =	vunpack.i.l.bf16.f32 v8;
	v59 =	vpop (erf)  }
0x19c: {  	v8 =	vunpack.i.u.bf16.f32 v8;
	v10 =	vmul.f32 v59, v60  }
0x19d: {  	v8 =	vmul.f32 v59, v8  }
0x19e: {  	[tilespmem:s31+$0xA0] =	vst v10  }
0x19f: {  	[tilespmem:s31+$0xB0] =	vst v8  }
0x1a0: {  	v8 =	vld [tilespmem:s26+$0xD0];
	_ =	sdelay $0x4  }
0x1a1: {  	v61 =	vunpack.i.l.bf16.f32 v8  }
0x1a2: {  	v8 =	vunpack.i.u.bf16.f32 v8;
	v10 =	vmul.f32 v61, v59  }
0x1a3: {  	v8 =	vmul.f32 v8, v59  }
0x1a4: {  	[tilespmem:s31+$0xC0] =	vst v10  }
0x1a5: {  	[tilespmem:s31+$0xD0] =	vst v8  }
0x1a6: {  	v8 =	vld [tilespmem:s26+$0xE0];
	_ =	sdelay $0x4  }
0x1a7: {  	v62 =	vunpack.i.l.bf16.f32 v8  }
0x1a8: {  	v8 =	vunpack.i.u.bf16.f32 v8;
	v10 =	vmul.f32 v62, v59  }
0x1a9: {  	v8 =	vmul.f32 v8, v59  }
0x1aa: {  	[tilespmem:s31+$0xE0] =	vst v10  }
0x1ab: {  	[tilespmem:s31+$0xF0] =	vst v8  }
0x1ac: {  	v8 =	vld [tilespmem:s26+$0xF0];
	_ =	sdelay $0x4  }
0x1ad: {  	p0 =	sne.s32 s11, $0x9C0;
	v7 =	vmul.f32 v59, v7;
	v63 =	vunpack.i.l.bf16.f32 v8;
	v8 =	vunpack.i.u.bf16.f32 v8  }
.Ltmp2:
0x1ae: {  	v8 =	vmul.f32 v8, v59;
	(pc) =	sbr.rel @p0 .LBB2_7-.Ltmp2, $4  }
0x1af: {  	[tilespmem:s31+$0x120] =	vst v7;
	v10 =	vmul.f32 v63, v59  }
0x1b0: {  	[tilespmem:s31+$0x110] =	vst v8;
	v8 =	vmul.f32 v6, v59  }
0x1b1: {  	s11 =	sadd.s32 $0x100, s11;
	[tilespmem:s31+$0x100] =	vst v10  }
0x1b2: {  	s30 =	sadd.s32 $0x100, s30;
	s26 =	sadd.s32 $0x200, s26;
	[tilespmem:s31+$0x130] =	vst v8;
	s31 =	sadd.s32 $0x280, s31  }
0x1b3: {  	v7 =	vld [tilespmem:$0x50]  }
0x1b4: {  	v8 =	vld [tilespmem:$0x60]  }
0x1b5: {  	s26 =	sshll.u32 s12, $0x6  }
0x1b6: {  	p0 =	seq.s32 s12, $0x7C;
	s0 =	sadd.s32 $0x40, s26  }
0x1b7: {  	s0 =	simm.s32 @p0 $0x0  }
0x1b8: {  	s0 =	sor.u32 s10, s0;
	[tilespmem:$0xA0] =	vst v7  }
0x1b9: {  	s11 =	simm.s32 $0xA0;
	s16 =	smul.u32 $0x5, s0;
	[tilespmem:$0xB0] =	vst v8  }
0x1ba: {  	[spmem:s3] =	stream.indirect.scatter.add.f32 [tilespmem:s13], [sflag:$0x3], $0xA0, s11, s15, $0xb8;
	[tilespmem:$0x1FF90] =	vst v63  }
0x1bb: {  	s30 =	sadd.s32 s8, s16;
	s11 =	simm.s32 $0x0  }
0x1bc: {  	[tilespmem:s11], [sflag:$0x1] =	stream.linear.gather [hbm4b:s30+s11], $0x28, $0x38;
	[tilespmem:$0x1FF90] =	vst v63  }
0x1bd: {  	s0 =	smul.u32 $0x50, s0;
	s16 =	sadd.s32 s9, s16  }
0x1be: {  	[tilespmem:s19], [sflag:$0x1] =	stream.linear.gather [hbm4b:s16+s11], $0x28, $0x38;
	[tilespmem:$0x1FF90] =	vst v63  }
0x1bf: {  	s0 =	sadd.s32 s2, s0  }
0x1c0: {  	[tilespmem:s20], [sflag:$0x1] =	stream.linear.gather [hbm4b:s0+s11], $0x280, $0x38;
	[tilespmem:$0x1FF90] =	vst v63  }
0x1c1: {  	_ =	swait.ge [sflag:s28], $0x1900  }
0x1c2: {  	[sflag:s28] =	ssyncset.done $0x0  }
0x1c3: {  	[sflag:s28] =	ssyncadd.s32 $0xFFFFE700  }
0x1c4: {  	_ =	swait.ge [sflag:s29], $0x28  }
0x1c5: {  	[sflag:s29] =	ssyncset.done $0x0  }
0x1c6: {  	[sflag:s29] =	ssyncadd.s32 $0xFFFFFFD8  }
0x1c7: {  	_ =	swait.ge [sflag:s29], $0x28  }
0x1c8: {  	[sflag:s29] =	ssyncset.done $0x0  }
0x1c9: {  	[sflag:s29] =	ssyncadd.s32 $0xFFFFFFD8  }
0x1ca: {  	_ =	swait.ge [sflag:s29], $0x280  }
0x1cb: {  	[sflag:s29] =	ssyncset.done $0x0  }
0x1cc: {  	[sflag:s29] =	ssyncadd.s32 $0xFFFFFD80  }
0x1cd: {  	[tilespmem:s23], [sflag:$0x2] =	stream.indirect.gather [hbm4b:s7+s15], $0x80, s11, s15, $0xb8;
	[tilespmem:$0x1FF90] =	vst v63  }
0x1ce: {  	_ = 	snop  }
0x1cf: {  	[tilespmem:s24], [sflag:$0x2] =	stream.indirect.gather [hbm4b:s5+s15], $0x40, s19, s15, $0xb8;
	[tilespmem:$0x1FF90] =	vst v63  }
0x1d0: {  	_ = 	snop  }
0x1d1: {  	[tilespmem:s25], [sflag:$0x2] =	stream.indirect.gather [hbm4b:s6+s15], $0x10, s19, s15, $0xb8;
	[tilespmem:$0x1FF90] =	vst v63  }
0x1d2: {  	_ =	swait.ge [sflag:s1], $0x1400  }
0x1d3: {  	[sflag:s1] =	ssyncset.done $0x0  }
0x1d4: {  	[sflag:s1] =	ssyncadd.s32 $0xFFFFEC00  }
0x1d5: {  	_ =	swait.ge [sflag:s1], $0xA00  }
0x1d6: {  	[sflag:s1] =	ssyncset.done $0x0  }
0x1d7: {  	[sflag:s1] =	ssyncadd.s32 $0xFFFFF600  }
0x1d8: {  	_ =	swait.ge [sflag:s1], $0x280  }
0x1d9: {  	s31 =	simm.s32 $0xBE0;
	[sflag:s1] =	ssyncset.done $0x0  }
0x1da: {  	s30 =	simm.s32 $0x2FE0;
	s0 =	simm.s32 $0x6260;
	[sflag:s1] =	ssyncadd.s32 $0xFFFFFD80  }
.LBB2_9:
0x1db: {  	v8 =	vld [tilespmem:s30+$0xFFFFFE10]  }
0x1dc: {  	s16 =	sshra.s32 s11, $0x2;
	v9 =	vld [tilespmem:s31+$0xFFFFFF10]  }
0x1dd: {  	v7 =	vld [tilespmem:s16+$0x4470]  }
0x1de: {  	v10 =	vld [tilespmem:s16+$0x1770];
	_ =	sdelay $0x1  }
0x1df: {  	v11 =	vld [tilespmem:s30+$0xFFFFFE20]  }
0x1e0: {  	v12 =	vld [tilespmem:s31+$0xFFFFFF20]  }
0x1e1: {  	v13 =	vunpack.i.l.bf16.f32 v8;
	v14 =	vunpack.i.l.bf16.f32 v9  }
0x1e2: {  	v10 =	vmul.f32 v10, v7;
	v13 =	vmul.f32 v14, v13  }
0x1e3: {  	v55 =	vld [tilespmem:s30+$0xFFFFFE30];
	v8 =	vunpack.i.u.bf16.f32 v8;
	v9 =	vunpack.i.u.bf16.f32 v9  }
0x1e4: {  	v56 =	vld [tilespmem:s31+$0xFFFFFF30];
	v8 =	vmul.f32 v9, v8;
	v10 =	vadd.f32 v13, v10  }
0x1e5: {  	v57 =	vunpack.i.l.bf16.f32 v11;
	v15 =	vunpack.i.l.bf16.f32 v12  }
0x1e6: {  	v58 =	vmul.f32 v15, v57;
	v8 =	vadd.f32 v10, v8  }
0x1e7: {  	v59 =	vld [tilespmem:s30+$0xFFFFFE40];
	v11 =	vunpack.i.u.bf16.f32 v11;
	v12 =	vunpack.i.u.bf16.f32 v12  }
0x1e8: {  	v61 =	vld [tilespmem:s31+$0xFFFFFF40];
	v60 =	vmul.f32 v12, v11;
	v8 =	vadd.f32 v58, v8  }
0x1e9: {  	v62 =	vunpack.i.l.bf16.f32 v55;
	v63 =	vunpack.i.l.bf16.f32 v56  }
0x1ea: {  	v17 =	vmul.f32 v63, v62;
	v8 =	vadd.f32 v8, v60  }
0x1eb: {  	v18 =	vunpack.i.u.bf16.f32 v55;
	v9 =	vunpack.i.u.bf16.f32 v56  }
0x1ec: {  	v9 =	vmul.f32 v9, v18;
	v8 =	vadd.f32 v17, v8  }
0x1ed: {  	v19 =	vunpack.i.l.bf16.f32 v59;
	v20 =	vunpack.i.l.bf16.f32 v61  }
0x1ee: {  	v21 =	vmul.f32 v20, v19;
	v8 =	vadd.f32 v8, v9  }
0x1ef: {  	v22 =	vunpack.i.u.bf16.f32 v59;
	v11 =	vunpack.i.u.bf16.f32 v61  }
0x1f0: {  	v23 =	vmul.f32 v11, v22;
	v8 =	vadd.f32 v21, v8;
	_ =	sdelay $0x1  }
0x1f1: {  	v8 =	vadd.f32 v8, v23;
	_ =	sdelay $0x1  }
0x1f2: {  	v9 =	vperm.xlane v8, v2;
	_ =	sdelay $0x1  }
0x1f3: {  	v8 =	vadd.f32 v8, v9;
	_ =	sdelay $0x1  }
0x1f4: {  	v9 =	vperm.xlane v8, v3;
	_ =	sdelay $0x1  }
0x1f5: {  	v8 =	vadd.f32 v8, v9;
	_ =	sdelay $0x1  }
0x1f6: {  	v9 =	vperm.xlane v8, v4;
	_ =	sdelay $0x1  }
0x1f7: {  	v8 =	vadd.f32 v8, v9;
	_ =	sdelay $0x1  }
0x1f8: {  	v9 =	vperm.xlane v8, v5;
	_ =	sdelay $0x1  }
0x1f9: {  	v8 =	vadd.f32 v8, v9;
	_ =	sdelay $0x1  }
0x1fa: {  	v8 =	vmul.f32 $8.838834610e-02, v8;
	_ =	sdelay $0x1  }
0x1fb: {  	v8 =	vmul.f32 $1.442695020e+00, v8;
	_ =	sdelay $0x1  }
0x1fc: {  	(erf) = vpow2.f32 v8;
	_ =	sdelay $0x3  }
0x1fd: {  	v8 =	vld [tilespmem:s30+$0xFFFFFE50];
	_ =	sdelay $0x4  }
0x1fe: {  	v25 =	vunpack.i.l.bf16.f32 v8;
	v24 =	vpop (erf)  }
0x1ff: {  	v8 =	vunpack.i.u.bf16.f32 v8;
	v10 =	vmul.f32 v24, v25  }
0x200: {  	v8 =	vmul.f32 v24, v8  }
0x201: {  	[tilespmem:s0+$0xFFFFFD90] =	vst v10  }
0x202: {  	[tilespmem:s0+$0xFFFFFDA0] =	vst v8  }
0x203: {  	v8 =	vld [tilespmem:s30+$0xFFFFFE60];
	_ =	sdelay $0x4  }
0x204: {  	v26 =	vunpack.i.l.bf16.f32 v8  }
0x205: {  	v8 =	vunpack.i.u.bf16.f32 v8;
	v10 =	vmul.f32 v26, v24  }
0x206: {  	v8 =	vmul.f32 v8, v24  }
0x207: {  	[tilespmem:s0+$0xFFFFFDB0] =	vst v10  }
0x208: {  	[tilespmem:s0+$0xFFFFFDC0] =	vst v8  }
0x209: {  	v8 =	vld [tilespmem:s30+$0xFFFFFE70];
	_ =	sdelay $0x4  }
0x20a: {  	v27 =	vunpack.i.l.bf16.f32 v8  }
0x20b: {  	v8 =	vunpack.i.u.bf16.f32 v8;
	v10 =	vmul.f32 v27, v24  }
0x20c: {  	v8 =	vmul.f32 v8, v24  }
0x20d: {  	[tilespmem:s0+$0xFFFFFDD0] =	vst v10  }
0x20e: {  	[tilespmem:s0+$0xFFFFFDE0] =	vst v8  }
0x20f: {  	v8 =	vld [tilespmem:s30+$0xFFFFFE80];
	_ =	sdelay $0x4  }
0x210: {  	v7 =	vmul.f32 v24, v7;
	v28 =	vunpack.i.l.bf16.f32 v8;
	v8 =	vunpack.i.u.bf16.f32 v8  }
0x211: {  	v8 =	vmul.f32 v8, v24  }
0x212: {  	[tilespmem:s0+$0xFFFFFE10] =	vst v7;
	v10 =	vmul.f32 v28, v24  }
0x213: {  	[tilespmem:s0+$0xFFFFFE00] =	vst v8;
	v8 =	vmul.f32 v6, v24  }
0x214: {  	[tilespmem:s0+$0xFFFFFDF0] =	vst v10  }
0x215: {  	[tilespmem:s0+$0xFFFFFE20] =	vst v8  }
0x216: {  	v7 =	vld [tilespmem:s16+$0x4480]  }
0x217: {  	v8 =	vld [tilespmem:s30+$0xFFFFFE90]  }
0x218: {  	v29 =	vld [tilespmem:s31+$0xFFFFFF50]  }
0x219: {  	v10 =	vld [tilespmem:s16+$0x1780];
	_ =	sdelay $0x1  }
0x21a: {  	v30 =	vld [tilespmem:s30+$0xFFFFFEA0]  }
0x21b: {  	v31 =	vld [tilespmem:s31+$0xFFFFFF60]  }
0x21c: {  	v32 =	vunpack.i.l.bf16.f32 v8;
	v33 =	vunpack.i.l.bf16.f32 v29  }
0x21d: {  	v10 =	vmul.f32 v10, v7;
	v13 =	vmul.f32 v33, v32  }
0x21e: {  	v34 =	vld [tilespmem:s30+$0xFFFFFEB0];
	v8 =	vunpack.i.u.bf16.f32 v8;
	v9 =	vunpack.i.u.bf16.f32 v29  }
0x21f: {  	v35 =	vld [tilespmem:s31+$0xFFFFFF70];
	v8 =	vmul.f32 v9, v8;
	v10 =	vadd.f32 v13, v10  }
0x220: {  	v36 =	vunpack.i.l.bf16.f32 v30;
	v37 =	vunpack.i.l.bf16.f32 v31  }
0x221: {  	v38 =	vmul.f32 v37, v36;
	v8 =	vadd.f32 v10, v8  }
0x222: {  	v39 =	vld [tilespmem:s30+$0xFFFFFEC0];
	v11 =	vunpack.i.u.bf16.f32 v30;
	v12 =	vunpack.i.u.bf16.f32 v31  }
0x223: {  	v41 =	vld [tilespmem:s31+$0xFFFFFF80];
	v40 =	vmul.f32 v12, v11;
	v8 =	vadd.f32 v38, v8  }
0x224: {  	v42 =	vunpack.i.l.bf16.f32 v34;
	v43 =	vunpack.i.l.bf16.f32 v35  }
0x225: {  	v44 =	vmul.f32 v43, v42;
	v8 =	vadd.f32 v8, v40  }
0x226: {  	v45 =	vunpack.i.u.bf16.f32 v34;
	v9 =	vunpack.i.u.bf16.f32 v35  }
0x227: {  	v9 =	vmul.f32 v9, v45;
	v8 =	vadd.f32 v44, v8  }
0x228: {  	v46 =	vunpack.i.l.bf16.f32 v39;
	v47 =	vunpack.i.l.bf16.f32 v41  }
0x229: {  	v48 =	vmul.f32 v47, v46;
	v8 =	vadd.f32 v8, v9  }
0x22a: {  	v49 =	vunpack.i.u.bf16.f32 v39;
	v11 =	vunpack.i.u.bf16.f32 v41  }
0x22b: {  	v50 =	vmul.f32 v11, v49;
	v8 =	vadd.f32 v48, v8;
	_ =	sdelay $0x1  }
0x22c: {  	v8 =	vadd.f32 v8, v50;
	_ =	sdelay $0x1  }
0x22d: {  	v9 =	vperm.xlane v8, v2;
	_ =	sdelay $0x1  }
0x22e: {  	v8 =	vadd.f32 v8, v9;
	_ =	sdelay $0x1  }
0x22f: {  	v9 =	vperm.xlane v8, v3;
	_ =	sdelay $0x1  }
0x230: {  	v8 =	vadd.f32 v8, v9;
	_ =	sdelay $0x1  }
0x231: {  	v9 =	vperm.xlane v8, v4;
	_ =	sdelay $0x1  }
0x232: {  	v8 =	vadd.f32 v8, v9;
	_ =	sdelay $0x1  }
0x233: {  	v9 =	vperm.xlane v8, v5;
	_ =	sdelay $0x1  }
0x234: {  	v8 =	vadd.f32 v8, v9;
	_ =	sdelay $0x1  }
0x235: {  	v8 =	vmul.f32 $8.838834610e-02, v8;
	_ =	sdelay $0x1  }
0x236: {  	v8 =	vmul.f32 $1.442695020e+00, v8;
	_ =	sdelay $0x1  }
0x237: {  	(erf) = vpow2.f32 v8;
	_ =	sdelay $0x3  }
0x238: {  	v8 =	vld [tilespmem:s30+$0xFFFFFED0];
	_ =	sdelay $0x4  }
0x239: {  	v52 =	vunpack.i.l.bf16.f32 v8;
	v51 =	vpop (erf)  }
0x23a: {  	v8 =	vunpack.i.u.bf16.f32 v8;
	v10 =	vmul.f32 v51, v52  }
0x23b: {  	v8 =	vmul.f32 v51, v8  }
0x23c: {  	[tilespmem:s0+$0xFFFFFE30] =	vst v10  }
0x23d: {  	[tilespmem:s0+$0xFFFFFE40] =	vst v8  }
0x23e: {  	v8 =	vld [tilespmem:s30+$0xFFFFFEE0];
	_ =	sdelay $0x4  }
0x23f: {  	v53 =	vunpack.i.l.bf16.f32 v8  }
0x240: {  	v8 =	vunpack.i.u.bf16.f32 v8;
	v10 =	vmul.f32 v53, v51  }
0x241: {  	v8 =	vmul.f32 v8, v51  }
0x242: {  	[tilespmem:s0+$0xFFFFFE50] =	vst v10  }
0x243: {  	[tilespmem:s0+$0xFFFFFE60] =	vst v8  }
0x244: {  	v8 =	vld [tilespmem:s30+$0xFFFFFEF0];
	_ =	sdelay $0x4  }
0x245: {  	v54 =	vunpack.i.l.bf16.f32 v8  }
0x246: {  	v8 =	vunpack.i.u.bf16.f32 v8;
	v10 =	vmul.f32 v54, v51  }
0x247: {  	v8 =	vmul.f32 v8, v51  }
0x248: {  	[tilespmem:s0+$0xFFFFFE70] =	vst v10  }
0x249: {  	[tilespmem:s0+$0xFFFFFE80] =	vst v8  }
0x24a: {  	v8 =	vld [tilespmem:s30+$0xFFFFFF00];
	_ =	sdelay $0x4  }
0x24b: {  	v7 =	vmul.f32 v51, v7;
	v55 =	vunpack.i.l.bf16.f32 v8;
	v8 =	vunpack.i.u.bf16.f32 v8  }
0x24c: {  	v8 =	vmul.f32 v8, v51  }
0x24d: {  	[tilespmem:s0+$0xFFFFFEB0] =	vst v7;
	v10 =	vmul.f32 v55, v51  }
0x24e: {  	[tilespmem:s0+$0xFFFFFEA0] =	vst v8;
	v8 =	vmul.f32 v6, v51  }
0x24f: {  	[tilespmem:s0+$0xFFFFFE90] =	vst v10  }
0x250: {  	[tilespmem:s0+$0xFFFFFEC0] =	vst v8  }
0x251: {  	v7 =	vld [tilespmem:s16+$0x4490]  }
0x252: {  	v8 =	vld [tilespmem:s30+$0xFFFFFF10]  }
0x253: {  	v56 =	vld [tilespmem:s31+$0xFFFFFF90]  }
0x254: {  	v10 =	vld [tilespmem:s16+$0x1790];
	_ =	sdelay $0x1  }
0x255: {  	v57 =	vld [tilespmem:s30+$0xFFFFFF20]  }
0x256: {  	v58 =	vld [tilespmem:s31+$0xFFFFFFA0]  }
0x257: {  	v59 =	vunpack.i.l.bf16.f32 v8;
	v60 =	vunpack.i.l.bf16.f32 v56  }
0x258: {  	v10 =	vmul.f32 v10, v7;
	v13 =	vmul.f32 v60, v59  }
0x259: {  	v61 =	vld [tilespmem:s30+$0xFFFFFF30];
	v8 =	vunpack.i.u.bf16.f32 v8;
	v9 =	vunpack.i.u.bf16.f32 v56  }
0x25a: {  	v62 =	vld [tilespmem:s31+$0xFFFFFFB0];
	v8 =	vmul.f32 v9, v8;
	v10 =	vadd.f32 v13, v10  }
0x25b: {  	v63 =	vunpack.i.l.bf16.f32 v57;
	v18 =	vunpack.i.l.bf16.f32 v58  }
0x25c: {  	v19 =	vmul.f32 v18, v63;
	v8 =	vadd.f32 v10, v8  }
0x25d: {  	v20 =	vld [tilespmem:s30+$0xFFFFFF40];
	v11 =	vunpack.i.u.bf16.f32 v57;
	v12 =	vunpack.i.u.bf16.f32 v58  }
0x25e: {  	v22 =	vld [tilespmem:s31+$0xFFFFFFC0];
	v21 =	vmul.f32 v12, v11;
	v8 =	vadd.f32 v19, v8  }
0x25f: {  	v23 =	vunpack.i.l.bf16.f32 v61;
	v24 =	vunpack.i.l.bf16.f32 v62  }
0x260: {  	v25 =	vmul.f32 v24, v23;
	v8 =	vadd.f32 v8, v21  }
0x261: {  	v26 =	vunpack.i.u.bf16.f32 v61;
	v9 =	vunpack.i.u.bf16.f32 v62  }
0x262: {  	v9 =	vmul.f32 v9, v26;
	v8 =	vadd.f32 v25, v8  }
0x263: {  	v27 =	vunpack.i.l.bf16.f32 v20;
	v28 =	vunpack.i.l.bf16.f32 v22  }
0x264: {  	v29 =	vmul.f32 v28, v27;
	v8 =	vadd.f32 v8, v9  }
0x265: {  	v30 =	vunpack.i.u.bf16.f32 v20;
	v11 =	vunpack.i.u.bf16.f32 v22  }
0x266: {  	v31 =	vmul.f32 v11, v30;
	v8 =	vadd.f32 v29, v8;
	_ =	sdelay $0x1  }
0x267: {  	v8 =	vadd.f32 v8, v31;
	_ =	sdelay $0x1  }
0x268: {  	v9 =	vperm.xlane v8, v2;
	_ =	sdelay $0x1  }
0x269: {  	v8 =	vadd.f32 v8, v9;
	_ =	sdelay $0x1  }
0x26a: {  	v9 =	vperm.xlane v8, v3;
	_ =	sdelay $0x1  }
0x26b: {  	v8 =	vadd.f32 v8, v9;
	_ =	sdelay $0x1  }
0x26c: {  	v9 =	vperm.xlane v8, v4;
	_ =	sdelay $0x1  }
0x26d: {  	v8 =	vadd.f32 v8, v9;
	_ =	sdelay $0x1  }
0x26e: {  	v9 =	vperm.xlane v8, v5;
	_ =	sdelay $0x1  }
0x26f: {  	v8 =	vadd.f32 v8, v9;
	_ =	sdelay $0x1  }
0x270: {  	v8 =	vmul.f32 $8.838834610e-02, v8;
	_ =	sdelay $0x1  }
0x271: {  	v8 =	vmul.f32 $1.442695020e+00, v8;
	_ =	sdelay $0x1  }
0x272: {  	(erf) = vpow2.f32 v8;
	_ =	sdelay $0x3  }
0x273: {  	v8 =	vld [tilespmem:s30+$0xFFFFFF50];
	_ =	sdelay $0x4  }
0x274: {  	v33 =	vunpack.i.l.bf16.f32 v8;
	v32 =	vpop (erf)  }
0x275: {  	v8 =	vunpack.i.u.bf16.f32 v8;
	v10 =	vmul.f32 v32, v33  }
0x276: {  	v8 =	vmul.f32 v32, v8  }
0x277: {  	[tilespmem:s0+$0xFFFFFED0] =	vst v10  }
0x278: {  	[tilespmem:s0+$0xFFFFFEE0] =	vst v8  }
0x279: {  	v8 =	vld [tilespmem:s30+$0xFFFFFF60];
	_ =	sdelay $0x4  }
0x27a: {  	v34 =	vunpack.i.l.bf16.f32 v8  }
0x27b: {  	v8 =	vunpack.i.u.bf16.f32 v8;
	v10 =	vmul.f32 v34, v32  }
0x27c: {  	v8 =	vmul.f32 v8, v32  }
0x27d: {  	[tilespmem:s0+$0xFFFFFEF0] =	vst v10  }
0x27e: {  	[tilespmem:s0+$0xFFFFFF00] =	vst v8  }
0x27f: {  	v8 =	vld [tilespmem:s30+$0xFFFFFF70];
	_ =	sdelay $0x4  }
0x280: {  	v35 =	vunpack.i.l.bf16.f32 v8  }
0x281: {  	v8 =	vunpack.i.u.bf16.f32 v8;
	v10 =	vmul.f32 v35, v32  }
0x282: {  	v8 =	vmul.f32 v8, v32  }
0x283: {  	[tilespmem:s0+$0xFFFFFF10] =	vst v10  }
0x284: {  	[tilespmem:s0+$0xFFFFFF20] =	vst v8  }
0x285: {  	v8 =	vld [tilespmem:s30+$0xFFFFFF80];
	_ =	sdelay $0x4  }
0x286: {  	v7 =	vmul.f32 v32, v7;
	v36 =	vunpack.i.l.bf16.f32 v8;
	v8 =	vunpack.i.u.bf16.f32 v8  }
0x287: {  	v8 =	vmul.f32 v8, v32  }
0x288: {  	[tilespmem:s0+$0xFFFFFF50] =	vst v7;
	v10 =	vmul.f32 v36, v32  }
0x289: {  	[tilespmem:s0+$0xFFFFFF40] =	vst v8;
	v8 =	vmul.f32 v6, v32  }
0x28a: {  	[tilespmem:s0+$0xFFFFFF30] =	vst v10  }
0x28b: {  	[tilespmem:s0+$0xFFFFFF60] =	vst v8  }
0x28c: {  	v7 =	vld [tilespmem:s16+$0x44A0]  }
0x28d: {  	v8 =	vld [tilespmem:s30+$0xFFFFFF90]  }
0x28e: {  	v37 =	vld [tilespmem:s31+$0xFFFFFFD0]  }
0x28f: {  	v10 =	vld [tilespmem:s16+$0x17A0];
	_ =	sdelay $0x1  }
0x290: {  	v38 =	vld [tilespmem:s30+$0xFFFFFFA0]  }
0x291: {  	v39 =	vld [tilespmem:s31+$0xFFFFFFE0]  }
0x292: {  	v40 =	vunpack.i.l.bf16.f32 v8;
	v41 =	vunpack.i.l.bf16.f32 v37  }
0x293: {  	v10 =	vmul.f32 v10, v7;
	v13 =	vmul.f32 v41, v40  }
0x294: {  	v42 =	vld [tilespmem:s30+$0xFFFFFFB0];
	v8 =	vunpack.i.u.bf16.f32 v8;
	v9 =	vunpack.i.u.bf16.f32 v37  }
0x295: {  	v43 =	vld [tilespmem:s31+$0xFFFFFFF0];
	v8 =	vmul.f32 v9, v8;
	v10 =	vadd.f32 v13, v10  }
0x296: {  	v44 =	vunpack.i.l.bf16.f32 v38;
	v45 =	vunpack.i.l.bf16.f32 v39  }
0x297: {  	v46 =	vmul.f32 v45, v44;
	v8 =	vadd.f32 v10, v8  }
0x298: {  	v47 =	vld [tilespmem:s30+$0xFFFFFFC0];
	v11 =	vunpack.i.u.bf16.f32 v38;
	v12 =	vunpack.i.u.bf16.f32 v39  }
0x299: {  	v49 =	vld [tilespmem:s31+$0x0];
	v48 =	vmul.f32 v12, v11;
	v8 =	vadd.f32 v46, v8  }
0x29a: {  	v50 =	vunpack.i.l.bf16.f32 v42;
	v51 =	vunpack.i.l.bf16.f32 v43  }
0x29b: {  	v52 =	vmul.f32 v51, v50;
	v8 =	vadd.f32 v8, v48  }
0x29c: {  	v53 =	vunpack.i.u.bf16.f32 v42;
	v9 =	vunpack.i.u.bf16.f32 v43  }
0x29d: {  	v9 =	vmul.f32 v9, v53;
	v8 =	vadd.f32 v52, v8  }
0x29e: {  	v54 =	vunpack.i.l.bf16.f32 v47;
	v55 =	vunpack.i.l.bf16.f32 v49  }
0x29f: {  	v56 =	vmul.f32 v55, v54;
	v8 =	vadd.f32 v8, v9  }
0x2a0: {  	v57 =	vunpack.i.u.bf16.f32 v47;
	v11 =	vunpack.i.u.bf16.f32 v49  }
0x2a1: {  	v58 =	vmul.f32 v11, v57;
	v8 =	vadd.f32 v56, v8;
	_ =	sdelay $0x1  }
0x2a2: {  	v8 =	vadd.f32 v8, v58;
	_ =	sdelay $0x1  }
0x2a3: {  	v9 =	vperm.xlane v8, v2;
	_ =	sdelay $0x1  }
0x2a4: {  	v8 =	vadd.f32 v8, v9;
	_ =	sdelay $0x1  }
0x2a5: {  	v9 =	vperm.xlane v8, v3;
	_ =	sdelay $0x1  }
0x2a6: {  	v8 =	vadd.f32 v8, v9;
	_ =	sdelay $0x1  }
0x2a7: {  	v9 =	vperm.xlane v8, v4;
	_ =	sdelay $0x1  }
0x2a8: {  	v8 =	vadd.f32 v8, v9;
	_ =	sdelay $0x1  }
0x2a9: {  	v9 =	vperm.xlane v8, v5;
	_ =	sdelay $0x1  }
0x2aa: {  	v8 =	vadd.f32 v8, v9;
	_ =	sdelay $0x1  }
0x2ab: {  	v8 =	vmul.f32 $8.838834610e-02, v8;
	_ =	sdelay $0x1  }
0x2ac: {  	v8 =	vmul.f32 $1.442695020e+00, v8;
	_ =	sdelay $0x1  }
0x2ad: {  	(erf) = vpow2.f32 v8;
	_ =	sdelay $0x3  }
0x2ae: {  	v8 =	vld [tilespmem:s30+$0xFFFFFFD0];
	_ =	sdelay $0x4  }
0x2af: {  	v60 =	vunpack.i.l.bf16.f32 v8;
	v59 =	vpop (erf)  }
0x2b0: {  	v8 =	vunpack.i.u.bf16.f32 v8;
	v10 =	vmul.f32 v59, v60  }
0x2b1: {  	v8 =	vmul.f32 v59, v8  }
0x2b2: {  	[tilespmem:s0+$0xFFFFFF70] =	vst v10  }
0x2b3: {  	[tilespmem:s0+$0xFFFFFF80] =	vst v8  }
0x2b4: {  	v8 =	vld [tilespmem:s30+$0xFFFFFFE0];
	_ =	sdelay $0x4  }
0x2b5: {  	v61 =	vunpack.i.l.bf16.f32 v8  }
0x2b6: {  	v8 =	vunpack.i.u.bf16.f32 v8;
	v10 =	vmul.f32 v61, v59  }
0x2b7: {  	v8 =	vmul.f32 v8, v59  }
0x2b8: {  	[tilespmem:s0+$0xFFFFFF90] =	vst v10  }
0x2b9: {  	[tilespmem:s0+$0xFFFFFFA0] =	vst v8  }
0x2ba: {  	v8 =	vld [tilespmem:s30+$0xFFFFFFF0];
	_ =	sdelay $0x4  }
0x2bb: {  	v62 =	vunpack.i.l.bf16.f32 v8  }
0x2bc: {  	v8 =	vunpack.i.u.bf16.f32 v8;
	v10 =	vmul.f32 v62, v59  }
0x2bd: {  	v8 =	vmul.f32 v8, v59  }
0x2be: {  	[tilespmem:s0+$0xFFFFFFB0] =	vst v10  }
0x2bf: {  	[tilespmem:s0+$0xFFFFFFC0] =	vst v8  }
0x2c0: {  	v8 =	vld [tilespmem:s30+$0x0];
	_ =	sdelay $0x4  }
0x2c1: {  	p1 =	sne.s32 s11, $0x900;
	v7 =	vmul.f32 v59, v7;
	v63 =	vunpack.i.l.bf16.f32 v8;
	v8 =	vunpack.i.u.bf16.f32 v8  }
.Ltmp3:
0x2c2: {  	v8 =	vmul.f32 v8, v59;
	(pc) =	sbr.rel @p1 .LBB2_9-.Ltmp3, $4  }
0x2c3: {  	[tilespmem:s0+$0xFFFFFFF0] =	vst v7;
	v10 =	vmul.f32 v63, v59  }
0x2c4: {  	[tilespmem:s0+$0xFFFFFFE0] =	vst v8;
	v8 =	vmul.f32 v6, v59  }
0x2c5: {  	s11 =	sadd.s32 $0x100, s11;
	[tilespmem:s0+$0xFFFFFFD0] =	vst v10  }
0x2c6: {  	s31 =	sadd.s32 $0x100, s31;
	s30 =	sadd.s32 $0x200, s30;
	[tilespmem:s0+$0x0] =	vst v8;
	s0 =	sadd.s32 $0x280, s0  }
0x2c7: {  	v7 =	vld [tilespmem:$0x78]  }
0x2c8: {  	v8 =	vld [tilespmem:$0x88];
	_ =	sdelay $0x1  }
0x2c9: {  	s0 =	sadd.s32 $0x60, s26  }
0x2ca: {  	s0 =	simm.s32 @p0 $0x0  }
0x2cb: {  	s0 =	sor.u32 s10, s0;
	[tilespmem:$0xC8] =	vst v7  }
0x2cc: {  	s12 =	sadd.s32 $0x1, s12;
	s11 =	smul.u32 $0x5, s0;
	[tilespmem:$0xD8] =	vst v8  }
0x2cd: {  	[spmem:s3] =	stream.indirect.scatter.add.f32 [tilespmem:s18], [sflag:$0x3], $0xA0, s17, s15, $0xb8;
	[tilespmem:$0x1FF90] =	vst v63  }
0x2ce: {  	p0 =	sne.s32 s12, $0x7D;
	s16 =	sadd.s32 s8, s11  }
0x2cf: {  	[tilespmem:s15], [sflag:$0x1] =	stream.linear.gather [hbm4b:s16+s4], $0x28, $0x38;
	[tilespmem:$0x1FF90] =	vst v63  }
.Ltmp4:
0x2d0: {  	_ = 	snop;
	(pc) =	sbr.rel @p0 .LBB2_6-.Ltmp4, $4  }
0x2d1: {  	s0 =	smul.u32 $0x50, s0;
	s11 =	sadd.s32 s9, s11  }
0x2d2: {  	[tilespmem:s21], [sflag:$0x1] =	stream.linear.gather [hbm4b:s11+s4], $0x28, $0x38;
	[tilespmem:$0x1FF90] =	vst v63  }
0x2d3: {  	s0 =	sadd.s32 s2, s0  }
0x2d4: {  	[tilespmem:s22], [sflag:$0x1] =	stream.linear.gather [hbm4b:s0+s4], $0x280, $0x38;
	[tilespmem:$0x1FF90] =	vst v63  }
0x2d5: {  	_ =	swait.ge [sflag:s29], $0x28  }
0x2d6: {  	[sflag:s29] =	ssyncset.done $0x0  }
0x2d7: {  	[sflag:s29] =	ssyncadd.s32 $0xFFFFFFD8  }
0x2d8: {  	_ =	swait.ge [sflag:s29], $0x28  }
0x2d9: {  	[sflag:s29] =	ssyncset.done $0x0  }
0x2da: {  	[sflag:s29] =	ssyncadd.s32 $0xFFFFFFD8  }
0x2db: {  	_ =	swait.ge [sflag:s29], $0x280  }
0x2dc: {  	[sflag:s29] =	ssyncset.done $0x0  }
0x2dd: {  	[sflag:s29] =	ssyncadd.s32 $0xFFFFFD80  }
0x2de: {  	_ =	swait.ge [sflag:s1], $0x1400  }
0x2df: {  	[sflag:s1] =	ssyncset.done $0x0  }
0x2e0: {  	[sflag:s1] =	ssyncadd.s32 $0xFFFFEC00  }
0x2e1: {  	_ =	swait.ge [sflag:s1], $0xA00  }
0x2e2: {  	[sflag:s1] =	ssyncset.done $0x0  }
0x2e3: {  	[sflag:s1] =	ssyncadd.s32 $0xFFFFF600  }
0x2e4: {  	_ =	swait.ge [sflag:s1], $0x280  }
0x2e5: {  	[sflag:s1] =	ssyncset.done $0x0  }
0x2e6: {  	[sflag:s1] =	ssyncadd.s32 $0xFFFFFD80  }
0x2e7: {  	_ =	swait.ge [sflag:s28], $0x1900  }
0x2e8: {  	[sflag:s28] =	ssyncset.done $0x0  }
0x2e9: {  	[sflag:s28] =	ssyncadd.s32 $0xFFFFE700  }
0x2ea: {  	_ =	swait.ge [sflag:s28], $0x1900  }
0x2eb: {  	[sflag:s28] =	ssyncset.done $0x0  }
0x2ec: {  	[sflag:s28] =	ssyncadd.s32 $0xFFFFE700  }
0x2ed: {  	s0 =	stileid.u32;
	[bflag:$0x0] =	sbarrier.arrive $0xFFFF  }
0x2ee: {  	s0 =	sshll.u32 s0, $0x6;
	s12 =	rddreg [dreg:$0x13]  }
0x2ef: {  	s0 =	sor.u32 $0x1C04, s0;
	s16 =	rddreg [dreg:$0x1a];
	s11 =	sshrl.u32 s12, $0x3  }
0x2f0: {  	[hbm:s16], [sflag:s0] =	dma.local [spmem:s11], $0x30D4  }
0x2f1: {  	_ =	swait.ge [sflag:s14], $0x30D4  }
0x2f2: {  	s30 =	rddreg [dreg:$0x1c]  }
0x2f3: {  	s31 =	rddreg [dreg:$0x1b];
	s11 =	sadd.s32 $0x1, s30  }
0x2f4: {  	p0 =	sne.s32 s11, s31  }
.Ltmp5:
0x2f5: {  	_ = 	snop;
	(pc) =	sbr.rel @p0 .LBB2_1-.Ltmp5, $3  }
0x2f6: {  	_ =	sdelay $0x1  }
0x2f7: {  	[sflag:s14] =	ssyncset.done $0x0  }
0x2f8: {  	[sflag:s14] =	ssyncadd.s32 $0xFFFFCF2C  }
0x2f9: {  	_ =	sfence.sel $0x180000  }
0x2fa: {  	[bflag:$0x0] =	sbarrier.arrive $0xFFFF  }
0x2fb: {  	_ =	strace $0x90000047  }
0x2fc: {  	s0 =	stileid.u32;
	[bflag:$0x2] =	sbarrier.arrive $0xFFFF  }
0x2fd: {  	p0 =	sne.s32 s0, $0x0;
	s0 =	rddreg [dreg:$0x3]  }
0x2fe: {  	s0 =	sadd.s32 @!p0 $0x100000, s0  }
0x2ff: {  	[sflag:s0] =	ssyncadd.tile.s32 @!p0 $0x1;
	_ =	shalt  }
.Lfunc_end2:
_tile_overlayer_lowered:
.L_overlay_start_2:
0x300: {  	(tag) =	ssettag $0x2  }
0x301: {  	s0 =	rddreg [dreg:$0x0];
	s2 =	stileid.u32  }
0x302: {  	s1 =	rddreg [dreg:$0x1];
	p0 =	sne.s32 s2, $0x0  }
0x303: {  	s3 =	rddreg [dreg:$0x2];
	[bflag:$0x3] =	sbarrier.arrive $0xFFFF;
	s2 =	simm.s32 @!p0 $0x1C04  }
0x304: {  	[timem:s3], [sflag:s2] =	dma.local @!p0 [hbm:s0], s1  }
0x305: {  	s0 =	simm.s32 @!p0 $0x4  }
0x306: {  	_ =	swait.ge @!p0 [sflag:s0], s1  }
0x307: {  	s1 =	ssub.s32 @!p0 $0x0, s1;
	[sflag:s0] =	ssyncset.done @!p0 $0x0  }
0x308: {  	[sflag:s0] =	ssyncadd.s32 @!p0 s1  }
0x309: {  	[bflag:$0x3] =	sbarrier.arrive $0xFFFF  }
0x30a: {  	_ =	shalt  }

</sc_bundles>
